<compile_context>
chip_gen: v7x
topology: tpu7x:2x2x1
jax: 0.10.2.dev20260603
libtpu: 0.0.44.dev20260713+nightly
codegen_flags: <defaults>
</compile_context>

<pallas_src>
import functools

import jax
import jax.numpy as jnp
from jax import lax
from jax.experimental import pallas as pl
from jax.experimental.pallas import tpu as pltpu
from jax.experimental.pallas import tpu_sc as plsc

_NC = 2
_NS = 16
_NW = _NC * _NS

_ANCHOR_W = (1.08, 3.42, 6.63)
_ANCHOR_H = (1.19, 4.41, 11.38)


def _decode_pairs(x3, consts, n_pairs, g, n_ch):
    npos = g * g
    pairs_per_tec = n_pairs // _NW
    n_chunks = 19
    cpos = npos // n_chunks
    cvecs = cpos // 16
    cwords = cpos * n_ch
    mesh = plsc.VectorSubcoreMesh(
        core_axis_name="c", subcore_axis_name="s",
        num_cores=_NC, num_subcores=_NS)

    @functools.partial(
        pl.kernel,
        out_type=jax.ShapeDtypeStruct((n_pairs, npos * n_ch), jnp.float32),
        mesh=mesh,
        compiler_params=pltpu.CompilerParams(
            needs_layout_passes=False, use_tc_tiling_on_sc=False),
        scratch_types=[
            pltpu.VMEM((2, n_ch, npos), jnp.float32),
            pltpu.VMEM((2, cwords), jnp.float32),
            pltpu.VMEM((3, 3, 16), jnp.float32),
            pltpu.SemaphoreType.DMA((2,)),
            pltpu.SemaphoreType.DMA((2,)),
        ],
    )
    def run(x_hbm, consts_hbm, out_hbm, in_v, out_v, cv, insem, outsem):
        wid = lax.axis_index("s") * _NC + lax.axis_index("c")
        lane = lax.iota(jnp.int32, 16)
        lane10 = lane * 10
        g16 = jnp.full((16,), g, jnp.int32)
        pltpu.sync_copy(consts_hbm, cv)
        first = wid * pairs_per_tec
        pltpu.async_copy(x_hbm.at[first], in_v.at[0], insem.at[0])

        for s in range(pairs_per_tec):
            par = s % 2
            pair = first + s
            a = lax.rem(pair, 3)
            pltpu.make_async_copy(x_hbm.at[pair], in_v.at[par],
                                  insem.at[par]).wait()
            if s + 1 < pairs_per_tec:
                pltpu.async_copy(x_hbm.at[pair + 1], in_v.at[1 - par],
                                 insem.at[1 - par])
            stride_v = cv[a, 0, :]
            aw_v = cv[a, 1, :]
            ah_v = cv[a, 2, :]
            in_s = in_v.at[par]

            def do_chunk(k, c1, in_s=in_s, pair=pair, stride_v=stride_v,
                         aw_v=aw_v, ah_v=ah_v):
                kp = lax.rem(k, 2)
                obuf = out_v.at[kp]

                @pl.when(k >= 2)
                def _wait_prev():
                    pltpu.make_async_copy(
                        obuf, out_hbm.at[pair, pl.ds((k - 2) * cwords, cwords)],
                        outsem.at[kp]).wait()

                def do_vec(vl, c2):
                    p0 = k * cpos + vl * 16
                    pos = p0 + lane
                    jf = lax.rem(pos, g16).astype(jnp.float32)
                    if_ = lax.div(pos, g16).astype(jnp.float32)
                    idx0 = lane10 + vl * (16 * n_ch)
                    for c in range(n_ch):
                        t = in_s[c, pl.ds(p0, 16)]
                        if c == 0:
                            r = (1.0 / (1.0 + jnp.exp(-t)) + jf) * stride_v
                        elif c == 1:
                            r = (1.0 / (1.0 + jnp.exp(-t)) + if_) * stride_v
                        elif c == 2:
                            r = jnp.minimum(jnp.exp(t), 1000.0) * aw_v
                        elif c == 3:
                            r = jnp.minimum(jnp.exp(t), 1000.0) * ah_v
                        elif c in (4, 5):
                            r = t
                        else:
                            r = 1.0 / (1.0 + jnp.exp(-t))
                        plsc.store_scatter(obuf, [idx0 + c], r)
                    return c2

                lax.fori_loop(0, cvecs, do_vec, 0, unroll=False)
                pltpu.async_copy(obuf,
                                 out_hbm.at[pair, pl.ds(k * cwords, cwords)],
                                 outsem.at[kp])
                return c1

            lax.fori_loop(0, n_chunks, do_chunk, 0, unroll=False)
            for kk in (n_chunks - 2, n_chunks - 1):
                pltpu.make_async_copy(
                    out_v.at[kk % 2],
                    out_hbm.at[pair, pl.ds(kk * cwords, cwords)],
                    outsem.at[kk % 2]).wait()

    return run(x3, consts)


def kernel(x, targets, img_size):
    del targets
    num_samples, cin, g, g2 = x.shape
    assert g == g2
    n_ch = 10
    n_anchors = cin // n_ch
    npos = g * g
    n_pairs = num_samples * n_anchors

    stride = jnp.asarray(img_size, jnp.float32) / g
    aw = jnp.asarray(_ANCHOR_W, jnp.float32)
    ah = jnp.asarray(_ANCHOR_H, jnp.float32)
    consts = jnp.stack(
        [jnp.broadcast_to(stride, (3,)), aw, ah], axis=1
    )[:, :, None] * jnp.ones((1, 1, 16), jnp.float32)

    x3 = x.reshape(n_pairs, n_ch, npos)
    out = _decode_pairs(x3, consts, n_pairs, g, n_ch)
    return out.reshape(num_samples, n_anchors * npos, n_ch)

# --- scband reference (transcript-rebuilt; emitter-appended) ---
"""Pipeline reference for scband-yolo-layer-81020263072174 (READ-ONLY COPY).

The authoritative reference and input builder live on the scoring server;
editing this copy changes nothing except your own understanding.
"""

import jax, jax.numpy as jnp
import numpy as np

NUM_CLASSES = 3
NUM_ANCHORS = 3
ANCHORS = np.array([[1.08, 1.19, 0.0, 1.0],
                    [3.42, 4.41, 0.0, 1.0],
                    [6.63, 11.38, 0.0, 1.0]], dtype=np.float32)


def setup_inputs(seed: int = 0) -> dict:
    key = jax.random.key(seed)
    x = jax.random.normal(key, (64, NUM_ANCHORS * (7 + NUM_CLASSES), 76, 76), dtype=jnp.float32)
    targets = jnp.zeros((0, 8), dtype=jnp.float32)
    return {"x": x, "targets": targets, "img_size": 608}


def reference(x, targets, img_size):
    num_samples = x.shape[0]
    g = x.shape[3]
    nA = NUM_ANCHORS
    nC = NUM_CLASSES
    prediction = x.reshape(num_samples, nA, nC + 7, g, g)
    prediction = jnp.transpose(prediction, (0, 3, 4, 1, 2))
    pred_x = jax.nn.sigmoid(prediction[..., 0])
    pred_y = jax.nn.sigmoid(prediction[..., 1])
    pred_w = prediction[..., 2]
    pred_h = prediction[..., 3]
    pred_im = prediction[..., 4]
    pred_re = prediction[..., 5]
    pred_conf = jax.nn.sigmoid(prediction[..., 6])
    pred_cls = jax.nn.sigmoid(prediction[..., 7:])
    stride = jnp.asarray(img_size).astype(jnp.float32) / g
    grid_x = jnp.tile(jnp.arange(g, dtype=jnp.float32), (g, 1)).reshape(1, g, g, 1)
    grid_y = jnp.tile(jnp.arange(g, dtype=jnp.float32), (g, 1)).T.reshape(1, g, g, 1)
    scaled_anchors = jnp.asarray(ANCHORS)
    scaled_anchors = jnp.concatenate([scaled_anchors[:, :2] / stride, scaled_anchors[:, 2:]], axis=1)
    anchor_w = scaled_anchors[:, 0].reshape(1, 1, 1, nA)
    anchor_h = scaled_anchors[:, 1].reshape(1, 1, 1, nA)
    b0 = pred_x + grid_x
    b1 = pred_y + grid_y
    b2 = jnp.minimum(jnp.exp(pred_w), 1000.0) * anchor_w
    b3 = jnp.minimum(jnp.exp(pred_h), 1000.0) * anchor_h
    pred_boxes = jnp.stack([b0, b1, b2, b3, pred_im, pred_re], axis=-1)
    output = jnp.concatenate(
        [pred_boxes[..., :4] * stride, pred_boxes[..., 4:6], pred_conf[..., None], pred_cls],
        axis=-1)
    output = jnp.transpose(output, (0, 3, 1, 2, 4)).reshape(num_samples, -1, 7 + nC)
    return output

if __name__ == "__main__":
    import jax
    _d = setup_inputs()
    print(jax.jit(kernel)(*tuple(_d.values())))

</pallas_src>

<mosaic_0001>
#map = affine_map<(d0, d1) -> (0, 0, 0)>
#map1 = affine_map<(d0, d1) -> (0, 0)>
module attributes {stable_mosaic.version = 14 : i64} {
  func.func @run(%arg0: i32, %arg1: i32, %arg2: memref<192x10x5776xf32, #tpu.memory_space<hbm>>, %arg3: memref<3x3x16xf32, #tpu.memory_space<hbm>>, %arg4: memref<192x57760xf32, #tpu.memory_space<hbm>>, %arg5: memref<2x10x5776xf32, #tpu.memory_space<vmem>>, %arg6: memref<2x3040xf32, #tpu.memory_space<vmem>>, %arg7: memref<3x3x16xf32, #tpu.memory_space<vmem>>, %arg8: memref<2x!tpu.dma_semaphore, #tpu.memory_space<semaphore_mem>>, %arg9: memref<2x!tpu.dma_semaphore, #tpu.memory_space<semaphore_mem>>) attributes {dimension_semantics = [#tpu.dimension_semantics<core_parallel>, #tpu.dimension_semantics<subcore_parallel>], iteration_bounds = array<i64: 2, 16>, scalar_prefetch = 0 : i64, scratch_operands = 5 : i64, tpu.core_type = #tpu.core_type<sc_vector_subcore>, window_params = [{transform_indices = #map}, {transform_indices = #map}, {transform_indices = #map1}]} {
    %mul3A = arith.constant 2 : i32
    %mul3A_0 = arith.muli %arg1, %mul3A : i32
    %add3A = arith.addi %mul3A_0, %arg0 : i32
    %iota3A = tpu.iota {dimensions = array<i32: 0>} : vector<16xi32>
    %mul3A_1 = arith.constant 10 : i32
    %mul3A_2 = vector.broadcast %mul3A_1 : i32 to vector<16xi32>
    %mul3A_3 = arith.muli %iota3A, %mul3A_2 : vector<16xi32>
    %broadcast_in_dim3A = arith.constant 76 : i32
    %broadcast_in_dim3A_4 = vector.broadcast %broadcast_in_dim3A : i32 to vector<16xi32>
    "tpu.region"() ({
      %run_scoped3A = tpu.sem_alloc : memref<!tpu.dma_semaphore, #tpu.memory_space<semaphore_mem>>
      tpu.enqueue_dma source(%arg3 : memref<3x3x16xf32, #tpu.memory_space<hbm>>) target(%arg7 : memref<3x3x16xf32, #tpu.memory_space<vmem>>) target_semaphore(%run_scoped3A : memref<!tpu.dma_semaphore, #tpu.memory_space<semaphore_mem>>)
      tpu.wait_dma2 semaphore(%run_scoped3A : memref<!tpu.dma_semaphore, #tpu.memory_space<semaphore_mem>>) src(%arg3 : memref<3x3x16xf32, #tpu.memory_space<hbm>>) dst(%arg7 : memref<3x3x16xf32, #tpu.memory_space<vmem>>)
      tpu.yield
    }) : () -> ()
    %mul3A_5 = arith.constant 6 : i32
    %mul3A_6 = arith.muli %add3A, %mul3A_5 : i32
    %dma_start3A = arith.constant 0 : i32
    %dma_start3A_7 = arith.constant 0 : i32
    %dma_start3A_8 = arith.constant 0 : i32
    %dma_start3A_9 = arith.constant 0 : i32
    %dma_start3A_10 = tpu.memref_slice %arg5[%dma_start3A, %dma_start3A_8, %dma_start3A_9] : memref<2x10x5776xf32, #tpu.memory_space<vmem>> -> memref<1x10x5776xf32, #tpu.memory_space<vmem>>
    %dma_start3A_11 = tpu.memref_squeeze %dma_start3A_10 : memref<1x10x5776xf32, #tpu.memory_space<vmem>> -> memref<10x5776xf32, #tpu.memory_space<vmem>>
    %dma_start3A_12 = arith.constant 0 : i32
    %dma_start3A_13 = arith.constant 0 : i32
    %dma_start3A_14 = tpu.memref_slice %arg2[%mul3A_6, %dma_start3A_12, %dma_start3A_13] : memref<192x10x5776xf32, #tpu.memory_space<hbm>> -> memref<1x10x5776xf32, #tpu.memory_space<hbm>>
    %dma_start3A_15 = tpu.memref_squeeze %dma_start3A_14 : memref<1x10x5776xf32, #tpu.memory_space<hbm>> -> memref<10x5776xf32, #tpu.memory_space<hbm>>
    %dma_start3A_16 = tpu.memref_slice %arg8[%dma_start3A_7] : memref<2x!tpu.dma_semaphore, #tpu.memory_space<semaphore_mem>> -> memref<1x!tpu.dma_semaphore, #tpu.memory_space<semaphore_mem>>
    %dma_start3A_17 = tpu.memref_squeeze %dma_start3A_16 : memref<1x!tpu.dma_semaphore, #tpu.memory_space<semaphore_mem>> -> memref<!tpu.dma_semaphore, #tpu.memory_space<semaphore_mem>>
    %dma_start3A_18 = arith.constant 0 : i32
    %dma_start3A_19 = arith.constant 0 : i32
    %dma_start3A_20 = tpu.memref_slice %arg5[%dma_start3A, %dma_start3A_18, %dma_start3A_19] : memref<2x10x5776xf32, #tpu.memory_space<vmem>> -> memref<1x10x5776xf32, #tpu.memory_space<vmem>>
    %dma_start3A_21 = tpu.memref_squeeze %dma_start3A_20 : memref<1x10x5776xf32, #tpu.memory_space<vmem>> -> memref<10x5776xf32, #tpu.memory_space<vmem>>
    %dma_start3A_22 = arith.constant 0 : i32
    %dma_start3A_23 = arith.constant 0 : i32
    %dma_start3A_24 = tpu.memref_slice %arg2[%mul3A_6, %dma_start3A_22, %dma_start3A_23] : memref<192x10x5776xf32, #tpu.memory_space<hbm>> -> memref<1x10x5776xf32, #tpu.memory_space<hbm>>
    %dma_start3A_25 = tpu.memref_squeeze %dma_start3A_24 : memref<1x10x5776xf32, #tpu.memory_space<hbm>> -> memref<10x5776xf32, #tpu.memory_space<hbm>>
    tpu.enqueue_dma source(%dma_start3A_25 : memref<10x5776xf32, #tpu.memory_space<hbm>>) target(%dma_start3A_21 : memref<10x5776xf32, #tpu.memory_space<vmem>>) target_semaphore(%dma_start3A_17 : memref<!tpu.dma_semaphore, #tpu.memory_space<semaphore_mem>>)
    %add3A_26 = arith.constant 0 : i32
    %add3A_27 = arith.addi %mul3A_6, %add3A_26 : i32
    %rem3A = arith.constant 3 : i32
    %rem3A_28 = arith.remsi %add3A_27, %rem3A : i32
    %dma_wait3A = arith.constant 0 : i32
    %dma_wait3A_29 = arith.constant 0 : i32
    %dma_wait3A_30 = arith.constant 0 : i32
    %dma_wait3A_31 = arith.constant 0 : i32
    %dma_wait3A_32 = tpu.memref_slice %arg5[%dma_wait3A, %dma_wait3A_30, %dma_wait3A_31] : memref<2x10x5776xf32, #tpu.memory_space<vmem>> -> memref<1x10x5776xf32, #tpu.memory_space<vmem>>
    %dma_wait3A_33 = tpu.memref_squeeze %dma_wait3A_32 : memref<1x10x5776xf32, #tpu.memory_space<vmem>> -> memref<10x5776xf32, #tpu.memory_space<vmem>>
    %dma_wait3A_34 = arith.constant 0 : i32
    %dma_wait3A_35 = arith.constant 0 : i32
    %dma_wait3A_36 = tpu.memref_slice %arg2[%add3A_27, %dma_wait3A_34, %dma_wait3A_35] : memref<192x10x5776xf32, #tpu.memory_space<hbm>> -> memref<1x10x5776xf32, #tpu.memory_space<hbm>>
    %dma_wait3A_37 = tpu.memref_squeeze %dma_wait3A_36 : memref<1x10x5776xf32, #tpu.memory_space<hbm>> -> memref<10x5776xf32, #tpu.memory_space<hbm>>
    %dma_wait3A_38 = tpu.memref_slice %arg8[%dma_wait3A_29] : memref<2x!tpu.dma_semaphore, #tpu.memory_space<semaphore_mem>> -> memref<1x!tpu.dma_semaphore, #tpu.memory_space<semaphore_mem>>
    %dma_wait3A_39 = tpu.memref_squeeze %dma_wait3A_38 : memref<1x!tpu.dma_semaphore, #tpu.memory_space<semaphore_mem>> -> memref<!tpu.dma_semaphore, #tpu.memory_space<semaphore_mem>>
    %dma_wait3A_40 = arith.constant 0 : i32
    %dma_wait3A_41 = arith.constant 0 : i32
    %dma_wait3A_42 = tpu.memref_slice %arg5[%dma_wait3A, %dma_wait3A_40, %dma_wait3A_41] : memref<2x10x5776xf32, #tpu.memory_space<vmem>> -> memref<1x10x5776xf32, #tpu.memory_space<vmem>>
    %dma_wait3A_43 = tpu.memref_squeeze %dma_wait3A_42 : memref<1x10x5776xf32, #tpu.memory_space<vmem>> -> memref<10x5776xf32, #tpu.memory_space<vmem>>
    %dma_wait3A_44 = arith.constant 0 : i32
    %dma_wait3A_45 = arith.constant 0 : i32
    %dma_wait3A_46 = tpu.memref_slice %arg2[%add3A_27, %dma_wait3A_44, %dma_wait3A_45] : memref<192x10x5776xf32, #tpu.memory_space<hbm>> -> memref<1x10x5776xf32, #tpu.memory_space<hbm>>
    %dma_wait3A_47 = tpu.memref_squeeze %dma_wait3A_46 : memref<1x10x5776xf32, #tpu.memory_space<hbm>> -> memref<10x5776xf32, #tpu.memory_space<hbm>>
    tpu.wait_dma2 semaphore(%dma_wait3A_39 : memref<!tpu.dma_semaphore, #tpu.memory_space<semaphore_mem>>) src(%dma_wait3A_47 : memref<10x5776xf32, #tpu.memory_space<hbm>>) dst(%dma_wait3A_43 : memref<10x5776xf32, #tpu.memory_space<vmem>>)
    %add3A_48 = arith.constant 1 : i32
    %add3A_49 = arith.addi %add3A_27, %add3A_48 : i32
    %dma_start3A_50 = arith.constant 1 : i32
    %dma_start3A_51 = arith.constant 1 : i32
    %dma_start3A_52 = arith.constant 0 : i32
    %dma_start3A_53 = arith.constant 0 : i32
    %dma_start3A_54 = tpu.memref_slice %arg5[%dma_start3A_50, %dma_start3A_52, %dma_start3A_53] : memref<2x10x5776xf32, #tpu.memory_space<vmem>> -> memref<1x10x5776xf32, #tpu.memory_space<vmem>>
    %dma_start3A_55 = tpu.memref_squeeze %dma_start3A_54 : memref<1x10x5776xf32, #tpu.memory_space<vmem>> -> memref<10x5776xf32, #tpu.memory_space<vmem>>
    %dma_start3A_56 = arith.constant 0 : i32
    %dma_start3A_57 = arith.constant 0 : i32
    %dma_start3A_58 = tpu.memref_slice %arg2[%add3A_49, %dma_start3A_56, %dma_start3A_57] : memref<192x10x5776xf32, #tpu.memory_space<hbm>> -> memref<1x10x5776xf32, #tpu.memory_space<hbm>>
    %dma_start3A_59 = tpu.memref_squeeze %dma_start3A_58 : memref<1x10x5776xf32, #tpu.memory_space<hbm>> -> memref<10x5776xf32, #tpu.memory_space<hbm>>
    %dma_start3A_60 = tpu.memref_slice %arg8[%dma_start3A_51] : memref<2x!tpu.dma_semaphore, #tpu.memory_space<semaphore_mem>> -> memref<1x!tpu.dma_semaphore, #tpu.memory_space<semaphore_mem>>
    %dma_start3A_61 = tpu.memref_squeeze %dma_start3A_60 : memref<1x!tpu.dma_semaphore, #tpu.memory_space<semaphore_mem>> -> memref<!tpu.dma_semaphore, #tpu.memory_space<semaphore_mem>>
    %dma_start3A_62 = arith.constant 0 : i32
    %dma_start3A_63 = arith.constant 0 : i32
    %dma_start3A_64 = tpu.memref_slice %arg5[%dma_start3A_50, %dma_start3A_62, %dma_start3A_63] : memref<2x10x5776xf32, #tpu.memory_space<vmem>> -> memref<1x10x5776xf32, #tpu.memory_space<vmem>>
    %dma_start3A_65 = tpu.memref_squeeze %dma_start3A_64 : memref<1x10x5776xf32, #tpu.memory_space<vmem>> -> memref<10x5776xf32, #tpu.memory_space<vmem>>
    %dma_start3A_66 = arith.constant 0 : i32
    %dma_start3A_67 = arith.constant 0 : i32
    %dma_start3A_68 = tpu.memref_slice %arg2[%add3A_49, %dma_start3A_66, %dma_start3A_67] : memref<192x10x5776xf32, #tpu.memory_space<hbm>> -> memref<1x10x5776xf32, #tpu.memory_space<hbm>>
    %dma_start3A_69 = tpu.memref_squeeze %dma_start3A_68 : memref<1x10x5776xf32, #tpu.memory_space<hbm>> -> memref<10x5776xf32, #tpu.memory_space<hbm>>
    tpu.enqueue_dma source(%dma_start3A_69 : memref<10x5776xf32, #tpu.memory_space<hbm>>) target(%dma_start3A_65 : memref<10x5776xf32, #tpu.memory_space<vmem>>) target_semaphore(%dma_start3A_61 : memref<!tpu.dma_semaphore, #tpu.memory_space<semaphore_mem>>)
    %get3A = arith.constant 0 : i32
    %get3A_70 = arith.index_cast %rem3A_28 : i32 to index
    %get3A_71 = arith.index_cast %get3A : i32 to index
    %get3A_72 = arith.constant 0 : index
    %get3A_73 = tpu.vector_load %arg7[%get3A_70, %get3A_71, %get3A_72] {strides = array<i32>} : memref<3x3x16xf32, #tpu.memory_space<vmem>>, vector<16xf32>,
    %get3A_74 = arith.constant 1 : i32
    %get3A_75 = arith.index_cast %rem3A_28 : i32 to index
    %get3A_76 = arith.index_cast %get3A_74 : i32 to index
    %get3A_77 = arith.constant 0 : index
    %get3A_78 = tpu.vector_load %arg7[%get3A_75, %get3A_76, %get3A_77] {strides = array<i32>} : memref<3x3x16xf32, #tpu.memory_space<vmem>>, vector<16xf32>,
    %get3A_79 = arith.constant 2 : i32
    %get3A_80 = arith.index_cast %rem3A_28 : i32 to index
    %get3A_81 = arith.index_cast %get3A_79 : i32 to index
    %get3A_82 = arith.constant 0 : index
    %get3A_83 = tpu.vector_load %arg7[%get3A_80, %get3A_81, %get3A_82] {strides = array<i32>} : memref<3x3x16xf32, #tpu.memory_space<vmem>>, vector<16xf32>,
    %scan3A = arith.constant 0 : i32
    %scan3A_84 = arith.constant 0 : i32
    %scan3A_85 = arith.constant 0 : i32
    %scan3A_86 = arith.constant 19 : i32
    %scan3A_87 = arith.addi %scan3A_85, %scan3A_86 : i32
    %scan3A_88 = arith.constant 1 : i32
    scf.for %scan3A_600 = %scan3A_85 to %scan3A_87 step %scan3A_88  : i32 {
      %rem3A_601 = arith.constant 2 : i32
      %rem3A_602 = arith.remsi %scan3A_600, %rem3A_601 : i32
      %ge3A = arith.constant 2 : i32
      %ge3A_603 = arith.cmpi sge, %scan3A_600, %ge3A : i32
      %convert_element_type3A = arith.extui %ge3A_603 : i1 to i32
      %cond3A = arith.constant 0 : i32
      %cond3A_604 = arith.cmpi ne, %convert_element_type3A, %cond3A : i32
      scf.if %cond3A_604 {
        %sub3A = arith.constant 2 : i32
        %sub3A_625 = arith.subi %scan3A_600, %sub3A : i32
        %mul3A_626 = arith.constant 3040 : i32
        %mul3A_627 = arith.muli %sub3A_625, %mul3A_626 : i32
        %dma_wait3A_628 = arith.constant 0 : i32
        %dma_wait3A_629 = tpu.memref_slice %arg6[%rem3A_602, %dma_wait3A_628] : memref<2x3040xf32, #tpu.memory_space<vmem>> -> memref<1x3040xf32, #tpu.memory_space<vmem>>
        %dma_wait3A_630 = tpu.memref_squeeze %dma_wait3A_629 : memref<1x3040xf32, #tpu.memory_space<vmem>> -> memref<3040xf32, #tpu.memory_space<vmem>>
        %dma_wait3A_631 = tpu.memref_slice %arg4[%add3A_27, %mul3A_627] : memref<192x57760xf32, #tpu.memory_space<hbm>> -> memref<1x3040xf32, #tpu.memory_space<hbm>>
        %dma_wait3A_632 = tpu.memref_squeeze %dma_wait3A_631 : memref<1x3040xf32, #tpu.memory_space<hbm>> -> memref<3040xf32, #tpu.memory_space<hbm>>
        %dma_wait3A_633 = tpu.memref_slice %arg9[%rem3A_602] : memref<2x!tpu.dma_semaphore, #tpu.memory_space<semaphore_mem>> -> memref<1x!tpu.dma_semaphore, #tpu.memory_space<semaphore_mem>>
        %dma_wait3A_634 = tpu.memref_squeeze %dma_wait3A_633 : memref<1x!tpu.dma_semaphore, #tpu.memory_space<semaphore_mem>> -> memref<!tpu.dma_semaphore, #tpu.memory_space<semaphore_mem>>
        %dma_wait3A_635 = tpu.memref_slice %arg4[%add3A_27, %mul3A_627] : memref<192x57760xf32, #tpu.memory_space<hbm>> -> memref<1x3040xf32, #tpu.memory_space<hbm>>
        %dma_wait3A_636 = tpu.memref_squeeze %dma_wait3A_635 : memref<1x3040xf32, #tpu.memory_space<hbm>> -> memref<3040xf32, #tpu.memory_space<hbm>>
        %dma_wait3A_637 = arith.constant 0 : i32
        %dma_wait3A_638 = tpu.memref_slice %arg6[%rem3A_602, %dma_wait3A_637] : memref<2x3040xf32, #tpu.memory_space<vmem>> -> memref<1x3040xf32, #tpu.memory_space<vmem>>
        %dma_wait3A_639 = tpu.memref_squeeze %dma_wait3A_638 : memref<1x3040xf32, #tpu.memory_space<vmem>> -> memref<3040xf32, #tpu.memory_space<vmem>>
        tpu.wait_dma2 semaphore(%dma_wait3A_634 : memref<!tpu.dma_semaphore, #tpu.memory_space<semaphore_mem>>) src(%dma_wait3A_639 : memref<3040xf32, #tpu.memory_space<vmem>>) dst(%dma_wait3A_636 : memref<3040xf32, #tpu.memory_space<hbm>>)
      } else {
      }
      %scan3A_605 = arith.constant 0 : i32
      %scan3A_606 = arith.constant 0 : i32
      %scan3A_607 = arith.constant 19 : i32
      %scan3A_608 = arith.addi %scan3A_606, %scan3A_607 : i32
      %scan3A_609 = arith.constant 1 : i32
      scf.for %scan3A_625 = %scan3A_606 to %scan3A_608 step %scan3A_609  : i32 {
        %mul3A_626 = arith.constant 304 : i32
        %mul3A_627 = arith.muli %scan3A_600, %mul3A_626 : i32
        %mul3A_628 = arith.constant 16 : i32
        %mul3A_629 = arith.muli %scan3A_625, %mul3A_628 : i32
        %add3A_630 = arith.addi %mul3A_627, %mul3A_629 : i32
        %add3A_631 = vector.broadcast %add3A_630 : i32 to vector<16xi32>
        %add3A_632 = arith.addi %add3A_631, %iota3A : vector<16xi32>
        %rem3A_633 = arith.remsi %add3A_632, %broadcast_in_dim3A_4 : vector<16xi32>
        %convert_element_type3A_634 = arith.sitofp %rem3A_633 : vector<16xi32> to vector<16xf32>
        %div3A = arith.divsi %add3A_632, %broadcast_in_dim3A_4 : vector<16xi32>
        %convert_element_type3A_635 = arith.sitofp %div3A : vector<16xi32> to vector<16xf32>
        %mul3A_636 = arith.constant 160 : i32
        %mul3A_637 = arith.muli %scan3A_625, %mul3A_636 : i32
        %add3A_638 = vector.broadcast %mul3A_637 : i32 to vector<16xi32>
        %add3A_639 = arith.addi %mul3A_3, %add3A_638 : vector<16xi32>
        %get3A_640 = arith.constant 0 : i32
        %get3A_641 = arith.constant 0 : i32
        %get3A_642 = arith.constant 0 : i32
        %get3A_643 = tpu.memref_slice %arg5[%scan3A_84, %get3A_641, %get3A_642] : memref<2x10x5776xf32, #tpu.memory_space<vmem>> -> memref<1x10x5776xf32, #tpu.memory_space<vmem>>
        %get3A_644 = tpu.memref_squeeze %get3A_643 : memref<1x10x5776xf32, #tpu.memory_space<vmem>> -> memref<10x5776xf32, #tpu.memory_space<vmem>>
        %get3A_645 = arith.index_cast %get3A_640 : i32 to index
        %get3A_646 = arith.index_cast %add3A_630 : i32 to index
        %get3A_647 = tpu.vector_load %get3A_644[%get3A_645, %get3A_646] {strides = array<i32>} : memref<10x5776xf32, #tpu.memory_space<vmem>>, vector<16xf32>,
        %neg3A = arith.constant 0.000000e+00 : f32
        %neg3A_648 = vector.broadcast %neg3A : f32 to vector<16xf32>
        %neg3A_649 = arith.subf %neg3A_648, %get3A_647 : vector<16xf32>
        %exp3A = math.exp %neg3A_649 : vector<16xf32>
        %add3A_650 = arith.constant 1.000000e+00 : f32
        %add3A_651 = vector.broadcast %add3A_650 : f32 to vector<16xf32>
        %add3A_652 = arith.addf %add3A_651, %exp3A : vector<16xf32>
        %div3A_653 = arith.constant 1.000000e+00 : f32
        %div3A_654 = vector.broadcast %div3A_653 : f32 to vector<16xf32>
        %div3A_655 = arith.divf %div3A_654, %add3A_652 : vector<16xf32>
        %add3A_656 = arith.addf %div3A_655, %convert_element_type3A_634 : vector<16xf32>
        %mul3A_657 = arith.mulf %add3A_656, %get3A_73 : vector<16xf32>
        %add3A_658 = arith.constant 0 : i32
        %add3A_659 = vector.broadcast %add3A_658 : i32 to vector<16xi32>
        %add3A_660 = arith.addi %add3A_639, %add3A_659 : vector<16xi32>
        %scatter3A = arith.constant 0 : i32
        %scatter3A_661 = tpu.memref_slice %arg6[%rem3A_602, %scatter3A] : memref<2x3040xf32, #tpu.memory_space<vmem>> -> memref<1x3040xf32, #tpu.memory_space<vmem>>
        %scatter3A_662 = tpu.memref_squeeze %scatter3A_661 : memref<1x3040xf32, #tpu.memory_space<vmem>> -> memref<3040xf32, #tpu.memory_space<vmem>>
        tpu.vector_store_idx %scatter3A_662[%add3A_660], %mul3A_657 : memref<3040xf32, #tpu.memory_space<vmem>>[vector<16xi32>], vector<16xf32>,
        %get3A_663 = arith.constant 1 : i32
        %get3A_664 = arith.constant 0 : i32
        %get3A_665 = arith.constant 0 : i32
        %get3A_666 = tpu.memref_slice %arg5[%scan3A_84, %get3A_664, %get3A_665] : memref<2x10x5776xf32, #tpu.memory_space<vmem>> -> memref<1x10x5776xf32, #tpu.memory_space<vmem>>
        %get3A_667 = tpu.memref_squeeze %get3A_666 : memref<1x10x5776xf32, #tpu.memory_space<vmem>> -> memref<10x5776xf32, #tpu.memory_space<vmem>>
        %get3A_668 = arith.index_cast %get3A_663 : i32 to index
        %get3A_669 = arith.index_cast %add3A_630 : i32 to index
        %get3A_670 = tpu.vector_load %get3A_667[%get3A_668, %get3A_669] {strides = array<i32>} : memref<10x5776xf32, #tpu.memory_space<vmem>>, vector<16xf32>,
        %neg3A_671 = arith.constant 0.000000e+00 : f32
        %neg3A_672 = vector.broadcast %neg3A_671 : f32 to vector<16xf32>
        %neg3A_673 = arith.subf %neg3A_672, %get3A_670 : vector<16xf32>
        %exp3A_674 = math.exp %neg3A_673 : vector<16xf32>
        %add3A_675 = arith.constant 1.000000e+00 : f32
        %add3A_676 = vector.broadcast %add3A_675 : f32 to vector<16xf32>
        %add3A_677 = arith.addf %add3A_676, %exp3A_674 : vector<16xf32>
        %div3A_678 = arith.constant 1.000000e+00 : f32
        %div3A_679 = vector.broadcast %div3A_678 : f32 to vector<16xf32>
        %div3A_680 = arith.divf %div3A_679, %add3A_677 : vector<16xf32>
        %add3A_681 = arith.addf %div3A_680, %convert_element_type3A_635 : vector<16xf32>
        %mul3A_682 = arith.mulf %add3A_681, %get3A_73 : vector<16xf32>
        %add3A_683 = arith.constant 1 : i32
        %add3A_684 = vector.broadcast %add3A_683 : i32 to vector<16xi32>
        %add3A_685 = arith.addi %add3A_639, %add3A_684 : vector<16xi32>
        %scatter3A_686 = arith.constant 0 : i32
        %scatter3A_687 = tpu.memref_slice %arg6[%rem3A_602, %scatter3A_686] : memref<2x3040xf32, #tpu.memory_space<vmem>> -> memref<1x3040xf32, #tpu.memory_space<vmem>>
        %scatter3A_688 = tpu.memref_squeeze %scatter3A_687 : memref<1x3040xf32, #tpu.memory_space<vmem>> -> memref<3040xf32, #tpu.memory_space<vmem>>
        tpu.vector_store_idx %scatter3A_688[%add3A_685], %mul3A_682 : memref<3040xf32, #tpu.memory_space<vmem>>[vector<16xi32>], vector<16xf32>,
        %get3A_689 = arith.constant 2 : i32
        %get3A_690 = arith.constant 0 : i32
        %get3A_691 = arith.constant 0 : i32
        %get3A_692 = tpu.memref_slice %arg5[%scan3A_84, %get3A_690, %get3A_691] : memref<2x10x5776xf32, #tpu.memory_space<vmem>> -> memref<1x10x5776xf32, #tpu.memory_space<vmem>>
        %get3A_693 = tpu.memref_squeeze %get3A_692 : memref<1x10x5776xf32, #tpu.memory_space<vmem>> -> memref<10x5776xf32, #tpu.memory_space<vmem>>
        %get3A_694 = arith.index_cast %get3A_689 : i32 to index
        %get3A_695 = arith.index_cast %add3A_630 : i32 to index
        %get3A_696 = tpu.vector_load %get3A_693[%get3A_694, %get3A_695] {strides = array<i32>} : memref<10x5776xf32, #tpu.memory_space<vmem>>, vector<16xf32>,
        %exp3A_697 = math.exp %get3A_696 : vector<16xf32>
        %min3A = arith.constant 1.000000e+03 : f32
        %min3A_698 = vector.broadcast %min3A : f32 to vector<16xf32>
        %min3A_699 = arith.minimumf %exp3A_697, %min3A_698 : vector<16xf32>
        %mul3A_700 = arith.mulf %min3A_699, %get3A_78 : vector<16xf32>
        %add3A_701 = arith.constant 2 : i32
        %add3A_702 = vector.broadcast %add3A_701 : i32 to vector<16xi32>
        %add3A_703 = arith.addi %add3A_639, %add3A_702 : vector<16xi32>
        %scatter3A_704 = arith.constant 0 : i32
        %scatter3A_705 = tpu.memref_slice %arg6[%rem3A_602, %scatter3A_704] : memref<2x3040xf32, #tpu.memory_space<vmem>> -> memref<1x3040xf32, #tpu.memory_space<vmem>>
        %scatter3A_706 = tpu.memref_squeeze %scatter3A_705 : memref<1x3040xf32, #tpu.memory_space<vmem>> -> memref<3040xf32, #tpu.memory_space<vmem>>
        tpu.vector_store_idx %scatter3A_706[%add3A_703], %mul3A_700 : memref<3040xf32, #tpu.memory_space<vmem>>[vector<16xi32>], vector<16xf32>,
        %get3A_707 = arith.constant 3 : i32
        %get3A_708 = arith.constant 0 : i32
        %get3A_709 = arith.constant 0 : i32
        %get3A_710 = tpu.memref_slice %arg5[%scan3A_84, %get3A_708, %get3A_709] : memref<2x10x5776xf32, #tpu.memory_space<vmem>> -> memref<1x10x5776xf32, #tpu.memory_space<vmem>>
        %get3A_711 = tpu.memref_squeeze %get3A_710 : memref<1x10x5776xf32, #tpu.memory_space<vmem>> -> memref<10x5776xf32, #tpu.memory_space<vmem>>
        %get3A_712 = arith.index_cast %get3A_707 : i32 to index
        %get3A_713 = arith.index_cast %add3A_630 : i32 to index
        %get3A_714 = tpu.vector_load %get3A_711[%get3A_712, %get3A_713] {strides = array<i32>} : memref<10x5776xf32, #tpu.memory_space<vmem>>, vector<16xf32>,
        %exp3A_715 = math.exp %get3A_714 : vector<16xf32>
        %min3A_716 = arith.constant 1.000000e+03 : f32
        %min3A_717 = vector.broadcast %min3A_716 : f32 to vector<16xf32>
        %min3A_718 = arith.minimumf %exp3A_715, %min3A_717 : vector<16xf32>
        %mul3A_719 = arith.mulf %min3A_718, %get3A_83 : vector<16xf32>
        %add3A_720 = arith.constant 3 : i32
        %add3A_721 = vector.broadcast %add3A_720 : i32 to vector<16xi32>
        %add3A_722 = arith.addi %add3A_639, %add3A_721 : vector<16xi32>
        %scatter3A_723 = arith.constant 0 : i32
        %scatter3A_724 = tpu.memref_slice %arg6[%rem3A_602, %scatter3A_723] : memref<2x3040xf32, #tpu.memory_space<vmem>> -> memref<1x3040xf32, #tpu.memory_space<vmem>>
        %scatter3A_725 = tpu.memref_squeeze %scatter3A_724 : memref<1x3040xf32, #tpu.memory_space<vmem>> -> memref<3040xf32, #tpu.memory_space<vmem>>
        tpu.vector_store_idx %scatter3A_725[%add3A_722], %mul3A_719 : memref<3040xf32, #tpu.memory_space<vmem>>[vector<16xi32>], vector<16xf32>,
        %get3A_726 = arith.constant 4 : i32
        %get3A_727 = arith.constant 0 : i32
        %get3A_728 = arith.constant 0 : i32
        %get3A_729 = tpu.memref_slice %arg5[%scan3A_84, %get3A_727, %get3A_728] : memref<2x10x5776xf32, #tpu.memory_space<vmem>> -> memref<1x10x5776xf32, #tpu.memory_space<vmem>>
        %get3A_730 = tpu.memref_squeeze %get3A_729 : memref<1x10x5776xf32, #tpu.memory_space<vmem>> -> memref<10x5776xf32, #tpu.memory_space<vmem>>
        %get3A_731 = arith.index_cast %get3A_726 : i32 to index
        %get3A_732 = arith.index_cast %add3A_630 : i32 to index
        %get3A_733 = tpu.vector_load %get3A_730[%get3A_731, %get3A_732] {strides = array<i32>} : memref<10x5776xf32, #tpu.memory_space<vmem>>, vector<16xf32>,
        %add3A_734 = arith.constant 4 : i32
        %add3A_735 = vector.broadcast %add3A_734 : i32 to vector<16xi32>
        %add3A_736 = arith.addi %add3A_639, %add3A_735 : vector<16xi32>
        %scatter3A_737 = arith.constant 0 : i32
        %scatter3A_738 = tpu.memref_slice %arg6[%rem3A_602, %scatter3A_737] : memref<2x3040xf32, #tpu.memory_space<vmem>> -> memref<1x3040xf32, #tpu.memory_space<vmem>>
        %scatter3A_739 = tpu.memref_squeeze %scatter3A_738 : memref<1x3040xf32, #tpu.memory_space<vmem>> -> memref<3040xf32, #tpu.memory_space<vmem>>
        tpu.vector_store_idx %scatter3A_739[%add3A_736], %get3A_733 : memref<3040xf32, #tpu.memory_space<vmem>>[vector<16xi32>], vector<16xf32>,
        %get3A_740 = arith.constant 5 : i32
        %get3A_741 = arith.constant 0 : i32
        %get3A_742 = arith.constant 0 : i32
        %get3A_743 = tpu.memref_slice %arg5[%scan3A_84, %get3A_741, %get3A_742] : memref<2x10x5776xf32, #tpu.memory_space<vmem>> -> memref<1x10x5776xf32, #tpu.memory_space<vmem>>
        %get3A_744 = tpu.memref_squeeze %get3A_743 : memref<1x10x5776xf32, #tpu.memory_space<vmem>> -> memref<10x5776xf32, #tpu.memory_space<vmem>>
        %get3A_745 = arith.index_cast %get3A_740 : i32 to index
        %get3A_746 = arith.index_cast %add3A_630 : i32 to index
        %get3A_747 = tpu.vector_load %get3A_744[%get3A_745, %get3A_746] {strides = array<i32>} : memref<10x5776xf32, #tpu.memory_space<vmem>>, vector<16xf32>,
        %add3A_748 = arith.constant 5 : i32
        %add3A_749 = vector.broadcast %add3A_748 : i32 to vector<16xi32>
        %add3A_750 = arith.addi %add3A_639, %add3A_749 : vector<16xi32>
        %scatter3A_751 = arith.constant 0 : i32
        %scatter3A_752 = tpu.memref_slice %arg6[%rem3A_602, %scatter3A_751] : memref<2x3040xf32, #tpu.memory_space<vmem>> -> memref<1x3040xf32, #tpu.memory_space<vmem>>
        %scatter3A_753 = tpu.memref_squeeze %scatter3A_752 : memref<1x3040xf32, #tpu.memory_space<vmem>> -> memref<3040xf32, #tpu.memory_space<vmem>>
        tpu.vector_store_idx %scatter3A_753[%add3A_750], %get3A_747 : memref<3040xf32, #tpu.memory_space<vmem>>[vector<16xi32>], vector<16xf32>,
        %get3A_754 = arith.constant 6 : i32
        %get3A_755 = arith.constant 0 : i32
        %get3A_756 = arith.constant 0 : i32
        %get3A_757 = tpu.memref_slice %arg5[%scan3A_84, %get3A_755, %get3A_756] : memref<2x10x5776xf32, #tpu.memory_space<vmem>> -> memref<1x10x5776xf32, #tpu.memory_space<vmem>>
        %get3A_758 = tpu.memref_squeeze %get3A_757 : memref<1x10x5776xf32, #tpu.memory_space<vmem>> -> memref<10x5776xf32, #tpu.memory_space<vmem>>
        %get3A_759 = arith.index_cast %get3A_754 : i32 to index
        %get3A_760 = arith.index_cast %add3A_630 : i32 to index
        %get3A_761 = tpu.vector_load %get3A_758[%get3A_759, %get3A_760] {strides = array<i32>} : memref<10x5776xf32, #tpu.memory_space<vmem>>, vector<16xf32>,
        %neg3A_762 = arith.constant 0.000000e+00 : f32
        %neg3A_763 = vector.broadcast %neg3A_762 : f32 to vector<16xf32>
        %neg3A_764 = arith.subf %neg3A_763, %get3A_761 : vector<16xf32>
        %exp3A_765 = math.exp %neg3A_764 : vector<16xf32>
        %add3A_766 = arith.constant 1.000000e+00 : f32
        %add3A_767 = vector.broadcast %add3A_766 : f32 to vector<16xf32>
        %add3A_768 = arith.addf %add3A_767, %exp3A_765 : vector<16xf32>
        %div3A_769 = arith.constant 1.000000e+00 : f32
        %div3A_770 = vector.broadcast %div3A_769 : f32 to vector<16xf32>
        %div3A_771 = arith.divf %div3A_770, %add3A_768 : vector<16xf32>
        %add3A_772 = arith.constant 6 : i32
        %add3A_773 = vector.broadcast %add3A_772 : i32 to vector<16xi32>
        %add3A_774 = arith.addi %add3A_639, %add3A_773 : vector<16xi32>
        %scatter3A_775 = arith.constant 0 : i32
        %scatter3A_776 = tpu.memref_slice %arg6[%rem3A_602, %scatter3A_775] : memref<2x3040xf32, #tpu.memory_space<vmem>> -> memref<1x3040xf32, #tpu.memory_space<vmem>>
        %scatter3A_777 = tpu.memref_squeeze %scatter3A_776 : memref<1x3040xf32, #tpu.memory_space<vmem>> -> memref<3040xf32, #tpu.memory_space<vmem>>
        tpu.vector_store_idx %scatter3A_777[%add3A_774], %div3A_771 : memref<3040xf32, #tpu.memory_space<vmem>>[vector<16xi32>], vector<16xf32>,
        %get3A_778 = arith.constant 7 : i32
        %get3A_779 = arith.constant 0 : i32
        %get3A_780 = arith.constant 0 : i32
        %get3A_781 = tpu.memref_slice %arg5[%scan3A_84, %get3A_779, %get3A_780] : memref<2x10x5776xf32, #tpu.memory_space<vmem>> -> memref<1x10x5776xf32, #tpu.memory_space<vmem>>
        %get3A_782 = tpu.memref_squeeze %get3A_781 : memref<1x10x5776xf32, #tpu.memory_space<vmem>> -> memref<10x5776xf32, #tpu.memory_space<vmem>>
        %get3A_783 = arith.index_cast %get3A_778 : i32 to index
        %get3A_784 = arith.index_cast %add3A_630 : i32 to index
        %get3A_785 = tpu.vector_load %get3A_782[%get3A_783, %get3A_784] {strides = array<i32>} : memref<10x5776xf32, #tpu.memory_space<vmem>>, vector<16xf32>,
        %neg3A_786 = arith.constant 0.000000e+00 : f32
        %neg3A_787 = vector.broadcast %neg3A_786 : f32 to vector<16xf32>
        %neg3A_788 = arith.subf %neg3A_787, %get3A_785 : vector<16xf32>
        %exp3A_789 = math.exp %neg3A_788 : vector<16xf32>
        %add3A_790 = arith.constant 1.000000e+00 : f32
        %add3A_791 = vector.broadcast %add3A_790 : f32 to vector<16xf32>
        %add3A_792 = arith.addf %add3A_791, %exp3A_789 : vector<16xf32>
        %div3A_793 = arith.constant 1.000000e+00 : f32
        %div3A_794 = vector.broadcast %div3A_793 : f32 to vector<16xf32>
        %div3A_795 = arith.divf %div3A_794, %add3A_792 : vector<16xf32>
        %add3A_796 = arith.constant 7 : i32
        %add3A_797 = vector.broadcast %add3A_796 : i32 to vector<16xi32>
        %add3A_798 = arith.addi %add3A_639, %add3A_797 : vector<16xi32>
        %scatter3A_799 = arith.constant 0 : i32
        %scatter3A_800 = tpu.memref_slice %arg6[%rem3A_602, %scatter3A_799] : memref<2x3040xf32, #tpu.memory_space<vmem>> -> memref<1x3040xf32, #tpu.memory_space<vmem>>
        %scatter3A_801 = tpu.memref_squeeze %scatter3A_800 : memref<1x3040xf32, #tpu.memory_space<vmem>> -> memref<3040xf32, #tpu.memory_space<vmem>>
        tpu.vector_store_idx %scatter3A_801[%add3A_798], %div3A_795 : memref<3040xf32, #tpu.memory_space<vmem>>[vector<16xi32>], vector<16xf32>,
        %get3A_802 = arith.constant 8 : i32
        %get3A_803 = arith.constant 0 : i32
        %get3A_804 = arith.constant 0 : i32
        %get3A_805 = tpu.memref_slice %arg5[%scan3A_84, %get3A_803, %get3A_804] : memref<2x10x5776xf32, #tpu.memory_space<vmem>> -> memref<1x10x5776xf32, #tpu.memory_space<vmem>>
        %get3A_806 = tpu.memref_squeeze %get3A_805 : memref<1x10x5776xf32, #tpu.memory_space<vmem>> -> memref<10x5776xf32, #tpu.memory_space<vmem>>
        %get3A_807 = arith.index_cast %get3A_802 : i32 to index
        %get3A_808 = arith.index_cast %add3A_630 : i32 to index
        %get3A_809 = tpu.vector_load %get3A_806[%get3A_807, %get3A_808] {strides = array<i32>} : memref<10x5776xf32, #tpu.memory_space<vmem>>, vector<16xf32>,
        %neg3A_810 = arith.constant 0.000000e+00 : f32
        %neg3A_811 = vector.broadcast %neg3A_810 : f32 to vector<16xf32>
        %neg3A_812 = arith.subf %neg3A_811, %get3A_809 : vector<16xf32>
        %exp3A_813 = math.exp %neg3A_812 : vector<16xf32>
        %add3A_814 = arith.constant 1.000000e+00 : f32
        %add3A_815 = vector.broadcast %add3A_814 : f32 to vector<16xf32>
        %add3A_816 = arith.addf %add3A_815, %exp3A_813 : vector<16xf32>
        %div3A_817 = arith.constant 1.000000e+00 : f32
        %div3A_818 = vector.broadcast %div3A_817 : f32 to vector<16xf32>
        %div3A_819 = arith.divf %div3A_818, %add3A_816 : vector<16xf32>
        %add3A_820 = arith.constant 8 : i32
        %add3A_821 = vector.broadcast %add3A_820 : i32 to vector<16xi32>
        %add3A_822 = arith.addi %add3A_639, %add3A_821 : vector<16xi32>
        %scatter3A_823 = arith.constant 0 : i32
        %scatter3A_824 = tpu.memref_slice %arg6[%rem3A_602, %scatter3A_823] : memref<2x3040xf32, #tpu.memory_space<vmem>> -> memref<1x3040xf32, #tpu.memory_space<vmem>>
        %scatter3A_825 = tpu.memref_squeeze %scatter3A_824 : memref<1x3040xf32, #tpu.memory_space<vmem>> -> memref<3040xf32, #tpu.memory_space<vmem>>
        tpu.vector_store_idx %scatter3A_825[%add3A_822], %div3A_819 : memref<3040xf32, #tpu.memory_space<vmem>>[vector<16xi32>], vector<16xf32>,
        %get3A_826 = arith.constant 9 : i32
        %get3A_827 = arith.constant 0 : i32
        %get3A_828 = arith.constant 0 : i32
        %get3A_829 = tpu.memref_slice %arg5[%scan3A_84, %get3A_827, %get3A_828] : memref<2x10x5776xf32, #tpu.memory_space<vmem>> -> memref<1x10x5776xf32, #tpu.memory_space<vmem>>
        %get3A_830 = tpu.memref_squeeze %get3A_829 : memref<1x10x5776xf32, #tpu.memory_space<vmem>> -> memref<10x5776xf32, #tpu.memory_space<vmem>>
        %get3A_831 = arith.index_cast %get3A_826 : i32 to index
        %get3A_832 = arith.index_cast %add3A_630 : i32 to index
        %get3A_833 = tpu.vector_load %get3A_830[%get3A_831, %get3A_832] {strides = array<i32>} : memref<10x5776xf32, #tpu.memory_space<vmem>>, vector<16xf32>,
        %neg3A_834 = arith.constant 0.000000e+00 : f32
        %neg3A_835 = vector.broadcast %neg3A_834 : f32 to vector<16xf32>
        %neg3A_836 = arith.subf %neg3A_835, %get3A_833 : vector<16xf32>
        %exp3A_837 = math.exp %neg3A_836 : vector<16xf32>
        %add3A_838 = arith.constant 1.000000e+00 : f32
        %add3A_839 = vector.broadcast %add3A_838 : f32 to vector<16xf32>
        %add3A_840 = arith.addf %add3A_839, %exp3A_837 : vector<16xf32>
        %div3A_841 = arith.constant 1.000000e+00 : f32
        %div3A_842 = vector.broadcast %div3A_841 : f32 to vector<16xf32>
        %div3A_843 = arith.divf %div3A_842, %add3A_840 : vector<16xf32>
        %add3A_844 = arith.constant 9 : i32
        %add3A_845 = vector.broadcast %add3A_844 : i32 to vector<16xi32>
        %add3A_846 = arith.addi %add3A_639, %add3A_845 : vector<16xi32>
        %scatter3A_847 = arith.constant 0 : i32
        %scatter3A_848 = tpu.memref_slice %arg6[%rem3A_602, %scatter3A_847] : memref<2x3040xf32, #tpu.memory_space<vmem>> -> memref<1x3040xf32, #tpu.memory_space<vmem>>
        %scatter3A_849 = tpu.memref_squeeze %scatter3A_848 : memref<1x3040xf32, #tpu.memory_space<vmem>> -> memref<3040xf32, #tpu.memory_space<vmem>>
        tpu.vector_store_idx %scatter3A_849[%add3A_846], %div3A_843 : memref<3040xf32, #tpu.memory_space<vmem>>[vector<16xi32>], vector<16xf32>,
      }
      %scan3A_610 = arith.constant 19 : i32
      %mul3A_611 = arith.constant 3040 : i32
      %mul3A_612 = arith.muli %scan3A_600, %mul3A_611 : i32
      %dma_start3A_613 = arith.constant 0 : i32
      %dma_start3A_614 = tpu.memref_slice %arg6[%rem3A_602, %dma_start3A_613] : memref<2x3040xf32, #tpu.memory_space<vmem>> -> memref<1x3040xf32, #tpu.memory_space<vmem>>
      %dma_start3A_615 = tpu.memref_squeeze %dma_start3A_614 : memref<1x3040xf32, #tpu.memory_space<vmem>> -> memref<3040xf32, #tpu.memory_space<vmem>>
      %dma_start3A_616 = tpu.memref_slice %arg4[%add3A_27, %mul3A_612] : memref<192x57760xf32, #tpu.memory_space<hbm>> -> memref<1x3040xf32, #tpu.memory_space<hbm>>
      %dma_start3A_617 = tpu.memref_squeeze %dma_start3A_616 : memref<1x3040xf32, #tpu.memory_space<hbm>> -> memref<3040xf32, #tpu.memory_space<hbm>>
      %dma_start3A_618 = tpu.memref_slice %arg9[%rem3A_602] : memref<2x!tpu.dma_semaphore, #tpu.memory_space<semaphore_mem>> -> memref<1x!tpu.dma_semaphore, #tpu.memory_space<semaphore_mem>>
      %dma_start3A_619 = tpu.memref_squeeze %dma_start3A_618 : memref<1x!tpu.dma_semaphore, #tpu.memory_space<semaphore_mem>> -> memref<!tpu.dma_semaphore, #tpu.memory_space<semaphore_mem>>
      %dma_start3A_620 = tpu.memref_slice %arg4[%add3A_27, %mul3A_612] : memref<192x57760xf32, #tpu.memory_space<hbm>> -> memref<1x3040xf32, #tpu.memory_space<hbm>>
      %dma_start3A_621 = tpu.memref_squeeze %dma_start3A_620 : memref<1x3040xf32, #tpu.memory_space<hbm>> -> memref<3040xf32, #tpu.memory_space<hbm>>
      %dma_start3A_622 = arith.constant 0 : i32
      %dma_start3A_623 = tpu.memref_slice %arg6[%rem3A_602, %dma_start3A_622] : memref<2x3040xf32, #tpu.memory_space<vmem>> -> memref<1x3040xf32, #tpu.memory_space<vmem>>
      %dma_start3A_624 = tpu.memref_squeeze %dma_start3A_623 : memref<1x3040xf32, #tpu.memory_space<vmem>> -> memref<3040xf32, #tpu.memory_space<vmem>>
      tpu.enqueue_dma source(%dma_start3A_624 : memref<3040xf32, #tpu.memory_space<vmem>>) target(%dma_start3A_621 : memref<3040xf32, #tpu.memory_space<hbm>>) target_semaphore(%dma_start3A_619 : memref<!tpu.dma_semaphore, #tpu.memory_space<semaphore_mem>>)
    }
    %scan3A_89 = arith.constant 19 : i32
    %dma_wait3A_90 = arith.constant 1 : i32
    %dma_wait3A_91 = arith.constant 1 : i32
    %dma_wait3A_92 = arith.constant 0 : i32
    %dma_wait3A_93 = tpu.memref_slice %arg6[%dma_wait3A_90, %dma_wait3A_92] : memref<2x3040xf32, #tpu.memory_space<vmem>> -> memref<1x3040xf32, #tpu.memory_space<vmem>>
    %dma_wait3A_94 = tpu.memref_squeeze %dma_wait3A_93 : memref<1x3040xf32, #tpu.memory_space<vmem>> -> memref<3040xf32, #tpu.memory_space<vmem>>
    %dma_wait3A_95 = arith.constant 51680 : i32
    %dma_wait3A_96 = tpu.memref_slice %arg4[%add3A_27, %dma_wait3A_95] : memref<192x57760xf32, #tpu.memory_space<hbm>> -> memref<1x3040xf32, #tpu.memory_space<hbm>>
    %dma_wait3A_97 = tpu.memref_squeeze %dma_wait3A_96 : memref<1x3040xf32, #tpu.memory_space<hbm>> -> memref<3040xf32, #tpu.memory_space<hbm>>
    %dma_wait3A_98 = tpu.memref_slice %arg9[%dma_wait3A_91] : memref<2x!tpu.dma_semaphore, #tpu.memory_space<semaphore_mem>> -> memref<1x!tpu.dma_semaphore, #tpu.memory_space<semaphore_mem>>
    %dma_wait3A_99 = tpu.memref_squeeze %dma_wait3A_98 : memref<1x!tpu.dma_semaphore, #tpu.memory_space<semaphore_mem>> -> memref<!tpu.dma_semaphore, #tpu.memory_space<semaphore_mem>>
    %dma_wait3A_100 = arith.constant 51680 : i32
    %dma_wait3A_101 = tpu.memref_slice %arg4[%add3A_27, %dma_wait3A_100] : memref<192x57760xf32, #tpu.memory_space<hbm>> -> memref<1x3040xf32, #tpu.memory_space<hbm>>
    %dma_wait3A_102 = tpu.memref_squeeze %dma_wait3A_101 : memref<1x3040xf32, #tpu.memory_space<hbm>> -> memref<3040xf32, #tpu.memory_space<hbm>>
    %dma_wait3A_103 = arith.constant 0 : i32
    %dma_wait3A_104 = tpu.memref_slice %arg6[%dma_wait3A_90, %dma_wait3A_103] : memref<2x3040xf32, #tpu.memory_space<vmem>> -> memref<1x3040xf32, #tpu.memory_space<vmem>>
    %dma_wait3A_105 = tpu.memref_squeeze %dma_wait3A_104 : memref<1x3040xf32, #tpu.memory_space<vmem>> -> memref<3040xf32, #tpu.memory_space<vmem>>
    tpu.wait_dma2 semaphore(%dma_wait3A_99 : memref<!tpu.dma_semaphore, #tpu.memory_space<semaphore_mem>>) src(%dma_wait3A_105 : memref<3040xf32, #tpu.memory_space<vmem>>) dst(%dma_wait3A_102 : memref<3040xf32, #tpu.memory_space<hbm>>)
    %dma_wait3A_106 = arith.constant 0 : i32
    %dma_wait3A_107 = arith.constant 0 : i32
    %dma_wait3A_108 = arith.constant 0 : i32
    %dma_wait3A_109 = tpu.memref_slice %arg6[%dma_wait3A_106, %dma_wait3A_108] : memref<2x3040xf32, #tpu.memory_space<vmem>> -> memref<1x3040xf32, #tpu.memory_space<vmem>>
    %dma_wait3A_110 = tpu.memref_squeeze %dma_wait3A_109 : memref<1x3040xf32, #tpu.memory_space<vmem>> -> memref<3040xf32, #tpu.memory_space<vmem>>
    %dma_wait3A_111 = arith.constant 54720 : i32
    %dma_wait3A_112 = tpu.memref_slice %arg4[%add3A_27, %dma_wait3A_111] : memref<192x57760xf32, #tpu.memory_space<hbm>> -> memref<1x3040xf32, #tpu.memory_space<hbm>>
    %dma_wait3A_113 = tpu.memref_squeeze %dma_wait3A_112 : memref<1x3040xf32, #tpu.memory_space<hbm>> -> memref<3040xf32, #tpu.memory_space<hbm>>
    %dma_wait3A_114 = tpu.memref_slice %arg9[%dma_wait3A_107] : memref<2x!tpu.dma_semaphore, #tpu.memory_space<semaphore_mem>> -> memref<1x!tpu.dma_semaphore, #tpu.memory_space<semaphore_mem>>
    %dma_wait3A_115 = tpu.memref_squeeze %dma_wait3A_114 : memref<1x!tpu.dma_semaphore, #tpu.memory_space<semaphore_mem>> -> memref<!tpu.dma_semaphore, #tpu.memory_space<semaphore_mem>>
    %dma_wait3A_116 = arith.constant 54720 : i32
    %dma_wait3A_117 = tpu.memref_slice %arg4[%add3A_27, %dma_wait3A_116] : memref<192x57760xf32, #tpu.memory_space<hbm>> -> memref<1x3040xf32, #tpu.memory_space<hbm>>
    %dma_wait3A_118 = tpu.memref_squeeze %dma_wait3A_117 : memref<1x3040xf32, #tpu.memory_space<hbm>> -> memref<3040xf32, #tpu.memory_space<hbm>>
    %dma_wait3A_119 = arith.constant 0 : i32
    %dma_wait3A_120 = tpu.memref_slice %arg6[%dma_wait3A_106, %dma_wait3A_119] : memref<2x3040xf32, #tpu.memory_space<vmem>> -> memref<1x3040xf32, #tpu.memory_space<vmem>>
    %dma_wait3A_121 = tpu.memref_squeeze %dma_wait3A_120 : memref<1x3040xf32, #tpu.memory_space<vmem>> -> memref<3040xf32, #tpu.memory_space<vmem>>
    tpu.wait_dma2 semaphore(%dma_wait3A_115 : memref<!tpu.dma_semaphore, #tpu.memory_space<semaphore_mem>>) src(%dma_wait3A_121 : memref<3040xf32, #tpu.memory_space<vmem>>) dst(%dma_wait3A_118 : memref<3040xf32, #tpu.memory_space<hbm>>)
    %add3A_122 = arith.constant 1 : i32
    %add3A_123 = arith.addi %mul3A_6, %add3A_122 : i32
    %rem3A_124 = arith.constant 3 : i32
    %rem3A_125 = arith.remsi %add3A_123, %rem3A_124 : i32
    %dma_wait3A_126 = arith.constant 1 : i32
    %dma_wait3A_127 = arith.constant 1 : i32
    %dma_wait3A_128 = arith.constant 0 : i32
    %dma_wait3A_129 = arith.constant 0 : i32
    %dma_wait3A_130 = tpu.memref_slice %arg5[%dma_wait3A_126, %dma_wait3A_128, %dma_wait3A_129] : memref<2x10x5776xf32, #tpu.memory_space<vmem>> -> memref<1x10x5776xf32, #tpu.memory_space<vmem>>
    %dma_wait3A_131 = tpu.memref_squeeze %dma_wait3A_130 : memref<1x10x5776xf32, #tpu.memory_space<vmem>> -> memref<10x5776xf32, #tpu.memory_space<vmem>>
    %dma_wait3A_132 = arith.constant 0 : i32
    %dma_wait3A_133 = arith.constant 0 : i32
    %dma_wait3A_134 = tpu.memref_slice %arg2[%add3A_123, %dma_wait3A_132, %dma_wait3A_133] : memref<192x10x5776xf32, #tpu.memory_space<hbm>> -> memref<1x10x5776xf32, #tpu.memory_space<hbm>>
    %dma_wait3A_135 = tpu.memref_squeeze %dma_wait3A_134 : memref<1x10x5776xf32, #tpu.memory_space<hbm>> -> memref<10x5776xf32, #tpu.memory_space<hbm>>
    %dma_wait3A_136 = tpu.memref_slice %arg8[%dma_wait3A_127] : memref<2x!tpu.dma_semaphore, #tpu.memory_space<semaphore_mem>> -> memref<1x!tpu.dma_semaphore, #tpu.memory_space<semaphore_mem>>
    %dma_wait3A_137 = tpu.memref_squeeze %dma_wait3A_136 : memref<1x!tpu.dma_semaphore, #tpu.memory_space<semaphore_mem>> -> memref<!tpu.dma_semaphore, #tpu.memory_space<semaphore_mem>>
    %dma_wait3A_138 = arith.constant 0 : i32
    %dma_wait3A_139 = arith.constant 0 : i32
    %dma_wait3A_140 = tpu.memref_slice %arg5[%dma_wait3A_126, %dma_wait3A_138, %dma_wait3A_139] : memref<2x10x5776xf32, #tpu.memory_space<vmem>> -> memref<1x10x5776xf32, #tpu.memory_space<vmem>>
    %dma_wait3A_141 = tpu.memref_squeeze %dma_wait3A_140 : memref<1x10x5776xf32, #tpu.memory_space<vmem>> -> memref<10x5776xf32, #tpu.memory_space<vmem>>
    %dma_wait3A_142 = arith.constant 0 : i32
    %dma_wait3A_143 = arith.constant 0 : i32
    %dma_wait3A_144 = tpu.memref_slice %arg2[%add3A_123, %dma_wait3A_142, %dma_wait3A_143] : memref<192x10x5776xf32, #tpu.memory_space<hbm>> -> memref<1x10x5776xf32, #tpu.memory_space<hbm>>
    %dma_wait3A_145 = tpu.memref_squeeze %dma_wait3A_144 : memref<1x10x5776xf32, #tpu.memory_space<hbm>> -> memref<10x5776xf32, #tpu.memory_space<hbm>>
    tpu.wait_dma2 semaphore(%dma_wait3A_137 : memref<!tpu.dma_semaphore, #tpu.memory_space<semaphore_mem>>) src(%dma_wait3A_145 : memref<10x5776xf32, #tpu.memory_space<hbm>>) dst(%dma_wait3A_141 : memref<10x5776xf32, #tpu.memory_space<vmem>>)
    %add3A_146 = arith.constant 1 : i32
    %add3A_147 = arith.addi %add3A_123, %add3A_146 : i32
    %dma_start3A_148 = arith.constant 0 : i32
    %dma_start3A_149 = arith.constant 0 : i32
    %dma_start3A_150 = arith.constant 0 : i32
    %dma_start3A_151 = arith.constant 0 : i32
    %dma_start3A_152 = tpu.memref_slice %arg5[%dma_start3A_148, %dma_start3A_150, %dma_start3A_151] : memref<2x10x5776xf32, #tpu.memory_space<vmem>> -> memref<1x10x5776xf32, #tpu.memory_space<vmem>>
    %dma_start3A_153 = tpu.memref_squeeze %dma_start3A_152 : memref<1x10x5776xf32, #tpu.memory_space<vmem>> -> memref<10x5776xf32, #tpu.memory_space<vmem>>
    %dma_start3A_154 = arith.constant 0 : i32
    %dma_start3A_155 = arith.constant 0 : i32
    %dma_start3A_156 = tpu.memref_slice %arg2[%add3A_147, %dma_start3A_154, %dma_start3A_155] : memref<192x10x5776xf32, #tpu.memory_space<hbm>> -> memref<1x10x5776xf32, #tpu.memory_space<hbm>>
    %dma_start3A_157 = tpu.memref_squeeze %dma_start3A_156 : memref<1x10x5776xf32, #tpu.memory_space<hbm>> -> memref<10x5776xf32, #tpu.memory_space<hbm>>
    %dma_start3A_158 = tpu.memref_slice %arg8[%dma_start3A_149] : memref<2x!tpu.dma_semaphore, #tpu.memory_space<semaphore_mem>> -> memref<1x!tpu.dma_semaphore, #tpu.memory_space<semaphore_mem>>
    %dma_start3A_159 = tpu.memref_squeeze %dma_start3A_158 : memref<1x!tpu.dma_semaphore, #tpu.memory_space<semaphore_mem>> -> memref<!tpu.dma_semaphore, #tpu.memory_space<semaphore_mem>>
    %dma_start3A_160 = arith.constant 0 : i32
    %dma_start3A_161 = arith.constant 0 : i32
    %dma_start3A_162 = tpu.memref_slice %arg5[%dma_start3A_148, %dma_start3A_160, %dma_start3A_161] : memref<2x10x5776xf32, #tpu.memory_space<vmem>> -> memref<1x10x5776xf32, #tpu.memory_space<vmem>>
    %dma_start3A_163 = tpu.memref_squeeze %dma_start3A_162 : memref<1x10x5776xf32, #tpu.memory_space<vmem>> -> memref<10x5776xf32, #tpu.memory_space<vmem>>
    %dma_start3A_164 = arith.constant 0 : i32
    %dma_start3A_165 = arith.constant 0 : i32
    %dma_start3A_166 = tpu.memref_slice %arg2[%add3A_147, %dma_start3A_164, %dma_start3A_165] : memref<192x10x5776xf32, #tpu.memory_space<hbm>> -> memref<1x10x5776xf32, #tpu.memory_space<hbm>>
    %dma_start3A_167 = tpu.memref_squeeze %dma_start3A_166 : memref<1x10x5776xf32, #tpu.memory_space<hbm>> -> memref<10x5776xf32, #tpu.memory_space<hbm>>
    tpu.enqueue_dma source(%dma_start3A_167 : memref<10x5776xf32, #tpu.memory_space<hbm>>) target(%dma_start3A_163 : memref<10x5776xf32, #tpu.memory_space<vmem>>) target_semaphore(%dma_start3A_159 : memref<!tpu.dma_semaphore, #tpu.memory_space<semaphore_mem>>)
    %get3A_168 = arith.constant 0 : i32
    %get3A_169 = arith.index_cast %rem3A_125 : i32 to index
    %get3A_170 = arith.index_cast %get3A_168 : i32 to index
    %get3A_171 = arith.constant 0 : index
    %get3A_172 = tpu.vector_load %arg7[%get3A_169, %get3A_170, %get3A_171] {strides = array<i32>} : memref<3x3x16xf32, #tpu.memory_space<vmem>>, vector<16xf32>,
    %get3A_173 = arith.constant 1 : i32
    %get3A_174 = arith.index_cast %rem3A_125 : i32 to index
    %get3A_175 = arith.index_cast %get3A_173 : i32 to index
    %get3A_176 = arith.constant 0 : index
    %get3A_177 = tpu.vector_load %arg7[%get3A_174, %get3A_175, %get3A_176] {strides = array<i32>} : memref<3x3x16xf32, #tpu.memory_space<vmem>>, vector<16xf32>,
    %get3A_178 = arith.constant 2 : i32
    %get3A_179 = arith.index_cast %rem3A_125 : i32 to index
    %get3A_180 = arith.index_cast %get3A_178 : i32 to index
    %get3A_181 = arith.constant 0 : index
    %get3A_182 = tpu.vector_load %arg7[%get3A_179, %get3A_180, %get3A_181] {strides = array<i32>} : memref<3x3x16xf32, #tpu.memory_space<vmem>>, vector<16xf32>,
    %scan3A_183 = arith.constant 0 : i32
    %scan3A_184 = arith.constant 1 : i32
    %scan3A_185 = arith.constant 0 : i32
    %scan3A_186 = arith.constant 19 : i32
    %scan3A_187 = arith.addi %scan3A_185, %scan3A_186 : i32
    %scan3A_188 = arith.constant 1 : i32
    scf.for %scan3A_600 = %scan3A_185 to %scan3A_187 step %scan3A_188  : i32 {
      %rem3A_601 = arith.constant 2 : i32
      %rem3A_602 = arith.remsi %scan3A_600, %rem3A_601 : i32
      %ge3A = arith.constant 2 : i32
      %ge3A_603 = arith.cmpi sge, %scan3A_600, %ge3A : i32
      %convert_element_type3A = arith.extui %ge3A_603 : i1 to i32
      %cond3A = arith.constant 0 : i32
      %cond3A_604 = arith.cmpi ne, %convert_element_type3A, %cond3A : i32
      scf.if %cond3A_604 {
        %sub3A = arith.constant 2 : i32
        %sub3A_625 = arith.subi %scan3A_600, %sub3A : i32
        %mul3A_626 = arith.constant 3040 : i32
        %mul3A_627 = arith.muli %sub3A_625, %mul3A_626 : i32
        %dma_wait3A_628 = arith.constant 0 : i32
        %dma_wait3A_629 = tpu.memref_slice %arg6[%rem3A_602, %dma_wait3A_628] : memref<2x3040xf32, #tpu.memory_space<vmem>> -> memref<1x3040xf32, #tpu.memory_space<vmem>>
        %dma_wait3A_630 = tpu.memref_squeeze %dma_wait3A_629 : memref<1x3040xf32, #tpu.memory_space<vmem>> -> memref<3040xf32, #tpu.memory_space<vmem>>
        %dma_wait3A_631 = tpu.memref_slice %arg4[%add3A_123, %mul3A_627] : memref<192x57760xf32, #tpu.memory_space<hbm>> -> memref<1x3040xf32, #tpu.memory_space<hbm>>
        %dma_wait3A_632 = tpu.memref_squeeze %dma_wait3A_631 : memref<1x3040xf32, #tpu.memory_space<hbm>> -> memref<3040xf32, #tpu.memory_space<hbm>>
        %dma_wait3A_633 = tpu.memref_slice %arg9[%rem3A_602] : memref<2x!tpu.dma_semaphore, #tpu.memory_space<semaphore_mem>> -> memref<1x!tpu.dma_semaphore, #tpu.memory_space<semaphore_mem>>
        %dma_wait3A_634 = tpu.memref_squeeze %dma_wait3A_633 : memref<1x!tpu.dma_semaphore, #tpu.memory_space<semaphore_mem>> -> memref<!tpu.dma_semaphore, #tpu.memory_space<semaphore_mem>>
        %dma_wait3A_635 = tpu.memref_slice %arg4[%add3A_123, %mul3A_627] : memref<192x57760xf32, #tpu.memory_space<hbm>> -> memref<1x3040xf32, #tpu.memory_space<hbm>>
        %dma_wait3A_636 = tpu.memref_squeeze %dma_wait3A_635 : memref<1x3040xf32, #tpu.memory_space<hbm>> -> memref<3040xf32, #tpu.memory_space<hbm>>
        %dma_wait3A_637 = arith.constant 0 : i32
        %dma_wait3A_638 = tpu.memref_slice %arg6[%rem3A_602, %dma_wait3A_637] : memref<2x3040xf32, #tpu.memory_space<vmem>> -> memref<1x3040xf32, #tpu.memory_space<vmem>>
        %dma_wait3A_639 = tpu.memref_squeeze %dma_wait3A_638 : memref<1x3040xf32, #tpu.memory_space<vmem>> -> memref<3040xf32, #tpu.memory_space<vmem>>
        tpu.wait_dma2 semaphore(%dma_wait3A_634 : memref<!tpu.dma_semaphore, #tpu.memory_space<semaphore_mem>>) src(%dma_wait3A_639 : memref<3040xf32, #tpu.memory_space<vmem>>) dst(%dma_wait3A_636 : memref<3040xf32, #tpu.memory_space<hbm>>)
      } else {
      }
      %scan3A_605 = arith.constant 0 : i32
      %scan3A_606 = arith.constant 0 : i32
      %scan3A_607 = arith.constant 19 : i32
      %scan3A_608 = arith.addi %scan3A_606, %scan3A_607 : i32
      %scan3A_609 = arith.constant 1 : i32
      scf.for %scan3A_625 = %scan3A_606 to %scan3A_608 step %scan3A_609  : i32 {
        %mul3A_626 = arith.constant 304 : i32
        %mul3A_627 = arith.muli %scan3A_600, %mul3A_626 : i32
        %mul3A_628 = arith.constant 16 : i32
        %mul3A_629 = arith.muli %scan3A_625, %mul3A_628 : i32
        %add3A_630 = arith.addi %mul3A_627, %mul3A_629 : i32
        %add3A_631 = vector.broadcast %add3A_630 : i32 to vector<16xi32>
        %add3A_632 = arith.addi %add3A_631, %iota3A : vector<16xi32>
        %rem3A_633 = arith.remsi %add3A_632, %broadcast_in_dim3A_4 : vector<16xi32>
        %convert_element_type3A_634 = arith.sitofp %rem3A_633 : vector<16xi32> to vector<16xf32>
        %div3A = arith.divsi %add3A_632, %broadcast_in_dim3A_4 : vector<16xi32>
        %convert_element_type3A_635 = arith.sitofp %div3A : vector<16xi32> to vector<16xf32>
        %mul3A_636 = arith.constant 160 : i32
        %mul3A_637 = arith.muli %scan3A_625, %mul3A_636 : i32
        %add3A_638 = vector.broadcast %mul3A_637 : i32 to vector<16xi32>
        %add3A_639 = arith.addi %mul3A_3, %add3A_638 : vector<16xi32>
        %get3A_640 = arith.constant 0 : i32
        %get3A_641 = arith.constant 0 : i32
        %get3A_642 = arith.constant 0 : i32
        %get3A_643 = tpu.memref_slice %arg5[%scan3A_184, %get3A_641, %get3A_642] : memref<2x10x5776xf32, #tpu.memory_space<vmem>> -> memref<1x10x5776xf32, #tpu.memory_space<vmem>>
        %get3A_644 = tpu.memref_squeeze %get3A_643 : memref<1x10x5776xf32, #tpu.memory_space<vmem>> -> memref<10x5776xf32, #tpu.memory_space<vmem>>
        %get3A_645 = arith.index_cast %get3A_640 : i32 to index
        %get3A_646 = arith.index_cast %add3A_630 : i32 to index
        %get3A_647 = tpu.vector_load %get3A_644[%get3A_645, %get3A_646] {strides = array<i32>} : memref<10x5776xf32, #tpu.memory_space<vmem>>, vector<16xf32>,
        %neg3A = arith.constant 0.000000e+00 : f32
        %neg3A_648 = vector.broadcast %neg3A : f32 to vector<16xf32>
        %neg3A_649 = arith.subf %neg3A_648, %get3A_647 : vector<16xf32>
        %exp3A = math.exp %neg3A_649 : vector<16xf32>
        %add3A_650 = arith.constant 1.000000e+00 : f32
        %add3A_651 = vector.broadcast %add3A_650 : f32 to vector<16xf32>
        %add3A_652 = arith.addf %add3A_651, %exp3A : vector<16xf32>
        %div3A_653 = arith.constant 1.000000e+00 : f32
        %div3A_654 = vector.broadcast %div3A_653 : f32 to vector<16xf32>
        %div3A_655 = arith.divf %div3A_654, %add3A_652 : vector<16xf32>
        %add3A_656 = arith.addf %div3A_655, %convert_element_type3A_634 : vector<16xf32>
        %mul3A_657 = arith.mulf %add3A_656, %get3A_172 : vector<16xf32>
        %add3A_658 = arith.constant 0 : i32
        %add3A_659 = vector.broadcast %add3A_658 : i32 to vector<16xi32>
        %add3A_660 = arith.addi %add3A_639, %add3A_659 : vector<16xi32>
        %scatter3A = arith.constant 0 : i32
        %scatter3A_661 = tpu.memref_slice %arg6[%rem3A_602, %scatter3A] : memref<2x3040xf32, #tpu.memory_space<vmem>> -> memref<1x3040xf32, #tpu.memory_space<vmem>>
        %scatter3A_662 = tpu.memref_squeeze %scatter3A_661 : memref<1x3040xf32, #tpu.memory_space<vmem>> -> memref<3040xf32, #tpu.memory_space<vmem>>
        tpu.vector_store_idx %scatter3A_662[%add3A_660], %mul3A_657 : memref<3040xf32, #tpu.memory_space<vmem>>[vector<16xi32>], vector<16xf32>,
        %get3A_663 = arith.constant 1 : i32
        %get3A_664 = arith.constant 0 : i32
        %get3A_665 = arith.constant 0 : i32
        %get3A_666 = tpu.memref_slice %arg5[%scan3A_184, %get3A_664, %get3A_665] : memref<2x10x5776xf32, #tpu.memory_space<vmem>> -> memref<1x10x5776xf32, #tpu.memory_space<vmem>>
        %get3A_667 = tpu.memref_squeeze %get3A_666 : memref<1x10x5776xf32, #tpu.memory_space<vmem>> -> memref<10x5776xf32, #tpu.memory_space<vmem>>
        %get3A_668 = arith.index_cast %get3A_663 : i32 to index
        %get3A_669 = arith.index_cast %add3A_630 : i32 to index
        %get3A_670 = tpu.vector_load %get3A_667[%get3A_668, %get3A_669] {strides = array<i32>} : memref<10x5776xf32, #tpu.memory_space<vmem>>, vector<16xf32>,
        %neg3A_671 = arith.constant 0.000000e+00 : f32
        %neg3A_672 = vector.broadcast %neg3A_671 : f32 to vector<16xf32>
        %neg3A_673 = arith.subf %neg3A_672, %get3A_670 : vector<16xf32>
        %exp3A_674 = math.exp %neg3A_673 : vector<16xf32>
        %add3A_675 = arith.constant 1.000000e+00 : f32
        %add3A_676 = vector.broadcast %add3A_675 : f32 to vector<16xf32>
        %add3A_677 = arith.addf %add3A_676, %exp3A_674 : vector<16xf32>
        %div3A_678 = arith.constant 1.000000e+00 : f32
        %div3A_679 = vector.broadcast %div3A_678 : f32 to vector<16xf32>
        %div3A_680 = arith.divf %div3A_679, %add3A_677 : vector<16xf32>
        %add3A_681 = arith.addf %div3A_680, %convert_element_type3A_635 : vector<16xf32>
        %mul3A_682 = arith.mulf %add3A_681, %get3A_172 : vector<16xf32>
        %add3A_683 = arith.constant 1 : i32
        %add3A_684 = vector.broadcast %add3A_683 : i32 to vector<16xi32>
        %add3A_685 = arith.addi %add3A_639, %add3A_684 : vector<16xi32>
        %scatter3A_686 = arith.constant 0 : i32
        %scatter3A_687 = tpu.memref_slice %arg6[%rem3A_602, %scatter3A_686] : memref<2x3040xf32, #tpu.memory_space<vmem>> -> memref<1x3040xf32, #tpu.memory_space<vmem>>
        %scatter3A_688 = tpu.memref_squeeze %scatter3A_687 : memref<1x3040xf32, #tpu.memory_space<vmem>> -> memref<3040xf32, #tpu.memory_space<vmem>>
        tpu.vector_store_idx %scatter3A_688[%add3A_685], %mul3A_682 : memref<3040xf32, #tpu.memory_space<vmem>>[vector<16xi32>], vector<16xf32>,
        %get3A_689 = arith.constant 2 : i32
        %get3A_690 = arith.constant 0 : i32
        %get3A_691 = arith.constant 0 : i32
        %get3A_692 = tpu.memref_slice %arg5[%scan3A_184, %get3A_690, %get3A_691] : memref<2x10x5776xf32, #tpu.memory_space<vmem>> -> memref<1x10x5776xf32, #tpu.memory_space<vmem>>
        %get3A_693 = tpu.memref_squeeze %get3A_692 : memref<1x10x5776xf32, #tpu.memory_space<vmem>> -> memref<10x5776xf32, #tpu.memory_space<vmem>>
        %get3A_694 = arith.index_cast %get3A_689 : i32 to index
        %get3A_695 = arith.index_cast %add3A_630 : i32 to index
        %get3A_696 = tpu.vector_load %get3A_693[%get3A_694, %get3A_695] {strides = array<i32>} : memref<10x5776xf32, #tpu.memory_space<vmem>>, vector<16xf32>,
        %exp3A_697 = math.exp %get3A_696 : vector<16xf32>
        %min3A = arith.constant 1.000000e+03 : f32
        %min3A_698 = vector.broadcast %min3A : f32 to vector<16xf32>
        %min3A_699 = arith.minimumf %exp3A_697, %min3A_698 : vector<16xf32>
        %mul3A_700 = arith.mulf %min3A_699, %get3A_177 : vector<16xf32>
        %add3A_701 = arith.constant 2 : i32
        %add3A_702 = vector.broadcast %add3A_701 : i32 to vector<16xi32>
        %add3A_703 = arith.addi %add3A_639, %add3A_702 : vector<16xi32>
        %scatter3A_704 = arith.constant 0 : i32
        %scatter3A_705 = tpu.memref_slice %arg6[%rem3A_602, %scatter3A_704] : memref<2x3040xf32, #tpu.memory_space<vmem>> -> memref<1x3040xf32, #tpu.memory_space<vmem>>
        %scatter3A_706 = tpu.memref_squeeze %scatter3A_705 : memref<1x3040xf32, #tpu.memory_space<vmem>> -> memref<3040xf32, #tpu.memory_space<vmem>>
        tpu.vector_store_idx %scatter3A_706[%add3A_703], %mul3A_700 : memref<3040xf32, #tpu.memory_space<vmem>>[vector<16xi32>], vector<16xf32>,
        %get3A_707 = arith.constant 3 : i32
        %get3A_708 = arith.constant 0 : i32
        %get3A_709 = arith.constant 0 : i32
        %get3A_710 = tpu.memref_slice %arg5[%scan3A_184, %get3A_708, %get3A_709] : memref<2x10x5776xf32, #tpu.memory_space<vmem>> -> memref<1x10x5776xf32, #tpu.memory_space<vmem>>
        %get3A_711 = tpu.memref_squeeze %get3A_710 : memref<1x10x5776xf32, #tpu.memory_space<vmem>> -> memref<10x5776xf32, #tpu.memory_space<vmem>>
        %get3A_712 = arith.index_cast %get3A_707 : i32 to index
        %get3A_713 = arith.index_cast %add3A_630 : i32 to index
        %get3A_714 = tpu.vector_load %get3A_711[%get3A_712, %get3A_713] {strides = array<i32>} : memref<10x5776xf32, #tpu.memory_space<vmem>>, vector<16xf32>,
        %exp3A_715 = math.exp %get3A_714 : vector<16xf32>
        %min3A_716 = arith.constant 1.000000e+03 : f32
        %min3A_717 = vector.broadcast %min3A_716 : f32 to vector<16xf32>
        %min3A_718 = arith.minimumf %exp3A_715, %min3A_717 : vector<16xf32>
        %mul3A_719 = arith.mulf %min3A_718, %get3A_182 : vector<16xf32>
        %add3A_720 = arith.constant 3 : i32
        %add3A_721 = vector.broadcast %add3A_720 : i32 to vector<16xi32>
        %add3A_722 = arith.addi %add3A_639, %add3A_721 : vector<16xi32>
        %scatter3A_723 = arith.constant 0 : i32
        %scatter3A_724 = tpu.memref_slice %arg6[%rem3A_602, %scatter3A_723] : memref<2x3040xf32, #tpu.memory_space<vmem>> -> memref<1x3040xf32, #tpu.memory_space<vmem>>
        %scatter3A_725 = tpu.memref_squeeze %scatter3A_724 : memref<1x3040xf32, #tpu.memory_space<vmem>> -> memref<3040xf32, #tpu.memory_space<vmem>>
        tpu.vector_store_idx %scatter3A_725[%add3A_722], %mul3A_719 : memref<3040xf32, #tpu.memory_space<vmem>>[vector<16xi32>], vector<16xf32>,
        %get3A_726 = arith.constant 4 : i32
        %get3A_727 = arith.constant 0 : i32
        %get3A_728 = arith.constant 0 : i32
        %get3A_729 = tpu.memref_slice %arg5[%scan3A_184, %get3A_727, %get3A_728] : memref<2x10x5776xf32, #tpu.memory_space<vmem>> -> memref<1x10x5776xf32, #tpu.memory_space<vmem>>
        %get3A_730 = tpu.memref_squeeze %get3A_729 : memref<1x10x5776xf32, #tpu.memory_space<vmem>> -> memref<10x5776xf32, #tpu.memory_space<vmem>>
        %get3A_731 = arith.index_cast %get3A_726 : i32 to index
        %get3A_732 = arith.index_cast %add3A_630 : i32 to index
        %get3A_733 = tpu.vector_load %get3A_730[%get3A_731, %get3A_732] {strides = array<i32>} : memref<10x5776xf32, #tpu.memory_space<vmem>>, vector<16xf32>,
        %add3A_734 = arith.constant 4 : i32
        %add3A_735 = vector.broadcast %add3A_734 : i32 to vector<16xi32>
        %add3A_736 = arith.addi %add3A_639, %add3A_735 : vector<16xi32>
        %scatter3A_737 = arith.constant 0 : i32
        %scatter3A_738 = tpu.memref_slice %arg6[%rem3A_602, %scatter3A_737] : memref<2x3040xf32, #tpu.memory_space<vmem>> -> memref<1x3040xf32, #tpu.memory_space<vmem>>
        %scatter3A_739 = tpu.memref_squeeze %scatter3A_738 : memref<1x3040xf32, #tpu.memory_space<vmem>> -> memref<3040xf32, #tpu.memory_space<vmem>>
        tpu.vector_store_idx %scatter3A_739[%add3A_736], %get3A_733 : memref<3040xf32, #tpu.memory_space<vmem>>[vector<16xi32>], vector<16xf32>,
        %get3A_740 = arith.constant 5 : i32
        %get3A_741 = arith.constant 0 : i32
        %get3A_742 = arith.constant 0 : i32
        %get3A_743 = tpu.memref_slice %arg5[%scan3A_184, %get3A_741, %get3A_742] : memref<2x10x5776xf32, #tpu.memory_space<vmem>> -> memref<1x10x5776xf32, #tpu.memory_space<vmem>>
        %get3A_744 = tpu.memref_squeeze %get3A_743 : memref<1x10x5776xf32, #tpu.memory_space<vmem>> -> memref<10x5776xf32, #tpu.memory_space<vmem>>
        %get3A_745 = arith.index_cast %get3A_740 : i32 to index
        %get3A_746 = arith.index_cast %add3A_630 : i32 to index
        %get3A_747 = tpu.vector_load %get3A_744[%get3A_745, %get3A_746] {strides = array<i32>} : memref<10x5776xf32, #tpu.memory_space<vmem>>, vector<16xf32>,
        %add3A_748 = arith.constant 5 : i32
        %add3A_749 = vector.broadcast %add3A_748 : i32 to vector<16xi32>
        %add3A_750 = arith.addi %add3A_639, %add3A_749 : vector<16xi32>
        %scatter3A_751 = arith.constant 0 : i32
        %scatter3A_752 = tpu.memref_slice %arg6[%rem3A_602, %scatter3A_751] : memref<2x3040xf32, #tpu.memory_space<vmem>> -> memref<1x3040xf32, #tpu.memory_space<vmem>>
        %scatter3A_753 = tpu.memref_squeeze %scatter3A_752 : memref<1x3040xf32, #tpu.memory_space<vmem>> -> memref<3040xf32, #tpu.memory_space<vmem>>
        tpu.vector_store_idx %scatter3A_753[%add3A_750], %get3A_747 : memref<3040xf32, #tpu.memory_space<vmem>>[vector<16xi32>], vector<16xf32>,
        %get3A_754 = arith.constant 6 : i32
        %get3A_755 = arith.constant 0 : i32
        %get3A_756 = arith.constant 0 : i32
        %get3A_757 = tpu.memref_slice %arg5[%scan3A_184, %get3A_755, %get3A_756] : memref<2x10x5776xf32, #tpu.memory_space<vmem>> -> memref<1x10x5776xf32, #tpu.memory_space<vmem>>
        %get3A_758 = tpu.memref_squeeze %get3A_757 : memref<1x10x5776xf32, #tpu.memory_space<vmem>> -> memref<10x5776xf32, #tpu.memory_space<vmem>>
        %get3A_759 = arith.index_cast %get3A_754 : i32 to index
        %get3A_760 = arith.index_cast %add3A_630 : i32 to index
        %get3A_761 = tpu.vector_load %get3A_758[%get3A_759, %get3A_760] {strides = array<i32>} : memref<10x5776xf32, #tpu.memory_space<vmem>>, vector<16xf32>,
        %neg3A_762 = arith.constant 0.000000e+00 : f32
        %neg3A_763 = vector.broadcast %neg3A_762 : f32 to vector<16xf32>
        %neg3A_764 = arith.subf %neg3A_763, %get3A_761 : vector<16xf32>
        %exp3A_765 = math.exp %neg3A_764 : vector<16xf32>
        %add3A_766 = arith.constant 1.000000e+00 : f32
        %add3A_767 = vector.broadcast %add3A_766 : f32 to vector<16xf32>
        %add3A_768 = arith.addf %add3A_767, %exp3A_765 : vector<16xf32>
        %div3A_769 = arith.constant 1.000000e+00 : f32
        %div3A_770 = vector.broadcast %div3A_769 : f32 to vector<16xf32>
        %div3A_771 = arith.divf %div3A_770, %add3A_768 : vector<16xf32>
        %add3A_772 = arith.constant 6 : i32
        %add3A_773 = vector.broadcast %add3A_772 : i32 to vector<16xi32>
        %add3A_774 = arith.addi %add3A_639, %add3A_773 : vector<16xi32>
        %scatter3A_775 = arith.constant 0 : i32
        %scatter3A_776 = tpu.memref_slice %arg6[%rem3A_602, %scatter3A_775] : memref<2x3040xf32, #tpu.memory_space<vmem>> -> memref<1x3040xf32, #tpu.memory_space<vmem>>
        %scatter3A_777 = tpu.memref_squeeze %scatter3A_776 : memref<1x3040xf32, #tpu.memory_space<vmem>> -> memref<3040xf32, #tpu.memory_space<vmem>>
        tpu.vector_store_idx %scatter3A_777[%add3A_774], %div3A_771 : memref<3040xf32, #tpu.memory_space<vmem>>[vector<16xi32>], vector<16xf32>,
        %get3A_778 = arith.constant 7 : i32
        %get3A_779 = arith.constant 0 : i32
        %get3A_780 = arith.constant 0 : i32
        %get3A_781 = tpu.memref_slice %arg5[%scan3A_184, %get3A_779, %get3A_780] : memref<2x10x5776xf32, #tpu.memory_space<vmem>> -> memref<1x10x5776xf32, #tpu.memory_space<vmem>>
        %get3A_782 = tpu.memref_squeeze %get3A_781 : memref<1x10x5776xf32, #tpu.memory_space<vmem>> -> memref<10x5776xf32, #tpu.memory_space<vmem>>
        %get3A_783 = arith.index_cast %get3A_778 : i32 to index
        %get3A_784 = arith.index_cast %add3A_630 : i32 to index
        %get3A_785 = tpu.vector_load %get3A_782[%get3A_783, %get3A_784] {strides = array<i32>} : memref<10x5776xf32, #tpu.memory_space<vmem>>, vector<16xf32>,
        %neg3A_786 = arith.constant 0.000000e+00 : f32
        %neg3A_787 = vector.broadcast %neg3A_786 : f32 to vector<16xf32>
        %neg3A_788 = arith.subf %neg3A_787, %get3A_785 : vector<16xf32>
        %exp3A_789 = math.exp %neg3A_788 : vector<16xf32>
        %add3A_790 = arith.constant 1.000000e+00 : f32
        %add3A_791 = vector.broadcast %add3A_790 : f32 to vector<16xf32>
        %add3A_792 = arith.addf %add3A_791, %exp3A_789 : vector<16xf32>
        %div3A_793 = arith.constant 1.000000e+00 : f32
        %div3A_794 = vector.broadcast %div3A_793 : f32 to vector<16xf32>
        %div3A_795 = arith.divf %div3A_794, %add3A_792 : vector<16xf32>
        %add3A_796 = arith.constant 7 : i32
        %add3A_797 = vector.broadcast %add3A_796 : i32 to vector<16xi32>
        %add3A_798 = arith.addi %add3A_639, %add3A_797 : vector<16xi32>
        %scatter3A_799 = arith.constant 0 : i32
        %scatter3A_800 = tpu.memref_slice %arg6[%rem3A_602, %scatter3A_799] : memref<2x3040xf32, #tpu.memory_space<vmem>> -> memref<1x3040xf32, #tpu.memory_space<vmem>>
        %scatter3A_801 = tpu.memref_squeeze %scatter3A_800 : memref<1x3040xf32, #tpu.memory_space<vmem>> -> memref<3040xf32, #tpu.memory_space<vmem>>
        tpu.vector_store_idx %scatter3A_801[%add3A_798], %div3A_795 : memref<3040xf32, #tpu.memory_space<vmem>>[vector<16xi32>], vector<16xf32>,
        %get3A_802 = arith.constant 8 : i32
        %get3A_803 = arith.constant 0 : i32
        %get3A_804 = arith.constant 0 : i32
        %get3A_805 = tpu.memref_slice %arg5[%scan3A_184, %get3A_803, %get3A_804] : memref<2x10x5776xf32, #tpu.memory_space<vmem>> -> memref<1x10x5776xf32, #tpu.memory_space<vmem>>
        %get3A_806 = tpu.memref_squeeze %get3A_805 : memref<1x10x5776xf32, #tpu.memory_space<vmem>> -> memref<10x5776xf32, #tpu.memory_space<vmem>>
        %get3A_807 = arith.index_cast %get3A_802 : i32 to index
        %get3A_808 = arith.index_cast %add3A_630 : i32 to index
        %get3A_809 = tpu.vector_load %get3A_806[%get3A_807, %get3A_808] {strides = array<i32>} : memref<10x5776xf32, #tpu.memory_space<vmem>>, vector<16xf32>,
        %neg3A_810 = arith.constant 0.000000e+00 : f32
        %neg3A_811 = vector.broadcast %neg3A_810 : f32 to vector<16xf32>
        %neg3A_812 = arith.subf %neg3A_811, %get3A_809 : vector<16xf32>
        %exp3A_813 = math.exp %neg3A_812 : vector<16xf32>
        %add3A_814 = arith.constant 1.000000e+00 : f32
        %add3A_815 = vector.broadcast %add3A_814 : f32 to vector<16xf32>
        %add3A_816 = arith.addf %add3A_815, %exp3A_813 : vector<16xf32>
        %div3A_817 = arith.constant 1.000000e+00 : f32
        %div3A_818 = vector.broadcast %div3A_817 : f32 to vector<16xf32>
        %div3A_819 = arith.divf %div3A_818, %add3A_816 : vector<16xf32>
        %add3A_820 = arith.constant 8 : i32
        %add3A_821 = vector.broadcast %add3A_820 : i32 to vector<16xi32>
        %add3A_822 = arith.addi %add3A_639, %add3A_821 : vector<16xi32>
        %scatter3A_823 = arith.constant 0 : i32
        %scatter3A_824 = tpu.memref_slice %arg6[%rem3A_602, %scatter3A_823] : memref<2x3040xf32, #tpu.memory_space<vmem>> -> memref<1x3040xf32, #tpu.memory_space<vmem>>
        %scatter3A_825 = tpu.memref_squeeze %scatter3A_824 : memref<1x3040xf32, #tpu.memory_space<vmem>> -> memref<3040xf32, #tpu.memory_space<vmem>>
        tpu.vector_store_idx %scatter3A_825[%add3A_822], %div3A_819 : memref<3040xf32, #tpu.memory_space<vmem>>[vector<16xi32>], vector<16xf32>,
        %get3A_826 = arith.constant 9 : i32
        %get3A_827 = arith.constant 0 : i32
        %get3A_828 = arith.constant 0 : i32
        %get3A_829 = tpu.memref_slice %arg5[%scan3A_184, %get3A_827, %get3A_828] : memref<2x10x5776xf32, #tpu.memory_space<vmem>> -> memref<1x10x5776xf32, #tpu.memory_space<vmem>>
        %get3A_830 = tpu.memref_squeeze %get3A_829 : memref<1x10x5776xf32, #tpu.memory_space<vmem>> -> memref<10x5776xf32, #tpu.memory_space<vmem>>
        %get3A_831 = arith.index_cast %get3A_826 : i32 to index
        %get3A_832 = arith.index_cast %add3A_630 : i32 to index
        %get3A_833 = tpu.vector_load %get3A_830[%get3A_831, %get3A_832] {strides = array<i32>} : memref<10x5776xf32, #tpu.memory_space<vmem>>, vector<16xf32>,
        %neg3A_834 = arith.constant 0.000000e+00 : f32
        %neg3A_835 = vector.broadcast %neg3A_834 : f32 to vector<16xf32>
        %neg3A_836 = arith.subf %neg3A_835, %get3A_833 : vector<16xf32>
        %exp3A_837 = math.exp %neg3A_836 : vector<16xf32>
        %add3A_838 = arith.constant 1.000000e+00 : f32
        %add3A_839 = vector.broadcast %add3A_838 : f32 to vector<16xf32>
        %add3A_840 = arith.addf %add3A_839, %exp3A_837 : vector<16xf32>
        %div3A_841 = arith.constant 1.000000e+00 : f32
        %div3A_842 = vector.broadcast %div3A_841 : f32 to vector<16xf32>
        %div3A_843 = arith.divf %div3A_842, %add3A_840 : vector<16xf32>
        %add3A_844 = arith.constant 9 : i32
        %add3A_845 = vector.broadcast %add3A_844 : i32 to vector<16xi32>
        %add3A_846 = arith.addi %add3A_639, %add3A_845 : vector<16xi32>
        %scatter3A_847 = arith.constant 0 : i32
        %scatter3A_848 = tpu.memref_slice %arg6[%rem3A_602, %scatter3A_847] : memref<2x3040xf32, #tpu.memory_space<vmem>> -> memref<1x3040xf32, #tpu.memory_space<vmem>>
        %scatter3A_849 = tpu.memref_squeeze %scatter3A_848 : memref<1x3040xf32, #tpu.memory_space<vmem>> -> memref<3040xf32, #tpu.memory_space<vmem>>
        tpu.vector_store_idx %scatter3A_849[%add3A_846], %div3A_843 : memref<3040xf32, #tpu.memory_space<vmem>>[vector<16xi32>], vector<16xf32>,
      }
      %scan3A_610 = arith.constant 19 : i32
      %mul3A_611 = arith.constant 3040 : i32
      %mul3A_612 = arith.muli %scan3A_600, %mul3A_611 : i32
      %dma_start3A_613 = arith.constant 0 : i32
      %dma_start3A_614 = tpu.memref_slice %arg6[%rem3A_602, %dma_start3A_613] : memref<2x3040xf32, #tpu.memory_space<vmem>> -> memref<1x3040xf32, #tpu.memory_space<vmem>>
      %dma_start3A_615 = tpu.memref_squeeze %dma_start3A_614 : memref<1x3040xf32, #tpu.memory_space<vmem>> -> memref<3040xf32, #tpu.memory_space<vmem>>
      %dma_start3A_616 = tpu.memref_slice %arg4[%add3A_123, %mul3A_612] : memref<192x57760xf32, #tpu.memory_space<hbm>> -> memref<1x3040xf32, #tpu.memory_space<hbm>>
      %dma_start3A_617 = tpu.memref_squeeze %dma_start3A_616 : memref<1x3040xf32, #tpu.memory_space<hbm>> -> memref<3040xf32, #tpu.memory_space<hbm>>
      %dma_start3A_618 = tpu.memref_slice %arg9[%rem3A_602] : memref<2x!tpu.dma_semaphore, #tpu.memory_space<semaphore_mem>> -> memref<1x!tpu.dma_semaphore, #tpu.memory_space<semaphore_mem>>
      %dma_start3A_619 = tpu.memref_squeeze %dma_start3A_618 : memref<1x!tpu.dma_semaphore, #tpu.memory_space<semaphore_mem>> -> memref<!tpu.dma_semaphore, #tpu.memory_space<semaphore_mem>>
      %dma_start3A_620 = tpu.memref_slice %arg4[%add3A_123, %mul3A_612] : memref<192x57760xf32, #tpu.memory_space<hbm>> -> memref<1x3040xf32, #tpu.memory_space<hbm>>
      %dma_start3A_621 = tpu.memref_squeeze %dma_start3A_620 : memref<1x3040xf32, #tpu.memory_space<hbm>> -> memref<3040xf32, #tpu.memory_space<hbm>>
      %dma_start3A_622 = arith.constant 0 : i32
      %dma_start3A_623 = tpu.memref_slice %arg6[%rem3A_602, %dma_start3A_622] : memref<2x3040xf32, #tpu.memory_space<vmem>> -> memref<1x3040xf32, #tpu.memory_space<vmem>>
      %dma_start3A_624 = tpu.memref_squeeze %dma_start3A_623 : memref<1x3040xf32, #tpu.memory_space<vmem>> -> memref<3040xf32, #tpu.memory_space<vmem>>
      tpu.enqueue_dma source(%dma_start3A_624 : memref<3040xf32, #tpu.memory_space<vmem>>) target(%dma_start3A_621 : memref<3040xf32, #tpu.memory_space<hbm>>) target_semaphore(%dma_start3A_619 : memref<!tpu.dma_semaphore, #tpu.memory_space<semaphore_mem>>)
    }
    %scan3A_189 = arith.constant 19 : i32
    %dma_wait3A_190 = arith.constant 1 : i32
    %dma_wait3A_191 = arith.constant 1 : i32
    %dma_wait3A_192 = arith.constant 0 : i32
    %dma_wait3A_193 = tpu.memref_slice %arg6[%dma_wait3A_190, %dma_wait3A_192] : memref<2x3040xf32, #tpu.memory_space<vmem>> -> memref<1x3040xf32, #tpu.memory_space<vmem>>
    %dma_wait3A_194 = tpu.memref_squeeze %dma_wait3A_193 : memref<1x3040xf32, #tpu.memory_space<vmem>> -> memref<3040xf32, #tpu.memory_space<vmem>>
    %dma_wait3A_195 = arith.constant 51680 : i32
    %dma_wait3A_196 = tpu.memref_slice %arg4[%add3A_123, %dma_wait3A_195] : memref<192x57760xf32, #tpu.memory_space<hbm>> -> memref<1x3040xf32, #tpu.memory_space<hbm>>
    %dma_wait3A_197 = tpu.memref_squeeze %dma_wait3A_196 : memref<1x3040xf32, #tpu.memory_space<hbm>> -> memref<3040xf32, #tpu.memory_space<hbm>>
    %dma_wait3A_198 = tpu.memref_slice %arg9[%dma_wait3A_191] : memref<2x!tpu.dma_semaphore, #tpu.memory_space<semaphore_mem>> -> memref<1x!tpu.dma_semaphore, #tpu.memory_space<semaphore_mem>>
    %dma_wait3A_199 = tpu.memref_squeeze %dma_wait3A_198 : memref<1x!tpu.dma_semaphore, #tpu.memory_space<semaphore_mem>> -> memref<!tpu.dma_semaphore, #tpu.memory_space<semaphore_mem>>
    %dma_wait3A_200 = arith.constant 51680 : i32
    %dma_wait3A_201 = tpu.memref_slice %arg4[%add3A_123, %dma_wait3A_200] : memref<192x57760xf32, #tpu.memory_space<hbm>> -> memref<1x3040xf32, #tpu.memory_space<hbm>>
    %dma_wait3A_202 = tpu.memref_squeeze %dma_wait3A_201 : memref<1x3040xf32, #tpu.memory_space<hbm>> -> memref<3040xf32, #tpu.memory_space<hbm>>
    %dma_wait3A_203 = arith.constant 0 : i32
    %dma_wait3A_204 = tpu.memref_slice %arg6[%dma_wait3A_190, %dma_wait3A_203] : memref<2x3040xf32, #tpu.memory_space<vmem>> -> memref<1x3040xf32, #tpu.memory_space<vmem>>
    %dma_wait3A_205 = tpu.memref_squeeze %dma_wait3A_204 : memref<1x3040xf32, #tpu.memory_space<vmem>> -> memref<3040xf32, #tpu.memory_space<vmem>>
    tpu.wait_dma2 semaphore(%dma_wait3A_199 : memref<!tpu.dma_semaphore, #tpu.memory_space<semaphore_mem>>) src(%dma_wait3A_205 : memref<3040xf32, #tpu.memory_space<vmem>>) dst(%dma_wait3A_202 : memref<3040xf32, #tpu.memory_space<hbm>>)
    %dma_wait3A_206 = arith.constant 0 : i32
    %dma_wait3A_207 = arith.constant 0 : i32
    %dma_wait3A_208 = arith.constant 0 : i32
    %dma_wait3A_209 = tpu.memref_slice %arg6[%dma_wait3A_206, %dma_wait3A_208] : memref<2x3040xf32, #tpu.memory_space<vmem>> -> memref<1x3040xf32, #tpu.memory_space<vmem>>
    %dma_wait3A_210 = tpu.memref_squeeze %dma_wait3A_209 : memref<1x3040xf32, #tpu.memory_space<vmem>> -> memref<3040xf32, #tpu.memory_space<vmem>>
    %dma_wait3A_211 = arith.constant 54720 : i32
    %dma_wait3A_212 = tpu.memref_slice %arg4[%add3A_123, %dma_wait3A_211] : memref<192x57760xf32, #tpu.memory_space<hbm>> -> memref<1x3040xf32, #tpu.memory_space<hbm>>
    %dma_wait3A_213 = tpu.memref_squeeze %dma_wait3A_212 : memref<1x3040xf32, #tpu.memory_space<hbm>> -> memref<3040xf32, #tpu.memory_space<hbm>>
    %dma_wait3A_214 = tpu.memref_slice %arg9[%dma_wait3A_207] : memref<2x!tpu.dma_semaphore, #tpu.memory_space<semaphore_mem>> -> memref<1x!tpu.dma_semaphore, #tpu.memory_space<semaphore_mem>>
    %dma_wait3A_215 = tpu.memref_squeeze %dma_wait3A_214 : memref<1x!tpu.dma_semaphore, #tpu.memory_space<semaphore_mem>> -> memref<!tpu.dma_semaphore, #tpu.memory_space<semaphore_mem>>
    %dma_wait3A_216 = arith.constant 54720 : i32
    %dma_wait3A_217 = tpu.memref_slice %arg4[%add3A_123, %dma_wait3A_216] : memref<192x57760xf32, #tpu.memory_space<hbm>> -> memref<1x3040xf32, #tpu.memory_space<hbm>>
    %dma_wait3A_218 = tpu.memref_squeeze %dma_wait3A_217 : memref<1x3040xf32, #tpu.memory_space<hbm>> -> memref<3040xf32, #tpu.memory_space<hbm>>
    %dma_wait3A_219 = arith.constant 0 : i32
    %dma_wait3A_220 = tpu.memref_slice %arg6[%dma_wait3A_206, %dma_wait3A_219] : memref<2x3040xf32, #tpu.memory_space<vmem>> -> memref<1x3040xf32, #tpu.memory_space<vmem>>
    %dma_wait3A_221 = tpu.memref_squeeze %dma_wait3A_220 : memref<1x3040xf32, #tpu.memory_space<vmem>> -> memref<3040xf32, #tpu.memory_space<vmem>>
    tpu.wait_dma2 semaphore(%dma_wait3A_215 : memref<!tpu.dma_semaphore, #tpu.memory_space<semaphore_mem>>) src(%dma_wait3A_221 : memref<3040xf32, #tpu.memory_space<vmem>>) dst(%dma_wait3A_218 : memref<3040xf32, #tpu.memory_space<hbm>>)
    %add3A_222 = arith.constant 2 : i32
    %add3A_223 = arith.addi %mul3A_6, %add3A_222 : i32
    %rem3A_224 = arith.constant 3 : i32
    %rem3A_225 = arith.remsi %add3A_223, %rem3A_224 : i32
    %dma_wait3A_226 = arith.constant 0 : i32
    %dma_wait3A_227 = arith.constant 0 : i32
    %dma_wait3A_228 = arith.constant 0 : i32
    %dma_wait3A_229 = arith.constant 0 : i32
    %dma_wait3A_230 = tpu.memref_slice %arg5[%dma_wait3A_226, %dma_wait3A_228, %dma_wait3A_229] : memref<2x10x5776xf32, #tpu.memory_space<vmem>> -> memref<1x10x5776xf32, #tpu.memory_space<vmem>>
    %dma_wait3A_231 = tpu.memref_squeeze %dma_wait3A_230 : memref<1x10x5776xf32, #tpu.memory_space<vmem>> -> memref<10x5776xf32, #tpu.memory_space<vmem>>
    %dma_wait3A_232 = arith.constant 0 : i32
    %dma_wait3A_233 = arith.constant 0 : i32
    %dma_wait3A_234 = tpu.memref_slice %arg2[%add3A_223, %dma_wait3A_232, %dma_wait3A_233] : memref<192x10x5776xf32, #tpu.memory_space<hbm>> -> memref<1x10x5776xf32, #tpu.memory_space<hbm>>
    %dma_wait3A_235 = tpu.memref_squeeze %dma_wait3A_234 : memref<1x10x5776xf32, #tpu.memory_space<hbm>> -> memref<10x5776xf32, #tpu.memory_space<hbm>>
    %dma_wait3A_236 = tpu.memref_slice %arg8[%dma_wait3A_227] : memref<2x!tpu.dma_semaphore, #tpu.memory_space<semaphore_mem>> -> memref<1x!tpu.dma_semaphore, #tpu.memory_space<semaphore_mem>>
    %dma_wait3A_237 = tpu.memref_squeeze %dma_wait3A_236 : memref<1x!tpu.dma_semaphore, #tpu.memory_space<semaphore_mem>> -> memref<!tpu.dma_semaphore, #tpu.memory_space<semaphore_mem>>
    %dma_wait3A_238 = arith.constant 0 : i32
    %dma_wait3A_239 = arith.constant 0 : i32
    %dma_wait3A_240 = tpu.memref_slice %arg5[%dma_wait3A_226, %dma_wait3A_238, %dma_wait3A_239] : memref<2x10x5776xf32, #tpu.memory_space<vmem>> -> memref<1x10x5776xf32, #tpu.memory_space<vmem>>
    %dma_wait3A_241 = tpu.memref_squeeze %dma_wait3A_240 : memref<1x10x5776xf32, #tpu.memory_space<vmem>> -> memref<10x5776xf32, #tpu.memory_space<vmem>>
    %dma_wait3A_242 = arith.constant 0 : i32
    %dma_wait3A_243 = arith.constant 0 : i32
    %dma_wait3A_244 = tpu.memref_slice %arg2[%add3A_223, %dma_wait3A_242, %dma_wait3A_243] : memref<192x10x5776xf32, #tpu.memory_space<hbm>> -> memref<1x10x5776xf32, #tpu.memory_space<hbm>>
    %dma_wait3A_245 = tpu.memref_squeeze %dma_wait3A_244 : memref<1x10x5776xf32, #tpu.memory_space<hbm>> -> memref<10x5776xf32, #tpu.memory_space<hbm>>
    tpu.wait_dma2 semaphore(%dma_wait3A_237 : memref<!tpu.dma_semaphore, #tpu.memory_space<semaphore_mem>>) src(%dma_wait3A_245 : memref<10x5776xf32, #tpu.memory_space<hbm>>) dst(%dma_wait3A_241 : memref<10x5776xf32, #tpu.memory_space<vmem>>)
    %add3A_246 = arith.constant 1 : i32
    %add3A_247 = arith.addi %add3A_223, %add3A_246 : i32
    %dma_start3A_248 = arith.constant 1 : i32
    %dma_start3A_249 = arith.constant 1 : i32
    %dma_start3A_250 = arith.constant 0 : i32
    %dma_start3A_251 = arith.constant 0 : i32
    %dma_start3A_252 = tpu.memref_slice %arg5[%dma_start3A_248, %dma_start3A_250, %dma_start3A_251] : memref<2x10x5776xf32, #tpu.memory_space<vmem>> -> memref<1x10x5776xf32, #tpu.memory_space<vmem>>
    %dma_start3A_253 = tpu.memref_squeeze %dma_start3A_252 : memref<1x10x5776xf32, #tpu.memory_space<vmem>> -> memref<10x5776xf32, #tpu.memory_space<vmem>>
    %dma_start3A_254 = arith.constant 0 : i32
    %dma_start3A_255 = arith.constant 0 : i32
    %dma_start3A_256 = tpu.memref_slice %arg2[%add3A_247, %dma_start3A_254, %dma_start3A_255] : memref<192x10x5776xf32, #tpu.memory_space<hbm>> -> memref<1x10x5776xf32, #tpu.memory_space<hbm>>
    %dma_start3A_257 = tpu.memref_squeeze %dma_start3A_256 : memref<1x10x5776xf32, #tpu.memory_space<hbm>> -> memref<10x5776xf32, #tpu.memory_space<hbm>>
    %dma_start3A_258 = tpu.memref_slice %arg8[%dma_start3A_249] : memref<2x!tpu.dma_semaphore, #tpu.memory_space<semaphore_mem>> -> memref<1x!tpu.dma_semaphore, #tpu.memory_space<semaphore_mem>>
    %dma_start3A_259 = tpu.memref_squeeze %dma_start3A_258 : memref<1x!tpu.dma_semaphore, #tpu.memory_space<semaphore_mem>> -> memref<!tpu.dma_semaphore, #tpu.memory_space<semaphore_mem>>
    %dma_start3A_260 = arith.constant 0 : i32
    %dma_start3A_261 = arith.constant 0 : i32
    %dma_start3A_262 = tpu.memref_slice %arg5[%dma_start3A_248, %dma_start3A_260, %dma_start3A_261] : memref<2x10x5776xf32, #tpu.memory_space<vmem>> -> memref<1x10x5776xf32, #tpu.memory_space<vmem>>
    %dma_start3A_263 = tpu.memref_squeeze %dma_start3A_262 : memref<1x10x5776xf32, #tpu.memory_space<vmem>> -> memref<10x5776xf32, #tpu.memory_space<vmem>>
    %dma_start3A_264 = arith.constant 0 : i32
    %dma_start3A_265 = arith.constant 0 : i32
    %dma_start3A_266 = tpu.memref_slice %arg2[%add3A_247, %dma_start3A_264, %dma_start3A_265] : memref<192x10x5776xf32, #tpu.memory_space<hbm>> -> memref<1x10x5776xf32, #tpu.memory_space<hbm>>
    %dma_start3A_267 = tpu.memref_squeeze %dma_start3A_266 : memref<1x10x5776xf32, #tpu.memory_space<hbm>> -> memref<10x5776xf32, #tpu.memory_space<hbm>>
    tpu.enqueue_dma source(%dma_start3A_267 : memref<10x5776xf32, #tpu.memory_space<hbm>>) target(%dma_start3A_263 : memref<10x5776xf32, #tpu.memory_space<vmem>>) target_semaphore(%dma_start3A_259 : memref<!tpu.dma_semaphore, #tpu.memory_space<semaphore_mem>>)
    %get3A_268 = arith.constant 0 : i32
    %get3A_269 = arith.index_cast %rem3A_225 : i32 to index
    %get3A_270 = arith.index_cast %get3A_268 : i32 to index
    %get3A_271 = arith.constant 0 : index
    %get3A_272 = tpu.vector_load %arg7[%get3A_269, %get3A_270, %get3A_271] {strides = array<i32>} : memref<3x3x16xf32, #tpu.memory_space<vmem>>, vector<16xf32>,
    %get3A_273 = arith.constant 1 : i32
    %get3A_274 = arith.index_cast %rem3A_225 : i32 to index
    %get3A_275 = arith.index_cast %get3A_273 : i32 to index
    %get3A_276 = arith.constant 0 : index
    %get3A_277 = tpu.vector_load %arg7[%get3A_274, %get3A_275, %get3A_276] {strides = array<i32>} : memref<3x3x16xf32, #tpu.memory_space<vmem>>, vector<16xf32>,
    %get3A_278 = arith.constant 2 : i32
    %get3A_279 = arith.index_cast %rem3A_225 : i32 to index
    %get3A_280 = arith.index_cast %get3A_278 : i32 to index
    %get3A_281 = arith.constant 0 : index
    %get3A_282 = tpu.vector_load %arg7[%get3A_279, %get3A_280, %get3A_281] {strides = array<i32>} : memref<3x3x16xf32, #tpu.memory_space<vmem>>, vector<16xf32>,
    %scan3A_283 = arith.constant 0 : i32
    %scan3A_284 = arith.constant 0 : i32
    %scan3A_285 = arith.constant 0 : i32
    %scan3A_286 = arith.constant 19 : i32
    %scan3A_287 = arith.addi %scan3A_285, %scan3A_286 : i32
    %scan3A_288 = arith.constant 1 : i32
    scf.for %scan3A_600 = %scan3A_285 to %scan3A_287 step %scan3A_288  : i32 {
      %rem3A_601 = arith.constant 2 : i32
      %rem3A_602 = arith.remsi %scan3A_600, %rem3A_601 : i32
      %ge3A = arith.constant 2 : i32
      %ge3A_603 = arith.cmpi sge, %scan3A_600, %ge3A : i32
      %convert_element_type3A = arith.extui %ge3A_603 : i1 to i32
      %cond3A = arith.constant 0 : i32
      %cond3A_604 = arith.cmpi ne, %convert_element_type3A, %cond3A : i32
      scf.if %cond3A_604 {
        %sub3A = arith.constant 2 : i32
        %sub3A_625 = arith.subi %scan3A_600, %sub3A : i32
        %mul3A_626 = arith.constant 3040 : i32
        %mul3A_627 = arith.muli %sub3A_625, %mul3A_626 : i32
        %dma_wait3A_628 = arith.constant 0 : i32
        %dma_wait3A_629 = tpu.memref_slice %arg6[%rem3A_602, %dma_wait3A_628] : memref<2x3040xf32, #tpu.memory_space<vmem>> -> memref<1x3040xf32, #tpu.memory_space<vmem>>
        %dma_wait3A_630 = tpu.memref_squeeze %dma_wait3A_629 : memref<1x3040xf32, #tpu.memory_space<vmem>> -> memref<3040xf32, #tpu.memory_space<vmem>>
        %dma_wait3A_631 = tpu.memref_slice %arg4[%add3A_223, %mul3A_627] : memref<192x57760xf32, #tpu.memory_space<hbm>> -> memref<1x3040xf32, #tpu.memory_space<hbm>>
        %dma_wait3A_632 = tpu.memref_squeeze %dma_wait3A_631 : memref<1x3040xf32, #tpu.memory_space<hbm>> -> memref<3040xf32, #tpu.memory_space<hbm>>
        %dma_wait3A_633 = tpu.memref_slice %arg9[%rem3A_602] : memref<2x!tpu.dma_semaphore, #tpu.memory_space<semaphore_mem>> -> memref<1x!tpu.dma_semaphore, #tpu.memory_space<semaphore_mem>>
        %dma_wait3A_634 = tpu.memref_squeeze %dma_wait3A_633 : memref<1x!tpu.dma_semaphore, #tpu.memory_space<semaphore_mem>> -> memref<!tpu.dma_semaphore, #tpu.memory_space<semaphore_mem>>
        %dma_wait3A_635 = tpu.memref_slice %arg4[%add3A_223, %mul3A_627] : memref<192x57760xf32, #tpu.memory_space<hbm>> -> memref<1x3040xf32, #tpu.memory_space<hbm>>
        %dma_wait3A_636 = tpu.memref_squeeze %dma_wait3A_635 : memref<1x3040xf32, #tpu.memory_space<hbm>> -> memref<3040xf32, #tpu.memory_space<hbm>>
        %dma_wait3A_637 = arith.constant 0 : i32
        %dma_wait3A_638 = tpu.memref_slice %arg6[%rem3A_602, %dma_wait3A_637] : memref<2x3040xf32, #tpu.memory_space<vmem>> -> memref<1x3040xf32, #tpu.memory_space<vmem>>
        %dma_wait3A_639 = tpu.memref_squeeze %dma_wait3A_638 : memref<1x3040xf32, #tpu.memory_space<vmem>> -> memref<3040xf32, #tpu.memory_space<vmem>>
        tpu.wait_dma2 semaphore(%dma_wait3A_634 : memref<!tpu.dma_semaphore, #tpu.memory_space<semaphore_mem>>) src(%dma_wait3A_639 : memref<3040xf32, #tpu.memory_space<vmem>>) dst(%dma_wait3A_636 : memref<3040xf32, #tpu.memory_space<hbm>>)
      } else {
      }
      %scan3A_605 = arith.constant 0 : i32
      %scan3A_606 = arith.constant 0 : i32
      %scan3A_607 = arith.constant 19 : i32
      %scan3A_608 = arith.addi %scan3A_606, %scan3A_607 : i32
      %scan3A_609 = arith.constant 1 : i32
      scf.for %scan3A_625 = %scan3A_606 to %scan3A_608 step %scan3A_609  : i32 {
        %mul3A_626 = arith.constant 304 : i32
        %mul3A_627 = arith.muli %scan3A_600, %mul3A_626 : i32
        %mul3A_628 = arith.constant 16 : i32
        %mul3A_629 = arith.muli %scan3A_625, %mul3A_628 : i32
        %add3A_630 = arith.addi %mul3A_627, %mul3A_629 : i32
        %add3A_631 = vector.broadcast %add3A_630 : i32 to vector<16xi32>
        %add3A_632 = arith.addi %add3A_631, %iota3A : vector<16xi32>
        %rem3A_633 = arith.remsi %add3A_632, %broadcast_in_dim3A_4 : vector<16xi32>
        %convert_element_type3A_634 = arith.sitofp %rem3A_633 : vector<16xi32> to vector<16xf32>
        %div3A = arith.divsi %add3A_632, %broadcast_in_dim3A_4 : vector<16xi32>
        %convert_element_type3A_635 = arith.sitofp %div3A : vector<16xi32> to vector<16xf32>
        %mul3A_636 = arith.constant 160 : i32
        %mul3A_637 = arith.muli %scan3A_625, %mul3A_636 : i32
        %add3A_638 = vector.broadcast %mul3A_637 : i32 to vector<16xi32>
        %add3A_639 = arith.addi %mul3A_3, %add3A_638 : vector<16xi32>
        %get3A_640 = arith.constant 0 : i32
        %get3A_641 = arith.constant 0 : i32
        %get3A_642 = arith.constant 0 : i32
        %get3A_643 = tpu.memref_slice %arg5[%scan3A_284, %get3A_641, %get3A_642] : memref<2x10x5776xf32, #tpu.memory_space<vmem>> -> memref<1x10x5776xf32, #tpu.memory_space<vmem>>
        %get3A_644 = tpu.memref_squeeze %get3A_643 : memref<1x10x5776xf32, #tpu.memory_space<vmem>> -> memref<10x5776xf32, #tpu.memory_space<vmem>>
        %get3A_645 = arith.index_cast %get3A_640 : i32 to index
        %get3A_646 = arith.index_cast %add3A_630 : i32 to index
        %get3A_647 = tpu.vector_load %get3A_644[%get3A_645, %get3A_646] {strides = array<i32>} : memref<10x5776xf32, #tpu.memory_space<vmem>>, vector<16xf32>,
        %neg3A = arith.constant 0.000000e+00 : f32
        %neg3A_648 = vector.broadcast %neg3A : f32 to vector<16xf32>
        %neg3A_649 = arith.subf %neg3A_648, %get3A_647 : vector<16xf32>
        %exp3A = math.exp %neg3A_649 : vector<16xf32>
        %add3A_650 = arith.constant 1.000000e+00 : f32
        %add3A_651 = vector.broadcast %add3A_650 : f32 to vector<16xf32>
        %add3A_652 = arith.addf %add3A_651, %exp3A : vector<16xf32>
        %div3A_653 = arith.constant 1.000000e+00 : f32
        %div3A_654 = vector.broadcast %div3A_653 : f32 to vector<16xf32>
        %div3A_655 = arith.divf %div3A_654, %add3A_652 : vector<16xf32>
        %add3A_656 = arith.addf %div3A_655, %convert_element_type3A_634 : vector<16xf32>
        %mul3A_657 = arith.mulf %add3A_656, %get3A_272 : vector<16xf32>
        %add3A_658 = arith.constant 0 : i32
        %add3A_659 = vector.broadcast %add3A_658 : i32 to vector<16xi32>
        %add3A_660 = arith.addi %add3A_639, %add3A_659 : vector<16xi32>
        %scatter3A = arith.constant 0 : i32
        %scatter3A_661 = tpu.memref_slice %arg6[%rem3A_602, %scatter3A] : memref<2x3040xf32, #tpu.memory_space<vmem>> -> memref<1x3040xf32, #tpu.memory_space<vmem>>
        %scatter3A_662 = tpu.memref_squeeze %scatter3A_661 : memref<1x3040xf32, #tpu.memory_space<vmem>> -> memref<3040xf32, #tpu.memory_space<vmem>>
        tpu.vector_store_idx %scatter3A_662[%add3A_660], %mul3A_657 : memref<3040xf32, #tpu.memory_space<vmem>>[vector<16xi32>], vector<16xf32>,
        %get3A_663 = arith.constant 1 : i32
        %get3A_664 = arith.constant 0 : i32
        %get3A_665 = arith.constant 0 : i32
        %get3A_666 = tpu.memref_slice %arg5[%scan3A_284, %get3A_664, %get3A_665] : memref<2x10x5776xf32, #tpu.memory_space<vmem>> -> memref<1x10x5776xf32, #tpu.memory_space<vmem>>
        %get3A_667 = tpu.memref_squeeze %get3A_666 : memref<1x10x5776xf32, #tpu.memory_space<vmem>> -> memref<10x5776xf32, #tpu.memory_space<vmem>>
        %get3A_668 = arith.index_cast %get3A_663 : i32 to index
        %get3A_669 = arith.index_cast %add3A_630 : i32 to index
        %get3A_670 = tpu.vector_load %get3A_667[%get3A_668, %get3A_669] {strides = array<i32>} : memref<10x5776xf32, #tpu.memory_space<vmem>>, vector<16xf32>,
        %neg3A_671 = arith.constant 0.000000e+00 : f32
        %neg3A_672 = vector.broadcast %neg3A_671 : f32 to vector<16xf32>
        %neg3A_673 = arith.subf %neg3A_672, %get3A_670 : vector<16xf32>
        %exp3A_674 = math.exp %neg3A_673 : vector<16xf32>
        %add3A_675 = arith.constant 1.000000e+00 : f32
        %add3A_676 = vector.broadcast %add3A_675 : f32 to vector<16xf32>
        %add3A_677 = arith.addf %add3A_676, %exp3A_674 : vector<16xf32>
        %div3A_678 = arith.constant 1.000000e+00 : f32
        %div3A_679 = vector.broadcast %div3A_678 : f32 to vector<16xf32>
        %div3A_680 = arith.divf %div3A_679, %add3A_677 : vector<16xf32>
        %add3A_681 = arith.addf %div3A_680, %convert_element_type3A_635 : vector<16xf32>
        %mul3A_682 = arith.mulf %add3A_681, %get3A_272 : vector<16xf32>
        %add3A_683 = arith.constant 1 : i32
        %add3A_684 = vector.broadcast %add3A_683 : i32 to vector<16xi32>
        %add3A_685 = arith.addi %add3A_639, %add3A_684 : vector<16xi32>
        %scatter3A_686 = arith.constant 0 : i32
        %scatter3A_687 = tpu.memref_slice %arg6[%rem3A_602, %scatter3A_686] : memref<2x3040xf32, #tpu.memory_space<vmem>> -> memref<1x3040xf32, #tpu.memory_space<vmem>>
        %scatter3A_688 = tpu.memref_squeeze %scatter3A_687 : memref<1x3040xf32, #tpu.memory_space<vmem>> -> memref<3040xf32, #tpu.memory_space<vmem>>
        tpu.vector_store_idx %scatter3A_688[%add3A_685], %mul3A_682 : memref<3040xf32, #tpu.memory_space<vmem>>[vector<16xi32>], vector<16xf32>,
        %get3A_689 = arith.constant 2 : i32
        %get3A_690 = arith.constant 0 : i32
        %get3A_691 = arith.constant 0 : i32
        %get3A_692 = tpu.memref_slice %arg5[%scan3A_284, %get3A_690, %get3A_691] : memref<2x10x5776xf32, #tpu.memory_space<vmem>> -> memref<1x10x5776xf32, #tpu.memory_space<vmem>>
        %get3A_693 = tpu.memref_squeeze %get3A_692 : memref<1x10x5776xf32, #tpu.memory_space<vmem>> -> memref<10x5776xf32, #tpu.memory_space<vmem>>
        %get3A_694 = arith.index_cast %get3A_689 : i32 to index
        %get3A_695 = arith.index_cast %add3A_630 : i32 to index
        %get3A_696 = tpu.vector_load %get3A_693[%get3A_694, %get3A_695] {strides = array<i32>} : memref<10x5776xf32, #tpu.memory_space<vmem>>, vector<16xf32>,
        %exp3A_697 = math.exp %get3A_696 : vector<16xf32>
        %min3A = arith.constant 1.000000e+03 : f32
        %min3A_698 = vector.broadcast %min3A : f32 to vector<16xf32>
        %min3A_699 = arith.minimumf %exp3A_697, %min3A_698 : vector<16xf32>
        %mul3A_700 = arith.mulf %min3A_699, %get3A_277 : vector<16xf32>
        %add3A_701 = arith.constant 2 : i32
        %add3A_702 = vector.broadcast %add3A_701 : i32 to vector<16xi32>
        %add3A_703 = arith.addi %add3A_639, %add3A_702 : vector<16xi32>
        %scatter3A_704 = arith.constant 0 : i32
        %scatter3A_705 = tpu.memref_slice %arg6[%rem3A_602, %scatter3A_704] : memref<2x3040xf32, #tpu.memory_space<vmem>> -> memref<1x3040xf32, #tpu.memory_space<vmem>>
        %scatter3A_706 = tpu.memref_squeeze %scatter3A_705 : memref<1x3040xf32, #tpu.memory_space<vmem>> -> memref<3040xf32, #tpu.memory_space<vmem>>
        tpu.vector_store_idx %scatter3A_706[%add3A_703], %mul3A_700 : memref<3040xf32, #tpu.memory_space<vmem>>[vector<16xi32>], vector<16xf32>,
        %get3A_707 = arith.constant 3 : i32
        %get3A_708 = arith.constant 0 : i32
        %get3A_709 = arith.constant 0 : i32
        %get3A_710 = tpu.memref_slice %arg5[%scan3A_284, %get3A_708, %get3A_709] : memref<2x10x5776xf32, #tpu.memory_space<vmem>> -> memref<1x10x5776xf32, #tpu.memory_space<vmem>>
        %get3A_711 = tpu.memref_squeeze %get3A_710 : memref<1x10x5776xf32, #tpu.memory_space<vmem>> -> memref<10x5776xf32, #tpu.memory_space<vmem>>
        %get3A_712 = arith.index_cast %get3A_707 : i32 to index
        %get3A_713 = arith.index_cast %add3A_630 : i32 to index
        %get3A_714 = tpu.vector_load %get3A_711[%get3A_712, %get3A_713] {strides = array<i32>} : memref<10x5776xf32, #tpu.memory_space<vmem>>, vector<16xf32>,
        %exp3A_715 = math.exp %get3A_714 : vector<16xf32>
        %min3A_716 = arith.constant 1.000000e+03 : f32
        %min3A_717 = vector.broadcast %min3A_716 : f32 to vector<16xf32>
        %min3A_718 = arith.minimumf %exp3A_715, %min3A_717 : vector<16xf32>
        %mul3A_719 = arith.mulf %min3A_718, %get3A_282 : vector<16xf32>
        %add3A_720 = arith.constant 3 : i32
        %add3A_721 = vector.broadcast %add3A_720 : i32 to vector<16xi32>
        %add3A_722 = arith.addi %add3A_639, %add3A_721 : vector<16xi32>
        %scatter3A_723 = arith.constant 0 : i32
        %scatter3A_724 = tpu.memref_slice %arg6[%rem3A_602, %scatter3A_723] : memref<2x3040xf32, #tpu.memory_space<vmem>> -> memref<1x3040xf32, #tpu.memory_space<vmem>>
        %scatter3A_725 = tpu.memref_squeeze %scatter3A_724 : memref<1x3040xf32, #tpu.memory_space<vmem>> -> memref<3040xf32, #tpu.memory_space<vmem>>
        tpu.vector_store_idx %scatter3A_725[%add3A_722], %mul3A_719 : memref<3040xf32, #tpu.memory_space<vmem>>[vector<16xi32>], vector<16xf32>,
        %get3A_726 = arith.constant 4 : i32
        %get3A_727 = arith.constant 0 : i32
        %get3A_728 = arith.constant 0 : i32
        %get3A_729 = tpu.memref_slice %arg5[%scan3A_284, %get3A_727, %get3A_728] : memref<2x10x5776xf32, #tpu.memory_space<vmem>> -> memref<1x10x5776xf32, #tpu.memory_space<vmem>>
        %get3A_730 = tpu.memref_squeeze %get3A_729 : memref<1x10x5776xf32, #tpu.memory_space<vmem>> -> memref<10x5776xf32, #tpu.memory_space<vmem>>
        %get3A_731 = arith.index_cast %get3A_726 : i32 to index
        %get3A_732 = arith.index_cast %add3A_630 : i32 to index
        %get3A_733 = tpu.vector_load %get3A_730[%get3A_731, %get3A_732] {strides = array<i32>} : memref<10x5776xf32, #tpu.memory_space<vmem>>, vector<16xf32>,
        %add3A_734 = arith.constant 4 : i32
        %add3A_735 = vector.broadcast %add3A_734 : i32 to vector<16xi32>
        %add3A_736 = arith.addi %add3A_639, %add3A_735 : vector<16xi32>
        %scatter3A_737 = arith.constant 0 : i32
        %scatter3A_738 = tpu.memref_slice %arg6[%rem3A_602, %scatter3A_737] : memref<2x3040xf32, #tpu.memory_space<vmem>> -> memref<1x3040xf32, #tpu.memory_space<vmem>>
        %scatter3A_739 = tpu.memref_squeeze %scatter3A_738 : memref<1x3040xf32, #tpu.memory_space<vmem>> -> memref<3040xf32, #tpu.memory_space<vmem>>
        tpu.vector_store_idx %scatter3A_739[%add3A_736], %get3A_733 : memref<3040xf32, #tpu.memory_space<vmem>>[vector<16xi32>], vector<16xf32>,
        %get3A_740 = arith.constant 5 : i32
        %get3A_741 = arith.constant 0 : i32
        %get3A_742 = arith.constant 0 : i32
        %get3A_743 = tpu.memref_slice %arg5[%scan3A_284, %get3A_741, %get3A_742] : memref<2x10x5776xf32, #tpu.memory_space<vmem>> -> memref<1x10x5776xf32, #tpu.memory_space<vmem>>
        %get3A_744 = tpu.memref_squeeze %get3A_743 : memref<1x10x5776xf32, #tpu.memory_space<vmem>> -> memref<10x5776xf32, #tpu.memory_space<vmem>>
        %get3A_745 = arith.index_cast %get3A_740 : i32 to index
        %get3A_746 = arith.index_cast %add3A_630 : i32 to index
        %get3A_747 = tpu.vector_load %get3A_744[%get3A_745, %get3A_746] {strides = array<i32>} : memref<10x5776xf32, #tpu.memory_space<vmem>>, vector<16xf32>,
        %add3A_748 = arith.constant 5 : i32
        %add3A_749 = vector.broadcast %add3A_748 : i32 to vector<16xi32>
        %add3A_750 = arith.addi %add3A_639, %add3A_749 : vector<16xi32>
        %scatter3A_751 = arith.constant 0 : i32
        %scatter3A_752 = tpu.memref_slice %arg6[%rem3A_602, %scatter3A_751] : memref<2x3040xf32, #tpu.memory_space<vmem>> -> memref<1x3040xf32, #tpu.memory_space<vmem>>
        %scatter3A_753 = tpu.memref_squeeze %scatter3A_752 : memref<1x3040xf32, #tpu.memory_space<vmem>> -> memref<3040xf32, #tpu.memory_space<vmem>>
        tpu.vector_store_idx %scatter3A_753[%add3A_750], %get3A_747 : memref<3040xf32, #tpu.memory_space<vmem>>[vector<16xi32>], vector<16xf32>,
        %get3A_754 = arith.constant 6 : i32
        %get3A_755 = arith.constant 0 : i32
        %get3A_756 = arith.constant 0 : i32
        %get3A_757 = tpu.memref_slice %arg5[%scan3A_284, %get3A_755, %get3A_756] : memref<2x10x5776xf32, #tpu.memory_space<vmem>> -> memref<1x10x5776xf32, #tpu.memory_space<vmem>>
        %get3A_758 = tpu.memref_squeeze %get3A_757 : memref<1x10x5776xf32, #tpu.memory_space<vmem>> -> memref<10x5776xf32, #tpu.memory_space<vmem>>
        %get3A_759 = arith.index_cast %get3A_754 : i32 to index
        %get3A_760 = arith.index_cast %add3A_630 : i32 to index
        %get3A_761 = tpu.vector_load %get3A_758[%get3A_759, %get3A_760] {strides = array<i32>} : memref<10x5776xf32, #tpu.memory_space<vmem>>, vector<16xf32>,
        %neg3A_762 = arith.constant 0.000000e+00 : f32
        %neg3A_763 = vector.broadcast %neg3A_762 : f32 to vector<16xf32>
        %neg3A_764 = arith.subf %neg3A_763, %get3A_761 : vector<16xf32>
        %exp3A_765 = math.exp %neg3A_764 : vector<16xf32>
        %add3A_766 = arith.constant 1.000000e+00 : f32
        %add3A_767 = vector.broadcast %add3A_766 : f32 to vector<16xf32>
        %add3A_768 = arith.addf %add3A_767, %exp3A_765 : vector<16xf32>
        %div3A_769 = arith.constant 1.000000e+00 : f32
        %div3A_770 = vector.broadcast %div3A_769 : f32 to vector<16xf32>
        %div3A_771 = arith.divf %div3A_770, %add3A_768 : vector<16xf32>
        %add3A_772 = arith.constant 6 : i32
        %add3A_773 = vector.broadcast %add3A_772 : i32 to vector<16xi32>
        %add3A_774 = arith.addi %add3A_639, %add3A_773 : vector<16xi32>
        %scatter3A_775 = arith.constant 0 : i32
        %scatter3A_776 = tpu.memref_slice %arg6[%rem3A_602, %scatter3A_775] : memref<2x3040xf32, #tpu.memory_space<vmem>> -> memref<1x3040xf32, #tpu.memory_space<vmem>>
        %scatter3A_777 = tpu.memref_squeeze %scatter3A_776 : memref<1x3040xf32, #tpu.memory_space<vmem>> -> memref<3040xf32, #tpu.memory_space<vmem>>
        tpu.vector_store_idx %scatter3A_777[%add3A_774], %div3A_771 : memref<3040xf32, #tpu.memory_space<vmem>>[vector<16xi32>], vector<16xf32>,
        %get3A_778 = arith.constant 7 : i32
        %get3A_779 = arith.constant 0 : i32
        %get3A_780 = arith.constant 0 : i32
        %get3A_781 = tpu.memref_slice %arg5[%scan3A_284, %get3A_779, %get3A_780] : memref<2x10x5776xf32, #tpu.memory_space<vmem>> -> memref<1x10x5776xf32, #tpu.memory_space<vmem>>
        %get3A_782 = tpu.memref_squeeze %get3A_781 : memref<1x10x5776xf32, #tpu.memory_space<vmem>> -> memref<10x5776xf32, #tpu.memory_space<vmem>>
        %get3A_783 = arith.index_cast %get3A_778 : i32 to index
        %get3A_784 = arith.index_cast %add3A_630 : i32 to index
        %get3A_785 = tpu.vector_load %get3A_782[%get3A_783, %get3A_784] {strides = array<i32>} : memref<10x5776xf32, #tpu.memory_space<vmem>>, vector<16xf32>,
        %neg3A_786 = arith.constant 0.000000e+00 : f32
        %neg3A_787 = vector.broadcast %neg3A_786 : f32 to vector<16xf32>
        %neg3A_788 = arith.subf %neg3A_787, %get3A_785 : vector<16xf32>
        %exp3A_789 = math.exp %neg3A_788 : vector<16xf32>
        %add3A_790 = arith.constant 1.000000e+00 : f32
        %add3A_791 = vector.broadcast %add3A_790 : f32 to vector<16xf32>
        %add3A_792 = arith.addf %add3A_791, %exp3A_789 : vector<16xf32>
        %div3A_793 = arith.constant 1.000000e+00 : f32
        %div3A_794 = vector.broadcast %div3A_793 : f32 to vector<16xf32>
        %div3A_795 = arith.divf %div3A_794, %add3A_792 : vector<16xf32>
        %add3A_796 = arith.constant 7 : i32
        %add3A_797 = vector.broadcast %add3A_796 : i32 to vector<16xi32>
        %add3A_798 = arith.addi %add3A_639, %add3A_797 : vector<16xi32>
        %scatter3A_799 = arith.constant 0 : i32
        %scatter3A_800 = tpu.memref_slice %arg6[%rem3A_602, %scatter3A_799] : memref<2x3040xf32, #tpu.memory_space<vmem>> -> memref<1x3040xf32, #tpu.memory_space<vmem>>
        %scatter3A_801 = tpu.memref_squeeze %scatter3A_800 : memref<1x3040xf32, #tpu.memory_space<vmem>> -> memref<3040xf32, #tpu.memory_space<vmem>>
        tpu.vector_store_idx %scatter3A_801[%add3A_798], %div3A_795 : memref<3040xf32, #tpu.memory_space<vmem>>[vector<16xi32>], vector<16xf32>,
        %get3A_802 = arith.constant 8 : i32
        %get3A_803 = arith.constant 0 : i32
        %get3A_804 = arith.constant 0 : i32
        %get3A_805 = tpu.memref_slice %arg5[%scan3A_284, %get3A_803, %get3A_804] : memref<2x10x5776xf32, #tpu.memory_space<vmem>> -> memref<1x10x5776xf32, #tpu.memory_space<vmem>>
        %get3A_806 = tpu.memref_squeeze %get3A_805 : memref<1x10x5776xf32, #tpu.memory_space<vmem>> -> memref<10x5776xf32, #tpu.memory_space<vmem>>
        %get3A_807 = arith.index_cast %get3A_802 : i32 to index
        %get3A_808 = arith.index_cast %add3A_630 : i32 to index
        %get3A_809 = tpu.vector_load %get3A_806[%get3A_807, %get3A_808] {strides = array<i32>} : memref<10x5776xf32, #tpu.memory_space<vmem>>, vector<16xf32>,
        %neg3A_810 = arith.constant 0.000000e+00 : f32
        %neg3A_811 = vector.broadcast %neg3A_810 : f32 to vector<16xf32>
        %neg3A_812 = arith.subf %neg3A_811, %get3A_809 : vector<16xf32>
        %exp3A_813 = math.exp %neg3A_812 : vector<16xf32>
        %add3A_814 = arith.constant 1.000000e+00 : f32
        %add3A_815 = vector.broadcast %add3A_814 : f32 to vector<16xf32>
        %add3A_816 = arith.addf %add3A_815, %exp3A_813 : vector<16xf32>
        %div3A_817 = arith.constant 1.000000e+00 : f32
        %div3A_818 = vector.broadcast %div3A_817 : f32 to vector<16xf32>
        %div3A_819 = arith.divf %div3A_818, %add3A_816 : vector<16xf32>
        %add3A_820 = arith.constant 8 : i32
        %add3A_821 = vector.broadcast %add3A_820 : i32 to vector<16xi32>
        %add3A_822 = arith.addi %add3A_639, %add3A_821 : vector<16xi32>
        %scatter3A_823 = arith.constant 0 : i32
        %scatter3A_824 = tpu.memref_slice %arg6[%rem3A_602, %scatter3A_823] : memref<2x3040xf32, #tpu.memory_space<vmem>> -> memref<1x3040xf32, #tpu.memory_space<vmem>>
        %scatter3A_825 = tpu.memref_squeeze %scatter3A_824 : memref<1x3040xf32, #tpu.memory_space<vmem>> -> memref<3040xf32, #tpu.memory_space<vmem>>
        tpu.vector_store_idx %scatter3A_825[%add3A_822], %div3A_819 : memref<3040xf32, #tpu.memory_space<vmem>>[vector<16xi32>], vector<16xf32>,
        %get3A_826 = arith.constant 9 : i32
        %get3A_827 = arith.constant 0 : i32
        %get3A_828 = arith.constant 0 : i32
        %get3A_829 = tpu.memref_slice %arg5[%scan3A_284, %get3A_827, %get3A_828] : memref<2x10x5776xf32, #tpu.memory_space<vmem>> -> memref<1x10x5776xf32, #tpu.memory_space<vmem>>
        %get3A_830 = tpu.memref_squeeze %get3A_829 : memref<1x10x5776xf32, #tpu.memory_space<vmem>> -> memref<10x5776xf32, #tpu.memory_space<vmem>>
        %get3A_831 = arith.index_cast %get3A_826 : i32 to index
        %get3A_832 = arith.index_cast %add3A_630 : i32 to index
        %get3A_833 = tpu.vector_load %get3A_830[%get3A_831, %get3A_832] {strides = array<i32>} : memref<10x5776xf32, #tpu.memory_space<vmem>>, vector<16xf32>,
        %neg3A_834 = arith.constant 0.000000e+00 : f32
        %neg3A_835 = vector.broadcast %neg3A_834 : f32 to vector<16xf32>
        %neg3A_836 = arith.subf %neg3A_835, %get3A_833 : vector<16xf32>
        %exp3A_837 = math.exp %neg3A_836 : vector<16xf32>
        %add3A_838 = arith.constant 1.000000e+00 : f32
        %add3A_839 = vector.broadcast %add3A_838 : f32 to vector<16xf32>
        %add3A_840 = arith.addf %add3A_839, %exp3A_837 : vector<16xf32>
        %div3A_841 = arith.constant 1.000000e+00 : f32
        %div3A_842 = vector.broadcast %div3A_841 : f32 to vector<16xf32>
        %div3A_843 = arith.divf %div3A_842, %add3A_840 : vector<16xf32>
        %add3A_844 = arith.constant 9 : i32
        %add3A_845 = vector.broadcast %add3A_844 : i32 to vector<16xi32>
        %add3A_846 = arith.addi %add3A_639, %add3A_845 : vector<16xi32>
        %scatter3A_847 = arith.constant 0 : i32
        %scatter3A_848 = tpu.memref_slice %arg6[%rem3A_602, %scatter3A_847] : memref<2x3040xf32, #tpu.memory_space<vmem>> -> memref<1x3040xf32, #tpu.memory_space<vmem>>
        %scatter3A_849 = tpu.memref_squeeze %scatter3A_848 : memref<1x3040xf32, #tpu.memory_space<vmem>> -> memref<3040xf32, #tpu.memory_space<vmem>>
        tpu.vector_store_idx %scatter3A_849[%add3A_846], %div3A_843 : memref<3040xf32, #tpu.memory_space<vmem>>[vector<16xi32>], vector<16xf32>,
      }
      %scan3A_610 = arith.constant 19 : i32
      %mul3A_611 = arith.constant 3040 : i32
      %mul3A_612 = arith.muli %scan3A_600, %mul3A_611 : i32
      %dma_start3A_613 = arith.constant 0 : i32
      %dma_start3A_614 = tpu.memref_slice %arg6[%rem3A_602, %dma_start3A_613] : memref<2x3040xf32, #tpu.memory_space<vmem>> -> memref<1x3040xf32, #tpu.memory_space<vmem>>
      %dma_start3A_615 = tpu.memref_squeeze %dma_start3A_614 : memref<1x3040xf32, #tpu.memory_space<vmem>> -> memref<3040xf32, #tpu.memory_space<vmem>>
      %dma_start3A_616 = tpu.memref_slice %arg4[%add3A_223, %mul3A_612] : memref<192x57760xf32, #tpu.memory_space<hbm>> -> memref<1x3040xf32, #tpu.memory_space<hbm>>
      %dma_start3A_617 = tpu.memref_squeeze %dma_start3A_616 : memref<1x3040xf32, #tpu.memory_space<hbm>> -> memref<3040xf32, #tpu.memory_space<hbm>>
      %dma_start3A_618 = tpu.memref_slice %arg9[%rem3A_602] : memref<2x!tpu.dma_semaphore, #tpu.memory_space<semaphore_mem>> -> memref<1x!tpu.dma_semaphore, #tpu.memory_space<semaphore_mem>>
      %dma_start3A_619 = tpu.memref_squeeze %dma_start3A_618 : memref<1x!tpu.dma_semaphore, #tpu.memory_space<semaphore_mem>> -> memref<!tpu.dma_semaphore, #tpu.memory_space<semaphore_mem>>
      %dma_start3A_620 = tpu.memref_slice %arg4[%add3A_223, %mul3A_612] : memref<192x57760xf32, #tpu.memory_space<hbm>> -> memref<1x3040xf32, #tpu.memory_space<hbm>>
      %dma_start3A_621 = tpu.memref_squeeze %dma_start3A_620 : memref<1x3040xf32, #tpu.memory_space<hbm>> -> memref<3040xf32, #tpu.memory_space<hbm>>
      %dma_start3A_622 = arith.constant 0 : i32
      %dma_start3A_623 = tpu.memref_slice %arg6[%rem3A_602, %dma_start3A_622] : memref<2x3040xf32, #tpu.memory_space<vmem>> -> memref<1x3040xf32, #tpu.memory_space<vmem>>
      %dma_start3A_624 = tpu.memref_squeeze %dma_start3A_623 : memref<1x3040xf32, #tpu.memory_space<vmem>> -> memref<3040xf32, #tpu.memory_space<vmem>>
      tpu.enqueue_dma source(%dma_start3A_624 : memref<3040xf32, #tpu.memory_space<vmem>>) target(%dma_start3A_621 : memref<3040xf32, #tpu.memory_space<hbm>>) target_semaphore(%dma_start3A_619 : memref<!tpu.dma_semaphore, #tpu.memory_space<semaphore_mem>>)
    }
    %scan3A_289 = arith.constant 19 : i32
    %dma_wait3A_290 = arith.constant 1 : i32
    %dma_wait3A_291 = arith.constant 1 : i32
    %dma_wait3A_292 = arith.constant 0 : i32
    %dma_wait3A_293 = tpu.memref_slice %arg6[%dma_wait3A_290, %dma_wait3A_292] : memref<2x3040xf32, #tpu.memory_space<vmem>> -> memref<1x3040xf32, #tpu.memory_space<vmem>>
    %dma_wait3A_294 = tpu.memref_squeeze %dma_wait3A_293 : memref<1x3040xf32, #tpu.memory_space<vmem>> -> memref<3040xf32, #tpu.memory_space<vmem>>
    %dma_wait3A_295 = arith.constant 51680 : i32
    %dma_wait3A_296 = tpu.memref_slice %arg4[%add3A_223, %dma_wait3A_295] : memref<192x57760xf32, #tpu.memory_space<hbm>> -> memref<1x3040xf32, #tpu.memory_space<hbm>>
    %dma_wait3A_297 = tpu.memref_squeeze %dma_wait3A_296 : memref<1x3040xf32, #tpu.memory_space<hbm>> -> memref<3040xf32, #tpu.memory_space<hbm>>
    %dma_wait3A_298 = tpu.memref_slice %arg9[%dma_wait3A_291] : memref<2x!tpu.dma_semaphore, #tpu.memory_space<semaphore_mem>> -> memref<1x!tpu.dma_semaphore, #tpu.memory_space<semaphore_mem>>
    %dma_wait3A_299 = tpu.memref_squeeze %dma_wait3A_298 : memref<1x!tpu.dma_semaphore, #tpu.memory_space<semaphore_mem>> -> memref<!tpu.dma_semaphore, #tpu.memory_space<semaphore_mem>>
    %dma_wait3A_300 = arith.constant 51680 : i32
    %dma_wait3A_301 = tpu.memref_slice %arg4[%add3A_223, %dma_wait3A_300] : memref<192x57760xf32, #tpu.memory_space<hbm>> -> memref<1x3040xf32, #tpu.memory_space<hbm>>
    %dma_wait3A_302 = tpu.memref_squeeze %dma_wait3A_301 : memref<1x3040xf32, #tpu.memory_space<hbm>> -> memref<3040xf32, #tpu.memory_space<hbm>>
    %dma_wait3A_303 = arith.constant 0 : i32
    %dma_wait3A_304 = tpu.memref_slice %arg6[%dma_wait3A_290, %dma_wait3A_303] : memref<2x3040xf32, #tpu.memory_space<vmem>> -> memref<1x3040xf32, #tpu.memory_space<vmem>>
    %dma_wait3A_305 = tpu.memref_squeeze %dma_wait3A_304 : memref<1x3040xf32, #tpu.memory_space<vmem>> -> memref<3040xf32, #tpu.memory_space<vmem>>
    tpu.wait_dma2 semaphore(%dma_wait3A_299 : memref<!tpu.dma_semaphore, #tpu.memory_space<semaphore_mem>>) src(%dma_wait3A_305 : memref<3040xf32, #tpu.memory_space<vmem>>) dst(%dma_wait3A_302 : memref<3040xf32, #tpu.memory_space<hbm>>)
    %dma_wait3A_306 = arith.constant 0 : i32
    %dma_wait3A_307 = arith.constant 0 : i32
    %dma_wait3A_308 = arith.constant 0 : i32
    %dma_wait3A_309 = tpu.memref_slice %arg6[%dma_wait3A_306, %dma_wait3A_308] : memref<2x3040xf32, #tpu.memory_space<vmem>> -> memref<1x3040xf32, #tpu.memory_space<vmem>>
    %dma_wait3A_310 = tpu.memref_squeeze %dma_wait3A_309 : memref<1x3040xf32, #tpu.memory_space<vmem>> -> memref<3040xf32, #tpu.memory_space<vmem>>
    %dma_wait3A_311 = arith.constant 54720 : i32
    %dma_wait3A_312 = tpu.memref_slice %arg4[%add3A_223, %dma_wait3A_311] : memref<192x57760xf32, #tpu.memory_space<hbm>> -> memref<1x3040xf32, #tpu.memory_space<hbm>>
    %dma_wait3A_313 = tpu.memref_squeeze %dma_wait3A_312 : memref<1x3040xf32, #tpu.memory_space<hbm>> -> memref<3040xf32, #tpu.memory_space<hbm>>
    %dma_wait3A_314 = tpu.memref_slice %arg9[%dma_wait3A_307] : memref<2x!tpu.dma_semaphore, #tpu.memory_space<semaphore_mem>> -> memref<1x!tpu.dma_semaphore, #tpu.memory_space<semaphore_mem>>
    %dma_wait3A_315 = tpu.memref_squeeze %dma_wait3A_314 : memref<1x!tpu.dma_semaphore, #tpu.memory_space<semaphore_mem>> -> memref<!tpu.dma_semaphore, #tpu.memory_space<semaphore_mem>>
    %dma_wait3A_316 = arith.constant 54720 : i32
    %dma_wait3A_317 = tpu.memref_slice %arg4[%add3A_223, %dma_wait3A_316] : memref<192x57760xf32, #tpu.memory_space<hbm>> -> memref<1x3040xf32, #tpu.memory_space<hbm>>
    %dma_wait3A_318 = tpu.memref_squeeze %dma_wait3A_317 : memref<1x3040xf32, #tpu.memory_space<hbm>> -> memref<3040xf32, #tpu.memory_space<hbm>>
    %dma_wait3A_319 = arith.constant 0 : i32
    %dma_wait3A_320 = tpu.memref_slice %arg6[%dma_wait3A_306, %dma_wait3A_319] : memref<2x3040xf32, #tpu.memory_space<vmem>> -> memref<1x3040xf32, #tpu.memory_space<vmem>>
    %dma_wait3A_321 = tpu.memref_squeeze %dma_wait3A_320 : memref<1x3040xf32, #tpu.memory_space<vmem>> -> memref<3040xf32, #tpu.memory_space<vmem>>
    tpu.wait_dma2 semaphore(%dma_wait3A_315 : memref<!tpu.dma_semaphore, #tpu.memory_space<semaphore_mem>>) src(%dma_wait3A_321 : memref<3040xf32, #tpu.memory_space<vmem>>) dst(%dma_wait3A_318 : memref<3040xf32, #tpu.memory_space<hbm>>)
    %add3A_322 = arith.constant 3 : i32
    %add3A_323 = arith.addi %mul3A_6, %add3A_322 : i32
    %rem3A_324 = arith.constant 3 : i32
    %rem3A_325 = arith.remsi %add3A_323, %rem3A_324 : i32
    %dma_wait3A_326 = arith.constant 1 : i32
    %dma_wait3A_327 = arith.constant 1 : i32
    %dma_wait3A_328 = arith.constant 0 : i32
    %dma_wait3A_329 = arith.constant 0 : i32
    %dma_wait3A_330 = tpu.memref_slice %arg5[%dma_wait3A_326, %dma_wait3A_328, %dma_wait3A_329] : memref<2x10x5776xf32, #tpu.memory_space<vmem>> -> memref<1x10x5776xf32, #tpu.memory_space<vmem>>
    %dma_wait3A_331 = tpu.memref_squeeze %dma_wait3A_330 : memref<1x10x5776xf32, #tpu.memory_space<vmem>> -> memref<10x5776xf32, #tpu.memory_space<vmem>>
    %dma_wait3A_332 = arith.constant 0 : i32
    %dma_wait3A_333 = arith.constant 0 : i32
    %dma_wait3A_334 = tpu.memref_slice %arg2[%add3A_323, %dma_wait3A_332, %dma_wait3A_333] : memref<192x10x5776xf32, #tpu.memory_space<hbm>> -> memref<1x10x5776xf32, #tpu.memory_space<hbm>>
    %dma_wait3A_335 = tpu.memref_squeeze %dma_wait3A_334 : memref<1x10x5776xf32, #tpu.memory_space<hbm>> -> memref<10x5776xf32, #tpu.memory_space<hbm>>
    %dma_wait3A_336 = tpu.memref_slice %arg8[%dma_wait3A_327] : memref<2x!tpu.dma_semaphore, #tpu.memory_space<semaphore_mem>> -> memref<1x!tpu.dma_semaphore, #tpu.memory_space<semaphore_mem>>
    %dma_wait3A_337 = tpu.memref_squeeze %dma_wait3A_336 : memref<1x!tpu.dma_semaphore, #tpu.memory_space<semaphore_mem>> -> memref<!tpu.dma_semaphore, #tpu.memory_space<semaphore_mem>>
    %dma_wait3A_338 = arith.constant 0 : i32
    %dma_wait3A_339 = arith.constant 0 : i32
    %dma_wait3A_340 = tpu.memref_slice %arg5[%dma_wait3A_326, %dma_wait3A_338, %dma_wait3A_339] : memref<2x10x5776xf32, #tpu.memory_space<vmem>> -> memref<1x10x5776xf32, #tpu.memory_space<vmem>>
    %dma_wait3A_341 = tpu.memref_squeeze %dma_wait3A_340 : memref<1x10x5776xf32, #tpu.memory_space<vmem>> -> memref<10x5776xf32, #tpu.memory_space<vmem>>
    %dma_wait3A_342 = arith.constant 0 : i32
    %dma_wait3A_343 = arith.constant 0 : i32
    %dma_wait3A_344 = tpu.memref_slice %arg2[%add3A_323, %dma_wait3A_342, %dma_wait3A_343] : memref<192x10x5776xf32, #tpu.memory_space<hbm>> -> memref<1x10x5776xf32, #tpu.memory_space<hbm>>
    %dma_wait3A_345 = tpu.memref_squeeze %dma_wait3A_344 : memref<1x10x5776xf32, #tpu.memory_space<hbm>> -> memref<10x5776xf32, #tpu.memory_space<hbm>>
    tpu.wait_dma2 semaphore(%dma_wait3A_337 : memref<!tpu.dma_semaphore, #tpu.memory_space<semaphore_mem>>) src(%dma_wait3A_345 : memref<10x5776xf32, #tpu.memory_space<hbm>>) dst(%dma_wait3A_341 : memref<10x5776xf32, #tpu.memory_space<vmem>>)
    %add3A_346 = arith.constant 1 : i32
    %add3A_347 = arith.addi %add3A_323, %add3A_346 : i32
    %dma_start3A_348 = arith.constant 0 : i32
    %dma_start3A_349 = arith.constant 0 : i32
    %dma_start3A_350 = arith.constant 0 : i32
    %dma_start3A_351 = arith.constant 0 : i32
    %dma_start3A_352 = tpu.memref_slice %arg5[%dma_start3A_348, %dma_start3A_350, %dma_start3A_351] : memref<2x10x5776xf32, #tpu.memory_space<vmem>> -> memref<1x10x5776xf32, #tpu.memory_space<vmem>>
    %dma_start3A_353 = tpu.memref_squeeze %dma_start3A_352 : memref<1x10x5776xf32, #tpu.memory_space<vmem>> -> memref<10x5776xf32, #tpu.memory_space<vmem>>
    %dma_start3A_354 = arith.constant 0 : i32
    %dma_start3A_355 = arith.constant 0 : i32
    %dma_start3A_356 = tpu.memref_slice %arg2[%add3A_347, %dma_start3A_354, %dma_start3A_355] : memref<192x10x5776xf32, #tpu.memory_space<hbm>> -> memref<1x10x5776xf32, #tpu.memory_space<hbm>>
    %dma_start3A_357 = tpu.memref_squeeze %dma_start3A_356 : memref<1x10x5776xf32, #tpu.memory_space<hbm>> -> memref<10x5776xf32, #tpu.memory_space<hbm>>
    %dma_start3A_358 = tpu.memref_slice %arg8[%dma_start3A_349] : memref<2x!tpu.dma_semaphore, #tpu.memory_space<semaphore_mem>> -> memref<1x!tpu.dma_semaphore, #tpu.memory_space<semaphore_mem>>
    %dma_start3A_359 = tpu.memref_squeeze %dma_start3A_358 : memref<1x!tpu.dma_semaphore, #tpu.memory_space<semaphore_mem>> -> memref<!tpu.dma_semaphore, #tpu.memory_space<semaphore_mem>>
    %dma_start3A_360 = arith.constant 0 : i32
    %dma_start3A_361 = arith.constant 0 : i32
    %dma_start3A_362 = tpu.memref_slice %arg5[%dma_start3A_348, %dma_start3A_360, %dma_start3A_361] : memref<2x10x5776xf32, #tpu.memory_space<vmem>> -> memref<1x10x5776xf32, #tpu.memory_space<vmem>>
    %dma_start3A_363 = tpu.memref_squeeze %dma_start3A_362 : memref<1x10x5776xf32, #tpu.memory_space<vmem>> -> memref<10x5776xf32, #tpu.memory_space<vmem>>
    %dma_start3A_364 = arith.constant 0 : i32
    %dma_start3A_365 = arith.constant 0 : i32
    %dma_start3A_366 = tpu.memref_slice %arg2[%add3A_347, %dma_start3A_364, %dma_start3A_365] : memref<192x10x5776xf32, #tpu.memory_space<hbm>> -> memref<1x10x5776xf32, #tpu.memory_space<hbm>>
    %dma_start3A_367 = tpu.memref_squeeze %dma_start3A_366 : memref<1x10x5776xf32, #tpu.memory_space<hbm>> -> memref<10x5776xf32, #tpu.memory_space<hbm>>
    tpu.enqueue_dma source(%dma_start3A_367 : memref<10x5776xf32, #tpu.memory_space<hbm>>) target(%dma_start3A_363 : memref<10x5776xf32, #tpu.memory_space<vmem>>) target_semaphore(%dma_start3A_359 : memref<!tpu.dma_semaphore, #tpu.memory_space<semaphore_mem>>)
    %get3A_368 = arith.constant 0 : i32
    %get3A_369 = arith.index_cast %rem3A_325 : i32 to index
    %get3A_370 = arith.index_cast %get3A_368 : i32 to index
    %get3A_371 = arith.constant 0 : index
    %get3A_372 = tpu.vector_load %arg7[%get3A_369, %get3A_370, %get3A_371] {strides = array<i32>} : memref<3x3x16xf32, #tpu.memory_space<vmem>>, vector<16xf32>,
    %get3A_373 = arith.constant 1 : i32
    %get3A_374 = arith.index_cast %rem3A_325 : i32 to index
    %get3A_375 = arith.index_cast %get3A_373 : i32 to index
    %get3A_376 = arith.constant 0 : index
    %get3A_377 = tpu.vector_load %arg7[%get3A_374, %get3A_375, %get3A_376] {strides = array<i32>} : memref<3x3x16xf32, #tpu.memory_space<vmem>>, vector<16xf32>,
    %get3A_378 = arith.constant 2 : i32
    %get3A_379 = arith.index_cast %rem3A_325 : i32 to index
    %get3A_380 = arith.index_cast %get3A_378 : i32 to index
    %get3A_381 = arith.constant 0 : index
    %get3A_382 = tpu.vector_load %arg7[%get3A_379, %get3A_380, %get3A_381] {strides = array<i32>} : memref<3x3x16xf32, #tpu.memory_space<vmem>>, vector<16xf32>,
    %scan3A_383 = arith.constant 0 : i32
    %scan3A_384 = arith.constant 1 : i32
    %scan3A_385 = arith.constant 0 : i32
    %scan3A_386 = arith.constant 19 : i32
    %scan3A_387 = arith.addi %scan3A_385, %scan3A_386 : i32
    %scan3A_388 = arith.constant 1 : i32
    scf.for %scan3A_600 = %scan3A_385 to %scan3A_387 step %scan3A_388  : i32 {
      %rem3A_601 = arith.constant 2 : i32
      %rem3A_602 = arith.remsi %scan3A_600, %rem3A_601 : i32
      %ge3A = arith.constant 2 : i32
      %ge3A_603 = arith.cmpi sge, %scan3A_600, %ge3A : i32
      %convert_element_type3A = arith.extui %ge3A_603 : i1 to i32
      %cond3A = arith.constant 0 : i32
      %cond3A_604 = arith.cmpi ne, %convert_element_type3A, %cond3A : i32
      scf.if %cond3A_604 {
        %sub3A = arith.constant 2 : i32
        %sub3A_625 = arith.subi %scan3A_600, %sub3A : i32
        %mul3A_626 = arith.constant 3040 : i32
        %mul3A_627 = arith.muli %sub3A_625, %mul3A_626 : i32
        %dma_wait3A_628 = arith.constant 0 : i32
        %dma_wait3A_629 = tpu.memref_slice %arg6[%rem3A_602, %dma_wait3A_628] : memref<2x3040xf32, #tpu.memory_space<vmem>> -> memref<1x3040xf32, #tpu.memory_space<vmem>>
        %dma_wait3A_630 = tpu.memref_squeeze %dma_wait3A_629 : memref<1x3040xf32, #tpu.memory_space<vmem>> -> memref<3040xf32, #tpu.memory_space<vmem>>
        %dma_wait3A_631 = tpu.memref_slice %arg4[%add3A_323, %mul3A_627] : memref<192x57760xf32, #tpu.memory_space<hbm>> -> memref<1x3040xf32, #tpu.memory_space<hbm>>
        %dma_wait3A_632 = tpu.memref_squeeze %dma_wait3A_631 : memref<1x3040xf32, #tpu.memory_space<hbm>> -> memref<3040xf32, #tpu.memory_space<hbm>>
        %dma_wait3A_633 = tpu.memref_slice %arg9[%rem3A_602] : memref<2x!tpu.dma_semaphore, #tpu.memory_space<semaphore_mem>> -> memref<1x!tpu.dma_semaphore, #tpu.memory_space<semaphore_mem>>
        %dma_wait3A_634 = tpu.memref_squeeze %dma_wait3A_633 : memref<1x!tpu.dma_semaphore, #tpu.memory_space<semaphore_mem>> -> memref<!tpu.dma_semaphore, #tpu.memory_space<semaphore_mem>>
        %dma_wait3A_635 = tpu.memref_slice %arg4[%add3A_323, %mul3A_627] : memref<192x57760xf32, #tpu.memory_space<hbm>> -> memref<1x3040xf32, #tpu.memory_space<hbm>>
        %dma_wait3A_636 = tpu.memref_squeeze %dma_wait3A_635 : memref<1x3040xf32, #tpu.memory_space<hbm>> -> memref<3040xf32, #tpu.memory_space<hbm>>
        %dma_wait3A_637 = arith.constant 0 : i32
        %dma_wait3A_638 = tpu.memref_slice %arg6[%rem3A_602, %dma_wait3A_637] : memref<2x3040xf32, #tpu.memory_space<vmem>> -> memref<1x3040xf32, #tpu.memory_space<vmem>>
        %dma_wait3A_639 = tpu.memref_squeeze %dma_wait3A_638 : memref<1x3040xf32, #tpu.memory_space<vmem>> -> memref<3040xf32, #tpu.memory_space<vmem>>
        tpu.wait_dma2 semaphore(%dma_wait3A_634 : memref<!tpu.dma_semaphore, #tpu.memory_space<semaphore_mem>>) src(%dma_wait3A_639 : memref<3040xf32, #tpu.memory_space<vmem>>) dst(%dma_wait3A_636 : memref<3040xf32, #tpu.memory_space<hbm>>)
      } else {
      }
      %scan3A_605 = arith.constant 0 : i32
      %scan3A_606 = arith.constant 0 : i32
      %scan3A_607 = arith.constant 19 : i32
      %scan3A_608 = arith.addi %scan3A_606, %scan3A_607 : i32
      %scan3A_609 = arith.constant 1 : i32
      scf.for %scan3A_625 = %scan3A_606 to %scan3A_608 step %scan3A_609  : i32 {
        %mul3A_626 = arith.constant 304 : i32
        %mul3A_627 = arith.muli %scan3A_600, %mul3A_626 : i32
        %mul3A_628 = arith.constant 16 : i32
        %mul3A_629 = arith.muli %scan3A_625, %mul3A_628 : i32
        %add3A_630 = arith.addi %mul3A_627, %mul3A_629 : i32
        %add3A_631 = vector.broadcast %add3A_630 : i32 to vector<16xi32>
        %add3A_632 = arith.addi %add3A_631, %iota3A : vector<16xi32>
        %rem3A_633 = arith.remsi %add3A_632, %broadcast_in_dim3A_4 : vector<16xi32>
        %convert_element_type3A_634 = arith.sitofp %rem3A_633 : vector<16xi32> to vector<16xf32>
        %div3A = arith.divsi %add3A_632, %broadcast_in_dim3A_4 : vector<16xi32>
        %convert_element_type3A_635 = arith.sitofp %div3A : vector<16xi32> to vector<16xf32>
        %mul3A_636 = arith.constant 160 : i32
        %mul3A_637 = arith.muli %scan3A_625, %mul3A_636 : i32
        %add3A_638 = vector.broadcast %mul3A_637 : i32 to vector<16xi32>
        %add3A_639 = arith.addi %mul3A_3, %add3A_638 : vector<16xi32>
        %get3A_640 = arith.constant 0 : i32
        %get3A_641 = arith.constant 0 : i32
        %get3A_642 = arith.constant 0 : i32
        %get3A_643 = tpu.memref_slice %arg5[%scan3A_384, %get3A_641, %get3A_642] : memref<2x10x5776xf32, #tpu.memory_space<vmem>> -> memref<1x10x5776xf32, #tpu.memory_space<vmem>>
        %get3A_644 = tpu.memref_squeeze %get3A_643 : memref<1x10x5776xf32, #tpu.memory_space<vmem>> -> memref<10x5776xf32, #tpu.memory_space<vmem>>
        %get3A_645 = arith.index_cast %get3A_640 : i32 to index
        %get3A_646 = arith.index_cast %add3A_630 : i32 to index
        %get3A_647 = tpu.vector_load %get3A_644[%get3A_645, %get3A_646] {strides = array<i32>} : memref<10x5776xf32, #tpu.memory_space<vmem>>, vector<16xf32>,
        %neg3A = arith.constant 0.000000e+00 : f32
        %neg3A_648 = vector.broadcast %neg3A : f32 to vector<16xf32>
        %neg3A_649 = arith.subf %neg3A_648, %get3A_647 : vector<16xf32>
        %exp3A = math.exp %neg3A_649 : vector<16xf32>
        %add3A_650 = arith.constant 1.000000e+00 : f32
        %add3A_651 = vector.broadcast %add3A_650 : f32 to vector<16xf32>
        %add3A_652 = arith.addf %add3A_651, %exp3A : vector<16xf32>
        %div3A_653 = arith.constant 1.000000e+00 : f32
        %div3A_654 = vector.broadcast %div3A_653 : f32 to vector<16xf32>
        %div3A_655 = arith.divf %div3A_654, %add3A_652 : vector<16xf32>
        %add3A_656 = arith.addf %div3A_655, %convert_element_type3A_634 : vector<16xf32>
        %mul3A_657 = arith.mulf %add3A_656, %get3A_372 : vector<16xf32>
        %add3A_658 = arith.constant 0 : i32
        %add3A_659 = vector.broadcast %add3A_658 : i32 to vector<16xi32>
        %add3A_660 = arith.addi %add3A_639, %add3A_659 : vector<16xi32>
        %scatter3A = arith.constant 0 : i32
        %scatter3A_661 = tpu.memref_slice %arg6[%rem3A_602, %scatter3A] : memref<2x3040xf32, #tpu.memory_space<vmem>> -> memref<1x3040xf32, #tpu.memory_space<vmem>>
        %scatter3A_662 = tpu.memref_squeeze %scatter3A_661 : memref<1x3040xf32, #tpu.memory_space<vmem>> -> memref<3040xf32, #tpu.memory_space<vmem>>
        tpu.vector_store_idx %scatter3A_662[%add3A_660], %mul3A_657 : memref<3040xf32, #tpu.memory_space<vmem>>[vector<16xi32>], vector<16xf32>,
        %get3A_663 = arith.constant 1 : i32
        %get3A_664 = arith.constant 0 : i32
        %get3A_665 = arith.constant 0 : i32
        %get3A_666 = tpu.memref_slice %arg5[%scan3A_384, %get3A_664, %get3A_665] : memref<2x10x5776xf32, #tpu.memory_space<vmem>> -> memref<1x10x5776xf32, #tpu.memory_space<vmem>>
        %get3A_667 = tpu.memref_squeeze %get3A_666 : memref<1x10x5776xf32, #tpu.memory_space<vmem>> -> memref<10x5776xf32, #tpu.memory_space<vmem>>
        %get3A_668 = arith.index_cast %get3A_663 : i32 to index
        %get3A_669 = arith.index_cast %add3A_630 : i32 to index
        %get3A_670 = tpu.vector_load %get3A_667[%get3A_668, %get3A_669] {strides = array<i32>} : memref<10x5776xf32, #tpu.memory_space<vmem>>, vector<16xf32>,
        %neg3A_671 = arith.constant 0.000000e+00 : f32
        %neg3A_672 = vector.broadcast %neg3A_671 : f32 to vector<16xf32>
        %neg3A_673 = arith.subf %neg3A_672, %get3A_670 : vector<16xf32>
        %exp3A_674 = math.exp %neg3A_673 : vector<16xf32>
        %add3A_675 = arith.constant 1.000000e+00 : f32
        %add3A_676 = vector.broadcast %add3A_675 : f32 to vector<16xf32>
        %add3A_677 = arith.addf %add3A_676, %exp3A_674 : vector<16xf32>
        %div3A_678 = arith.constant 1.000000e+00 : f32
        %div3A_679 = vector.broadcast %div3A_678 : f32 to vector<16xf32>
        %div3A_680 = arith.divf %div3A_679, %add3A_677 : vector<16xf32>
        %add3A_681 = arith.addf %div3A_680, %convert_element_type3A_635 : vector<16xf32>
        %mul3A_682 = arith.mulf %add3A_681, %get3A_372 : vector<16xf32>
        %add3A_683 = arith.constant 1 : i32
        %add3A_684 = vector.broadcast %add3A_683 : i32 to vector<16xi32>
        %add3A_685 = arith.addi %add3A_639, %add3A_684 : vector<16xi32>
        %scatter3A_686 = arith.constant 0 : i32
        %scatter3A_687 = tpu.memref_slice %arg6[%rem3A_602, %scatter3A_686] : memref<2x3040xf32, #tpu.memory_space<vmem>> -> memref<1x3040xf32, #tpu.memory_space<vmem>>
        %scatter3A_688 = tpu.memref_squeeze %scatter3A_687 : memref<1x3040xf32, #tpu.memory_space<vmem>> -> memref<3040xf32, #tpu.memory_space<vmem>>
        tpu.vector_store_idx %scatter3A_688[%add3A_685], %mul3A_682 : memref<3040xf32, #tpu.memory_space<vmem>>[vector<16xi32>], vector<16xf32>,
        %get3A_689 = arith.constant 2 : i32
        %get3A_690 = arith.constant 0 : i32
        %get3A_691 = arith.constant 0 : i32
        %get3A_692 = tpu.memref_slice %arg5[%scan3A_384, %get3A_690, %get3A_691] : memref<2x10x5776xf32, #tpu.memory_space<vmem>> -> memref<1x10x5776xf32, #tpu.memory_space<vmem>>
        %get3A_693 = tpu.memref_squeeze %get3A_692 : memref<1x10x5776xf32, #tpu.memory_space<vmem>> -> memref<10x5776xf32, #tpu.memory_space<vmem>>
        %get3A_694 = arith.index_cast %get3A_689 : i32 to index
        %get3A_695 = arith.index_cast %add3A_630 : i32 to index
        %get3A_696 = tpu.vector_load %get3A_693[%get3A_694, %get3A_695] {strides = array<i32>} : memref<10x5776xf32, #tpu.memory_space<vmem>>, vector<16xf32>,
        %exp3A_697 = math.exp %get3A_696 : vector<16xf32>
        %min3A = arith.constant 1.000000e+03 : f32
        %min3A_698 = vector.broadcast %min3A : f32 to vector<16xf32>
        %min3A_699 = arith.minimumf %exp3A_697, %min3A_698 : vector<16xf32>
        %mul3A_700 = arith.mulf %min3A_699, %get3A_377 : vector<16xf32>
        %add3A_701 = arith.constant 2 : i32
        %add3A_702 = vector.broadcast %add3A_701 : i32 to vector<16xi32>
        %add3A_703 = arith.addi %add3A_639, %add3A_702 : vector<16xi32>
        %scatter3A_704 = arith.constant 0 : i32
        %scatter3A_705 = tpu.memref_slice %arg6[%rem3A_602, %scatter3A_704] : memref<2x3040xf32, #tpu.memory_space<vmem>> -> memref<1x3040xf32, #tpu.memory_space<vmem>>
        %scatter3A_706 = tpu.memref_squeeze %scatter3A_705 : memref<1x3040xf32, #tpu.memory_space<vmem>> -> memref<3040xf32, #tpu.memory_space<vmem>>
        tpu.vector_store_idx %scatter3A_706[%add3A_703], %mul3A_700 : memref<3040xf32, #tpu.memory_space<vmem>>[vector<16xi32>], vector<16xf32>,
        %get3A_707 = arith.constant 3 : i32
        %get3A_708 = arith.constant 0 : i32
        %get3A_709 = arith.constant 0 : i32
        %get3A_710 = tpu.memref_slice %arg5[%scan3A_384, %get3A_708, %get3A_709] : memref<2x10x5776xf32, #tpu.memory_space<vmem>> -> memref<1x10x5776xf32, #tpu.memory_space<vmem>>
        %get3A_711 = tpu.memref_squeeze %get3A_710 : memref<1x10x5776xf32, #tpu.memory_space<vmem>> -> memref<10x5776xf32, #tpu.memory_space<vmem>>
        %get3A_712 = arith.index_cast %get3A_707 : i32 to index
        %get3A_713 = arith.index_cast %add3A_630 : i32 to index
        %get3A_714 = tpu.vector_load %get3A_711[%get3A_712, %get3A_713] {strides = array<i32>} : memref<10x5776xf32, #tpu.memory_space<vmem>>, vector<16xf32>,
        %exp3A_715 = math.exp %get3A_714 : vector<16xf32>
        %min3A_716 = arith.constant 1.000000e+03 : f32
        %min3A_717 = vector.broadcast %min3A_716 : f32 to vector<16xf32>
        %min3A_718 = arith.minimumf %exp3A_715, %min3A_717 : vector<16xf32>
        %mul3A_719 = arith.mulf %min3A_718, %get3A_382 : vector<16xf32>
        %add3A_720 = arith.constant 3 : i32
        %add3A_721 = vector.broadcast %add3A_720 : i32 to vector<16xi32>
        %add3A_722 = arith.addi %add3A_639, %add3A_721 : vector<16xi32>
        %scatter3A_723 = arith.constant 0 : i32
        %scatter3A_724 = tpu.memref_slice %arg6[%rem3A_602, %scatter3A_723] : memref<2x3040xf32, #tpu.memory_space<vmem>> -> memref<1x3040xf32, #tpu.memory_space<vmem>>
        %scatter3A_725 = tpu.memref_squeeze %scatter3A_724 : memref<1x3040xf32, #tpu.memory_space<vmem>> -> memref<3040xf32, #tpu.memory_space<vmem>>
        tpu.vector_store_idx %scatter3A_725[%add3A_722], %mul3A_719 : memref<3040xf32, #tpu.memory_space<vmem>>[vector<16xi32>], vector<16xf32>,
        %get3A_726 = arith.constant 4 : i32
        %get3A_727 = arith.constant 0 : i32
        %get3A_728 = arith.constant 0 : i32
        %get3A_729 = tpu.memref_slice %arg5[%scan3A_384, %get3A_727, %get3A_728] : memref<2x10x5776xf32, #tpu.memory_space<vmem>> -> memref<1x10x5776xf32, #tpu.memory_space<vmem>>
        %get3A_730 = tpu.memref_squeeze %get3A_729 : memref<1x10x5776xf32, #tpu.memory_space<vmem>> -> memref<10x5776xf32, #tpu.memory_space<vmem>>
        %get3A_731 = arith.index_cast %get3A_726 : i32 to index
        %get3A_732 = arith.index_cast %add3A_630 : i32 to index
        %get3A_733 = tpu.vector_load %get3A_730[%get3A_731, %get3A_732] {strides = array<i32>} : memref<10x5776xf32, #tpu.memory_space<vmem>>, vector<16xf32>,
        %add3A_734 = arith.constant 4 : i32
        %add3A_735 = vector.broadcast %add3A_734 : i32 to vector<16xi32>
        %add3A_736 = arith.addi %add3A_639, %add3A_735 : vector<16xi32>
        %scatter3A_737 = arith.constant 0 : i32
        %scatter3A_738 = tpu.memref_slice %arg6[%rem3A_602, %scatter3A_737] : memref<2x3040xf32, #tpu.memory_space<vmem>> -> memref<1x3040xf32, #tpu.memory_space<vmem>>
        %scatter3A_739 = tpu.memref_squeeze %scatter3A_738 : memref<1x3040xf32, #tpu.memory_space<vmem>> -> memref<3040xf32, #tpu.memory_space<vmem>>
        tpu.vector_store_idx %scatter3A_739[%add3A_736], %get3A_733 : memref<3040xf32, #tpu.memory_space<vmem>>[vector<16xi32>], vector<16xf32>,
        %get3A_740 = arith.constant 5 : i32
        %get3A_741 = arith.constant 0 : i32
        %get3A_742 = arith.constant 0 : i32
        %get3A_743 = tpu.memref_slice %arg5[%scan3A_384, %get3A_741, %get3A_742] : memref<2x10x5776xf32, #tpu.memory_space<vmem>> -> memref<1x10x5776xf32, #tpu.memory_space<vmem>>
        %get3A_744 = tpu.memref_squeeze %get3A_743 : memref<1x10x5776xf32, #tpu.memory_space<vmem>> -> memref<10x5776xf32, #tpu.memory_space<vmem>>
        %get3A_745 = arith.index_cast %get3A_740 : i32 to index
        %get3A_746 = arith.index_cast %add3A_630 : i32 to index
        %get3A_747 = tpu.vector_load %get3A_744[%get3A_745, %get3A_746] {strides = array<i32>} : memref<10x5776xf32, #tpu.memory_space<vmem>>, vector<16xf32>,
        %add3A_748 = arith.constant 5 : i32
        %add3A_749 = vector.broadcast %add3A_748 : i32 to vector<16xi32>
        %add3A_750 = arith.addi %add3A_639, %add3A_749 : vector<16xi32>
        %scatter3A_751 = arith.constant 0 : i32
        %scatter3A_752 = tpu.memref_slice %arg6[%rem3A_602, %scatter3A_751] : memref<2x3040xf32, #tpu.memory_space<vmem>> -> memref<1x3040xf32, #tpu.memory_space<vmem>>
        %scatter3A_753 = tpu.memref_squeeze %scatter3A_752 : memref<1x3040xf32, #tpu.memory_space<vmem>> -> memref<3040xf32, #tpu.memory_space<vmem>>
        tpu.vector_store_idx %scatter3A_753[%add3A_750], %get3A_747 : memref<3040xf32, #tpu.memory_space<vmem>>[vector<16xi32>], vector<16xf32>,
        %get3A_754 = arith.constant 6 : i32
        %get3A_755 = arith.constant 0 : i32
        %get3A_756 = arith.constant 0 : i32
        %get3A_757 = tpu.memref_slice %arg5[%scan3A_384, %get3A_755, %get3A_756] : memref<2x10x5776xf32, #tpu.memory_space<vmem>> -> memref<1x10x5776xf32, #tpu.memory_space<vmem>>
        %get3A_758 = tpu.memref_squeeze %get3A_757 : memref<1x10x5776xf32, #tpu.memory_space<vmem>> -> memref<10x5776xf32, #tpu.memory_space<vmem>>
        %get3A_759 = arith.index_cast %get3A_754 : i32 to index
        %get3A_760 = arith.index_cast %add3A_630 : i32 to index
        %get3A_761 = tpu.vector_load %get3A_758[%get3A_759, %get3A_760] {strides = array<i32>} : memref<10x5776xf32, #tpu.memory_space<vmem>>, vector<16xf32>,
        %neg3A_762 = arith.constant 0.000000e+00 : f32
        %neg3A_763 = vector.broadcast %neg3A_762 : f32 to vector<16xf32>
        %neg3A_764 = arith.subf %neg3A_763, %get3A_761 : vector<16xf32>
        %exp3A_765 = math.exp %neg3A_764 : vector<16xf32>
        %add3A_766 = arith.constant 1.000000e+00 : f32
        %add3A_767 = vector.broadcast %add3A_766 : f32 to vector<16xf32>
        %add3A_768 = arith.addf %add3A_767, %exp3A_765 : vector<16xf32>
        %div3A_769 = arith.constant 1.000000e+00 : f32
        %div3A_770 = vector.broadcast %div3A_769 : f32 to vector<16xf32>
        %div3A_771 = arith.divf %div3A_770, %add3A_768 : vector<16xf32>
        %add3A_772 = arith.constant 6 : i32
        %add3A_773 = vector.broadcast %add3A_772 : i32 to vector<16xi32>
        %add3A_774 = arith.addi %add3A_639, %add3A_773 : vector<16xi32>
        %scatter3A_775 = arith.constant 0 : i32
        %scatter3A_776 = tpu.memref_slice %arg6[%rem3A_602, %scatter3A_775] : memref<2x3040xf32, #tpu.memory_space<vmem>> -> memref<1x3040xf32, #tpu.memory_space<vmem>>
        %scatter3A_777 = tpu.memref_squeeze %scatter3A_776 : memref<1x3040xf32, #tpu.memory_space<vmem>> -> memref<3040xf32, #tpu.memory_space<vmem>>
        tpu.vector_store_idx %scatter3A_777[%add3A_774], %div3A_771 : memref<3040xf32, #tpu.memory_space<vmem>>[vector<16xi32>], vector<16xf32>,
        %get3A_778 = arith.constant 7 : i32
        %get3A_779 = arith.constant 0 : i32
        %get3A_780 = arith.constant 0 : i32
        %get3A_781 = tpu.memref_slice %arg5[%scan3A_384, %get3A_779, %get3A_780] : memref<2x10x5776xf32, #tpu.memory_space<vmem>> -> memref<1x10x5776xf32, #tpu.memory_space<vmem>>
        %get3A_782 = tpu.memref_squeeze %get3A_781 : memref<1x10x5776xf32, #tpu.memory_space<vmem>> -> memref<10x5776xf32, #tpu.memory_space<vmem>>
        %get3A_783 = arith.index_cast %get3A_778 : i32 to index
        %get3A_784 = arith.index_cast %add3A_630 : i32 to index
        %get3A_785 = tpu.vector_load %get3A_782[%get3A_783, %get3A_784] {strides = array<i32>} : memref<10x5776xf32, #tpu.memory_space<vmem>>, vector<16xf32>,
        %neg3A_786 = arith.constant 0.000000e+00 : f32
        %neg3A_787 = vector.broadcast %neg3A_786 : f32 to vector<16xf32>
        %neg3A_788 = arith.subf %neg3A_787, %get3A_785 : vector<16xf32>
        %exp3A_789 = math.exp %neg3A_788 : vector<16xf32>
        %add3A_790 = arith.constant 1.000000e+00 : f32
        %add3A_791 = vector.broadcast %add3A_790 : f32 to vector<16xf32>
        %add3A_792 = arith.addf %add3A_791, %exp3A_789 : vector<16xf32>
        %div3A_793 = arith.constant 1.000000e+00 : f32
        %div3A_794 = vector.broadcast %div3A_793 : f32 to vector<16xf32>
        %div3A_795 = arith.divf %div3A_794, %add3A_792 : vector<16xf32>
        %add3A_796 = arith.constant 7 : i32
        %add3A_797 = vector.broadcast %add3A_796 : i32 to vector<16xi32>
        %add3A_798 = arith.addi %add3A_639, %add3A_797 : vector<16xi32>
        %scatter3A_799 = arith.constant 0 : i32
        %scatter3A_800 = tpu.memref_slice %arg6[%rem3A_602, %scatter3A_799] : memref<2x3040xf32, #tpu.memory_space<vmem>> -> memref<1x3040xf32, #tpu.memory_space<vmem>>
        %scatter3A_801 = tpu.memref_squeeze %scatter3A_800 : memref<1x3040xf32, #tpu.memory_space<vmem>> -> memref<3040xf32, #tpu.memory_space<vmem>>
        tpu.vector_store_idx %scatter3A_801[%add3A_798], %div3A_795 : memref<3040xf32, #tpu.memory_space<vmem>>[vector<16xi32>], vector<16xf32>,
        %get3A_802 = arith.constant 8 : i32
        %get3A_803 = arith.constant 0 : i32
        %get3A_804 = arith.constant 0 : i32
        %get3A_805 = tpu.memref_slice %arg5[%scan3A_384, %get3A_803, %get3A_804] : memref<2x10x5776xf32, #tpu.memory_space<vmem>> -> memref<1x10x5776xf32, #tpu.memory_space<vmem>>
        %get3A_806 = tpu.memref_squeeze %get3A_805 : memref<1x10x5776xf32, #tpu.memory_space<vmem>> -> memref<10x5776xf32, #tpu.memory_space<vmem>>
        %get3A_807 = arith.index_cast %get3A_802 : i32 to index
        %get3A_808 = arith.index_cast %add3A_630 : i32 to index
        %get3A_809 = tpu.vector_load %get3A_806[%get3A_807, %get3A_808] {strides = array<i32>} : memref<10x5776xf32, #tpu.memory_space<vmem>>, vector<16xf32>,
        %neg3A_810 = arith.constant 0.000000e+00 : f32
        %neg3A_811 = vector.broadcast %neg3A_810 : f32 to vector<16xf32>
        %neg3A_812 = arith.subf %neg3A_811, %get3A_809 : vector<16xf32>
        %exp3A_813 = math.exp %neg3A_812 : vector<16xf32>
        %add3A_814 = arith.constant 1.000000e+00 : f32
        %add3A_815 = vector.broadcast %add3A_814 : f32 to vector<16xf32>
        %add3A_816 = arith.addf %add3A_815, %exp3A_813 : vector<16xf32>
        %div3A_817 = arith.constant 1.000000e+00 : f32
        %div3A_818 = vector.broadcast %div3A_817 : f32 to vector<16xf32>
        %div3A_819 = arith.divf %div3A_818, %add3A_816 : vector<16xf32>
        %add3A_820 = arith.constant 8 : i32
        %add3A_821 = vector.broadcast %add3A_820 : i32 to vector<16xi32>
        %add3A_822 = arith.addi %add3A_639, %add3A_821 : vector<16xi32>
        %scatter3A_823 = arith.constant 0 : i32
        %scatter3A_824 = tpu.memref_slice %arg6[%rem3A_602, %scatter3A_823] : memref<2x3040xf32, #tpu.memory_space<vmem>> -> memref<1x3040xf32, #tpu.memory_space<vmem>>
        %scatter3A_825 = tpu.memref_squeeze %scatter3A_824 : memref<1x3040xf32, #tpu.memory_space<vmem>> -> memref<3040xf32, #tpu.memory_space<vmem>>
        tpu.vector_store_idx %scatter3A_825[%add3A_822], %div3A_819 : memref<3040xf32, #tpu.memory_space<vmem>>[vector<16xi32>], vector<16xf32>,
        %get3A_826 = arith.constant 9 : i32
        %get3A_827 = arith.constant 0 : i32
        %get3A_828 = arith.constant 0 : i32
        %get3A_829 = tpu.memref_slice %arg5[%scan3A_384, %get3A_827, %get3A_828] : memref<2x10x5776xf32, #tpu.memory_space<vmem>> -> memref<1x10x5776xf32, #tpu.memory_space<vmem>>
        %get3A_830 = tpu.memref_squeeze %get3A_829 : memref<1x10x5776xf32, #tpu.memory_space<vmem>> -> memref<10x5776xf32, #tpu.memory_space<vmem>>
        %get3A_831 = arith.index_cast %get3A_826 : i32 to index
        %get3A_832 = arith.index_cast %add3A_630 : i32 to index
        %get3A_833 = tpu.vector_load %get3A_830[%get3A_831, %get3A_832] {strides = array<i32>} : memref<10x5776xf32, #tpu.memory_space<vmem>>, vector<16xf32>,
        %neg3A_834 = arith.constant 0.000000e+00 : f32
        %neg3A_835 = vector.broadcast %neg3A_834 : f32 to vector<16xf32>
        %neg3A_836 = arith.subf %neg3A_835, %get3A_833 : vector<16xf32>
        %exp3A_837 = math.exp %neg3A_836 : vector<16xf32>
        %add3A_838 = arith.constant 1.000000e+00 : f32
        %add3A_839 = vector.broadcast %add3A_838 : f32 to vector<16xf32>
        %add3A_840 = arith.addf %add3A_839, %exp3A_837 : vector<16xf32>
        %div3A_841 = arith.constant 1.000000e+00 : f32
        %div3A_842 = vector.broadcast %div3A_841 : f32 to vector<16xf32>
        %div3A_843 = arith.divf %div3A_842, %add3A_840 : vector<16xf32>
        %add3A_844 = arith.constant 9 : i32
        %add3A_845 = vector.broadcast %add3A_844 : i32 to vector<16xi32>
        %add3A_846 = arith.addi %add3A_639, %add3A_845 : vector<16xi32>
        %scatter3A_847 = arith.constant 0 : i32
        %scatter3A_848 = tpu.memref_slice %arg6[%rem3A_602, %scatter3A_847] : memref<2x3040xf32, #tpu.memory_space<vmem>> -> memref<1x3040xf32, #tpu.memory_space<vmem>>
        %scatter3A_849 = tpu.memref_squeeze %scatter3A_848 : memref<1x3040xf32, #tpu.memory_space<vmem>> -> memref<3040xf32, #tpu.memory_space<vmem>>
        tpu.vector_store_idx %scatter3A_849[%add3A_846], %div3A_843 : memref<3040xf32, #tpu.memory_space<vmem>>[vector<16xi32>], vector<16xf32>,
      }
      %scan3A_610 = arith.constant 19 : i32
      %mul3A_611 = arith.constant 3040 : i32
      %mul3A_612 = arith.muli %scan3A_600, %mul3A_611 : i32
      %dma_start3A_613 = arith.constant 0 : i32
      %dma_start3A_614 = tpu.memref_slice %arg6[%rem3A_602, %dma_start3A_613] : memref<2x3040xf32, #tpu.memory_space<vmem>> -> memref<1x3040xf32, #tpu.memory_space<vmem>>
      %dma_start3A_615 = tpu.memref_squeeze %dma_start3A_614 : memref<1x3040xf32, #tpu.memory_space<vmem>> -> memref<3040xf32, #tpu.memory_space<vmem>>
      %dma_start3A_616 = tpu.memref_slice %arg4[%add3A_323, %mul3A_612] : memref<192x57760xf32, #tpu.memory_space<hbm>> -> memref<1x3040xf32, #tpu.memory_space<hbm>>
      %dma_start3A_617 = tpu.memref_squeeze %dma_start3A_616 : memref<1x3040xf32, #tpu.memory_space<hbm>> -> memref<3040xf32, #tpu.memory_space<hbm>>
      %dma_start3A_618 = tpu.memref_slice %arg9[%rem3A_602] : memref<2x!tpu.dma_semaphore, #tpu.memory_space<semaphore_mem>> -> memref<1x!tpu.dma_semaphore, #tpu.memory_space<semaphore_mem>>
      %dma_start3A_619 = tpu.memref_squeeze %dma_start3A_618 : memref<1x!tpu.dma_semaphore, #tpu.memory_space<semaphore_mem>> -> memref<!tpu.dma_semaphore, #tpu.memory_space<semaphore_mem>>
      %dma_start3A_620 = tpu.memref_slice %arg4[%add3A_323, %mul3A_612] : memref<192x57760xf32, #tpu.memory_space<hbm>> -> memref<1x3040xf32, #tpu.memory_space<hbm>>
      %dma_start3A_621 = tpu.memref_squeeze %dma_start3A_620 : memref<1x3040xf32, #tpu.memory_space<hbm>> -> memref<3040xf32, #tpu.memory_space<hbm>>
      %dma_start3A_622 = arith.constant 0 : i32
      %dma_start3A_623 = tpu.memref_slice %arg6[%rem3A_602, %dma_start3A_622] : memref<2x3040xf32, #tpu.memory_space<vmem>> -> memref<1x3040xf32, #tpu.memory_space<vmem>>
      %dma_start3A_624 = tpu.memref_squeeze %dma_start3A_623 : memref<1x3040xf32, #tpu.memory_space<vmem>> -> memref<3040xf32, #tpu.memory_space<vmem>>
      tpu.enqueue_dma source(%dma_start3A_624 : memref<3040xf32, #tpu.memory_space<vmem>>) target(%dma_start3A_621 : memref<3040xf32, #tpu.memory_space<hbm>>) target_semaphore(%dma_start3A_619 : memref<!tpu.dma_semaphore, #tpu.memory_space<semaphore_mem>>)
    }
    %scan3A_389 = arith.constant 19 : i32
    %dma_wait3A_390 = arith.constant 1 : i32
    %dma_wait3A_391 = arith.constant 1 : i32
    %dma_wait3A_392 = arith.constant 0 : i32
    %dma_wait3A_393 = tpu.memref_slice %arg6[%dma_wait3A_390, %dma_wait3A_392] : memref<2x3040xf32, #tpu.memory_space<vmem>> -> memref<1x3040xf32, #tpu.memory_space<vmem>>
    %dma_wait3A_394 = tpu.memref_squeeze %dma_wait3A_393 : memref<1x3040xf32, #tpu.memory_space<vmem>> -> memref<3040xf32, #tpu.memory_space<vmem>>
    %dma_wait3A_395 = arith.constant 51680 : i32
    %dma_wait3A_396 = tpu.memref_slice %arg4[%add3A_323, %dma_wait3A_395] : memref<192x57760xf32, #tpu.memory_space<hbm>> -> memref<1x3040xf32, #tpu.memory_space<hbm>>
    %dma_wait3A_397 = tpu.memref_squeeze %dma_wait3A_396 : memref<1x3040xf32, #tpu.memory_space<hbm>> -> memref<3040xf32, #tpu.memory_space<hbm>>
    %dma_wait3A_398 = tpu.memref_slice %arg9[%dma_wait3A_391] : memref<2x!tpu.dma_semaphore, #tpu.memory_space<semaphore_mem>> -> memref<1x!tpu.dma_semaphore, #tpu.memory_space<semaphore_mem>>
    %dma_wait3A_399 = tpu.memref_squeeze %dma_wait3A_398 : memref<1x!tpu.dma_semaphore, #tpu.memory_space<semaphore_mem>> -> memref<!tpu.dma_semaphore, #tpu.memory_space<semaphore_mem>>
    %dma_wait3A_400 = arith.constant 51680 : i32
    %dma_wait3A_401 = tpu.memref_slice %arg4[%add3A_323, %dma_wait3A_400] : memref<192x57760xf32, #tpu.memory_space<hbm>> -> memref<1x3040xf32, #tpu.memory_space<hbm>>
    %dma_wait3A_402 = tpu.memref_squeeze %dma_wait3A_401 : memref<1x3040xf32, #tpu.memory_space<hbm>> -> memref<3040xf32, #tpu.memory_space<hbm>>
    %dma_wait3A_403 = arith.constant 0 : i32
    %dma_wait3A_404 = tpu.memref_slice %arg6[%dma_wait3A_390, %dma_wait3A_403] : memref<2x3040xf32, #tpu.memory_space<vmem>> -> memref<1x3040xf32, #tpu.memory_space<vmem>>
    %dma_wait3A_405 = tpu.memref_squeeze %dma_wait3A_404 : memref<1x3040xf32, #tpu.memory_space<vmem>> -> memref<3040xf32, #tpu.memory_space<vmem>>
    tpu.wait_dma2 semaphore(%dma_wait3A_399 : memref<!tpu.dma_semaphore, #tpu.memory_space<semaphore_mem>>) src(%dma_wait3A_405 : memref<3040xf32, #tpu.memory_space<vmem>>) dst(%dma_wait3A_402 : memref<3040xf32, #tpu.memory_space<hbm>>)
    %dma_wait3A_406 = arith.constant 0 : i32
    %dma_wait3A_407 = arith.constant 0 : i32
    %dma_wait3A_408 = arith.constant 0 : i32
    %dma_wait3A_409 = tpu.memref_slice %arg6[%dma_wait3A_406, %dma_wait3A_408] : memref<2x3040xf32, #tpu.memory_space<vmem>> -> memref<1x3040xf32, #tpu.memory_space<vmem>>
    %dma_wait3A_410 = tpu.memref_squeeze %dma_wait3A_409 : memref<1x3040xf32, #tpu.memory_space<vmem>> -> memref<3040xf32, #tpu.memory_space<vmem>>
    %dma_wait3A_411 = arith.constant 54720 : i32
    %dma_wait3A_412 = tpu.memref_slice %arg4[%add3A_323, %dma_wait3A_411] : memref<192x57760xf32, #tpu.memory_space<hbm>> -> memref<1x3040xf32, #tpu.memory_space<hbm>>
    %dma_wait3A_413 = tpu.memref_squeeze %dma_wait3A_412 : memref<1x3040xf32, #tpu.memory_space<hbm>> -> memref<3040xf32, #tpu.memory_space<hbm>>
    %dma_wait3A_414 = tpu.memref_slice %arg9[%dma_wait3A_407] : memref<2x!tpu.dma_semaphore, #tpu.memory_space<semaphore_mem>> -> memref<1x!tpu.dma_semaphore, #tpu.memory_space<semaphore_mem>>
    %dma_wait3A_415 = tpu.memref_squeeze %dma_wait3A_414 : memref<1x!tpu.dma_semaphore, #tpu.memory_space<semaphore_mem>> -> memref<!tpu.dma_semaphore, #tpu.memory_space<semaphore_mem>>
    %dma_wait3A_416 = arith.constant 54720 : i32
    %dma_wait3A_417 = tpu.memref_slice %arg4[%add3A_323, %dma_wait3A_416] : memref<192x57760xf32, #tpu.memory_space<hbm>> -> memref<1x3040xf32, #tpu.memory_space<hbm>>
    %dma_wait3A_418 = tpu.memref_squeeze %dma_wait3A_417 : memref<1x3040xf32, #tpu.memory_space<hbm>> -> memref<3040xf32, #tpu.memory_space<hbm>>
    %dma_wait3A_419 = arith.constant 0 : i32
    %dma_wait3A_420 = tpu.memref_slice %arg6[%dma_wait3A_406, %dma_wait3A_419] : memref<2x3040xf32, #tpu.memory_space<vmem>> -> memref<1x3040xf32, #tpu.memory_space<vmem>>
    %dma_wait3A_421 = tpu.memref_squeeze %dma_wait3A_420 : memref<1x3040xf32, #tpu.memory_space<vmem>> -> memref<3040xf32, #tpu.memory_space<vmem>>
    tpu.wait_dma2 semaphore(%dma_wait3A_415 : memref<!tpu.dma_semaphore, #tpu.memory_space<semaphore_mem>>) src(%dma_wait3A_421 : memref<3040xf32, #tpu.memory_space<vmem>>) dst(%dma_wait3A_418 : memref<3040xf32, #tpu.memory_space<hbm>>)
    %add3A_422 = arith.constant 4 : i32
    %add3A_423 = arith.addi %mul3A_6, %add3A_422 : i32
    %rem3A_424 = arith.constant 3 : i32
    %rem3A_425 = arith.remsi %add3A_423, %rem3A_424 : i32
    %dma_wait3A_426 = arith.constant 0 : i32
    %dma_wait3A_427 = arith.constant 0 : i32
    %dma_wait3A_428 = arith.constant 0 : i32
    %dma_wait3A_429 = arith.constant 0 : i32
    %dma_wait3A_430 = tpu.memref_slice %arg5[%dma_wait3A_426, %dma_wait3A_428, %dma_wait3A_429] : memref<2x10x5776xf32, #tpu.memory_space<vmem>> -> memref<1x10x5776xf32, #tpu.memory_space<vmem>>
    %dma_wait3A_431 = tpu.memref_squeeze %dma_wait3A_430 : memref<1x10x5776xf32, #tpu.memory_space<vmem>> -> memref<10x5776xf32, #tpu.memory_space<vmem>>
    %dma_wait3A_432 = arith.constant 0 : i32
    %dma_wait3A_433 = arith.constant 0 : i32
    %dma_wait3A_434 = tpu.memref_slice %arg2[%add3A_423, %dma_wait3A_432, %dma_wait3A_433] : memref<192x10x5776xf32, #tpu.memory_space<hbm>> -> memref<1x10x5776xf32, #tpu.memory_space<hbm>>
    %dma_wait3A_435 = tpu.memref_squeeze %dma_wait3A_434 : memref<1x10x5776xf32, #tpu.memory_space<hbm>> -> memref<10x5776xf32, #tpu.memory_space<hbm>>
    %dma_wait3A_436 = tpu.memref_slice %arg8[%dma_wait3A_427] : memref<2x!tpu.dma_semaphore, #tpu.memory_space<semaphore_mem>> -> memref<1x!tpu.dma_semaphore, #tpu.memory_space<semaphore_mem>>
    %dma_wait3A_437 = tpu.memref_squeeze %dma_wait3A_436 : memref<1x!tpu.dma_semaphore, #tpu.memory_space<semaphore_mem>> -> memref<!tpu.dma_semaphore, #tpu.memory_space<semaphore_mem>>
    %dma_wait3A_438 = arith.constant 0 : i32
    %dma_wait3A_439 = arith.constant 0 : i32
    %dma_wait3A_440 = tpu.memref_slice %arg5[%dma_wait3A_426, %dma_wait3A_438, %dma_wait3A_439] : memref<2x10x5776xf32, #tpu.memory_space<vmem>> -> memref<1x10x5776xf32, #tpu.memory_space<vmem>>
    %dma_wait3A_441 = tpu.memref_squeeze %dma_wait3A_440 : memref<1x10x5776xf32, #tpu.memory_space<vmem>> -> memref<10x5776xf32, #tpu.memory_space<vmem>>
    %dma_wait3A_442 = arith.constant 0 : i32
    %dma_wait3A_443 = arith.constant 0 : i32
    %dma_wait3A_444 = tpu.memref_slice %arg2[%add3A_423, %dma_wait3A_442, %dma_wait3A_443] : memref<192x10x5776xf32, #tpu.memory_space<hbm>> -> memref<1x10x5776xf32, #tpu.memory_space<hbm>>
    %dma_wait3A_445 = tpu.memref_squeeze %dma_wait3A_444 : memref<1x10x5776xf32, #tpu.memory_space<hbm>> -> memref<10x5776xf32, #tpu.memory_space<hbm>>
    tpu.wait_dma2 semaphore(%dma_wait3A_437 : memref<!tpu.dma_semaphore, #tpu.memory_space<semaphore_mem>>) src(%dma_wait3A_445 : memref<10x5776xf32, #tpu.memory_space<hbm>>) dst(%dma_wait3A_441 : memref<10x5776xf32, #tpu.memory_space<vmem>>)
    %add3A_446 = arith.constant 1 : i32
    %add3A_447 = arith.addi %add3A_423, %add3A_446 : i32
    %dma_start3A_448 = arith.constant 1 : i32
    %dma_start3A_449 = arith.constant 1 : i32
    %dma_start3A_450 = arith.constant 0 : i32
    %dma_start3A_451 = arith.constant 0 : i32
    %dma_start3A_452 = tpu.memref_slice %arg5[%dma_start3A_448, %dma_start3A_450, %dma_start3A_451] : memref<2x10x5776xf32, #tpu.memory_space<vmem>> -> memref<1x10x5776xf32, #tpu.memory_space<vmem>>
    %dma_start3A_453 = tpu.memref_squeeze %dma_start3A_452 : memref<1x10x5776xf32, #tpu.memory_space<vmem>> -> memref<10x5776xf32, #tpu.memory_space<vmem>>
    %dma_start3A_454 = arith.constant 0 : i32
    %dma_start3A_455 = arith.constant 0 : i32
    %dma_start3A_456 = tpu.memref_slice %arg2[%add3A_447, %dma_start3A_454, %dma_start3A_455] : memref<192x10x5776xf32, #tpu.memory_space<hbm>> -> memref<1x10x5776xf32, #tpu.memory_space<hbm>>
    %dma_start3A_457 = tpu.memref_squeeze %dma_start3A_456 : memref<1x10x5776xf32, #tpu.memory_space<hbm>> -> memref<10x5776xf32, #tpu.memory_space<hbm>>
    %dma_start3A_458 = tpu.memref_slice %arg8[%dma_start3A_449] : memref<2x!tpu.dma_semaphore, #tpu.memory_space<semaphore_mem>> -> memref<1x!tpu.dma_semaphore, #tpu.memory_space<semaphore_mem>>
    %dma_start3A_459 = tpu.memref_squeeze %dma_start3A_458 : memref<1x!tpu.dma_semaphore, #tpu.memory_space<semaphore_mem>> -> memref<!tpu.dma_semaphore, #tpu.memory_space<semaphore_mem>>
    %dma_start3A_460 = arith.constant 0 : i32
    %dma_start3A_461 = arith.constant 0 : i32
    %dma_start3A_462 = tpu.memref_slice %arg5[%dma_start3A_448, %dma_start3A_460, %dma_start3A_461] : memref<2x10x5776xf32, #tpu.memory_space<vmem>> -> memref<1x10x5776xf32, #tpu.memory_space<vmem>>
    %dma_start3A_463 = tpu.memref_squeeze %dma_start3A_462 : memref<1x10x5776xf32, #tpu.memory_space<vmem>> -> memref<10x5776xf32, #tpu.memory_space<vmem>>
    %dma_start3A_464 = arith.constant 0 : i32
    %dma_start3A_465 = arith.constant 0 : i32
    %dma_start3A_466 = tpu.memref_slice %arg2[%add3A_447, %dma_start3A_464, %dma_start3A_465] : memref<192x10x5776xf32, #tpu.memory_space<hbm>> -> memref<1x10x5776xf32, #tpu.memory_space<hbm>>
    %dma_start3A_467 = tpu.memref_squeeze %dma_start3A_466 : memref<1x10x5776xf32, #tpu.memory_space<hbm>> -> memref<10x5776xf32, #tpu.memory_space<hbm>>
    tpu.enqueue_dma source(%dma_start3A_467 : memref<10x5776xf32, #tpu.memory_space<hbm>>) target(%dma_start3A_463 : memref<10x5776xf32, #tpu.memory_space<vmem>>) target_semaphore(%dma_start3A_459 : memref<!tpu.dma_semaphore, #tpu.memory_space<semaphore_mem>>)
    %get3A_468 = arith.constant 0 : i32
    %get3A_469 = arith.index_cast %rem3A_425 : i32 to index
    %get3A_470 = arith.index_cast %get3A_468 : i32 to index
    %get3A_471 = arith.constant 0 : index
    %get3A_472 = tpu.vector_load %arg7[%get3A_469, %get3A_470, %get3A_471] {strides = array<i32>} : memref<3x3x16xf32, #tpu.memory_space<vmem>>, vector<16xf32>,
    %get3A_473 = arith.constant 1 : i32
    %get3A_474 = arith.index_cast %rem3A_425 : i32 to index
    %get3A_475 = arith.index_cast %get3A_473 : i32 to index
    %get3A_476 = arith.constant 0 : index
    %get3A_477 = tpu.vector_load %arg7[%get3A_474, %get3A_475, %get3A_476] {strides = array<i32>} : memref<3x3x16xf32, #tpu.memory_space<vmem>>, vector<16xf32>,
    %get3A_478 = arith.constant 2 : i32
    %get3A_479 = arith.index_cast %rem3A_425 : i32 to index
    %get3A_480 = arith.index_cast %get3A_478 : i32 to index
    %get3A_481 = arith.constant 0 : index
    %get3A_482 = tpu.vector_load %arg7[%get3A_479, %get3A_480, %get3A_481] {strides = array<i32>} : memref<3x3x16xf32, #tpu.memory_space<vmem>>, vector<16xf32>,
    %scan3A_483 = arith.constant 0 : i32
    %scan3A_484 = arith.constant 0 : i32
    %scan3A_485 = arith.constant 0 : i32
    %scan3A_486 = arith.constant 19 : i32
    %scan3A_487 = arith.addi %scan3A_485, %scan3A_486 : i32
    %scan3A_488 = arith.constant 1 : i32
    scf.for %scan3A_600 = %scan3A_485 to %scan3A_487 step %scan3A_488  : i32 {
      %rem3A_601 = arith.constant 2 : i32
      %rem3A_602 = arith.remsi %scan3A_600, %rem3A_601 : i32
      %ge3A = arith.constant 2 : i32
      %ge3A_603 = arith.cmpi sge, %scan3A_600, %ge3A : i32
      %convert_element_type3A = arith.extui %ge3A_603 : i1 to i32
      %cond3A = arith.constant 0 : i32
      %cond3A_604 = arith.cmpi ne, %convert_element_type3A, %cond3A : i32
      scf.if %cond3A_604 {
        %sub3A = arith.constant 2 : i32
        %sub3A_625 = arith.subi %scan3A_600, %sub3A : i32
        %mul3A_626 = arith.constant 3040 : i32
        %mul3A_627 = arith.muli %sub3A_625, %mul3A_626 : i32
        %dma_wait3A_628 = arith.constant 0 : i32
        %dma_wait3A_629 = tpu.memref_slice %arg6[%rem3A_602, %dma_wait3A_628] : memref<2x3040xf32, #tpu.memory_space<vmem>> -> memref<1x3040xf32, #tpu.memory_space<vmem>>
        %dma_wait3A_630 = tpu.memref_squeeze %dma_wait3A_629 : memref<1x3040xf32, #tpu.memory_space<vmem>> -> memref<3040xf32, #tpu.memory_space<vmem>>
        %dma_wait3A_631 = tpu.memref_slice %arg4[%add3A_423, %mul3A_627] : memref<192x57760xf32, #tpu.memory_space<hbm>> -> memref<1x3040xf32, #tpu.memory_space<hbm>>
        %dma_wait3A_632 = tpu.memref_squeeze %dma_wait3A_631 : memref<1x3040xf32, #tpu.memory_space<hbm>> -> memref<3040xf32, #tpu.memory_space<hbm>>
        %dma_wait3A_633 = tpu.memref_slice %arg9[%rem3A_602] : memref<2x!tpu.dma_semaphore, #tpu.memory_space<semaphore_mem>> -> memref<1x!tpu.dma_semaphore, #tpu.memory_space<semaphore_mem>>
        %dma_wait3A_634 = tpu.memref_squeeze %dma_wait3A_633 : memref<1x!tpu.dma_semaphore, #tpu.memory_space<semaphore_mem>> -> memref<!tpu.dma_semaphore, #tpu.memory_space<semaphore_mem>>
        %dma_wait3A_635 = tpu.memref_slice %arg4[%add3A_423, %mul3A_627] : memref<192x57760xf32, #tpu.memory_space<hbm>> -> memref<1x3040xf32, #tpu.memory_space<hbm>>
        %dma_wait3A_636 = tpu.memref_squeeze %dma_wait3A_635 : memref<1x3040xf32, #tpu.memory_space<hbm>> -> memref<3040xf32, #tpu.memory_space<hbm>>
        %dma_wait3A_637 = arith.constant 0 : i32
        %dma_wait3A_638 = tpu.memref_slice %arg6[%rem3A_602, %dma_wait3A_637] : memref<2x3040xf32, #tpu.memory_space<vmem>> -> memref<1x3040xf32, #tpu.memory_space<vmem>>
        %dma_wait3A_639 = tpu.memref_squeeze %dma_wait3A_638 : memref<1x3040xf32, #tpu.memory_space<vmem>> -> memref<3040xf32, #tpu.memory_space<vmem>>
        tpu.wait_dma2 semaphore(%dma_wait3A_634 : memref<!tpu.dma_semaphore, #tpu.memory_space<semaphore_mem>>) src(%dma_wait3A_639 : memref<3040xf32, #tpu.memory_space<vmem>>) dst(%dma_wait3A_636 : memref<3040xf32, #tpu.memory_space<hbm>>)
      } else {
      }
      %scan3A_605 = arith.constant 0 : i32
      %scan3A_606 = arith.constant 0 : i32
      %scan3A_607 = arith.constant 19 : i32
      %scan3A_608 = arith.addi %scan3A_606, %scan3A_607 : i32
      %scan3A_609 = arith.constant 1 : i32
      scf.for %scan3A_625 = %scan3A_606 to %scan3A_608 step %scan3A_609  : i32 {
        %mul3A_626 = arith.constant 304 : i32
        %mul3A_627 = arith.muli %scan3A_600, %mul3A_626 : i32
        %mul3A_628 = arith.constant 16 : i32
        %mul3A_629 = arith.muli %scan3A_625, %mul3A_628 : i32
        %add3A_630 = arith.addi %mul3A_627, %mul3A_629 : i32
        %add3A_631 = vector.broadcast %add3A_630 : i32 to vector<16xi32>
        %add3A_632 = arith.addi %add3A_631, %iota3A : vector<16xi32>
        %rem3A_633 = arith.remsi %add3A_632, %broadcast_in_dim3A_4 : vector<16xi32>
        %convert_element_type3A_634 = arith.sitofp %rem3A_633 : vector<16xi32> to vector<16xf32>
        %div3A = arith.divsi %add3A_632, %broadcast_in_dim3A_4 : vector<16xi32>
        %convert_element_type3A_635 = arith.sitofp %div3A : vector<16xi32> to vector<16xf32>
        %mul3A_636 = arith.constant 160 : i32
        %mul3A_637 = arith.muli %scan3A_625, %mul3A_636 : i32
        %add3A_638 = vector.broadcast %mul3A_637 : i32 to vector<16xi32>
        %add3A_639 = arith.addi %mul3A_3, %add3A_638 : vector<16xi32>
        %get3A_640 = arith.constant 0 : i32
        %get3A_641 = arith.constant 0 : i32
        %get3A_642 = arith.constant 0 : i32
        %get3A_643 = tpu.memref_slice %arg5[%scan3A_484, %get3A_641, %get3A_642] : memref<2x10x5776xf32, #tpu.memory_space<vmem>> -> memref<1x10x5776xf32, #tpu.memory_space<vmem>>
        %get3A_644 = tpu.memref_squeeze %get3A_643 : memref<1x10x5776xf32, #tpu.memory_space<vmem>> -> memref<10x5776xf32, #tpu.memory_space<vmem>>
        %get3A_645 = arith.index_cast %get3A_640 : i32 to index
        %get3A_646 = arith.index_cast %add3A_630 : i32 to index
        %get3A_647 = tpu.vector_load %get3A_644[%get3A_645, %get3A_646] {strides = array<i32>} : memref<10x5776xf32, #tpu.memory_space<vmem>>, vector<16xf32>,
        %neg3A = arith.constant 0.000000e+00 : f32
        %neg3A_648 = vector.broadcast %neg3A : f32 to vector<16xf32>
        %neg3A_649 = arith.subf %neg3A_648, %get3A_647 : vector<16xf32>
        %exp3A = math.exp %neg3A_649 : vector<16xf32>
        %add3A_650 = arith.constant 1.000000e+00 : f32
        %add3A_651 = vector.broadcast %add3A_650 : f32 to vector<16xf32>
        %add3A_652 = arith.addf %add3A_651, %exp3A : vector<16xf32>
        %div3A_653 = arith.constant 1.000000e+00 : f32
        %div3A_654 = vector.broadcast %div3A_653 : f32 to vector<16xf32>
        %div3A_655 = arith.divf %div3A_654, %add3A_652 : vector<16xf32>
        %add3A_656 = arith.addf %div3A_655, %convert_element_type3A_634 : vector<16xf32>
        %mul3A_657 = arith.mulf %add3A_656, %get3A_472 : vector<16xf32>
        %add3A_658 = arith.constant 0 : i32
        %add3A_659 = vector.broadcast %add3A_658 : i32 to vector<16xi32>
        %add3A_660 = arith.addi %add3A_639, %add3A_659 : vector<16xi32>
        %scatter3A = arith.constant 0 : i32
        %scatter3A_661 = tpu.memref_slice %arg6[%rem3A_602, %scatter3A] : memref<2x3040xf32, #tpu.memory_space<vmem>> -> memref<1x3040xf32, #tpu.memory_space<vmem>>
        %scatter3A_662 = tpu.memref_squeeze %scatter3A_661 : memref<1x3040xf32, #tpu.memory_space<vmem>> -> memref<3040xf32, #tpu.memory_space<vmem>>
        tpu.vector_store_idx %scatter3A_662[%add3A_660], %mul3A_657 : memref<3040xf32, #tpu.memory_space<vmem>>[vector<16xi32>], vector<16xf32>,
        %get3A_663 = arith.constant 1 : i32
        %get3A_664 = arith.constant 0 : i32
        %get3A_665 = arith.constant 0 : i32
        %get3A_666 = tpu.memref_slice %arg5[%scan3A_484, %get3A_664, %get3A_665] : memref<2x10x5776xf32, #tpu.memory_space<vmem>> -> memref<1x10x5776xf32, #tpu.memory_space<vmem>>
        %get3A_667 = tpu.memref_squeeze %get3A_666 : memref<1x10x5776xf32, #tpu.memory_space<vmem>> -> memref<10x5776xf32, #tpu.memory_space<vmem>>
        %get3A_668 = arith.index_cast %get3A_663 : i32 to index
        %get3A_669 = arith.index_cast %add3A_630 : i32 to index
        %get3A_670 = tpu.vector_load %get3A_667[%get3A_668, %get3A_669] {strides = array<i32>} : memref<10x5776xf32, #tpu.memory_space<vmem>>, vector<16xf32>,
        %neg3A_671 = arith.constant 0.000000e+00 : f32
        %neg3A_672 = vector.broadcast %neg3A_671 : f32 to vector<16xf32>
        %neg3A_673 = arith.subf %neg3A_672, %get3A_670 : vector<16xf32>
        %exp3A_674 = math.exp %neg3A_673 : vector<16xf32>
        %add3A_675 = arith.constant 1.000000e+00 : f32
        %add3A_676 = vector.broadcast %add3A_675 : f32 to vector<16xf32>
        %add3A_677 = arith.addf %add3A_676, %exp3A_674 : vector<16xf32>
        %div3A_678 = arith.constant 1.000000e+00 : f32
        %div3A_679 = vector.broadcast %div3A_678 : f32 to vector<16xf32>
        %div3A_680 = arith.divf %div3A_679, %add3A_677 : vector<16xf32>
        %add3A_681 = arith.addf %div3A_680, %convert_element_type3A_635 : vector<16xf32>
        %mul3A_682 = arith.mulf %add3A_681, %get3A_472 : vector<16xf32>
        %add3A_683 = arith.constant 1 : i32
        %add3A_684 = vector.broadcast %add3A_683 : i32 to vector<16xi32>
        %add3A_685 = arith.addi %add3A_639, %add3A_684 : vector<16xi32>
        %scatter3A_686 = arith.constant 0 : i32
        %scatter3A_687 = tpu.memref_slice %arg6[%rem3A_602, %scatter3A_686] : memref<2x3040xf32, #tpu.memory_space<vmem>> -> memref<1x3040xf32, #tpu.memory_space<vmem>>
        %scatter3A_688 = tpu.memref_squeeze %scatter3A_687 : memref<1x3040xf32, #tpu.memory_space<vmem>> -> memref<3040xf32, #tpu.memory_space<vmem>>
        tpu.vector_store_idx %scatter3A_688[%add3A_685], %mul3A_682 : memref<3040xf32, #tpu.memory_space<vmem>>[vector<16xi32>], vector<16xf32>,
        %get3A_689 = arith.constant 2 : i32
        %get3A_690 = arith.constant 0 : i32
        %get3A_691 = arith.constant 0 : i32
        %get3A_692 = tpu.memref_slice %arg5[%scan3A_484, %get3A_690, %get3A_691] : memref<2x10x5776xf32, #tpu.memory_space<vmem>> -> memref<1x10x5776xf32, #tpu.memory_space<vmem>>
        %get3A_693 = tpu.memref_squeeze %get3A_692 : memref<1x10x5776xf32, #tpu.memory_space<vmem>> -> memref<10x5776xf32, #tpu.memory_space<vmem>>
        %get3A_694 = arith.index_cast %get3A_689 : i32 to index
        %get3A_695 = arith.index_cast %add3A_630 : i32 to index
        %get3A_696 = tpu.vector_load %get3A_693[%get3A_694, %get3A_695] {strides = array<i32>} : memref<10x5776xf32, #tpu.memory_space<vmem>>, vector<16xf32>,
        %exp3A_697 = math.exp %get3A_696 : vector<16xf32>
        %min3A = arith.constant 1.000000e+03 : f32
        %min3A_698 = vector.broadcast %min3A : f32 to vector<16xf32>
        %min3A_699 = arith.minimumf %exp3A_697, %min3A_698 : vector<16xf32>
        %mul3A_700 = arith.mulf %min3A_699, %get3A_477 : vector<16xf32>
        %add3A_701 = arith.constant 2 : i32
        %add3A_702 = vector.broadcast %add3A_701 : i32 to vector<16xi32>
        %add3A_703 = arith.addi %add3A_639, %add3A_702 : vector<16xi32>
        %scatter3A_704 = arith.constant 0 : i32
        %scatter3A_705 = tpu.memref_slice %arg6[%rem3A_602, %scatter3A_704] : memref<2x3040xf32, #tpu.memory_space<vmem>> -> memref<1x3040xf32, #tpu.memory_space<vmem>>
        %scatter3A_706 = tpu.memref_squeeze %scatter3A_705 : memref<1x3040xf32, #tpu.memory_space<vmem>> -> memref<3040xf32, #tpu.memory_space<vmem>>
        tpu.vector_store_idx %scatter3A_706[%add3A_703], %mul3A_700 : memref<3040xf32, #tpu.memory_space<vmem>>[vector<16xi32>], vector<16xf32>,
        %get3A_707 = arith.constant 3 : i32
        %get3A_708 = arith.constant 0 : i32
        %get3A_709 = arith.constant 0 : i32
        %get3A_710 = tpu.memref_slice %arg5[%scan3A_484, %get3A_708, %get3A_709] : memref<2x10x5776xf32, #tpu.memory_space<vmem>> -> memref<1x10x5776xf32, #tpu.memory_space<vmem>>
        %get3A_711 = tpu.memref_squeeze %get3A_710 : memref<1x10x5776xf32, #tpu.memory_space<vmem>> -> memref<10x5776xf32, #tpu.memory_space<vmem>>
        %get3A_712 = arith.index_cast %get3A_707 : i32 to index
        %get3A_713 = arith.index_cast %add3A_630 : i32 to index
        %get3A_714 = tpu.vector_load %get3A_711[%get3A_712, %get3A_713] {strides = array<i32>} : memref<10x5776xf32, #tpu.memory_space<vmem>>, vector<16xf32>,
        %exp3A_715 = math.exp %get3A_714 : vector<16xf32>
        %min3A_716 = arith.constant 1.000000e+03 : f32
        %min3A_717 = vector.broadcast %min3A_716 : f32 to vector<16xf32>
        %min3A_718 = arith.minimumf %exp3A_715, %min3A_717 : vector<16xf32>
        %mul3A_719 = arith.mulf %min3A_718, %get3A_482 : vector<16xf32>
        %add3A_720 = arith.constant 3 : i32
        %add3A_721 = vector.broadcast %add3A_720 : i32 to vector<16xi32>
        %add3A_722 = arith.addi %add3A_639, %add3A_721 : vector<16xi32>
        %scatter3A_723 = arith.constant 0 : i32
        %scatter3A_724 = tpu.memref_slice %arg6[%rem3A_602, %scatter3A_723] : memref<2x3040xf32, #tpu.memory_space<vmem>> -> memref<1x3040xf32, #tpu.memory_space<vmem>>
        %scatter3A_725 = tpu.memref_squeeze %scatter3A_724 : memref<1x3040xf32, #tpu.memory_space<vmem>> -> memref<3040xf32, #tpu.memory_space<vmem>>
        tpu.vector_store_idx %scatter3A_725[%add3A_722], %mul3A_719 : memref<3040xf32, #tpu.memory_space<vmem>>[vector<16xi32>], vector<16xf32>,
        %get3A_726 = arith.constant 4 : i32
        %get3A_727 = arith.constant 0 : i32
        %get3A_728 = arith.constant 0 : i32
        %get3A_729 = tpu.memref_slice %arg5[%scan3A_484, %get3A_727, %get3A_728] : memref<2x10x5776xf32, #tpu.memory_space<vmem>> -> memref<1x10x5776xf32, #tpu.memory_space<vmem>>
        %get3A_730 = tpu.memref_squeeze %get3A_729 : memref<1x10x5776xf32, #tpu.memory_space<vmem>> -> memref<10x5776xf32, #tpu.memory_space<vmem>>
        %get3A_731 = arith.index_cast %get3A_726 : i32 to index
        %get3A_732 = arith.index_cast %add3A_630 : i32 to index
        %get3A_733 = tpu.vector_load %get3A_730[%get3A_731, %get3A_732] {strides = array<i32>} : memref<10x5776xf32, #tpu.memory_space<vmem>>, vector<16xf32>,
        %add3A_734 = arith.constant 4 : i32
        %add3A_735 = vector.broadcast %add3A_734 : i32 to vector<16xi32>
        %add3A_736 = arith.addi %add3A_639, %add3A_735 : vector<16xi32>
        %scatter3A_737 = arith.constant 0 : i32
        %scatter3A_738 = tpu.memref_slice %arg6[%rem3A_602, %scatter3A_737] : memref<2x3040xf32, #tpu.memory_space<vmem>> -> memref<1x3040xf32, #tpu.memory_space<vmem>>
        %scatter3A_739 = tpu.memref_squeeze %scatter3A_738 : memref<1x3040xf32, #tpu.memory_space<vmem>> -> memref<3040xf32, #tpu.memory_space<vmem>>
        tpu.vector_store_idx %scatter3A_739[%add3A_736], %get3A_733 : memref<3040xf32, #tpu.memory_space<vmem>>[vector<16xi32>], vector<16xf32>,
        %get3A_740 = arith.constant 5 : i32
        %get3A_741 = arith.constant 0 : i32
        %get3A_742 = arith.constant 0 : i32
        %get3A_743 = tpu.memref_slice %arg5[%scan3A_484, %get3A_741, %get3A_742] : memref<2x10x5776xf32, #tpu.memory_space<vmem>> -> memref<1x10x5776xf32, #tpu.memory_space<vmem>>
        %get3A_744 = tpu.memref_squeeze %get3A_743 : memref<1x10x5776xf32, #tpu.memory_space<vmem>> -> memref<10x5776xf32, #tpu.memory_space<vmem>>
        %get3A_745 = arith.index_cast %get3A_740 : i32 to index
        %get3A_746 = arith.index_cast %add3A_630 : i32 to index
        %get3A_747 = tpu.vector_load %get3A_744[%get3A_745, %get3A_746] {strides = array<i32>} : memref<10x5776xf32, #tpu.memory_space<vmem>>, vector<16xf32>,
        %add3A_748 = arith.constant 5 : i32
        %add3A_749 = vector.broadcast %add3A_748 : i32 to vector<16xi32>
        %add3A_750 = arith.addi %add3A_639, %add3A_749 : vector<16xi32>
        %scatter3A_751 = arith.constant 0 : i32
        %scatter3A_752 = tpu.memref_slice %arg6[%rem3A_602, %scatter3A_751] : memref<2x3040xf32, #tpu.memory_space<vmem>> -> memref<1x3040xf32, #tpu.memory_space<vmem>>
        %scatter3A_753 = tpu.memref_squeeze %scatter3A_752 : memref<1x3040xf32, #tpu.memory_space<vmem>> -> memref<3040xf32, #tpu.memory_space<vmem>>
        tpu.vector_store_idx %scatter3A_753[%add3A_750], %get3A_747 : memref<3040xf32, #tpu.memory_space<vmem>>[vector<16xi32>], vector<16xf32>,
        %get3A_754 = arith.constant 6 : i32
        %get3A_755 = arith.constant 0 : i32
        %get3A_756 = arith.constant 0 : i32
        %get3A_757 = tpu.memref_slice %arg5[%scan3A_484, %get3A_755, %get3A_756] : memref<2x10x5776xf32, #tpu.memory_space<vmem>> -> memref<1x10x5776xf32, #tpu.memory_space<vmem>>
        %get3A_758 = tpu.memref_squeeze %get3A_757 : memref<1x10x5776xf32, #tpu.memory_space<vmem>> -> memref<10x5776xf32, #tpu.memory_space<vmem>>
        %get3A_759 = arith.index_cast %get3A_754 : i32 to index
        %get3A_760 = arith.index_cast %add3A_630 : i32 to index
        %get3A_761 = tpu.vector_load %get3A_758[%get3A_759, %get3A_760] {strides = array<i32>} : memref<10x5776xf32, #tpu.memory_space<vmem>>, vector<16xf32>,
        %neg3A_762 = arith.constant 0.000000e+00 : f32
        %neg3A_763 = vector.broadcast %neg3A_762 : f32 to vector<16xf32>
        %neg3A_764 = arith.subf %neg3A_763, %get3A_761 : vector<16xf32>
        %exp3A_765 = math.exp %neg3A_764 : vector<16xf32>
        %add3A_766 = arith.constant 1.000000e+00 : f32
        %add3A_767 = vector.broadcast %add3A_766 : f32 to vector<16xf32>
        %add3A_768 = arith.addf %add3A_767, %exp3A_765 : vector<16xf32>
        %div3A_769 = arith.constant 1.000000e+00 : f32
        %div3A_770 = vector.broadcast %div3A_769 : f32 to vector<16xf32>
        %div3A_771 = arith.divf %div3A_770, %add3A_768 : vector<16xf32>
        %add3A_772 = arith.constant 6 : i32
        %add3A_773 = vector.broadcast %add3A_772 : i32 to vector<16xi32>
        %add3A_774 = arith.addi %add3A_639, %add3A_773 : vector<16xi32>
        %scatter3A_775 = arith.constant 0 : i32
        %scatter3A_776 = tpu.memref_slice %arg6[%rem3A_602, %scatter3A_775] : memref<2x3040xf32, #tpu.memory_space<vmem>> -> memref<1x3040xf32, #tpu.memory_space<vmem>>
        %scatter3A_777 = tpu.memref_squeeze %scatter3A_776 : memref<1x3040xf32, #tpu.memory_space<vmem>> -> memref<3040xf32, #tpu.memory_space<vmem>>
        tpu.vector_store_idx %scatter3A_777[%add3A_774], %div3A_771 : memref<3040xf32, #tpu.memory_space<vmem>>[vector<16xi32>], vector<16xf32>,
        %get3A_778 = arith.constant 7 : i32
        %get3A_779 = arith.constant 0 : i32
        %get3A_780 = arith.constant 0 : i32
        %get3A_781 = tpu.memref_slice %arg5[%scan3A_484, %get3A_779, %get3A_780] : memref<2x10x5776xf32, #tpu.memory_space<vmem>> -> memref<1x10x5776xf32, #tpu.memory_space<vmem>>
        %get3A_782 = tpu.memref_squeeze %get3A_781 : memref<1x10x5776xf32, #tpu.memory_space<vmem>> -> memref<10x5776xf32, #tpu.memory_space<vmem>>
        %get3A_783 = arith.index_cast %get3A_778 : i32 to index
        %get3A_784 = arith.index_cast %add3A_630 : i32 to index
        %get3A_785 = tpu.vector_load %get3A_782[%get3A_783, %get3A_784] {strides = array<i32>} : memref<10x5776xf32, #tpu.memory_space<vmem>>, vector<16xf32>,
        %neg3A_786 = arith.constant 0.000000e+00 : f32
        %neg3A_787 = vector.broadcast %neg3A_786 : f32 to vector<16xf32>
        %neg3A_788 = arith.subf %neg3A_787, %get3A_785 : vector<16xf32>
        %exp3A_789 = math.exp %neg3A_788 : vector<16xf32>
        %add3A_790 = arith.constant 1.000000e+00 : f32
        %add3A_791 = vector.broadcast %add3A_790 : f32 to vector<16xf32>
        %add3A_792 = arith.addf %add3A_791, %exp3A_789 : vector<16xf32>
        %div3A_793 = arith.constant 1.000000e+00 : f32
        %div3A_794 = vector.broadcast %div3A_793 : f32 to vector<16xf32>
        %div3A_795 = arith.divf %div3A_794, %add3A_792 : vector<16xf32>
        %add3A_796 = arith.constant 7 : i32
        %add3A_797 = vector.broadcast %add3A_796 : i32 to vector<16xi32>
        %add3A_798 = arith.addi %add3A_639, %add3A_797 : vector<16xi32>
        %scatter3A_799 = arith.constant 0 : i32
        %scatter3A_800 = tpu.memref_slice %arg6[%rem3A_602, %scatter3A_799] : memref<2x3040xf32, #tpu.memory_space<vmem>> -> memref<1x3040xf32, #tpu.memory_space<vmem>>
        %scatter3A_801 = tpu.memref_squeeze %scatter3A_800 : memref<1x3040xf32, #tpu.memory_space<vmem>> -> memref<3040xf32, #tpu.memory_space<vmem>>
        tpu.vector_store_idx %scatter3A_801[%add3A_798], %div3A_795 : memref<3040xf32, #tpu.memory_space<vmem>>[vector<16xi32>], vector<16xf32>,
        %get3A_802 = arith.constant 8 : i32
        %get3A_803 = arith.constant 0 : i32
        %get3A_804 = arith.constant 0 : i32
        %get3A_805 = tpu.memref_slice %arg5[%scan3A_484, %get3A_803, %get3A_804] : memref<2x10x5776xf32, #tpu.memory_space<vmem>> -> memref<1x10x5776xf32, #tpu.memory_space<vmem>>
        %get3A_806 = tpu.memref_squeeze %get3A_805 : memref<1x10x5776xf32, #tpu.memory_space<vmem>> -> memref<10x5776xf32, #tpu.memory_space<vmem>>
        %get3A_807 = arith.index_cast %get3A_802 : i32 to index
        %get3A_808 = arith.index_cast %add3A_630 : i32 to index
        %get3A_809 = tpu.vector_load %get3A_806[%get3A_807, %get3A_808] {strides = array<i32>} : memref<10x5776xf32, #tpu.memory_space<vmem>>, vector<16xf32>,
        %neg3A_810 = arith.constant 0.000000e+00 : f32
        %neg3A_811 = vector.broadcast %neg3A_810 : f32 to vector<16xf32>
        %neg3A_812 = arith.subf %neg3A_811, %get3A_809 : vector<16xf32>
        %exp3A_813 = math.exp %neg3A_812 : vector<16xf32>
        %add3A_814 = arith.constant 1.000000e+00 : f32
        %add3A_815 = vector.broadcast %add3A_814 : f32 to vector<16xf32>
        %add3A_816 = arith.addf %add3A_815, %exp3A_813 : vector<16xf32>
        %div3A_817 = arith.constant 1.000000e+00 : f32
        %div3A_818 = vector.broadcast %div3A_817 : f32 to vector<16xf32>
        %div3A_819 = arith.divf %div3A_818, %add3A_816 : vector<16xf32>
        %add3A_820 = arith.constant 8 : i32
        %add3A_821 = vector.broadcast %add3A_820 : i32 to vector<16xi32>
        %add3A_822 = arith.addi %add3A_639, %add3A_821 : vector<16xi32>
        %scatter3A_823 = arith.constant 0 : i32
        %scatter3A_824 = tpu.memref_slice %arg6[%rem3A_602, %scatter3A_823] : memref<2x3040xf32, #tpu.memory_space<vmem>> -> memref<1x3040xf32, #tpu.memory_space<vmem>>
        %scatter3A_825 = tpu.memref_squeeze %scatter3A_824 : memref<1x3040xf32, #tpu.memory_space<vmem>> -> memref<3040xf32, #tpu.memory_space<vmem>>
        tpu.vector_store_idx %scatter3A_825[%add3A_822], %div3A_819 : memref<3040xf32, #tpu.memory_space<vmem>>[vector<16xi32>], vector<16xf32>,
        %get3A_826 = arith.constant 9 : i32
        %get3A_827 = arith.constant 0 : i32
        %get3A_828 = arith.constant 0 : i32
        %get3A_829 = tpu.memref_slice %arg5[%scan3A_484, %get3A_827, %get3A_828] : memref<2x10x5776xf32, #tpu.memory_space<vmem>> -> memref<1x10x5776xf32, #tpu.memory_space<vmem>>
        %get3A_830 = tpu.memref_squeeze %get3A_829 : memref<1x10x5776xf32, #tpu.memory_space<vmem>> -> memref<10x5776xf32, #tpu.memory_space<vmem>>
        %get3A_831 = arith.index_cast %get3A_826 : i32 to index
        %get3A_832 = arith.index_cast %add3A_630 : i32 to index
        %get3A_833 = tpu.vector_load %get3A_830[%get3A_831, %get3A_832] {strides = array<i32>} : memref<10x5776xf32, #tpu.memory_space<vmem>>, vector<16xf32>,
        %neg3A_834 = arith.constant 0.000000e+00 : f32
        %neg3A_835 = vector.broadcast %neg3A_834 : f32 to vector<16xf32>
        %neg3A_836 = arith.subf %neg3A_835, %get3A_833 : vector<16xf32>
        %exp3A_837 = math.exp %neg3A_836 : vector<16xf32>
        %add3A_838 = arith.constant 1.000000e+00 : f32
        %add3A_839 = vector.broadcast %add3A_838 : f32 to vector<16xf32>
        %add3A_840 = arith.addf %add3A_839, %exp3A_837 : vector<16xf32>
        %div3A_841 = arith.constant 1.000000e+00 : f32
        %div3A_842 = vector.broadcast %div3A_841 : f32 to vector<16xf32>
        %div3A_843 = arith.divf %div3A_842, %add3A_840 : vector<16xf32>
        %add3A_844 = arith.constant 9 : i32
        %add3A_845 = vector.broadcast %add3A_844 : i32 to vector<16xi32>
        %add3A_846 = arith.addi %add3A_639, %add3A_845 : vector<16xi32>
        %scatter3A_847 = arith.constant 0 : i32
        %scatter3A_848 = tpu.memref_slice %arg6[%rem3A_602, %scatter3A_847] : memref<2x3040xf32, #tpu.memory_space<vmem>> -> memref<1x3040xf32, #tpu.memory_space<vmem>>
        %scatter3A_849 = tpu.memref_squeeze %scatter3A_848 : memref<1x3040xf32, #tpu.memory_space<vmem>> -> memref<3040xf32, #tpu.memory_space<vmem>>
        tpu.vector_store_idx %scatter3A_849[%add3A_846], %div3A_843 : memref<3040xf32, #tpu.memory_space<vmem>>[vector<16xi32>], vector<16xf32>,
      }
      %scan3A_610 = arith.constant 19 : i32
      %mul3A_611 = arith.constant 3040 : i32
      %mul3A_612 = arith.muli %scan3A_600, %mul3A_611 : i32
      %dma_start3A_613 = arith.constant 0 : i32
      %dma_start3A_614 = tpu.memref_slice %arg6[%rem3A_602, %dma_start3A_613] : memref<2x3040xf32, #tpu.memory_space<vmem>> -> memref<1x3040xf32, #tpu.memory_space<vmem>>
      %dma_start3A_615 = tpu.memref_squeeze %dma_start3A_614 : memref<1x3040xf32, #tpu.memory_space<vmem>> -> memref<3040xf32, #tpu.memory_space<vmem>>
      %dma_start3A_616 = tpu.memref_slice %arg4[%add3A_423, %mul3A_612] : memref<192x57760xf32, #tpu.memory_space<hbm>> -> memref<1x3040xf32, #tpu.memory_space<hbm>>
      %dma_start3A_617 = tpu.memref_squeeze %dma_start3A_616 : memref<1x3040xf32, #tpu.memory_space<hbm>> -> memref<3040xf32, #tpu.memory_space<hbm>>
      %dma_start3A_618 = tpu.memref_slice %arg9[%rem3A_602] : memref<2x!tpu.dma_semaphore, #tpu.memory_space<semaphore_mem>> -> memref<1x!tpu.dma_semaphore, #tpu.memory_space<semaphore_mem>>
      %dma_start3A_619 = tpu.memref_squeeze %dma_start3A_618 : memref<1x!tpu.dma_semaphore, #tpu.memory_space<semaphore_mem>> -> memref<!tpu.dma_semaphore, #tpu.memory_space<semaphore_mem>>
      %dma_start3A_620 = tpu.memref_slice %arg4[%add3A_423, %mul3A_612] : memref<192x57760xf32, #tpu.memory_space<hbm>> -> memref<1x3040xf32, #tpu.memory_space<hbm>>
      %dma_start3A_621 = tpu.memref_squeeze %dma_start3A_620 : memref<1x3040xf32, #tpu.memory_space<hbm>> -> memref<3040xf32, #tpu.memory_space<hbm>>
      %dma_start3A_622 = arith.constant 0 : i32
      %dma_start3A_623 = tpu.memref_slice %arg6[%rem3A_602, %dma_start3A_622] : memref<2x3040xf32, #tpu.memory_space<vmem>> -> memref<1x3040xf32, #tpu.memory_space<vmem>>
      %dma_start3A_624 = tpu.memref_squeeze %dma_start3A_623 : memref<1x3040xf32, #tpu.memory_space<vmem>> -> memref<3040xf32, #tpu.memory_space<vmem>>
      tpu.enqueue_dma source(%dma_start3A_624 : memref<3040xf32, #tpu.memory_space<vmem>>) target(%dma_start3A_621 : memref<3040xf32, #tpu.memory_space<hbm>>) target_semaphore(%dma_start3A_619 : memref<!tpu.dma_semaphore, #tpu.memory_space<semaphore_mem>>)
    }
    %scan3A_489 = arith.constant 19 : i32
    %dma_wait3A_490 = arith.constant 1 : i32
    %dma_wait3A_491 = arith.constant 1 : i32
    %dma_wait3A_492 = arith.constant 0 : i32
    %dma_wait3A_493 = tpu.memref_slice %arg6[%dma_wait3A_490, %dma_wait3A_492] : memref<2x3040xf32, #tpu.memory_space<vmem>> -> memref<1x3040xf32, #tpu.memory_space<vmem>>
    %dma_wait3A_494 = tpu.memref_squeeze %dma_wait3A_493 : memref<1x3040xf32, #tpu.memory_space<vmem>> -> memref<3040xf32, #tpu.memory_space<vmem>>
    %dma_wait3A_495 = arith.constant 51680 : i32
    %dma_wait3A_496 = tpu.memref_slice %arg4[%add3A_423, %dma_wait3A_495] : memref<192x57760xf32, #tpu.memory_space<hbm>> -> memref<1x3040xf32, #tpu.memory_space<hbm>>
    %dma_wait3A_497 = tpu.memref_squeeze %dma_wait3A_496 : memref<1x3040xf32, #tpu.memory_space<hbm>> -> memref<3040xf32, #tpu.memory_space<hbm>>
    %dma_wait3A_498 = tpu.memref_slice %arg9[%dma_wait3A_491] : memref<2x!tpu.dma_semaphore, #tpu.memory_space<semaphore_mem>> -> memref<1x!tpu.dma_semaphore, #tpu.memory_space<semaphore_mem>>
    %dma_wait3A_499 = tpu.memref_squeeze %dma_wait3A_498 : memref<1x!tpu.dma_semaphore, #tpu.memory_space<semaphore_mem>> -> memref<!tpu.dma_semaphore, #tpu.memory_space<semaphore_mem>>
    %dma_wait3A_500 = arith.constant 51680 : i32
    %dma_wait3A_501 = tpu.memref_slice %arg4[%add3A_423, %dma_wait3A_500] : memref<192x57760xf32, #tpu.memory_space<hbm>> -> memref<1x3040xf32, #tpu.memory_space<hbm>>
    %dma_wait3A_502 = tpu.memref_squeeze %dma_wait3A_501 : memref<1x3040xf32, #tpu.memory_space<hbm>> -> memref<3040xf32, #tpu.memory_space<hbm>>
    %dma_wait3A_503 = arith.constant 0 : i32
    %dma_wait3A_504 = tpu.memref_slice %arg6[%dma_wait3A_490, %dma_wait3A_503] : memref<2x3040xf32, #tpu.memory_space<vmem>> -> memref<1x3040xf32, #tpu.memory_space<vmem>>
    %dma_wait3A_505 = tpu.memref_squeeze %dma_wait3A_504 : memref<1x3040xf32, #tpu.memory_space<vmem>> -> memref<3040xf32, #tpu.memory_space<vmem>>
    tpu.wait_dma2 semaphore(%dma_wait3A_499 : memref<!tpu.dma_semaphore, #tpu.memory_space<semaphore_mem>>) src(%dma_wait3A_505 : memref<3040xf32, #tpu.memory_space<vmem>>) dst(%dma_wait3A_502 : memref<3040xf32, #tpu.memory_space<hbm>>)
    %dma_wait3A_506 = arith.constant 0 : i32
    %dma_wait3A_507 = arith.constant 0 : i32
    %dma_wait3A_508 = arith.constant 0 : i32
    %dma_wait3A_509 = tpu.memref_slice %arg6[%dma_wait3A_506, %dma_wait3A_508] : memref<2x3040xf32, #tpu.memory_space<vmem>> -> memref<1x3040xf32, #tpu.memory_space<vmem>>
    %dma_wait3A_510 = tpu.memref_squeeze %dma_wait3A_509 : memref<1x3040xf32, #tpu.memory_space<vmem>> -> memref<3040xf32, #tpu.memory_space<vmem>>
    %dma_wait3A_511 = arith.constant 54720 : i32
    %dma_wait3A_512 = tpu.memref_slice %arg4[%add3A_423, %dma_wait3A_511] : memref<192x57760xf32, #tpu.memory_space<hbm>> -> memref<1x3040xf32, #tpu.memory_space<hbm>>
    %dma_wait3A_513 = tpu.memref_squeeze %dma_wait3A_512 : memref<1x3040xf32, #tpu.memory_space<hbm>> -> memref<3040xf32, #tpu.memory_space<hbm>>
    %dma_wait3A_514 = tpu.memref_slice %arg9[%dma_wait3A_507] : memref<2x!tpu.dma_semaphore, #tpu.memory_space<semaphore_mem>> -> memref<1x!tpu.dma_semaphore, #tpu.memory_space<semaphore_mem>>
    %dma_wait3A_515 = tpu.memref_squeeze %dma_wait3A_514 : memref<1x!tpu.dma_semaphore, #tpu.memory_space<semaphore_mem>> -> memref<!tpu.dma_semaphore, #tpu.memory_space<semaphore_mem>>
    %dma_wait3A_516 = arith.constant 54720 : i32
    %dma_wait3A_517 = tpu.memref_slice %arg4[%add3A_423, %dma_wait3A_516] : memref<192x57760xf32, #tpu.memory_space<hbm>> -> memref<1x3040xf32, #tpu.memory_space<hbm>>
    %dma_wait3A_518 = tpu.memref_squeeze %dma_wait3A_517 : memref<1x3040xf32, #tpu.memory_space<hbm>> -> memref<3040xf32, #tpu.memory_space<hbm>>
    %dma_wait3A_519 = arith.constant 0 : i32
    %dma_wait3A_520 = tpu.memref_slice %arg6[%dma_wait3A_506, %dma_wait3A_519] : memref<2x3040xf32, #tpu.memory_space<vmem>> -> memref<1x3040xf32, #tpu.memory_space<vmem>>
    %dma_wait3A_521 = tpu.memref_squeeze %dma_wait3A_520 : memref<1x3040xf32, #tpu.memory_space<vmem>> -> memref<3040xf32, #tpu.memory_space<vmem>>
    tpu.wait_dma2 semaphore(%dma_wait3A_515 : memref<!tpu.dma_semaphore, #tpu.memory_space<semaphore_mem>>) src(%dma_wait3A_521 : memref<3040xf32, #tpu.memory_space<vmem>>) dst(%dma_wait3A_518 : memref<3040xf32, #tpu.memory_space<hbm>>)
    %add3A_522 = arith.constant 5 : i32
    %add3A_523 = arith.addi %mul3A_6, %add3A_522 : i32
    %rem3A_524 = arith.constant 3 : i32
    %rem3A_525 = arith.remsi %add3A_523, %rem3A_524 : i32
    %dma_wait3A_526 = arith.constant 1 : i32
    %dma_wait3A_527 = arith.constant 1 : i32
    %dma_wait3A_528 = arith.constant 0 : i32
    %dma_wait3A_529 = arith.constant 0 : i32
    %dma_wait3A_530 = tpu.memref_slice %arg5[%dma_wait3A_526, %dma_wait3A_528, %dma_wait3A_529] : memref<2x10x5776xf32, #tpu.memory_space<vmem>> -> memref<1x10x5776xf32, #tpu.memory_space<vmem>>
    %dma_wait3A_531 = tpu.memref_squeeze %dma_wait3A_530 : memref<1x10x5776xf32, #tpu.memory_space<vmem>> -> memref<10x5776xf32, #tpu.memory_space<vmem>>
    %dma_wait3A_532 = arith.constant 0 : i32
    %dma_wait3A_533 = arith.constant 0 : i32
    %dma_wait3A_534 = tpu.memref_slice %arg2[%add3A_523, %dma_wait3A_532, %dma_wait3A_533] : memref<192x10x5776xf32, #tpu.memory_space<hbm>> -> memref<1x10x5776xf32, #tpu.memory_space<hbm>>
    %dma_wait3A_535 = tpu.memref_squeeze %dma_wait3A_534 : memref<1x10x5776xf32, #tpu.memory_space<hbm>> -> memref<10x5776xf32, #tpu.memory_space<hbm>>
    %dma_wait3A_536 = tpu.memref_slice %arg8[%dma_wait3A_527] : memref<2x!tpu.dma_semaphore, #tpu.memory_space<semaphore_mem>> -> memref<1x!tpu.dma_semaphore, #tpu.memory_space<semaphore_mem>>
    %dma_wait3A_537 = tpu.memref_squeeze %dma_wait3A_536 : memref<1x!tpu.dma_semaphore, #tpu.memory_space<semaphore_mem>> -> memref<!tpu.dma_semaphore, #tpu.memory_space<semaphore_mem>>
    %dma_wait3A_538 = arith.constant 0 : i32
    %dma_wait3A_539 = arith.constant 0 : i32
    %dma_wait3A_540 = tpu.memref_slice %arg5[%dma_wait3A_526, %dma_wait3A_538, %dma_wait3A_539] : memref<2x10x5776xf32, #tpu.memory_space<vmem>> -> memref<1x10x5776xf32, #tpu.memory_space<vmem>>
    %dma_wait3A_541 = tpu.memref_squeeze %dma_wait3A_540 : memref<1x10x5776xf32, #tpu.memory_space<vmem>> -> memref<10x5776xf32, #tpu.memory_space<vmem>>
    %dma_wait3A_542 = arith.constant 0 : i32
    %dma_wait3A_543 = arith.constant 0 : i32
    %dma_wait3A_544 = tpu.memref_slice %arg2[%add3A_523, %dma_wait3A_542, %dma_wait3A_543] : memref<192x10x5776xf32, #tpu.memory_space<hbm>> -> memref<1x10x5776xf32, #tpu.memory_space<hbm>>
    %dma_wait3A_545 = tpu.memref_squeeze %dma_wait3A_544 : memref<1x10x5776xf32, #tpu.memory_space<hbm>> -> memref<10x5776xf32, #tpu.memory_space<hbm>>
    tpu.wait_dma2 semaphore(%dma_wait3A_537 : memref<!tpu.dma_semaphore, #tpu.memory_space<semaphore_mem>>) src(%dma_wait3A_545 : memref<10x5776xf32, #tpu.memory_space<hbm>>) dst(%dma_wait3A_541 : memref<10x5776xf32, #tpu.memory_space<vmem>>)
    %get3A_546 = arith.constant 0 : i32
    %get3A_547 = arith.index_cast %rem3A_525 : i32 to index
    %get3A_548 = arith.index_cast %get3A_546 : i32 to index
    %get3A_549 = arith.constant 0 : index
    %get3A_550 = tpu.vector_load %arg7[%get3A_547, %get3A_548, %get3A_549] {strides = array<i32>} : memref<3x3x16xf32, #tpu.memory_space<vmem>>, vector<16xf32>,
    %get3A_551 = arith.constant 1 : i32
    %get3A_552 = arith.index_cast %rem3A_525 : i32 to index
    %get3A_553 = arith.index_cast %get3A_551 : i32 to index
    %get3A_554 = arith.constant 0 : index
    %get3A_555 = tpu.vector_load %arg7[%get3A_552, %get3A_553, %get3A_554] {strides = array<i32>} : memref<3x3x16xf32, #tpu.memory_space<vmem>>, vector<16xf32>,
    %get3A_556 = arith.constant 2 : i32
    %get3A_557 = arith.index_cast %rem3A_525 : i32 to index
    %get3A_558 = arith.index_cast %get3A_556 : i32 to index
    %get3A_559 = arith.constant 0 : index
    %get3A_560 = tpu.vector_load %arg7[%get3A_557, %get3A_558, %get3A_559] {strides = array<i32>} : memref<3x3x16xf32, #tpu.memory_space<vmem>>, vector<16xf32>,
    %scan3A_561 = arith.constant 0 : i32
    %scan3A_562 = arith.constant 1 : i32
    %scan3A_563 = arith.constant 0 : i32
    %scan3A_564 = arith.constant 19 : i32
    %scan3A_565 = arith.addi %scan3A_563, %scan3A_564 : i32
    %scan3A_566 = arith.constant 1 : i32
    scf.for %scan3A_600 = %scan3A_563 to %scan3A_565 step %scan3A_566  : i32 {
      %rem3A_601 = arith.constant 2 : i32
      %rem3A_602 = arith.remsi %scan3A_600, %rem3A_601 : i32
      %ge3A = arith.constant 2 : i32
      %ge3A_603 = arith.cmpi sge, %scan3A_600, %ge3A : i32
      %convert_element_type3A = arith.extui %ge3A_603 : i1 to i32
      %cond3A = arith.constant 0 : i32
      %cond3A_604 = arith.cmpi ne, %convert_element_type3A, %cond3A : i32
      scf.if %cond3A_604 {
        %sub3A = arith.constant 2 : i32
        %sub3A_625 = arith.subi %scan3A_600, %sub3A : i32
        %mul3A_626 = arith.constant 3040 : i32
        %mul3A_627 = arith.muli %sub3A_625, %mul3A_626 : i32
        %dma_wait3A_628 = arith.constant 0 : i32
        %dma_wait3A_629 = tpu.memref_slice %arg6[%rem3A_602, %dma_wait3A_628] : memref<2x3040xf32, #tpu.memory_space<vmem>> -> memref<1x3040xf32, #tpu.memory_space<vmem>>
        %dma_wait3A_630 = tpu.memref_squeeze %dma_wait3A_629 : memref<1x3040xf32, #tpu.memory_space<vmem>> -> memref<3040xf32, #tpu.memory_space<vmem>>
        %dma_wait3A_631 = tpu.memref_slice %arg4[%add3A_523, %mul3A_627] : memref<192x57760xf32, #tpu.memory_space<hbm>> -> memref<1x3040xf32, #tpu.memory_space<hbm>>
        %dma_wait3A_632 = tpu.memref_squeeze %dma_wait3A_631 : memref<1x3040xf32, #tpu.memory_space<hbm>> -> memref<3040xf32, #tpu.memory_space<hbm>>
        %dma_wait3A_633 = tpu.memref_slice %arg9[%rem3A_602] : memref<2x!tpu.dma_semaphore, #tpu.memory_space<semaphore_mem>> -> memref<1x!tpu.dma_semaphore, #tpu.memory_space<semaphore_mem>>
        %dma_wait3A_634 = tpu.memref_squeeze %dma_wait3A_633 : memref<1x!tpu.dma_semaphore, #tpu.memory_space<semaphore_mem>> -> memref<!tpu.dma_semaphore, #tpu.memory_space<semaphore_mem>>
        %dma_wait3A_635 = tpu.memref_slice %arg4[%add3A_523, %mul3A_627] : memref<192x57760xf32, #tpu.memory_space<hbm>> -> memref<1x3040xf32, #tpu.memory_space<hbm>>
        %dma_wait3A_636 = tpu.memref_squeeze %dma_wait3A_635 : memref<1x3040xf32, #tpu.memory_space<hbm>> -> memref<3040xf32, #tpu.memory_space<hbm>>
        %dma_wait3A_637 = arith.constant 0 : i32
        %dma_wait3A_638 = tpu.memref_slice %arg6[%rem3A_602, %dma_wait3A_637] : memref<2x3040xf32, #tpu.memory_space<vmem>> -> memref<1x3040xf32, #tpu.memory_space<vmem>>
        %dma_wait3A_639 = tpu.memref_squeeze %dma_wait3A_638 : memref<1x3040xf32, #tpu.memory_space<vmem>> -> memref<3040xf32, #tpu.memory_space<vmem>>
        tpu.wait_dma2 semaphore(%dma_wait3A_634 : memref<!tpu.dma_semaphore, #tpu.memory_space<semaphore_mem>>) src(%dma_wait3A_639 : memref<3040xf32, #tpu.memory_space<vmem>>) dst(%dma_wait3A_636 : memref<3040xf32, #tpu.memory_space<hbm>>)
      } else {
      }
      %scan3A_605 = arith.constant 0 : i32
      %scan3A_606 = arith.constant 0 : i32
      %scan3A_607 = arith.constant 19 : i32
      %scan3A_608 = arith.addi %scan3A_606, %scan3A_607 : i32
      %scan3A_609 = arith.constant 1 : i32
      scf.for %scan3A_625 = %scan3A_606 to %scan3A_608 step %scan3A_609  : i32 {
        %mul3A_626 = arith.constant 304 : i32
        %mul3A_627 = arith.muli %scan3A_600, %mul3A_626 : i32
        %mul3A_628 = arith.constant 16 : i32
        %mul3A_629 = arith.muli %scan3A_625, %mul3A_628 : i32
        %add3A_630 = arith.addi %mul3A_627, %mul3A_629 : i32
        %add3A_631 = vector.broadcast %add3A_630 : i32 to vector<16xi32>
        %add3A_632 = arith.addi %add3A_631, %iota3A : vector<16xi32>
        %rem3A_633 = arith.remsi %add3A_632, %broadcast_in_dim3A_4 : vector<16xi32>
        %convert_element_type3A_634 = arith.sitofp %rem3A_633 : vector<16xi32> to vector<16xf32>
        %div3A = arith.divsi %add3A_632, %broadcast_in_dim3A_4 : vector<16xi32>
        %convert_element_type3A_635 = arith.sitofp %div3A : vector<16xi32> to vector<16xf32>
        %mul3A_636 = arith.constant 160 : i32
        %mul3A_637 = arith.muli %scan3A_625, %mul3A_636 : i32
        %add3A_638 = vector.broadcast %mul3A_637 : i32 to vector<16xi32>
        %add3A_639 = arith.addi %mul3A_3, %add3A_638 : vector<16xi32>
        %get3A_640 = arith.constant 0 : i32
        %get3A_641 = arith.constant 0 : i32
        %get3A_642 = arith.constant 0 : i32
        %get3A_643 = tpu.memref_slice %arg5[%scan3A_562, %get3A_641, %get3A_642] : memref<2x10x5776xf32, #tpu.memory_space<vmem>> -> memref<1x10x5776xf32, #tpu.memory_space<vmem>>
        %get3A_644 = tpu.memref_squeeze %get3A_643 : memref<1x10x5776xf32, #tpu.memory_space<vmem>> -> memref<10x5776xf32, #tpu.memory_space<vmem>>
        %get3A_645 = arith.index_cast %get3A_640 : i32 to index
        %get3A_646 = arith.index_cast %add3A_630 : i32 to index
        %get3A_647 = tpu.vector_load %get3A_644[%get3A_645, %get3A_646] {strides = array<i32>} : memref<10x5776xf32, #tpu.memory_space<vmem>>, vector<16xf32>,
        %neg3A = arith.constant 0.000000e+00 : f32
        %neg3A_648 = vector.broadcast %neg3A : f32 to vector<16xf32>
        %neg3A_649 = arith.subf %neg3A_648, %get3A_647 : vector<16xf32>
        %exp3A = math.exp %neg3A_649 : vector<16xf32>
        %add3A_650 = arith.constant 1.000000e+00 : f32
        %add3A_651 = vector.broadcast %add3A_650 : f32 to vector<16xf32>
        %add3A_652 = arith.addf %add3A_651, %exp3A : vector<16xf32>
        %div3A_653 = arith.constant 1.000000e+00 : f32
        %div3A_654 = vector.broadcast %div3A_653 : f32 to vector<16xf32>
        %div3A_655 = arith.divf %div3A_654, %add3A_652 : vector<16xf32>
        %add3A_656 = arith.addf %div3A_655, %convert_element_type3A_634 : vector<16xf32>
        %mul3A_657 = arith.mulf %add3A_656, %get3A_550 : vector<16xf32>
        %add3A_658 = arith.constant 0 : i32
        %add3A_659 = vector.broadcast %add3A_658 : i32 to vector<16xi32>
        %add3A_660 = arith.addi %add3A_639, %add3A_659 : vector<16xi32>
        %scatter3A = arith.constant 0 : i32
        %scatter3A_661 = tpu.memref_slice %arg6[%rem3A_602, %scatter3A] : memref<2x3040xf32, #tpu.memory_space<vmem>> -> memref<1x3040xf32, #tpu.memory_space<vmem>>
        %scatter3A_662 = tpu.memref_squeeze %scatter3A_661 : memref<1x3040xf32, #tpu.memory_space<vmem>> -> memref<3040xf32, #tpu.memory_space<vmem>>
        tpu.vector_store_idx %scatter3A_662[%add3A_660], %mul3A_657 : memref<3040xf32, #tpu.memory_space<vmem>>[vector<16xi32>], vector<16xf32>,
        %get3A_663 = arith.constant 1 : i32
        %get3A_664 = arith.constant 0 : i32
        %get3A_665 = arith.constant 0 : i32
        %get3A_666 = tpu.memref_slice %arg5[%scan3A_562, %get3A_664, %get3A_665] : memref<2x10x5776xf32, #tpu.memory_space<vmem>> -> memref<1x10x5776xf32, #tpu.memory_space<vmem>>
        %get3A_667 = tpu.memref_squeeze %get3A_666 : memref<1x10x5776xf32, #tpu.memory_space<vmem>> -> memref<10x5776xf32, #tpu.memory_space<vmem>>
        %get3A_668 = arith.index_cast %get3A_663 : i32 to index
        %get3A_669 = arith.index_cast %add3A_630 : i32 to index
        %get3A_670 = tpu.vector_load %get3A_667[%get3A_668, %get3A_669] {strides = array<i32>} : memref<10x5776xf32, #tpu.memory_space<vmem>>, vector<16xf32>,
        %neg3A_671 = arith.constant 0.000000e+00 : f32
        %neg3A_672 = vector.broadcast %neg3A_671 : f32 to vector<16xf32>
        %neg3A_673 = arith.subf %neg3A_672, %get3A_670 : vector<16xf32>
        %exp3A_674 = math.exp %neg3A_673 : vector<16xf32>
        %add3A_675 = arith.constant 1.000000e+00 : f32
        %add3A_676 = vector.broadcast %add3A_675 : f32 to vector<16xf32>
        %add3A_677 = arith.addf %add3A_676, %exp3A_674 : vector<16xf32>
        %div3A_678 = arith.constant 1.000000e+00 : f32
        %div3A_679 = vector.broadcast %div3A_678 : f32 to vector<16xf32>
        %div3A_680 = arith.divf %div3A_679, %add3A_677 : vector<16xf32>
        %add3A_681 = arith.addf %div3A_680, %convert_element_type3A_635 : vector<16xf32>
        %mul3A_682 = arith.mulf %add3A_681, %get3A_550 : vector<16xf32>
        %add3A_683 = arith.constant 1 : i32
        %add3A_684 = vector.broadcast %add3A_683 : i32 to vector<16xi32>
        %add3A_685 = arith.addi %add3A_639, %add3A_684 : vector<16xi32>
        %scatter3A_686 = arith.constant 0 : i32
        %scatter3A_687 = tpu.memref_slice %arg6[%rem3A_602, %scatter3A_686] : memref<2x3040xf32, #tpu.memory_space<vmem>> -> memref<1x3040xf32, #tpu.memory_space<vmem>>
        %scatter3A_688 = tpu.memref_squeeze %scatter3A_687 : memref<1x3040xf32, #tpu.memory_space<vmem>> -> memref<3040xf32, #tpu.memory_space<vmem>>
        tpu.vector_store_idx %scatter3A_688[%add3A_685], %mul3A_682 : memref<3040xf32, #tpu.memory_space<vmem>>[vector<16xi32>], vector<16xf32>,
        %get3A_689 = arith.constant 2 : i32
        %get3A_690 = arith.constant 0 : i32
        %get3A_691 = arith.constant 0 : i32
        %get3A_692 = tpu.memref_slice %arg5[%scan3A_562, %get3A_690, %get3A_691] : memref<2x10x5776xf32, #tpu.memory_space<vmem>> -> memref<1x10x5776xf32, #tpu.memory_space<vmem>>
        %get3A_693 = tpu.memref_squeeze %get3A_692 : memref<1x10x5776xf32, #tpu.memory_space<vmem>> -> memref<10x5776xf32, #tpu.memory_space<vmem>>
        %get3A_694 = arith.index_cast %get3A_689 : i32 to index
        %get3A_695 = arith.index_cast %add3A_630 : i32 to index
        %get3A_696 = tpu.vector_load %get3A_693[%get3A_694, %get3A_695] {strides = array<i32>} : memref<10x5776xf32, #tpu.memory_space<vmem>>, vector<16xf32>,
        %exp3A_697 = math.exp %get3A_696 : vector<16xf32>
        %min3A = arith.constant 1.000000e+03 : f32
        %min3A_698 = vector.broadcast %min3A : f32 to vector<16xf32>
        %min3A_699 = arith.minimumf %exp3A_697, %min3A_698 : vector<16xf32>
        %mul3A_700 = arith.mulf %min3A_699, %get3A_555 : vector<16xf32>
        %add3A_701 = arith.constant 2 : i32
        %add3A_702 = vector.broadcast %add3A_701 : i32 to vector<16xi32>
        %add3A_703 = arith.addi %add3A_639, %add3A_702 : vector<16xi32>
        %scatter3A_704 = arith.constant 0 : i32
        %scatter3A_705 = tpu.memref_slice %arg6[%rem3A_602, %scatter3A_704] : memref<2x3040xf32, #tpu.memory_space<vmem>> -> memref<1x3040xf32, #tpu.memory_space<vmem>>
        %scatter3A_706 = tpu.memref_squeeze %scatter3A_705 : memref<1x3040xf32, #tpu.memory_space<vmem>> -> memref<3040xf32, #tpu.memory_space<vmem>>
        tpu.vector_store_idx %scatter3A_706[%add3A_703], %mul3A_700 : memref<3040xf32, #tpu.memory_space<vmem>>[vector<16xi32>], vector<16xf32>,
        %get3A_707 = arith.constant 3 : i32
        %get3A_708 = arith.constant 0 : i32
        %get3A_709 = arith.constant 0 : i32
        %get3A_710 = tpu.memref_slice %arg5[%scan3A_562, %get3A_708, %get3A_709] : memref<2x10x5776xf32, #tpu.memory_space<vmem>> -> memref<1x10x5776xf32, #tpu.memory_space<vmem>>
        %get3A_711 = tpu.memref_squeeze %get3A_710 : memref<1x10x5776xf32, #tpu.memory_space<vmem>> -> memref<10x5776xf32, #tpu.memory_space<vmem>>
        %get3A_712 = arith.index_cast %get3A_707 : i32 to index
        %get3A_713 = arith.index_cast %add3A_630 : i32 to index
        %get3A_714 = tpu.vector_load %get3A_711[%get3A_712, %get3A_713] {strides = array<i32>} : memref<10x5776xf32, #tpu.memory_space<vmem>>, vector<16xf32>,
        %exp3A_715 = math.exp %get3A_714 : vector<16xf32>
        %min3A_716 = arith.constant 1.000000e+03 : f32
        %min3A_717 = vector.broadcast %min3A_716 : f32 to vector<16xf32>
        %min3A_718 = arith.minimumf %exp3A_715, %min3A_717 : vector<16xf32>
        %mul3A_719 = arith.mulf %min3A_718, %get3A_560 : vector<16xf32>
        %add3A_720 = arith.constant 3 : i32
        %add3A_721 = vector.broadcast %add3A_720 : i32 to vector<16xi32>
        %add3A_722 = arith.addi %add3A_639, %add3A_721 : vector<16xi32>
        %scatter3A_723 = arith.constant 0 : i32
        %scatter3A_724 = tpu.memref_slice %arg6[%rem3A_602, %scatter3A_723] : memref<2x3040xf32, #tpu.memory_space<vmem>> -> memref<1x3040xf32, #tpu.memory_space<vmem>>
        %scatter3A_725 = tpu.memref_squeeze %scatter3A_724 : memref<1x3040xf32, #tpu.memory_space<vmem>> -> memref<3040xf32, #tpu.memory_space<vmem>>
        tpu.vector_store_idx %scatter3A_725[%add3A_722], %mul3A_719 : memref<3040xf32, #tpu.memory_space<vmem>>[vector<16xi32>], vector<16xf32>,
        %get3A_726 = arith.constant 4 : i32
        %get3A_727 = arith.constant 0 : i32
        %get3A_728 = arith.constant 0 : i32
        %get3A_729 = tpu.memref_slice %arg5[%scan3A_562, %get3A_727, %get3A_728] : memref<2x10x5776xf32, #tpu.memory_space<vmem>> -> memref<1x10x5776xf32, #tpu.memory_space<vmem>>
        %get3A_730 = tpu.memref_squeeze %get3A_729 : memref<1x10x5776xf32, #tpu.memory_space<vmem>> -> memref<10x5776xf32, #tpu.memory_space<vmem>>
        %get3A_731 = arith.index_cast %get3A_726 : i32 to index
        %get3A_732 = arith.index_cast %add3A_630 : i32 to index
        %get3A_733 = tpu.vector_load %get3A_730[%get3A_731, %get3A_732] {strides = array<i32>} : memref<10x5776xf32, #tpu.memory_space<vmem>>, vector<16xf32>,
        %add3A_734 = arith.constant 4 : i32
        %add3A_735 = vector.broadcast %add3A_734 : i32 to vector<16xi32>
        %add3A_736 = arith.addi %add3A_639, %add3A_735 : vector<16xi32>
        %scatter3A_737 = arith.constant 0 : i32
        %scatter3A_738 = tpu.memref_slice %arg6[%rem3A_602, %scatter3A_737] : memref<2x3040xf32, #tpu.memory_space<vmem>> -> memref<1x3040xf32, #tpu.memory_space<vmem>>
        %scatter3A_739 = tpu.memref_squeeze %scatter3A_738 : memref<1x3040xf32, #tpu.memory_space<vmem>> -> memref<3040xf32, #tpu.memory_space<vmem>>
        tpu.vector_store_idx %scatter3A_739[%add3A_736], %get3A_733 : memref<3040xf32, #tpu.memory_space<vmem>>[vector<16xi32>], vector<16xf32>,
        %get3A_740 = arith.constant 5 : i32
        %get3A_741 = arith.constant 0 : i32
        %get3A_742 = arith.constant 0 : i32
        %get3A_743 = tpu.memref_slice %arg5[%scan3A_562, %get3A_741, %get3A_742] : memref<2x10x5776xf32, #tpu.memory_space<vmem>> -> memref<1x10x5776xf32, #tpu.memory_space<vmem>>
        %get3A_744 = tpu.memref_squeeze %get3A_743 : memref<1x10x5776xf32, #tpu.memory_space<vmem>> -> memref<10x5776xf32, #tpu.memory_space<vmem>>
        %get3A_745 = arith.index_cast %get3A_740 : i32 to index
        %get3A_746 = arith.index_cast %add3A_630 : i32 to index
        %get3A_747 = tpu.vector_load %get3A_744[%get3A_745, %get3A_746] {strides = array<i32>} : memref<10x5776xf32, #tpu.memory_space<vmem>>, vector<16xf32>,
        %add3A_748 = arith.constant 5 : i32
        %add3A_749 = vector.broadcast %add3A_748 : i32 to vector<16xi32>
        %add3A_750 = arith.addi %add3A_639, %add3A_749 : vector<16xi32>
        %scatter3A_751 = arith.constant 0 : i32
        %scatter3A_752 = tpu.memref_slice %arg6[%rem3A_602, %scatter3A_751] : memref<2x3040xf32, #tpu.memory_space<vmem>> -> memref<1x3040xf32, #tpu.memory_space<vmem>>
        %scatter3A_753 = tpu.memref_squeeze %scatter3A_752 : memref<1x3040xf32, #tpu.memory_space<vmem>> -> memref<3040xf32, #tpu.memory_space<vmem>>
        tpu.vector_store_idx %scatter3A_753[%add3A_750], %get3A_747 : memref<3040xf32, #tpu.memory_space<vmem>>[vector<16xi32>], vector<16xf32>,
        %get3A_754 = arith.constant 6 : i32
        %get3A_755 = arith.constant 0 : i32
        %get3A_756 = arith.constant 0 : i32
        %get3A_757 = tpu.memref_slice %arg5[%scan3A_562, %get3A_755, %get3A_756] : memref<2x10x5776xf32, #tpu.memory_space<vmem>> -> memref<1x10x5776xf32, #tpu.memory_space<vmem>>
        %get3A_758 = tpu.memref_squeeze %get3A_757 : memref<1x10x5776xf32, #tpu.memory_space<vmem>> -> memref<10x5776xf32, #tpu.memory_space<vmem>>
        %get3A_759 = arith.index_cast %get3A_754 : i32 to index
        %get3A_760 = arith.index_cast %add3A_630 : i32 to index
        %get3A_761 = tpu.vector_load %get3A_758[%get3A_759, %get3A_760] {strides = array<i32>} : memref<10x5776xf32, #tpu.memory_space<vmem>>, vector<16xf32>,
        %neg3A_762 = arith.constant 0.000000e+00 : f32
        %neg3A_763 = vector.broadcast %neg3A_762 : f32 to vector<16xf32>
        %neg3A_764 = arith.subf %neg3A_763, %get3A_761 : vector<16xf32>
        %exp3A_765 = math.exp %neg3A_764 : vector<16xf32>
        %add3A_766 = arith.constant 1.000000e+00 : f32
        %add3A_767 = vector.broadcast %add3A_766 : f32 to vector<16xf32>
        %add3A_768 = arith.addf %add3A_767, %exp3A_765 : vector<16xf32>
        %div3A_769 = arith.constant 1.000000e+00 : f32
        %div3A_770 = vector.broadcast %div3A_769 : f32 to vector<16xf32>
        %div3A_771 = arith.divf %div3A_770, %add3A_768 : vector<16xf32>
        %add3A_772 = arith.constant 6 : i32
        %add3A_773 = vector.broadcast %add3A_772 : i32 to vector<16xi32>
        %add3A_774 = arith.addi %add3A_639, %add3A_773 : vector<16xi32>
        %scatter3A_775 = arith.constant 0 : i32
        %scatter3A_776 = tpu.memref_slice %arg6[%rem3A_602, %scatter3A_775] : memref<2x3040xf32, #tpu.memory_space<vmem>> -> memref<1x3040xf32, #tpu.memory_space<vmem>>
        %scatter3A_777 = tpu.memref_squeeze %scatter3A_776 : memref<1x3040xf32, #tpu.memory_space<vmem>> -> memref<3040xf32, #tpu.memory_space<vmem>>
        tpu.vector_store_idx %scatter3A_777[%add3A_774], %div3A_771 : memref<3040xf32, #tpu.memory_space<vmem>>[vector<16xi32>], vector<16xf32>,
        %get3A_778 = arith.constant 7 : i32
        %get3A_779 = arith.constant 0 : i32
        %get3A_780 = arith.constant 0 : i32
        %get3A_781 = tpu.memref_slice %arg5[%scan3A_562, %get3A_779, %get3A_780] : memref<2x10x5776xf32, #tpu.memory_space<vmem>> -> memref<1x10x5776xf32, #tpu.memory_space<vmem>>
        %get3A_782 = tpu.memref_squeeze %get3A_781 : memref<1x10x5776xf32, #tpu.memory_space<vmem>> -> memref<10x5776xf32, #tpu.memory_space<vmem>>
        %get3A_783 = arith.index_cast %get3A_778 : i32 to index
        %get3A_784 = arith.index_cast %add3A_630 : i32 to index
        %get3A_785 = tpu.vector_load %get3A_782[%get3A_783, %get3A_784] {strides = array<i32>} : memref<10x5776xf32, #tpu.memory_space<vmem>>, vector<16xf32>,
        %neg3A_786 = arith.constant 0.000000e+00 : f32
        %neg3A_787 = vector.broadcast %neg3A_786 : f32 to vector<16xf32>
        %neg3A_788 = arith.subf %neg3A_787, %get3A_785 : vector<16xf32>
        %exp3A_789 = math.exp %neg3A_788 : vector<16xf32>
        %add3A_790 = arith.constant 1.000000e+00 : f32
        %add3A_791 = vector.broadcast %add3A_790 : f32 to vector<16xf32>
        %add3A_792 = arith.addf %add3A_791, %exp3A_789 : vector<16xf32>
        %div3A_793 = arith.constant 1.000000e+00 : f32
        %div3A_794 = vector.broadcast %div3A_793 : f32 to vector<16xf32>
        %div3A_795 = arith.divf %div3A_794, %add3A_792 : vector<16xf32>
        %add3A_796 = arith.constant 7 : i32
        %add3A_797 = vector.broadcast %add3A_796 : i32 to vector<16xi32>
        %add3A_798 = arith.addi %add3A_639, %add3A_797 : vector<16xi32>
        %scatter3A_799 = arith.constant 0 : i32
        %scatter3A_800 = tpu.memref_slice %arg6[%rem3A_602, %scatter3A_799] : memref<2x3040xf32, #tpu.memory_space<vmem>> -> memref<1x3040xf32, #tpu.memory_space<vmem>>
        %scatter3A_801 = tpu.memref_squeeze %scatter3A_800 : memref<1x3040xf32, #tpu.memory_space<vmem>> -> memref<3040xf32, #tpu.memory_space<vmem>>
        tpu.vector_store_idx %scatter3A_801[%add3A_798], %div3A_795 : memref<3040xf32, #tpu.memory_space<vmem>>[vector<16xi32>], vector<16xf32>,
        %get3A_802 = arith.constant 8 : i32
        %get3A_803 = arith.constant 0 : i32
        %get3A_804 = arith.constant 0 : i32
        %get3A_805 = tpu.memref_slice %arg5[%scan3A_562, %get3A_803, %get3A_804] : memref<2x10x5776xf32, #tpu.memory_space<vmem>> -> memref<1x10x5776xf32, #tpu.memory_space<vmem>>
        %get3A_806 = tpu.memref_squeeze %get3A_805 : memref<1x10x5776xf32, #tpu.memory_space<vmem>> -> memref<10x5776xf32, #tpu.memory_space<vmem>>
        %get3A_807 = arith.index_cast %get3A_802 : i32 to index
        %get3A_808 = arith.index_cast %add3A_630 : i32 to index
        %get3A_809 = tpu.vector_load %get3A_806[%get3A_807, %get3A_808] {strides = array<i32>} : memref<10x5776xf32, #tpu.memory_space<vmem>>, vector<16xf32>,
        %neg3A_810 = arith.constant 0.000000e+00 : f32
        %neg3A_811 = vector.broadcast %neg3A_810 : f32 to vector<16xf32>
        %neg3A_812 = arith.subf %neg3A_811, %get3A_809 : vector<16xf32>
        %exp3A_813 = math.exp %neg3A_812 : vector<16xf32>
        %add3A_814 = arith.constant 1.000000e+00 : f32
        %add3A_815 = vector.broadcast %add3A_814 : f32 to vector<16xf32>
        %add3A_816 = arith.addf %add3A_815, %exp3A_813 : vector<16xf32>
        %div3A_817 = arith.constant 1.000000e+00 : f32
        %div3A_818 = vector.broadcast %div3A_817 : f32 to vector<16xf32>
        %div3A_819 = arith.divf %div3A_818, %add3A_816 : vector<16xf32>
        %add3A_820 = arith.constant 8 : i32
        %add3A_821 = vector.broadcast %add3A_820 : i32 to vector<16xi32>
        %add3A_822 = arith.addi %add3A_639, %add3A_821 : vector<16xi32>
        %scatter3A_823 = arith.constant 0 : i32
        %scatter3A_824 = tpu.memref_slice %arg6[%rem3A_602, %scatter3A_823] : memref<2x3040xf32, #tpu.memory_space<vmem>> -> memref<1x3040xf32, #tpu.memory_space<vmem>>
        %scatter3A_825 = tpu.memref_squeeze %scatter3A_824 : memref<1x3040xf32, #tpu.memory_space<vmem>> -> memref<3040xf32, #tpu.memory_space<vmem>>
        tpu.vector_store_idx %scatter3A_825[%add3A_822], %div3A_819 : memref<3040xf32, #tpu.memory_space<vmem>>[vector<16xi32>], vector<16xf32>,
        %get3A_826 = arith.constant 9 : i32
        %get3A_827 = arith.constant 0 : i32
        %get3A_828 = arith.constant 0 : i32
        %get3A_829 = tpu.memref_slice %arg5[%scan3A_562, %get3A_827, %get3A_828] : memref<2x10x5776xf32, #tpu.memory_space<vmem>> -> memref<1x10x5776xf32, #tpu.memory_space<vmem>>
        %get3A_830 = tpu.memref_squeeze %get3A_829 : memref<1x10x5776xf32, #tpu.memory_space<vmem>> -> memref<10x5776xf32, #tpu.memory_space<vmem>>
        %get3A_831 = arith.index_cast %get3A_826 : i32 to index
        %get3A_832 = arith.index_cast %add3A_630 : i32 to index
        %get3A_833 = tpu.vector_load %get3A_830[%get3A_831, %get3A_832] {strides = array<i32>} : memref<10x5776xf32, #tpu.memory_space<vmem>>, vector<16xf32>,
        %neg3A_834 = arith.constant 0.000000e+00 : f32
        %neg3A_835 = vector.broadcast %neg3A_834 : f32 to vector<16xf32>
        %neg3A_836 = arith.subf %neg3A_835, %get3A_833 : vector<16xf32>
        %exp3A_837 = math.exp %neg3A_836 : vector<16xf32>
        %add3A_838 = arith.constant 1.000000e+00 : f32
        %add3A_839 = vector.broadcast %add3A_838 : f32 to vector<16xf32>
        %add3A_840 = arith.addf %add3A_839, %exp3A_837 : vector<16xf32>
        %div3A_841 = arith.constant 1.000000e+00 : f32
        %div3A_842 = vector.broadcast %div3A_841 : f32 to vector<16xf32>
        %div3A_843 = arith.divf %div3A_842, %add3A_840 : vector<16xf32>
        %add3A_844 = arith.constant 9 : i32
        %add3A_845 = vector.broadcast %add3A_844 : i32 to vector<16xi32>
        %add3A_846 = arith.addi %add3A_639, %add3A_845 : vector<16xi32>
        %scatter3A_847 = arith.constant 0 : i32
        %scatter3A_848 = tpu.memref_slice %arg6[%rem3A_602, %scatter3A_847] : memref<2x3040xf32, #tpu.memory_space<vmem>> -> memref<1x3040xf32, #tpu.memory_space<vmem>>
        %scatter3A_849 = tpu.memref_squeeze %scatter3A_848 : memref<1x3040xf32, #tpu.memory_space<vmem>> -> memref<3040xf32, #tpu.memory_space<vmem>>
        tpu.vector_store_idx %scatter3A_849[%add3A_846], %div3A_843 : memref<3040xf32, #tpu.memory_space<vmem>>[vector<16xi32>], vector<16xf32>,
      }
      %scan3A_610 = arith.constant 19 : i32
      %mul3A_611 = arith.constant 3040 : i32
      %mul3A_612 = arith.muli %scan3A_600, %mul3A_611 : i32
      %dma_start3A_613 = arith.constant 0 : i32
      %dma_start3A_614 = tpu.memref_slice %arg6[%rem3A_602, %dma_start3A_613] : memref<2x3040xf32, #tpu.memory_space<vmem>> -> memref<1x3040xf32, #tpu.memory_space<vmem>>
      %dma_start3A_615 = tpu.memref_squeeze %dma_start3A_614 : memref<1x3040xf32, #tpu.memory_space<vmem>> -> memref<3040xf32, #tpu.memory_space<vmem>>
      %dma_start3A_616 = tpu.memref_slice %arg4[%add3A_523, %mul3A_612] : memref<192x57760xf32, #tpu.memory_space<hbm>> -> memref<1x3040xf32, #tpu.memory_space<hbm>>
      %dma_start3A_617 = tpu.memref_squeeze %dma_start3A_616 : memref<1x3040xf32, #tpu.memory_space<hbm>> -> memref<3040xf32, #tpu.memory_space<hbm>>
      %dma_start3A_618 = tpu.memref_slice %arg9[%rem3A_602] : memref<2x!tpu.dma_semaphore, #tpu.memory_space<semaphore_mem>> -> memref<1x!tpu.dma_semaphore, #tpu.memory_space<semaphore_mem>>
      %dma_start3A_619 = tpu.memref_squeeze %dma_start3A_618 : memref<1x!tpu.dma_semaphore, #tpu.memory_space<semaphore_mem>> -> memref<!tpu.dma_semaphore, #tpu.memory_space<semaphore_mem>>
      %dma_start3A_620 = tpu.memref_slice %arg4[%add3A_523, %mul3A_612] : memref<192x57760xf32, #tpu.memory_space<hbm>> -> memref<1x3040xf32, #tpu.memory_space<hbm>>
      %dma_start3A_621 = tpu.memref_squeeze %dma_start3A_620 : memref<1x3040xf32, #tpu.memory_space<hbm>> -> memref<3040xf32, #tpu.memory_space<hbm>>
      %dma_start3A_622 = arith.constant 0 : i32
      %dma_start3A_623 = tpu.memref_slice %arg6[%rem3A_602, %dma_start3A_622] : memref<2x3040xf32, #tpu.memory_space<vmem>> -> memref<1x3040xf32, #tpu.memory_space<vmem>>
      %dma_start3A_624 = tpu.memref_squeeze %dma_start3A_623 : memref<1x3040xf32, #tpu.memory_space<vmem>> -> memref<3040xf32, #tpu.memory_space<vmem>>
      tpu.enqueue_dma source(%dma_start3A_624 : memref<3040xf32, #tpu.memory_space<vmem>>) target(%dma_start3A_621 : memref<3040xf32, #tpu.memory_space<hbm>>) target_semaphore(%dma_start3A_619 : memref<!tpu.dma_semaphore, #tpu.memory_space<semaphore_mem>>)
    }
    %scan3A_567 = arith.constant 19 : i32
    %dma_wait3A_568 = arith.constant 1 : i32
    %dma_wait3A_569 = arith.constant 1 : i32
    %dma_wait3A_570 = arith.constant 0 : i32
    %dma_wait3A_571 = tpu.memref_slice %arg6[%dma_wait3A_568, %dma_wait3A_570] : memref<2x3040xf32, #tpu.memory_space<vmem>> -> memref<1x3040xf32, #tpu.memory_space<vmem>>
    %dma_wait3A_572 = tpu.memref_squeeze %dma_wait3A_571 : memref<1x3040xf32, #tpu.memory_space<vmem>> -> memref<3040xf32, #tpu.memory_space<vmem>>
    %dma_wait3A_573 = arith.constant 51680 : i32
    %dma_wait3A_574 = tpu.memref_slice %arg4[%add3A_523, %dma_wait3A_573] : memref<192x57760xf32, #tpu.memory_space<hbm>> -> memref<1x3040xf32, #tpu.memory_space<hbm>>
    %dma_wait3A_575 = tpu.memref_squeeze %dma_wait3A_574 : memref<1x3040xf32, #tpu.memory_space<hbm>> -> memref<3040xf32, #tpu.memory_space<hbm>>
    %dma_wait3A_576 = tpu.memref_slice %arg9[%dma_wait3A_569] : memref<2x!tpu.dma_semaphore, #tpu.memory_space<semaphore_mem>> -> memref<1x!tpu.dma_semaphore, #tpu.memory_space<semaphore_mem>>
    %dma_wait3A_577 = tpu.memref_squeeze %dma_wait3A_576 : memref<1x!tpu.dma_semaphore, #tpu.memory_space<semaphore_mem>> -> memref<!tpu.dma_semaphore, #tpu.memory_space<semaphore_mem>>
    %dma_wait3A_578 = arith.constant 51680 : i32
    %dma_wait3A_579 = tpu.memref_slice %arg4[%add3A_523, %dma_wait3A_578] : memref<192x57760xf32, #tpu.memory_space<hbm>> -> memref<1x3040xf32, #tpu.memory_space<hbm>>
    %dma_wait3A_580 = tpu.memref_squeeze %dma_wait3A_579 : memref<1x3040xf32, #tpu.memory_space<hbm>> -> memref<3040xf32, #tpu.memory_space<hbm>>
    %dma_wait3A_581 = arith.constant 0 : i32
    %dma_wait3A_582 = tpu.memref_slice %arg6[%dma_wait3A_568, %dma_wait3A_581] : memref<2x3040xf32, #tpu.memory_space<vmem>> -> memref<1x3040xf32, #tpu.memory_space<vmem>>
    %dma_wait3A_583 = tpu.memref_squeeze %dma_wait3A_582 : memref<1x3040xf32, #tpu.memory_space<vmem>> -> memref<3040xf32, #tpu.memory_space<vmem>>
    tpu.wait_dma2 semaphore(%dma_wait3A_577 : memref<!tpu.dma_semaphore, #tpu.memory_space<semaphore_mem>>) src(%dma_wait3A_583 : memref<3040xf32, #tpu.memory_space<vmem>>) dst(%dma_wait3A_580 : memref<3040xf32, #tpu.memory_space<hbm>>)
    %dma_wait3A_584 = arith.constant 0 : i32
    %dma_wait3A_585 = arith.constant 0 : i32
    %dma_wait3A_586 = arith.constant 0 : i32
    %dma_wait3A_587 = tpu.memref_slice %arg6[%dma_wait3A_584, %dma_wait3A_586] : memref<2x3040xf32, #tpu.memory_space<vmem>> -> memref<1x3040xf32, #tpu.memory_space<vmem>>
    %dma_wait3A_588 = tpu.memref_squeeze %dma_wait3A_587 : memref<1x3040xf32, #tpu.memory_space<vmem>> -> memref<3040xf32, #tpu.memory_space<vmem>>
    %dma_wait3A_589 = arith.constant 54720 : i32
    %dma_wait3A_590 = tpu.memref_slice %arg4[%add3A_523, %dma_wait3A_589] : memref<192x57760xf32, #tpu.memory_space<hbm>> -> memref<1x3040xf32, #tpu.memory_space<hbm>>
    %dma_wait3A_591 = tpu.memref_squeeze %dma_wait3A_590 : memref<1x3040xf32, #tpu.memory_space<hbm>> -> memref<3040xf32, #tpu.memory_space<hbm>>
    %dma_wait3A_592 = tpu.memref_slice %arg9[%dma_wait3A_585] : memref<2x!tpu.dma_semaphore, #tpu.memory_space<semaphore_mem>> -> memref<1x!tpu.dma_semaphore, #tpu.memory_space<semaphore_mem>>
    %dma_wait3A_593 = tpu.memref_squeeze %dma_wait3A_592 : memref<1x!tpu.dma_semaphore, #tpu.memory_space<semaphore_mem>> -> memref<!tpu.dma_semaphore, #tpu.memory_space<semaphore_mem>>
    %dma_wait3A_594 = arith.constant 54720 : i32
    %dma_wait3A_595 = tpu.memref_slice %arg4[%add3A_523, %dma_wait3A_594] : memref<192x57760xf32, #tpu.memory_space<hbm>> -> memref<1x3040xf32, #tpu.memory_space<hbm>>
    %dma_wait3A_596 = tpu.memref_squeeze %dma_wait3A_595 : memref<1x3040xf32, #tpu.memory_space<hbm>> -> memref<3040xf32, #tpu.memory_space<hbm>>
    %dma_wait3A_597 = arith.constant 0 : i32
    %dma_wait3A_598 = tpu.memref_slice %arg6[%dma_wait3A_584, %dma_wait3A_597] : memref<2x3040xf32, #tpu.memory_space<vmem>> -> memref<1x3040xf32, #tpu.memory_space<vmem>>
    %dma_wait3A_599 = tpu.memref_squeeze %dma_wait3A_598 : memref<1x3040xf32, #tpu.memory_space<vmem>> -> memref<3040xf32, #tpu.memory_space<vmem>>
    tpu.wait_dma2 semaphore(%dma_wait3A_593 : memref<!tpu.dma_semaphore, #tpu.memory_space<semaphore_mem>>) src(%dma_wait3A_599 : memref<3040xf32, #tpu.memory_space<vmem>>) dst(%dma_wait3A_596 : memref<3040xf32, #tpu.memory_space<hbm>>)
    return
  }
}

</mosaic_0001>

<sc_bundles>
// kernel: kernel.3.cloned.1.call-start
scs
__scs_entry_jumppad:
0x0: {  	(pc) =	sbr.rel $0x88, $3  }
0x1: {  	(tag) =	ssettag $0x0;
	lr =	simm.s32 $0x1  }
0x2: {  	[smem:$0x3F9F] =	sst lr;
	_ =	strace $0xD0000000  }
0x3: {  	_ = 	snop  }
0x4: {  	_ = 	snop  }
0x5: {  	_ = 	snop  }
0x6: {  	_ = 	snop  }
0x7: {  	_ = 	snop  }
__scs_overlays_trampoline_lowered:
0x8: {  	[smem:$0x3FAE] =	sst s0  }
0x9: {  	[smem:$0x3FAF] =	sst s1  }
0xa: {  	[smem:$0x3FB0] =	sst s2  }
0xb: {  	[smem:$0x3FB1] =	sst s3  }
0xc: {  	[smem:$0x3FB2] =	sst s4  }
0xd: {  	[smem:$0x3FB3] =	sst s5  }
0xe: {  	[smem:$0x3FB4] =	sst s6  }
0xf: {  	[smem:$0x3FB5] =	sst s7  }
0x10: {  	[smem:$0x3FB6] =	sst s8  }
0x11: {  	[smem:$0x3FB7] =	sst s9;
	s0 =	simm.s32 @!p0 $0x0  }
0x12: {  	s1 =	sld [smem:$0x3F9D];
	s0 =	simm.s32 @p0 $0x1  }
0x13: {  	[smem:$0x3FB8] =	sst s0;
	s0 =	simm.s32 @!p1 $0x0  }
0x14: {  	s2 =	sld [smem:$0x3F9C];
	s0 =	simm.s32 @p1 $0x1  }
0x15: {  	[smem:$0x3FB9] =	sst s0;
	s0 =	simm.s32 @!p2 $0x0  }
0x16: {  	s3 =	sld [smem:$0x3FDB];
	s0 =	simm.s32 @p2 $0x1  }
0x17: {  	s4 =	simm.s32 $0x1BF5;
	[smem:$0x3FBB] =	sst s0  }
0x18: {  	s0 =	sld [smem:$0x3F9E];
	_ =	swait.ge [sflag:s4], $0x0  }
0x19: {  	s7 =	sld [smem:$0x3F9F]  }
0x1a: {  	s8 =	sadd.s32 $0xFFFFE003, lr  }
0x1b: {  	s9 =	sadd.s32 $0xFFFFFEF7, lr;
	s5 =	simm.s32 $0xFFFFFFFF;
	p2 =	slt.u32 s8, $0xFFFFF086  }
0x1c: {  	p1 =	slt.u32 s9, $0xF7A;
	s5 =	simm.s32 @!p2 $0x0  }
0x1d: {  	s5 =	simm.s32 @p1 $0x1;
	p0 =	seq.s32 s7, s2  }
0x1e: {  	s7 =	smul.u32 @!p0 $0xF7A, s2;
	p2 =	seq.s32 @!p0 s5, $0x0  }
0x1f: {  	s9 =	smul.u32 $0xF7A, s1;
	s8 =	simm.s32 @!p0 $0x1BF5;
	p2 =	por !p2, p0  }
0x20: {  	[sflag:s8] =	ssyncset.s32 @!p0 $0xFFFFF086;
	s6 =	sadd.s32 @!p0 s3, s7;
	s7 =	simm.s32 @!p0 $0x108  }
0x21: {  	s3 =	sadd.s32 s3, s9;
	s6 =	sadd.s32 @!p0 $0x88, s6;
	s7 =	simm.s32 @p2 $0x1082  }
0x22: {  	[simem:s7], [sflag:s8] =	dma.local @!p0 [hbm:s6], $0xF7A  }
0x23: {  	s9 =	sor.u32 $0xD0000000, s2;
	s6 =	simm.s32 $0x108;
	_ =	swait.ge @!p0 [sflag:s8], $0x0  }
0x24: {  	s3 =	sadd.s32 $0x88, s3;
	s6 =	simm.s32 @!p1 $0x1082;
	[sflag:s4] =	ssyncset.s32 $0xFFFFF086  }
0x25: {  	[simem:s6], [sflag:s4] =	dma.local [hbm:s3], $0xF7A  }
0x26: {  	[smem:$0x3F9F] =	sst s1;
	(tag) =	ssettag s2;
	_ =	strace s9  }
0x27: {  	s1 =	sld [smem:$0x3FAF]  }
0x28: {  	s2 =	sld [smem:$0x3FB0]  }
0x29: {  	s4 =	sld [smem:$0x3FB2]  }
0x2a: {  	p0 =	seq.s32 s5, $0x0;
	s5 =	sld [smem:$0x3FB3]  }
0x2b: {  	s6 =	sld [smem:$0x3FB4]  }
0x2c: {  	s7 =	sld [smem:$0x3FB5]  }
0x2d: {  	s3 =	simm.s32 $0x108;
	s8 =	sld [smem:$0x3FB6]  }
0x2e: {  	s3 =	simm.s32 @!p0 $0x1082;
	s9 =	sld [smem:$0x3FB7]  }
0x2f: {  	lr =	sadd.s32 s0, s3;
	s0 =	sld [smem:$0x3FAE]  }
0x30: {  	s3 =	sld [smem:$0x3FB1]  }
0x31: {  	[smem:$0x3FBA] =	sst s10  }
0x32: {  	s10 =	sld [smem:$0x3FB8];
	_ =	sdelay $0x3  }
0x33: {  	p0 =	seq.s32 s10, $0x1;
	s10 =	sld [smem:$0x3FBA];
	_ =	sdelay $0x3  }
0x34: {  	[smem:$0x3FBA] =	sst s10  }
0x35: {  	s10 =	sld [smem:$0x3FB9];
	_ =	sdelay $0x3  }
0x36: {  	p1 =	seq.s32 s10, $0x1;
	s10 =	sld [smem:$0x3FBA];
	_ =	sdelay $0x3  }
0x37: {  	[smem:$0x3FBA] =	sst s10  }
0x38: {  	s10 =	sld [smem:$0x3FBB]  }
0x39: {  	_ = 	snop;
	(pc) =	sbr.ind lr, $3  }
0x3a: {  	_ = 	snop  }
0x3b: {  	_ = 	snop  }
0x3c: {  	p2 =	seq.s32 s10, $0x1;
	s10 =	sld [smem:$0x3FBA]  }
0x3d: {  	_ =	shalt  }
0x3e: {  	_ =	shalt  }
0x3f: {  	_ =	shalt  }
0x40: {  	_ =	shalt  }
0x41: {  	_ =	shalt  }
0x42: {  	_ =	shalt  }
0x43: {  	_ =	shalt  }
0x44: {  	_ =	shalt  }
0x45: {  	_ =	shalt  }
0x46: {  	_ =	shalt  }
0x47: {  	_ =	shalt  }
0x48: {  	_ =	shalt  }
0x49: {  	_ =	shalt  }
0x4a: {  	_ =	shalt  }
0x4b: {  	_ =	shalt  }
0x4c: {  	_ =	shalt  }
0x4d: {  	_ =	shalt  }
0x4e: {  	_ =	shalt  }
0x4f: {  	_ =	shalt  }
0x50: {  	_ =	shalt  }
0x51: {  	_ =	shalt  }
0x52: {  	_ =	shalt  }
0x53: {  	_ =	shalt  }
0x54: {  	_ =	shalt  }
0x55: {  	_ =	shalt  }
0x56: {  	_ =	shalt  }
0x57: {  	_ =	shalt  }
0x58: {  	_ =	shalt  }
0x59: {  	_ =	shalt  }
0x5a: {  	_ =	shalt  }
0x5b: {  	_ =	shalt  }
0x5c: {  	_ =	shalt  }
0x5d: {  	_ =	shalt  }
0x5e: {  	_ =	shalt  }
0x5f: {  	_ =	shalt  }
0x60: {  	_ =	shalt  }
0x61: {  	_ =	shalt  }
0x62: {  	_ =	shalt  }
0x63: {  	_ =	shalt  }
0x64: {  	_ =	shalt  }
0x65: {  	_ =	shalt  }
0x66: {  	_ =	shalt  }
0x67: {  	_ =	shalt  }
0x68: {  	_ =	shalt  }
0x69: {  	_ =	shalt  }
0x6a: {  	_ =	shalt  }
0x6b: {  	_ =	shalt  }
0x6c: {  	_ =	shalt  }
0x6d: {  	_ =	shalt  }
0x6e: {  	_ =	shalt  }
0x6f: {  	_ =	shalt  }
0x70: {  	_ =	shalt  }
0x71: {  	_ =	shalt  }
0x72: {  	_ =	shalt  }
0x73: {  	_ =	shalt  }
0x74: {  	_ =	shalt  }
0x75: {  	_ =	shalt  }
0x76: {  	_ =	shalt  }
0x77: {  	_ =	shalt  }
0x78: {  	_ =	shalt  }
0x79: {  	_ =	shalt  }
0x7a: {  	_ =	shalt  }
0x7b: {  	_ =	shalt  }
0x7c: {  	_ =	shalt  }
0x7d: {  	_ =	shalt  }
0x7e: {  	_ =	shalt  }
0x7f: {  	_ =	shalt  }
0x80: {  	_ =	shalt  }
0x81: {  	_ =	shalt  }
0x82: {  	_ =	shalt  }
0x83: {  	_ =	shalt  }
0x84: {  	_ =	shalt  }
0x85: {  	_ =	shalt  }
0x86: {  	_ =	shalt  }
0x87: {  	_ =	shalt  }
.Lfunc_end0:
.L_simem_size_0:
called_computation.1_lowered:
.L_overlay_start_0:
0x88: {  	s2 =	sld [smem:$0x3FD9]  }
0x89: {  	s3 =	sld [smem:$0x3FFE];
	_ =	sdelay $0x1  }
0x8a: {  	s1 =	srdreg.scid  }
0x8b: {  	s0 =	sand.u32 $0x1, s1  }
0x8c: {  	s17 =	sshll.u32 s0, $0xA;
	s2 =	sadd.s32 s3, s2  }
0x8d: {  	s2 =	sadd.s32 s2, s17  }
0x8e: {  	[smem:$0x3FC6] =	sst s2  }
0x8f: {  	_ = 	snop  }
0x90: {  	s2 =	sld [smem:$0x3FD0];
	(tm) =	ssettm $0x1  }
0x91: {  	s18 =	sld [smem:$0x3FFB];
	_ =	sdelay $0x3  }
0x92: {  	_ =	strace s18  }
0x93: {  	s3 =	sld [smem:$0x3FFC];
	_ =	sdelay $0x3  }
0x94: {  	_ =	strace s3  }
0x95: {  	s3 =	sld [smem:$0x3FFD];
	_ =	sdelay $0x3  }
0x96: {  	_ =	strace s3  }
0x97: {  	_ =	strace $0x8FFFFFFF  }
0x98: {  	s19 =	sld [smem:$0x3FDB];
	_ =	sdelay $0x1  }
0x99: {  	s4 =	simm.s32 $_scs_section_size  }
0x9a: {  	s5 =	simm.s32 $_size__tile_overlayer_lowered;
	s6 =	simm.s32 $_tile_overlayer_lowered  }
0x9b: {  	s22 =	simm.s32 $0x1BFF;
	s21 =	sshll.u32 s6, $0x1;
	s3 =	sadd.s32 s4, s19  }
0x9c: {  	s7 =	simm.s32 $0x0;
	s20 =	sshll.u32 s5, $0x1;
	s5 =	sadd.s32 s21, s3  }
0x9d: {  	[timem:s7], [sflag:s22] =	dma.local [hbm:s5], s20  }
0x9e: {  	_ =	swait.ge [sflag:s22], s20  }
0x9f: {  	s4 =	ssub.s32 $0x0, s20;
	[sflag:s22] =	ssyncset.done $0x0  }
0xa0: {  	[sflag:s22] =	ssyncadd.s32 s4;
	_ =	sdelay $0x1  }
0xa1: {  	s23 =	simm.s32 $0x1B8B  }
0xa2: {  	_ =	swait.ge [sflag:s23], $0x1  }
0xa3: {  	[sflag:s23] =	ssyncset.done $0x0  }
0xa4: {  	s25 =	simm.s32 $0x1B8E;
	s24 =	sld [smem:$0x3FFE];
	[sflag:s23] =	ssyncadd.s32 $0xFFFFFFFF  }
0xa5: {  	s26 =	simm.s32 $execute0_lowered;
	[smem:$0x3FD2] =	sst s25  }
0xa6: {  	s5 =	sshll.u32 s26, $0x1;
	_ =	strace $0x80000046;
	[dreg:$0x1] =	wrdreg $0xFFFFFFFF  }
0xa7: {  	s28 =	simm.s32 $_size_execute0_lowered;
	s3 =	sadd.s32 s3, s5;
	[dreg:$0x0] =	wrdreg $0x0  }
0xa8: {  	s5 =	sshll.u32 s28, $0x1;
	[dreg:$0x2] =	wrdreg s3  }
0xa9: {  	[dreg:$0x3] =	wrdreg s5  }
0xaa: {  	[dreg:$0x4] =	wrdreg $0xC0  }
0xab: {  	_ =	task [dreg:s7], $0x5FFFF  }
0xac: {  	[dreg:$0x1] =	wrdreg $0xFFFFFFFF  }
0xad: {  	[dreg:$0x0] =	wrdreg $0x60  }
0xae: {  	[dreg:$0x2] =	wrdreg s2  }
0xaf: {  	[dreg:$0x3] =	wrdreg s24  }
0xb0: {  	[dreg:$0x4] =	wrdreg $0x9  }
0xb1: {  	_ =	task.clear_ibuf [dreg:s7], $0x5FFFF;
	_ =	strace $0x90000046  }
0xb2: {  	s29 =	simm.s32 $0x9;
	_ =	strace $0x80000048  }
0xb3: {  	_ =	swait.ge [sflag:s29], $0x1  }
0xb4: {  	[sflag:s29] =	ssyncadd.s32 $0xFFFFFFFF  }
0xb5: {  	_ =	strace $0x90000048  }
0xb6: {  	_ =	sfence  }
0xb7: {  	s30 =	sld [smem:$0x0];
	_ =	sdelay $0x2  }
0xb8: {  	s31 =	sshll.u32 s1, $0xD;
	s1 =	sshrl.u32 s1, $0x2  }
0xb9: {  	s3 =	sand.u32 $0x4000, s31;
	s1 =	sadd.s32 s1, s30  }
0xba: {  	s0 =	sor.u32 s3, s0;
	s1 =	sshll.u32 s1, $0x11  }
0xbb: {  	s0 =	sor.u32 s1, s0  }
0xbc: {  	s0 =	sadd.s32 $0x8F2B, s0  }
0xbd: {  	[sflag:s0] =	ssyncadd.remote.s32 $0x1  }
0xbe: {  	_ =	sfence.sel $0xFFFF  }
0xbf: {  	[dreg:$0x0] =	wrdreg $0xFFFFFFFF;
	(pc) =	sbr.abs _section_cstart, $3  }
0xc0: {  	[dreg:$0x1] =	wrdreg $0xFFFFFFFF  }
0xc1: {  	_ =	task.clear_ibuf [dreg:s7], $0x2FFFF;
	_ =	strace $0x9FFFFFFF  }
0xc2: {  	(tm) =	ssettm $0x7FFFFFFF  }
0xc3: {  	_ =	shalt  }
tec
execute0_lowered:
.L_overlay_start_1:
0x0: {  	(tag) =	ssettag $0x1  }
0x1: {  	s1 =	srdreg.scid;
	s0 =	rddreg [dreg:$0x0]  }
0x2: {  	s2 =	stileid.u32;
	s4 =	rddreg [dreg:$0x1]  }
0x3: {  	s28 =	simm.s32 $0x4;
	s1 =	sand.u32 $0x1, s1;
	s2 =	sshll.u32 s2, $0x1  }
0x4: {  	s5 =	sadd.s32 $0x800, s4;
	s3 =	sor.u32 s1, s2;
	s2 =	simm.s32 $0x0  }
0x5: {  	s1 =	ssub.s32 $0x2, s1;
	s8 =	smul.u32 $0x6, s3;
	[smem:$0x7FF] =	sst s2  }
0x6: {  	s3 =	smul.u32 $0x549C0, s3;
	s12 =	sshrl.u32 s1, $0x1;
	_ =	strace $0x80000047  }
0x7: {  	[dreg:$0x3] =	wrdreg s5;
	s5 =	sadd.s32 $0xA00, s4;
	s1 =	ssub.s32 s1, s12  }
0x8: {  	s9 =	sor.u32 $0x1, s8;
	s10 =	sadd.s32 $0x2, s8;
	s22 =	sshrl.u32 s3, $0x3  }
0x9: {  	s25 =	sadd.s32 $0x3, s8;
	s26 =	sadd.s32 $0x4, s8;
	s7 =	smul.u32 $0xAB, s9  }
0xa: {  	s8 =	sadd.s32 $0x5, s8;
	s6 =	smul.u32 $0xE1A0, s9;
	s21 =	sand.u32 $0xFE, s10  }
0xb: {  	s12 =	sadd.s32 s0, s22;
	s17 =	sand.u32 $0xFF, s25;
	s4 =	smul.u32 $0xAB, s21  }
0xc: {  	s14 =	sand.u32 $0xFE, s26;
	[dreg:$0x4] =	wrdreg s12;
	s12 =	smul.u32 $0xAB, s17  }
0xd: {  	s29 =	simm.s32 $0x3;
	s15 =	sand.u32 $0xFF, s8;
	s14 =	smul.u32 $0xAB, s14  }
0xe: {  	s30 =	simm.s32 $0x2;
	s31 =	simm.s32 $0x0;
	s15 =	smul.u32 $0xAB, s15  }
0xf: {  	s11 =	sshrl.u32 s7, $0x9;
	s7 =	smul.u32 $0xE1A0, s10;
	s13 =	sshrl.u32 s6, $0x3  }
0x10: {  	s11 =	sand.u32 $0x7F, s11;
	s4 =	sshrl.u32 s4, $0x9;
	s23 =	sadd.s32 s0, s13  }
0x11: {  	s18 =	sshrl.u32 s12, $0x9;
	s12 =	sadd.s32 $0x2A4E0, s3;
	s11 =	smul.u32 $0x3, s11  }
0x12: {  	s14 =	sshrl.u32 s14, $0x9;
	s19 =	sshrl.u32 s15, $0x9;
	s4 =	smul.u32 $0x3, s4  }
0x13: {  	s15 =	sadd.s32 $0x38680, s3;
	[dreg:$0x5] =	wrdreg s23;
	s17 =	smul.u32 $0x3, s14  }
0x14: {  	s24 =	sshrl.u32 s7, $0x3;
	s16 =	sshrl.u32 s12, $0x3;
	s21 =	smul.u32 $0x3, s19  }
0x15: {  	s20 =	sadd.s32 s0, s16;
	s16 =	sadd.s32 $0x46820, s3;
	s9 =	ssub.s32 s9, s11  }
0x16: {  	s4 =	ssub.s32 s10, s4;
	s11 =	sadd.s32 s0, s24;
	s9 =	sand.u32 $0xFF, s9  }
0x17: {  	[dreg:$0x7] =	wrdreg s20;
	s23 =	ssub.s32 s26, s17;
	s9 =	smul.u32 $0xC0, s9  }
0x18: {  	v0 =	vlaneseq.u32;
	v8 =	vimm.s32 $0x1070503;
	s8 =	ssub.s32 s8, s21;
	s24 =	sshrl.u32 s15, $0x3;
	s26 =	smax.u32 s1, $0x1  }
0x19: {  	v10 =	vimm.s32 $0x2000604;
	v12 =	vimm.s32 $0x3010705;
	v14 =	vimm.s32 $0x4020006;
	[dreg:$0x6] =	wrdreg s11;
	s11 =	sshrl.u32 s9, $0x2;
	s9 =	smul.u32 $0x3, s18  }
0x1a: {  	v6 =	vimm.s32 $0x60402;
	v16 =	vimm.s32 $0x5030107;
	v1 =	vmul.u32 $0xA, v0;
	s4 =	sand.u32 $0xFF, s4;
	s8 =	sand.u32 $0xFF, s8;
	s10 =	sadd.s32 s0, s24  }
0x1b: {  	v2 =	vand.u32 $0x3, v0;
	v6 =	vunpack.c.0.s8.s32 v6;
	v8 =	vunpack.c.0.s8.s32 v8;
	[dreg:$0xa] =	wrdreg s26;
	s4 =	smul.u32 $0xC0, s4;
	s9 =	ssub.s32 s25, s9  }
0x1c: {  	v10 =	vunpack.c.0.s8.s32 v10;
	v12 =	vunpack.c.0.s8.s32 v12;
	v14 =	vunpack.c.0.s8.s32 v14;
	s26 =	simm.s32 $0xE1A0;
	s8 =	smul.u32 $0xC0, s8;
	s22 =	sand.u32 $0xFF, s9  }
0x1d: {  	v16 =	vunpack.c.0.s8.s32 v16;
	v2 =	vmul.u32 $0x2, v2;
	v3 =	vor.u32 $0x1, v1;
	s14 =	sshrl.u32 s4, $0x2;
	s9 =	sand.u32 $0xFF, s23;
	s4 =	smul.u32 $0xC0, s22  }
0x1e: {  	v5 =	vadd.s32 $0x2, v1;
	v7 =	vadd.s32 $0x3, v1;
	v9 =	vadd.s32 $0x4, v1;
	[dreg:$0x8] =	wrdreg s10;
	s25 =	sshrl.u32 s16, $0x3;
	s9 =	smul.u32 $0xC0, s9  }
0x1f: {  	v11 =	vadd.s32 $0x5, v1;
	v13 =	vadd.s32 $0x6, v1;
	v15 =	vadd.s32 $0x7, v1;
	s21 =	sshrl.u32 s8, $0x2;
	s0 =	sadd.s32 s0, s25;
	s25 =	simm.s32 $0x1  }
0x20: {  	v17 =	vadd.s32 $0x8, v1;
	v18 =	vadd.s32 $0x9, v1;
	v4 =	vor.u32 $0x1, v2;
	[dreg:$0x9] =	wrdreg s0;
	s18 =	sshrl.u32 s4, $0x2;
	s20 =	sshrl.u32 s9, $0x2  }
.LBB2_1:
0x21: {  	s0 =	rddreg [dreg:$0x3];
	s1 =	simm.s32 $0x1DB00;
	s22 =	simm.s32 $0x5  }
0x22: {  	[tilespmem:s1], [sflag:$0x5] =	stream.linear.gather [hbm4b:s0+s2], $0x90, $0x38;
	[tilespmem:$0x1DB90] =	vst v63  }
0x23: {  	_ =	swait.ge [sflag:s22], $0x90  }
0x24: {  	[sflag:s22] =	ssyncset.done $0x0  }
0x25: {  	s23 =	rddreg [dreg:$0x4];
	[sflag:s22] =	ssyncadd.s32 $0xFFFFFF70  }
0x26: {  	[tilespmem:s2], [sflag:$0x1] =	stream.linear.gather [hbm4b:s23+s2], $0xE1A0, $0x38;
	[tilespmem:$0x1DB90] =	vst v63  }
0x27: {  	_ =	swait.ge [sflag:s25], $0xE1A0  }
0x28: {  	[sflag:s25] =	ssyncset.done $0x0  }
0x29: {  	s24 =	rddreg [dreg:$0x5];
	[sflag:s25] =	ssyncadd.s32 $0xFFFF1E60  }
0x2a: {  	[tilespmem:s26], [sflag:$0x2] =	stream.linear.gather [hbm4b:s24+s2], $0xE1A0, $0x38;
	[tilespmem:$0x1DB90] =	vst v63  }
0x2b: {  	v19 =	vld [tilespmem:$0x1DB00]  }
0x2c: {  	v20 =	vld [tilespmem:$0x1DB10]  }
0x2d: {  	s1 =	simm.s32 $0x0;
	s0 =	simm.s32 $0x0;
	s23 =	simm.s32 $0x0;
	v21 =	vld [tilespmem:$0x1DB20]  }
.LBB2_2:
0x2e: {  	s4 =	sand.u32 $0x1, s23;
	p0 =	slt.u32 s23, $0x2;
	v22 =	vmov s0  }
0x2f: {  	s8 =	sadd.s32 @!p0 $0x3, s4  }
0x30: {  	_ =	swait.ge @!p0 [sflag:s8], $0xBE0  }
0x31: {  	[sflag:s8] =	ssyncset.done @!p0 $0x0  }
0x32: {  	s10 =	simm.s32 $0x0;
	[sflag:s8] =	ssyncadd.s32 @!p0 $0xFFFFF420  }
0x33: {  	v23 =	vld.idx.msk [tilespmem:v22+s10+$0x0 ss:$0x1], $0xffff;
	_ =	sdelay $0x4  }
0x34: {  	v23 =	vsub.f32 $0.0e+00, v23;
	_ =	sdelay $0x1  }
0x35: {  	v23 =	vmul.f32 $1.442695020e+00, v23;
	_ =	sdelay $0x1  }
0x36: {  	(erf) = vpow2.f32 v23;
	_ =	sdelay $0x8  }
0x37: {  	v23 =	vpop (erf)  }
0x38: {  	v23 =	vadd.f32 $1.000000000e+00, v23;
	_ =	sdelay $0x1  }
0x39: {  	v24 =	vor.u32 s1, v0;
	(erf) = vrcp.f32 v23  }
0x3a: {  	v23 =	vshrl.u32 v24, $0x2  }
0x3b: {  	v23 =	vmulhi.u32 $0x1AF286BD, v23;
	_ =	sdelay $0x1  }
0x3c: {  	v23 =	vshrl.u32 v23, $0x1  }
0x3d: {  	v25 =	vmul.u32 $0xFFFFFFB4, v23  }
0x3e: {  	s9 =	simm.s32 $0x0  }
0x3f: {  	v24 =	vadd.s32 v24, v25;
	v25 =	vadd.s32 s9, v1  }
0x40: {  	v24 =	vcvt.s32.f32 v24;
	v25 =	vand.u32 $0x3FF8, v25  }
0x41: {  	v25 =	vor.u32 v2, v25;
	v26 =	vpop (erf)  }
0x42: {  	s24 =	smul.u32 $0x2F80, s4;
	v24 =	vadd.f32 v24, v26;
	_ =	sdelay $0x1  }
0x43: {  	s8 =	sshrl.u32 s24, $0x2;
	v24 =	vmul.f32 v24, v19  }
0x44: {  	s8 =	sadd.s32 $0x1C340, s8  }
0x45: {  	[tilespmem:v25+s8+$0x0] =	vst.idx.msk $0xffff, v24  }
0x46: {  	v24 =	vld.idx.msk [tilespmem:v22+s10+$0x1690 ss:$0x1], $0xffff;
	_ =	sdelay $0x4  }
0x47: {  	v24 =	vsub.f32 $0.0e+00, v24;
	_ =	sdelay $0x1  }
0x48: {  	v24 =	vmul.f32 $1.442695020e+00, v24;
	_ =	sdelay $0x1  }
0x49: {  	(erf) = vpow2.f32 v24;
	_ =	sdelay $0x8  }
0x4a: {  	v24 =	vpop (erf)  }
0x4b: {  	v24 =	vadd.f32 $1.000000000e+00, v24;
	_ =	sdelay $0x1  }
0x4c: {  	(erf) = vrcp.f32 v24;
	_ =	sdelay $0x6  }
0x4d: {  	v24 =	vadd.s32 s9, v3  }
0x4e: {  	v23 =	vcvt.s32.f32 v23;
	v24 =	vand.u32 $0x3FF8, v24  }
0x4f: {  	v24 =	vor.u32 v4, v24;
	v25 =	vpop (erf)  }
0x50: {  	v23 =	vadd.f32 v23, v25;
	_ =	sdelay $0x1  }
0x51: {  	v23 =	vmul.f32 v23, v19;
	_ =	sdelay $0x1  }
0x52: {  	[tilespmem:v24+s8+$0x0] =	vst.idx.msk $0xffff, v23  }
0x53: {  	v23 =	vld.idx.msk [tilespmem:v22+s10+$0x2D20 ss:$0x1], $0xffff;
	_ =	sdelay $0x4  }
0x54: {  	v23 =	vmul.f32 $1.442695020e+00, v23;
	_ =	sdelay $0x1  }
0x55: {  	(erf) = vpow2.f32 v23;
	_ =	sdelay $0x5  }
0x56: {  	v23 =	vadd.s32 s9, v5  }
0x57: {  	v23 =	vand.u32 $0x3FF8, v23  }
0x58: {  	v23 =	vor.u32 v6, v23  }
0x59: {  	v24 =	vpop (erf)  }
0x5a: {  	v24 =	vmin.f32 v24, $1.000000000e+03  }
0x5b: {  	v24 =	vmul.f32 v24, v20;
	_ =	sdelay $0x1  }
0x5c: {  	[tilespmem:v23+s8+$0x0] =	vst.idx.msk $0xffff, v24  }
0x5d: {  	v23 =	vld.idx.msk [tilespmem:v22+s10+$0x43B0 ss:$0x1], $0xffff;
	_ =	sdelay $0x4  }
0x5e: {  	v23 =	vmul.f32 $1.442695020e+00, v23;
	_ =	sdelay $0x1  }
0x5f: {  	(erf) = vpow2.f32 v23;
	_ =	sdelay $0x5  }
0x60: {  	v23 =	vadd.s32 s9, v7  }
0x61: {  	v23 =	vand.u32 $0x3FF8, v23  }
0x62: {  	v23 =	vor.u32 v8, v23  }
0x63: {  	v24 =	vpop (erf)  }
0x64: {  	v24 =	vmin.f32 v24, $1.000000000e+03  }
0x65: {  	v24 =	vmul.f32 v24, v21  }
0x66: {  	v25 =	vadd.s32 s9, v9  }
0x67: {  	[tilespmem:v23+s8+$0x0] =	vst.idx.msk $0xffff, v24;
	v23 =	vand.u32 $0x3FF8, v25  }
0x68: {  	v24 =	vld.idx.msk [tilespmem:v22+s10+$0x5A40 ss:$0x1], $0xffff;
	v23 =	vor.u32 v10, v23;
	_ =	sdelay $0x3  }
0x69: {  	v25 =	vadd.s32 s9, v11  }
0x6a: {  	[tilespmem:v23+s8+$0x0] =	vst.idx.msk $0xffff, v24;
	v23 =	vand.u32 $0x3FF8, v25  }
0x6b: {  	v24 =	vld.idx.msk [tilespmem:v22+s10+$0x70D0 ss:$0x1], $0xffff;
	v23 =	vor.u32 v12, v23;
	_ =	sdelay $0x4  }
0x6c: {  	[tilespmem:v23+s8+$0x0] =	vst.idx.msk $0xffff, v24  }
0x6d: {  	v23 =	vld.idx.msk [tilespmem:v22+s10+$0x8760 ss:$0x1], $0xffff;
	_ =	sdelay $0x4  }
0x6e: {  	v23 =	vsub.f32 $0.0e+00, v23;
	_ =	sdelay $0x1  }
0x6f: {  	v23 =	vmul.f32 $1.442695020e+00, v23;
	_ =	sdelay $0x1  }
0x70: {  	(erf) = vpow2.f32 v23;
	_ =	sdelay $0x8  }
0x71: {  	v23 =	vpop (erf)  }
0x72: {  	v23 =	vadd.f32 $1.000000000e+00, v23;
	_ =	sdelay $0x1  }
0x73: {  	(erf) = vrcp.f32 v23;
	_ =	sdelay $0x2  }
0x74: {  	v23 =	vadd.s32 s9, v13  }
0x75: {  	v23 =	vand.u32 $0x3FF8, v23  }
0x76: {  	v23 =	vor.u32 v14, v23;
	_ =	sdelay $0x3  }
0x77: {  	v24 =	vpop (erf)  }
0x78: {  	[tilespmem:v23+s8+$0x0] =	vst.idx.msk $0xffff, v24  }
0x79: {  	v23 =	vld.idx.msk [tilespmem:v22+s10+$0x9DF0 ss:$0x1], $0xffff;
	_ =	sdelay $0x4  }
0x7a: {  	v23 =	vsub.f32 $0.0e+00, v23;
	_ =	sdelay $0x1  }
0x7b: {  	v23 =	vmul.f32 $1.442695020e+00, v23;
	_ =	sdelay $0x1  }
0x7c: {  	(erf) = vpow2.f32 v23;
	_ =	sdelay $0x8  }
0x7d: {  	v23 =	vpop (erf)  }
0x7e: {  	v23 =	vadd.f32 $1.000000000e+00, v23;
	_ =	sdelay $0x1  }
0x7f: {  	(erf) = vrcp.f32 v23;
	_ =	sdelay $0x2  }
0x80: {  	v23 =	vadd.s32 s9, v15  }
0x81: {  	v23 =	vand.u32 $0x3FF8, v23  }
0x82: {  	v23 =	vor.u32 v16, v23;
	_ =	sdelay $0x3  }
0x83: {  	v24 =	vpop (erf)  }
0x84: {  	[tilespmem:v23+s8+$0x0] =	vst.idx.msk $0xffff, v24  }
0x85: {  	v23 =	vld.idx.msk [tilespmem:v22+s10+$0xB480 ss:$0x1], $0xffff;
	_ =	sdelay $0x4  }
0x86: {  	v23 =	vsub.f32 $0.0e+00, v23;
	_ =	sdelay $0x1  }
0x87: {  	v23 =	vmul.f32 $1.442695020e+00, v23;
	_ =	sdelay $0x1  }
0x88: {  	(erf) = vpow2.f32 v23;
	_ =	sdelay $0x8  }
0x89: {  	v23 =	vpop (erf)  }
0x8a: {  	v23 =	vadd.f32 $1.000000000e+00, v23;
	_ =	sdelay $0x1  }
0x8b: {  	(erf) = vrcp.f32 v23;
	_ =	sdelay $0x2  }
0x8c: {  	v23 =	vadd.s32 s9, v17  }
0x8d: {  	v23 =	vand.u32 $0x3FF8, v23  }
0x8e: {  	v23 =	vor.u32 v2, v23;
	_ =	sdelay $0x3  }
0x8f: {  	v24 =	vpop (erf)  }
0x90: {  	[tilespmem:v23+s8+$0x0] =	vst.idx.msk $0xffff, v24  }
0x91: {  	v23 =	vld.idx.msk [tilespmem:v22+s10+$0xCB10 ss:$0x1], $0xffff;
	_ =	sdelay $0x4  }
0x92: {  	v23 =	vsub.f32 $0.0e+00, v23;
	_ =	sdelay $0x1  }
0x93: {  	v23 =	vmul.f32 $1.442695020e+00, v23;
	_ =	sdelay $0x1  }
0x94: {  	(erf) = vpow2.f32 v23;
	_ =	sdelay $0x8  }
0x95: {  	v23 =	vpop (erf)  }
0x96: {  	v23 =	vadd.f32 $1.000000000e+00, v23;
	_ =	sdelay $0x1  }
0x97: {  	(erf) = vrcp.f32 v23;
	_ =	sdelay $0x3  }
0x98: {  	v23 =	vadd.s32 s9, v18  }
0x99: {  	v23 =	vand.u32 $0x3FF8, v23  }
0x9a: {  	v23 =	vor.u32 v4, v23;
	_ =	sdelay $0x2  }
0x9b: {  	s13 =	simm.s32 $0x40;
	s22 =	simm.s32 $0x80;
	s10 =	sadd.s32 $0x10, s1;
	v24 =	vpop (erf)  }
.LBB2_3:
0x9c: {  	s19 =	sshra.s32 s13, $0x2  }
0x9d: {  	[tilespmem:v23+s8+$0x0] =	vst.idx.msk $0xffff, v24;
	s9 =	sadd.s32 $0xA0, s9;
	s13 =	smov.u32 s22;
	s17 =	sadd.s32 $0x40, s22  }
0x9e: {  	p0 =	sne.s32 s22, $0x480;
	v23 =	vld.idx.msk [tilespmem:v22+s19+$0x0 ss:$0x1], $0xffff;
	_ =	sdelay $0x5  }
0x9f: {  	v23 =	vsub.f32 $0.0e+00, v23;
	_ =	sdelay $0x1  }
0xa0: {  	v23 =	vmul.f32 $1.442695020e+00, v23;
	_ =	sdelay $0x1  }
0xa1: {  	(erf) = vpow2.f32 v23;
	_ =	sdelay $0x8  }
0xa2: {  	v23 =	vpop (erf)  }
0xa3: {  	v23 =	vadd.f32 $1.000000000e+00, v23;
	_ =	sdelay $0x1  }
0xa4: {  	v24 =	vor.u32 s10, v0;
	(erf) = vrcp.f32 v23  }
0xa5: {  	v23 =	vshrl.u32 v24, $0x2  }
0xa6: {  	v23 =	vmulhi.u32 $0x1AF286BD, v23;
	_ =	sdelay $0x1  }
0xa7: {  	v23 =	vshrl.u32 v23, $0x1  }
0xa8: {  	v25 =	vmul.u32 $0xFFFFFFB4, v23;
	_ =	sdelay $0x1  }
0xa9: {  	v24 =	vadd.s32 v24, v25;
	v25 =	vadd.s32 s9, v1  }
0xaa: {  	v24 =	vcvt.s32.f32 v24;
	v25 =	vand.u32 $0x3FF8, v25  }
0xab: {  	v25 =	vor.u32 v2, v25;
	v26 =	vpop (erf)  }
0xac: {  	v24 =	vadd.f32 v24, v26;
	_ =	sdelay $0x1  }
0xad: {  	v24 =	vmul.f32 v24, v19;
	_ =	sdelay $0x1  }
0xae: {  	[tilespmem:v25+s8+$0x0] =	vst.idx.msk $0xffff, v24  }
0xaf: {  	v24 =	vld.idx.msk [tilespmem:v22+s19+$0x1690 ss:$0x1], $0xffff;
	_ =	sdelay $0x5  }
0xb0: {  	v24 =	vsub.f32 $0.0e+00, v24;
	_ =	sdelay $0x1  }
0xb1: {  	v24 =	vmul.f32 $1.442695020e+00, v24;
	_ =	sdelay $0x1  }
0xb2: {  	(erf) = vpow2.f32 v24;
	_ =	sdelay $0x8  }
0xb3: {  	v24 =	vpop (erf)  }
0xb4: {  	v24 =	vadd.f32 $1.000000000e+00, v24;
	_ =	sdelay $0x1  }
0xb5: {  	(erf) = vrcp.f32 v24;
	_ =	sdelay $0x6  }
0xb6: {  	v24 =	vadd.s32 s9, v3  }
0xb7: {  	v23 =	vcvt.s32.f32 v23;
	v24 =	vand.u32 $0x3FF8, v24  }
0xb8: {  	v24 =	vor.u32 v4, v24;
	v25 =	vpop (erf)  }
0xb9: {  	v23 =	vadd.f32 v23, v25;
	_ =	sdelay $0x1  }
0xba: {  	v23 =	vmul.f32 v23, v19;
	_ =	sdelay $0x1  }
0xbb: {  	[tilespmem:v24+s8+$0x0] =	vst.idx.msk $0xffff, v23  }
0xbc: {  	v23 =	vld.idx.msk [tilespmem:v22+s19+$0x2D20 ss:$0x1], $0xffff;
	_ =	sdelay $0x5  }
0xbd: {  	v23 =	vmul.f32 $1.442695020e+00, v23;
	_ =	sdelay $0x1  }
0xbe: {  	(erf) = vpow2.f32 v23;
	_ =	sdelay $0x5  }
0xbf: {  	v23 =	vadd.s32 s9, v5  }
0xc0: {  	v23 =	vand.u32 $0x3FF8, v23  }
0xc1: {  	v23 =	vor.u32 v6, v23  }
0xc2: {  	v24 =	vpop (erf)  }
0xc3: {  	v24 =	vmin.f32 v24, $1.000000000e+03  }
0xc4: {  	v24 =	vmul.f32 v24, v20;
	_ =	sdelay $0x1  }
0xc5: {  	[tilespmem:v23+s8+$0x0] =	vst.idx.msk $0xffff, v24  }
0xc6: {  	v23 =	vld.idx.msk [tilespmem:v22+s19+$0x43B0 ss:$0x1], $0xffff;
	_ =	sdelay $0x5  }
0xc7: {  	v23 =	vmul.f32 $1.442695020e+00, v23;
	_ =	sdelay $0x1  }
0xc8: {  	(erf) = vpow2.f32 v23;
	_ =	sdelay $0x5  }
0xc9: {  	v23 =	vadd.s32 s9, v7  }
0xca: {  	v23 =	vand.u32 $0x3FF8, v23  }
0xcb: {  	v23 =	vor.u32 v8, v23  }
0xcc: {  	v24 =	vpop (erf)  }
0xcd: {  	v24 =	vmin.f32 v24, $1.000000000e+03  }
0xce: {  	v24 =	vmul.f32 v24, v21;
	_ =	sdelay $0x1  }
0xcf: {  	[tilespmem:v23+s8+$0x0] =	vst.idx.msk $0xffff, v24;
	v23 =	vadd.s32 s9, v9  }
0xd0: {  	v24 =	vld.idx.msk [tilespmem:v22+s19+$0x5A40 ss:$0x1], $0xffff;
	v23 =	vand.u32 $0x3FF8, v23  }
0xd1: {  	v23 =	vor.u32 v10, v23;
	_ =	sdelay $0x4  }
0xd2: {  	[tilespmem:v23+s8+$0x0] =	vst.idx.msk $0xffff, v24;
	v23 =	vadd.s32 s9, v11  }
0xd3: {  	v24 =	vld.idx.msk [tilespmem:v22+s19+$0x70D0 ss:$0x1], $0xffff;
	v23 =	vand.u32 $0x3FF8, v23  }
0xd4: {  	v23 =	vor.u32 v12, v23;
	_ =	sdelay $0x4  }
0xd5: {  	[tilespmem:v23+s8+$0x0] =	vst.idx.msk $0xffff, v24  }
0xd6: {  	v23 =	vld.idx.msk [tilespmem:v22+s19+$0x8760 ss:$0x1], $0xffff;
	_ =	sdelay $0x5  }
0xd7: {  	v23 =	vsub.f32 $0.0e+00, v23;
	_ =	sdelay $0x1  }
0xd8: {  	v23 =	vmul.f32 $1.442695020e+00, v23;
	_ =	sdelay $0x1  }
0xd9: {  	(erf) = vpow2.f32 v23;
	_ =	sdelay $0x8  }
0xda: {  	v23 =	vpop (erf)  }
0xdb: {  	v23 =	vadd.f32 $1.000000000e+00, v23;
	_ =	sdelay $0x1  }
0xdc: {  	(erf) = vrcp.f32 v23;
	_ =	sdelay $0x2  }
0xdd: {  	v23 =	vadd.s32 s9, v13  }
0xde: {  	v23 =	vand.u32 $0x3FF8, v23  }
0xdf: {  	v23 =	vor.u32 v14, v23;
	_ =	sdelay $0x3  }
0xe0: {  	v24 =	vpop (erf)  }
0xe1: {  	[tilespmem:v23+s8+$0x0] =	vst.idx.msk $0xffff, v24  }
0xe2: {  	v23 =	vld.idx.msk [tilespmem:v22+s19+$0x9DF0 ss:$0x1], $0xffff;
	_ =	sdelay $0x5  }
0xe3: {  	v23 =	vsub.f32 $0.0e+00, v23;
	_ =	sdelay $0x1  }
0xe4: {  	v23 =	vmul.f32 $1.442695020e+00, v23;
	_ =	sdelay $0x1  }
0xe5: {  	(erf) = vpow2.f32 v23;
	_ =	sdelay $0x8  }
0xe6: {  	v23 =	vpop (erf)  }
0xe7: {  	v23 =	vadd.f32 $1.000000000e+00, v23;
	_ =	sdelay $0x1  }
0xe8: {  	(erf) = vrcp.f32 v23;
	_ =	sdelay $0x2  }
0xe9: {  	v23 =	vadd.s32 s9, v15  }
0xea: {  	v23 =	vand.u32 $0x3FF8, v23  }
0xeb: {  	v23 =	vor.u32 v16, v23;
	_ =	sdelay $0x3  }
0xec: {  	v24 =	vpop (erf)  }
0xed: {  	[tilespmem:v23+s8+$0x0] =	vst.idx.msk $0xffff, v24  }
0xee: {  	v23 =	vld.idx.msk [tilespmem:v22+s19+$0xB480 ss:$0x1], $0xffff;
	_ =	sdelay $0x5  }
0xef: {  	v23 =	vsub.f32 $0.0e+00, v23;
	_ =	sdelay $0x1  }
0xf0: {  	v23 =	vmul.f32 $1.442695020e+00, v23;
	_ =	sdelay $0x1  }
0xf1: {  	(erf) = vpow2.f32 v23;
	_ =	sdelay $0x8  }
0xf2: {  	v23 =	vpop (erf)  }
0xf3: {  	v23 =	vadd.f32 $1.000000000e+00, v23;
	_ =	sdelay $0x1  }
0xf4: {  	(erf) = vrcp.f32 v23;
	_ =	sdelay $0x2  }
0xf5: {  	v23 =	vadd.s32 s9, v17  }
0xf6: {  	v23 =	vand.u32 $0x3FF8, v23  }
0xf7: {  	v23 =	vor.u32 v2, v23;
	_ =	sdelay $0x3  }
0xf8: {  	v24 =	vpop (erf)  }
0xf9: {  	[tilespmem:v23+s8+$0x0] =	vst.idx.msk $0xffff, v24  }
0xfa: {  	v23 =	vld.idx.msk [tilespmem:v22+s19+$0xCB10 ss:$0x1], $0xffff;
	_ =	sdelay $0x5  }
0xfb: {  	v23 =	vsub.f32 $0.0e+00, v23;
	_ =	sdelay $0x1  }
0xfc: {  	v23 =	vmul.f32 $1.442695020e+00, v23;
	_ =	sdelay $0x1  }
0xfd: {  	(erf) = vpow2.f32 v23;
	_ =	sdelay $0x8  }
0xfe: {  	v23 =	vpop (erf)  }
0xff: {  	v23 =	vadd.f32 $1.000000000e+00, v23;
	_ =	sdelay $0x1  }
0x100: {  	(erf) = vrcp.f32 v23;
	_ =	sdelay $0x2  }
0x101: {  	v23 =	vadd.s32 s9, v18  }
0x102: {  	v23 =	vand.u32 $0x3FF8, v23  }
.Ltmp0:
0x103: {  	v23 =	vor.u32 v4, v23;
	(pc) =	sbr.rel @p0 .LBB2_3-.Ltmp0, $2  }
0x104: {  	_ =	sdelay $0x2  }
0x105: {  	s10 =	sadd.s32 $0x10, s10;
	s22 =	smov.u32 s17;
	v24 =	vpop (erf)  }
0x106: {  	_ =	sdelay $0x3  }
0x107: {  	s13 =	sshra.s32 s13, $0x2;
	[tilespmem:v23+s8+$0x0] =	vst.idx.msk $0xffff, v24  }
0x108: {  	v23 =	vld.idx.msk [tilespmem:v22+s13+$0x0 ss:$0x1], $0xffff;
	_ =	sdelay $0x4  }
0x109: {  	v23 =	vsub.f32 $0.0e+00, v23;
	_ =	sdelay $0x1  }
0x10a: {  	v23 =	vmul.f32 $1.442695020e+00, v23;
	_ =	sdelay $0x1  }
0x10b: {  	(erf) = vpow2.f32 v23;
	_ =	sdelay $0x8  }
0x10c: {  	v23 =	vpop (erf)  }
0x10d: {  	v23 =	vadd.f32 $1.000000000e+00, v23;
	_ =	sdelay $0x1  }
0x10e: {  	v53 =	vor.u32 s10, v0;
	(erf) = vrcp.f32 v23  }
0x10f: {  	v23 =	vshrl.u32 v53, $0x2  }
0x110: {  	v23 =	vmulhi.u32 $0x1AF286BD, v23;
	_ =	sdelay $0x1  }
0x111: {  	v23 =	vshrl.u32 v23, $0x1  }
0x112: {  	v25 =	vmul.u32 $0xFFFFFFB4, v23  }
0x113: {  	s9 =	sadd.s32 $0xA0, s9  }
0x114: {  	v54 =	vadd.s32 s9, v1;
	v24 =	vadd.s32 v53, v25  }
0x115: {  	v25 =	vand.u32 $0x3FF8, v54;
	v24 =	vcvt.s32.f32 v24  }
0x116: {  	v25 =	vor.u32 v2, v25;
	v26 =	vpop (erf)  }
0x117: {  	v24 =	vadd.f32 v24, v26;
	_ =	sdelay $0x1  }
0x118: {  	v24 =	vmul.f32 v24, v19;
	_ =	sdelay $0x1  }
0x119: {  	[tilespmem:v25+s8+$0x0] =	vst.idx.msk $0xffff, v24  }
0x11a: {  	v24 =	vld.idx.msk [tilespmem:v22+s13+$0x1690 ss:$0x1], $0xffff;
	_ =	sdelay $0x4  }
0x11b: {  	v24 =	vsub.f32 $0.0e+00, v24;
	_ =	sdelay $0x1  }
0x11c: {  	v24 =	vmul.f32 $1.442695020e+00, v24;
	_ =	sdelay $0x1  }
0x11d: {  	(erf) = vpow2.f32 v24;
	_ =	sdelay $0x8  }
0x11e: {  	v24 =	vpop (erf)  }
0x11f: {  	v24 =	vadd.f32 $1.000000000e+00, v24;
	_ =	sdelay $0x1  }
0x120: {  	(erf) = vrcp.f32 v24;
	_ =	sdelay $0x6  }
0x121: {  	v55 =	vadd.s32 s9, v3  }
0x122: {  	v23 =	vcvt.s32.f32 v23;
	v24 =	vand.u32 $0x3FF8, v55  }
0x123: {  	v24 =	vor.u32 v4, v24;
	v56 =	vpop (erf)  }
0x124: {  	v23 =	vadd.f32 v23, v56;
	_ =	sdelay $0x1  }
0x125: {  	v23 =	vmul.f32 v23, v19;
	_ =	sdelay $0x1  }
0x126: {  	[tilespmem:v24+s8+$0x0] =	vst.idx.msk $0xffff, v23  }
0x127: {  	v23 =	vld.idx.msk [tilespmem:v22+s13+$0x2D20 ss:$0x1], $0xffff;
	_ =	sdelay $0x4  }
0x128: {  	v23 =	vmul.f32 $1.442695020e+00, v23;
	_ =	sdelay $0x1  }
0x129: {  	(erf) = vpow2.f32 v23;
	_ =	sdelay $0x5  }
0x12a: {  	v23 =	vadd.s32 s9, v5  }
0x12b: {  	v23 =	vand.u32 $0x3FF8, v23  }
0x12c: {  	v23 =	vor.u32 v6, v23  }
0x12d: {  	v57 =	vpop (erf)  }
0x12e: {  	v24 =	vmin.f32 v57, $1.000000000e+03  }
0x12f: {  	v24 =	vmul.f32 v24, v20;
	_ =	sdelay $0x1  }
0x130: {  	[tilespmem:v23+s8+$0x0] =	vst.idx.msk $0xffff, v24  }
0x131: {  	v23 =	vld.idx.msk [tilespmem:v22+s13+$0x43B0 ss:$0x1], $0xffff;
	_ =	sdelay $0x4  }
0x132: {  	v23 =	vmul.f32 $1.442695020e+00, v23;
	_ =	sdelay $0x1  }
0x133: {  	(erf) = vpow2.f32 v23;
	_ =	sdelay $0x5  }
0x134: {  	v23 =	vadd.s32 s9, v7  }
0x135: {  	v23 =	vand.u32 $0x3FF8, v23  }
0x136: {  	v23 =	vor.u32 v8, v23  }
0x137: {  	v58 =	vpop (erf)  }
0x138: {  	v24 =	vmin.f32 v58, $1.000000000e+03  }
0x139: {  	v24 =	vmul.f32 v24, v21  }
0x13a: {  	v59 =	vadd.s32 s9, v9  }
0x13b: {  	[tilespmem:v23+s8+$0x0] =	vst.idx.msk $0xffff, v24;
	v23 =	vand.u32 $0x3FF8, v59  }
0x13c: {  	v24 =	vld.idx.msk [tilespmem:v22+s13+$0x5A40 ss:$0x1], $0xffff;
	v23 =	vor.u32 v10, v23;
	_ =	sdelay $0x3  }
0x13d: {  	v60 =	vadd.s32 s9, v11  }
0x13e: {  	[tilespmem:v23+s8+$0x0] =	vst.idx.msk $0xffff, v24;
	v23 =	vand.u32 $0x3FF8, v60  }
0x13f: {  	v24 =	vld.idx.msk [tilespmem:v22+s13+$0x70D0 ss:$0x1], $0xffff;
	v23 =	vor.u32 v12, v23;
	_ =	sdelay $0x4  }
0x140: {  	[tilespmem:v23+s8+$0x0] =	vst.idx.msk $0xffff, v24  }
0x141: {  	v23 =	vld.idx.msk [tilespmem:v22+s13+$0x8760 ss:$0x1], $0xffff;
	_ =	sdelay $0x4  }
0x142: {  	v23 =	vsub.f32 $0.0e+00, v23;
	_ =	sdelay $0x1  }
0x143: {  	v23 =	vmul.f32 $1.442695020e+00, v23;
	_ =	sdelay $0x1  }
0x144: {  	(erf) = vpow2.f32 v23;
	_ =	sdelay $0x8  }
0x145: {  	v23 =	vpop (erf)  }
0x146: {  	v23 =	vadd.f32 $1.000000000e+00, v23;
	_ =	sdelay $0x1  }
0x147: {  	(erf) = vrcp.f32 v23;
	_ =	sdelay $0x2  }
0x148: {  	v23 =	vadd.s32 s9, v13  }
0x149: {  	v23 =	vand.u32 $0x3FF8, v23  }
0x14a: {  	v23 =	vor.u32 v14, v23;
	_ =	sdelay $0x3  }
0x14b: {  	v61 =	vpop (erf)  }
0x14c: {  	[tilespmem:v23+s8+$0x0] =	vst.idx.msk $0xffff, v61  }
0x14d: {  	v23 =	vld.idx.msk [tilespmem:v22+s13+$0x9DF0 ss:$0x1], $0xffff;
	_ =	sdelay $0x4  }
0x14e: {  	v23 =	vsub.f32 $0.0e+00, v23;
	_ =	sdelay $0x1  }
0x14f: {  	v23 =	vmul.f32 $1.442695020e+00, v23;
	_ =	sdelay $0x1  }
0x150: {  	(erf) = vpow2.f32 v23;
	_ =	sdelay $0x8  }
0x151: {  	v23 =	vpop (erf)  }
0x152: {  	v23 =	vadd.f32 $1.000000000e+00, v23;
	_ =	sdelay $0x1  }
0x153: {  	(erf) = vrcp.f32 v23;
	_ =	sdelay $0x2  }
0x154: {  	v23 =	vadd.s32 s9, v15  }
0x155: {  	v23 =	vand.u32 $0x3FF8, v23  }
0x156: {  	v23 =	vor.u32 v16, v23;
	_ =	sdelay $0x3  }
0x157: {  	v62 =	vpop (erf)  }
0x158: {  	[tilespmem:v23+s8+$0x0] =	vst.idx.msk $0xffff, v62  }
0x159: {  	v23 =	vld.idx.msk [tilespmem:v22+s13+$0xB480 ss:$0x1], $0xffff;
	_ =	sdelay $0x4  }
0x15a: {  	v23 =	vsub.f32 $0.0e+00, v23;
	_ =	sdelay $0x1  }
0x15b: {  	v23 =	vmul.f32 $1.442695020e+00, v23;
	_ =	sdelay $0x1  }
0x15c: {  	(erf) = vpow2.f32 v23;
	_ =	sdelay $0x8  }
0x15d: {  	v23 =	vpop (erf)  }
0x15e: {  	v23 =	vadd.f32 $1.000000000e+00, v23;
	_ =	sdelay $0x1  }
0x15f: {  	(erf) = vrcp.f32 v23;
	_ =	sdelay $0x2  }
0x160: {  	v23 =	vadd.s32 s9, v17  }
0x161: {  	v23 =	vand.u32 $0x3FF8, v23  }
0x162: {  	v23 =	vor.u32 v2, v23;
	_ =	sdelay $0x3  }
0x163: {  	v63 =	vpop (erf)  }
0x164: {  	[tilespmem:v23+s8+$0x0] =	vst.idx.msk $0xffff, v63  }
0x165: {  	v22 =	vld.idx.msk [tilespmem:v22+s13+$0xCB10 ss:$0x1], $0xffff;
	_ =	sdelay $0x4  }
0x166: {  	v22 =	vsub.f32 $0.0e+00, v22;
	_ =	sdelay $0x1  }
0x167: {  	v22 =	vmul.f32 $1.442695020e+00, v22;
	_ =	sdelay $0x1  }
0x168: {  	(erf) = vpow2.f32 v22;
	_ =	sdelay $0x8  }
0x169: {  	v22 =	vpop (erf)  }
0x16a: {  	v22 =	vadd.f32 $1.000000000e+00, v22;
	_ =	sdelay $0x1  }
0x16b: {  	(erf) = vrcp.f32 v22;
	_ =	sdelay $0x2  }
0x16c: {  	v22 =	vadd.s32 s9, v18  }
0x16d: {  	v22 =	vand.u32 $0x3FF8, v22  }
0x16e: {  	s24 =	smul.u32 $0xBE0, s23;
	s23 =	sadd.s32 $0x1, s23;
	v22 =	vor.u32 v4, v22  }
0x16f: {  	p0 =	sne.s32 s23, $0x13  }
.Ltmp1:
0x170: {  	_ = 	snop;
	(pc) =	sbr.rel @p0 .LBB2_2-.Ltmp1, $4  }
0x171: {  	s9 =	sadd.s32 s3, s24  }
0x172: {  	s4 =	sadd.s32 $0x3, s4;
	s9 =	sshrl.u32 s9, $0x3;
	v23 =	vpop (erf)  }
0x173: {  	s0 =	sadd.s32 $0x130, s0;
	s1 =	sadd.s32 $0x130, s1;
	s9 =	sadd.s32 s5, s9;
	[tilespmem:v22+s8+$0x0] =	vst.idx.msk $0xffff, v23  }
0x174: {  	[hbm4b:s9+s2] =	stream.linear.scatter [tilespmem:s8], [sflag:s4], $0xBE0, $0x38;
	[tilespmem:$0x1DB90] =	vst v63  }
0x175: {  	_ =	swait.ge [sflag:s28], $0xBE0  }
0x176: {  	[sflag:s28] =	ssyncset.done $0x0  }
0x177: {  	[sflag:s28] =	ssyncadd.s32 $0xFFFFF420  }
0x178: {  	_ =	swait.ge [sflag:s29], $0xBE0  }
0x179: {  	[sflag:s29] =	ssyncset.done $0x0  }
0x17a: {  	[sflag:s29] =	ssyncadd.s32 $0xFFFFF420  }
0x17b: {  	_ =	swait.ge [sflag:s30], $0xE1A0  }
0x17c: {  	[sflag:s30] =	ssyncset.done $0x0  }
0x17d: {  	s1 =	simm.s32 $0x0;
	s0 =	rddreg [dreg:$0x6];
	[sflag:s30] =	ssyncadd.s32 $0xFFFF1E60  }
0x17e: {  	[tilespmem:s1], [sflag:$0x1] =	stream.linear.gather [hbm4b:s0+s1], $0xE1A0, $0x38;
	[tilespmem:$0x1DB90] =	vst v63  }
0x17f: {  	v19 =	vld [tilespmem:s11+$0x1DB00]  }
0x180: {  	v20 =	vld [tilespmem:s11+$0x1DB10]  }
0x181: {  	s23 =	simm.s32 $0x0;
	s4 =	simm.s32 $0x0;
	s0 =	simm.s32 $0x0;
	v21 =	vld [tilespmem:s11+$0x1DB20]  }
.LBB2_6:
0x182: {  	s8 =	sand.u32 $0x1, s4;
	p0 =	slt.u32 s4, $0x2;
	v22 =	vmov s23  }
0x183: {  	s9 =	sadd.s32 @!p0 $0x3, s8  }
0x184: {  	_ =	swait.ge @!p0 [sflag:s9], $0xBE0  }
0x185: {  	[sflag:s9] =	ssyncset.done @!p0 $0x0  }
0x186: {  	s10 =	simm.s32 $0x0;
	[sflag:s9] =	ssyncadd.s32 @!p0 $0xFFFFF420  }
0x187: {  	v23 =	vld.idx.msk [tilespmem:v22+s10+$0xE1A0 ss:$0x1], $0xffff;
	_ =	sdelay $0x4  }
0x188: {  	v23 =	vsub.f32 $0.0e+00, v23;
	_ =	sdelay $0x1  }
0x189: {  	v23 =	vmul.f32 $1.442695020e+00, v23;
	_ =	sdelay $0x1  }
0x18a: {  	(erf) = vpow2.f32 v23;
	_ =	sdelay $0x8  }
0x18b: {  	v23 =	vpop (erf)  }
0x18c: {  	v23 =	vadd.f32 $1.000000000e+00, v23;
	_ =	sdelay $0x1  }
0x18d: {  	v24 =	vor.u32 s0, v0;
	(erf) = vrcp.f32 v23  }
0x18e: {  	v23 =	vshrl.u32 v24, $0x2  }
0x18f: {  	v23 =	vmulhi.u32 $0x1AF286BD, v23;
	_ =	sdelay $0x1  }
0x190: {  	v23 =	vshrl.u32 v23, $0x1  }
0x191: {  	v25 =	vmul.u32 $0xFFFFFFB4, v23;
	_ =	sdelay $0x1  }
0x192: {  	v24 =	vadd.s32 v24, v25;
	v25 =	vadd.s32 s1, v1  }
0x193: {  	v24 =	vcvt.s32.f32 v24;
	v25 =	vand.u32 $0x3FF8, v25  }
0x194: {  	v25 =	vor.u32 v2, v25;
	v26 =	vpop (erf)  }
0x195: {  	s24 =	smul.u32 $0x2F80, s8;
	v24 =	vadd.f32 v24, v26;
	_ =	sdelay $0x1  }
0x196: {  	s9 =	sshrl.u32 s24, $0x2;
	v24 =	vmul.f32 v24, v19  }
0x197: {  	s9 =	sadd.s32 $0x1C340, s9  }
0x198: {  	[tilespmem:v25+s9+$0x0] =	vst.idx.msk $0xffff, v24  }
0x199: {  	v24 =	vld.idx.msk [tilespmem:v22+s10+$0xF830 ss:$0x1], $0xffff;
	_ =	sdelay $0x4  }
0x19a: {  	v24 =	vsub.f32 $0.0e+00, v24;
	_ =	sdelay $0x1  }
0x19b: {  	v24 =	vmul.f32 $1.442695020e+00, v24;
	_ =	sdelay $0x1  }
0x19c: {  	(erf) = vpow2.f32 v24;
	_ =	sdelay $0x8  }
0x19d: {  	v24 =	vpop (erf)  }
0x19e: {  	v24 =	vadd.f32 $1.000000000e+00, v24;
	_ =	sdelay $0x1  }
0x19f: {  	(erf) = vrcp.f32 v24;
	_ =	sdelay $0x6  }
0x1a0: {  	v24 =	vadd.s32 s1, v3  }
0x1a1: {  	v23 =	vcvt.s32.f32 v23;
	v24 =	vand.u32 $0x3FF8, v24  }
0x1a2: {  	v24 =	vor.u32 v4, v24;
	v25 =	vpop (erf)  }
0x1a3: {  	v23 =	vadd.f32 v23, v25;
	_ =	sdelay $0x1  }
0x1a4: {  	v23 =	vmul.f32 v23, v19;
	_ =	sdelay $0x1  }
0x1a5: {  	[tilespmem:v24+s9+$0x0] =	vst.idx.msk $0xffff, v23  }
0x1a6: {  	v23 =	vld.idx.msk [tilespmem:v22+s10+$0x10EC0 ss:$0x1], $0xffff;
	_ =	sdelay $0x4  }
0x1a7: {  	v23 =	vmul.f32 $1.442695020e+00, v23;
	_ =	sdelay $0x1  }
0x1a8: {  	(erf) = vpow2.f32 v23;
	_ =	sdelay $0x5  }
0x1a9: {  	v23 =	vadd.s32 s1, v5  }
0x1aa: {  	v23 =	vand.u32 $0x3FF8, v23  }
0x1ab: {  	v23 =	vor.u32 v6, v23  }
0x1ac: {  	v24 =	vpop (erf)  }
0x1ad: {  	v24 =	vmin.f32 v24, $1.000000000e+03  }
0x1ae: {  	v24 =	vmul.f32 v24, v20;
	_ =	sdelay $0x1  }
0x1af: {  	[tilespmem:v23+s9+$0x0] =	vst.idx.msk $0xffff, v24  }
0x1b0: {  	v23 =	vld.idx.msk [tilespmem:v22+s10+$0x12550 ss:$0x1], $0xffff;
	_ =	sdelay $0x4  }
0x1b1: {  	v23 =	vmul.f32 $1.442695020e+00, v23;
	_ =	sdelay $0x1  }
0x1b2: {  	(erf) = vpow2.f32 v23;
	_ =	sdelay $0x5  }
0x1b3: {  	v23 =	vadd.s32 s1, v7  }
0x1b4: {  	v23 =	vand.u32 $0x3FF8, v23  }
0x1b5: {  	v23 =	vor.u32 v8, v23  }
0x1b6: {  	v24 =	vpop (erf)  }
0x1b7: {  	v24 =	vmin.f32 v24, $1.000000000e+03  }
0x1b8: {  	v24 =	vmul.f32 v24, v21  }
0x1b9: {  	v25 =	vadd.s32 s1, v9  }
0x1ba: {  	[tilespmem:v23+s9+$0x0] =	vst.idx.msk $0xffff, v24;
	v23 =	vand.u32 $0x3FF8, v25  }
0x1bb: {  	v24 =	vld.idx.msk [tilespmem:v22+s10+$0x13BE0 ss:$0x1], $0xffff;
	v23 =	vor.u32 v10, v23;
	_ =	sdelay $0x3  }
0x1bc: {  	v25 =	vadd.s32 s1, v11  }
0x1bd: {  	[tilespmem:v23+s9+$0x0] =	vst.idx.msk $0xffff, v24;
	v23 =	vand.u32 $0x3FF8, v25  }
0x1be: {  	v24 =	vld.idx.msk [tilespmem:v22+s10+$0x15270 ss:$0x1], $0xffff;
	v23 =	vor.u32 v12, v23;
	_ =	sdelay $0x4  }
0x1bf: {  	[tilespmem:v23+s9+$0x0] =	vst.idx.msk $0xffff, v24  }
0x1c0: {  	v23 =	vld.idx.msk [tilespmem:v22+s10+$0x16900 ss:$0x1], $0xffff;
	_ =	sdelay $0x4  }
0x1c1: {  	v23 =	vsub.f32 $0.0e+00, v23;
	_ =	sdelay $0x1  }
0x1c2: {  	v23 =	vmul.f32 $1.442695020e+00, v23;
	_ =	sdelay $0x1  }
0x1c3: {  	(erf) = vpow2.f32 v23;
	_ =	sdelay $0x8  }
0x1c4: {  	v23 =	vpop (erf)  }
0x1c5: {  	v23 =	vadd.f32 $1.000000000e+00, v23;
	_ =	sdelay $0x1  }
0x1c6: {  	(erf) = vrcp.f32 v23;
	_ =	sdelay $0x2  }
0x1c7: {  	v23 =	vadd.s32 s1, v13  }
0x1c8: {  	v23 =	vand.u32 $0x3FF8, v23  }
0x1c9: {  	v23 =	vor.u32 v14, v23;
	_ =	sdelay $0x3  }
0x1ca: {  	v24 =	vpop (erf)  }
0x1cb: {  	[tilespmem:v23+s9+$0x0] =	vst.idx.msk $0xffff, v24  }
0x1cc: {  	v23 =	vld.idx.msk [tilespmem:v22+s10+$0x17F90 ss:$0x1], $0xffff;
	_ =	sdelay $0x4  }
0x1cd: {  	v23 =	vsub.f32 $0.0e+00, v23;
	_ =	sdelay $0x1  }
0x1ce: {  	v23 =	vmul.f32 $1.442695020e+00, v23;
	_ =	sdelay $0x1  }
0x1cf: {  	(erf) = vpow2.f32 v23;
	_ =	sdelay $0x8  }
0x1d0: {  	v23 =	vpop (erf)  }
0x1d1: {  	v23 =	vadd.f32 $1.000000000e+00, v23;
	_ =	sdelay $0x1  }
0x1d2: {  	(erf) = vrcp.f32 v23;
	_ =	sdelay $0x2  }
0x1d3: {  	v23 =	vadd.s32 s1, v15  }
0x1d4: {  	v23 =	vand.u32 $0x3FF8, v23  }
0x1d5: {  	v23 =	vor.u32 v16, v23;
	_ =	sdelay $0x3  }
0x1d6: {  	v24 =	vpop (erf)  }
0x1d7: {  	[tilespmem:v23+s9+$0x0] =	vst.idx.msk $0xffff, v24  }
0x1d8: {  	v23 =	vld.idx.msk [tilespmem:v22+s10+$0x19620 ss:$0x1], $0xffff;
	_ =	sdelay $0x4  }
0x1d9: {  	v23 =	vsub.f32 $0.0e+00, v23;
	_ =	sdelay $0x1  }
0x1da: {  	v23 =	vmul.f32 $1.442695020e+00, v23;
	_ =	sdelay $0x1  }
0x1db: {  	(erf) = vpow2.f32 v23;
	_ =	sdelay $0x8  }
0x1dc: {  	v23 =	vpop (erf)  }
0x1dd: {  	v23 =	vadd.f32 $1.000000000e+00, v23;
	_ =	sdelay $0x1  }
0x1de: {  	(erf) = vrcp.f32 v23;
	_ =	sdelay $0x2  }
0x1df: {  	v23 =	vadd.s32 s1, v17  }
0x1e0: {  	v23 =	vand.u32 $0x3FF8, v23  }
0x1e1: {  	v23 =	vor.u32 v2, v23;
	_ =	sdelay $0x3  }
0x1e2: {  	v24 =	vpop (erf)  }
0x1e3: {  	[tilespmem:v23+s9+$0x0] =	vst.idx.msk $0xffff, v24  }
0x1e4: {  	v23 =	vld.idx.msk [tilespmem:v22+s10+$0x1ACB0 ss:$0x1], $0xffff;
	_ =	sdelay $0x4  }
0x1e5: {  	v23 =	vsub.f32 $0.0e+00, v23;
	_ =	sdelay $0x1  }
0x1e6: {  	v23 =	vmul.f32 $1.442695020e+00, v23;
	_ =	sdelay $0x1  }
0x1e7: {  	(erf) = vpow2.f32 v23;
	_ =	sdelay $0x8  }
0x1e8: {  	v23 =	vpop (erf)  }
0x1e9: {  	v23 =	vadd.f32 $1.000000000e+00, v23;
	_ =	sdelay $0x1  }
0x1ea: {  	(erf) = vrcp.f32 v23;
	_ =	sdelay $0x3  }
0x1eb: {  	v23 =	vadd.s32 s1, v18  }
0x1ec: {  	v23 =	vand.u32 $0x3FF8, v23  }
0x1ed: {  	v23 =	vor.u32 v4, v23;
	_ =	sdelay $0x1  }
0x1ee: {  	s17 =	simm.s32 $0x40  }
0x1ef: {  	s19 =	simm.s32 $0x80;
	s13 =	sadd.s32 $0x10, s0;
	s10 =	simm.s32 $0x0;
	v24 =	vpop (erf)  }
.LBB2_7:
0x1f0: {  	s22 =	sshra.s32 s17, $0x2  }
0x1f1: {  	[tilespmem:v23+s9+$0x0] =	vst.idx.msk $0xffff, v24;
	s10 =	sadd.s32 $0xA0, s10;
	s17 =	smov.u32 s19;
	s24 =	sadd.s32 $0x40, s19  }
0x1f2: {  	p0 =	sne.s32 s19, $0x480;
	v23 =	vld.idx.msk [tilespmem:v22+s22+$0xE1A0 ss:$0x1], $0xffff;
	_ =	sdelay $0x5  }
0x1f3: {  	v23 =	vsub.f32 $0.0e+00, v23;
	_ =	sdelay $0x1  }
0x1f4: {  	v23 =	vmul.f32 $1.442695020e+00, v23;
	_ =	sdelay $0x1  }
0x1f5: {  	(erf) = vpow2.f32 v23;
	_ =	sdelay $0x8  }
0x1f6: {  	v23 =	vpop (erf)  }
0x1f7: {  	v23 =	vadd.f32 $1.000000000e+00, v23;
	_ =	sdelay $0x1  }
0x1f8: {  	v24 =	vor.u32 s13, v0;
	(erf) = vrcp.f32 v23  }
0x1f9: {  	v23 =	vshrl.u32 v24, $0x2  }
0x1fa: {  	v23 =	vmulhi.u32 $0x1AF286BD, v23;
	_ =	sdelay $0x1  }
0x1fb: {  	v23 =	vshrl.u32 v23, $0x1  }
0x1fc: {  	v25 =	vmul.u32 $0xFFFFFFB4, v23;
	_ =	sdelay $0x1  }
0x1fd: {  	v24 =	vadd.s32 v24, v25;
	v25 =	vadd.s32 s10, v1  }
0x1fe: {  	v24 =	vcvt.s32.f32 v24;
	v25 =	vand.u32 $0x3FF8, v25  }
0x1ff: {  	v25 =	vor.u32 v2, v25;
	v26 =	vpop (erf)  }
0x200: {  	v24 =	vadd.f32 v24, v26;
	_ =	sdelay $0x1  }
0x201: {  	v24 =	vmul.f32 v24, v19;
	_ =	sdelay $0x1  }
0x202: {  	[tilespmem:v25+s9+$0x0] =	vst.idx.msk $0xffff, v24  }
0x203: {  	v24 =	vld.idx.msk [tilespmem:v22+s22+$0xF830 ss:$0x1], $0xffff;
	_ =	sdelay $0x5  }
0x204: {  	v24 =	vsub.f32 $0.0e+00, v24;
	_ =	sdelay $0x1  }
0x205: {  	v24 =	vmul.f32 $1.442695020e+00, v24;
	_ =	sdelay $0x1  }
0x206: {  	(erf) = vpow2.f32 v24;
	_ =	sdelay $0x8  }
0x207: {  	v24 =	vpop (erf)  }
0x208: {  	v24 =	vadd.f32 $1.000000000e+00, v24;
	_ =	sdelay $0x1  }
0x209: {  	(erf) = vrcp.f32 v24;
	_ =	sdelay $0x6  }
0x20a: {  	v24 =	vadd.s32 s10, v3  }
0x20b: {  	v23 =	vcvt.s32.f32 v23;
	v24 =	vand.u32 $0x3FF8, v24  }
0x20c: {  	v24 =	vor.u32 v4, v24;
	v25 =	vpop (erf)  }
0x20d: {  	v23 =	vadd.f32 v23, v25;
	_ =	sdelay $0x1  }
0x20e: {  	v23 =	vmul.f32 v23, v19;
	_ =	sdelay $0x1  }
0x20f: {  	[tilespmem:v24+s9+$0x0] =	vst.idx.msk $0xffff, v23  }
0x210: {  	v23 =	vld.idx.msk [tilespmem:v22+s22+$0x10EC0 ss:$0x1], $0xffff;
	_ =	sdelay $0x5  }
0x211: {  	v23 =	vmul.f32 $1.442695020e+00, v23;
	_ =	sdelay $0x1  }
0x212: {  	(erf) = vpow2.f32 v23;
	_ =	sdelay $0x5  }
0x213: {  	v23 =	vadd.s32 s10, v5  }
0x214: {  	v23 =	vand.u32 $0x3FF8, v23  }
0x215: {  	v23 =	vor.u32 v6, v23  }
0x216: {  	v24 =	vpop (erf)  }
0x217: {  	v24 =	vmin.f32 v24, $1.000000000e+03  }
0x218: {  	v24 =	vmul.f32 v24, v20;
	_ =	sdelay $0x1  }
0x219: {  	[tilespmem:v23+s9+$0x0] =	vst.idx.msk $0xffff, v24  }
0x21a: {  	v23 =	vld.idx.msk [tilespmem:v22+s22+$0x12550 ss:$0x1], $0xffff;
	_ =	sdelay $0x5  }
0x21b: {  	v23 =	vmul.f32 $1.442695020e+00, v23;
	_ =	sdelay $0x1  }
0x21c: {  	(erf) = vpow2.f32 v23;
	_ =	sdelay $0x5  }
0x21d: {  	v23 =	vadd.s32 s10, v7  }
0x21e: {  	v23 =	vand.u32 $0x3FF8, v23  }
0x21f: {  	v23 =	vor.u32 v8, v23  }
0x220: {  	v24 =	vpop (erf)  }
0x221: {  	v24 =	vmin.f32 v24, $1.000000000e+03  }
0x222: {  	v24 =	vmul.f32 v24, v21;
	_ =	sdelay $0x1  }
0x223: {  	[tilespmem:v23+s9+$0x0] =	vst.idx.msk $0xffff, v24;
	v23 =	vadd.s32 s10, v9  }
0x224: {  	v24 =	vld.idx.msk [tilespmem:v22+s22+$0x13BE0 ss:$0x1], $0xffff;
	v23 =	vand.u32 $0x3FF8, v23  }
0x225: {  	v23 =	vor.u32 v10, v23;
	_ =	sdelay $0x4  }
0x226: {  	[tilespmem:v23+s9+$0x0] =	vst.idx.msk $0xffff, v24;
	v23 =	vadd.s32 s10, v11  }
0x227: {  	v24 =	vld.idx.msk [tilespmem:v22+s22+$0x15270 ss:$0x1], $0xffff;
	v23 =	vand.u32 $0x3FF8, v23  }
0x228: {  	v23 =	vor.u32 v12, v23;
	_ =	sdelay $0x4  }
0x229: {  	[tilespmem:v23+s9+$0x0] =	vst.idx.msk $0xffff, v24  }
0x22a: {  	v23 =	vld.idx.msk [tilespmem:v22+s22+$0x16900 ss:$0x1], $0xffff;
	_ =	sdelay $0x5  }
0x22b: {  	v23 =	vsub.f32 $0.0e+00, v23;
	_ =	sdelay $0x1  }
0x22c: {  	v23 =	vmul.f32 $1.442695020e+00, v23;
	_ =	sdelay $0x1  }
0x22d: {  	(erf) = vpow2.f32 v23;
	_ =	sdelay $0x8  }
0x22e: {  	v23 =	vpop (erf)  }
0x22f: {  	v23 =	vadd.f32 $1.000000000e+00, v23;
	_ =	sdelay $0x1  }
0x230: {  	(erf) = vrcp.f32 v23;
	_ =	sdelay $0x2  }
0x231: {  	v23 =	vadd.s32 s10, v13  }
0x232: {  	v23 =	vand.u32 $0x3FF8, v23  }
0x233: {  	v23 =	vor.u32 v14, v23;
	_ =	sdelay $0x3  }
0x234: {  	v24 =	vpop (erf)  }
0x235: {  	[tilespmem:v23+s9+$0x0] =	vst.idx.msk $0xffff, v24  }
0x236: {  	v23 =	vld.idx.msk [tilespmem:v22+s22+$0x17F90 ss:$0x1], $0xffff;
	_ =	sdelay $0x5  }
0x237: {  	v23 =	vsub.f32 $0.0e+00, v23;
	_ =	sdelay $0x1  }
0x238: {  	v23 =	vmul.f32 $1.442695020e+00, v23;
	_ =	sdelay $0x1  }
0x239: {  	(erf) = vpow2.f32 v23;
	_ =	sdelay $0x8  }
0x23a: {  	v23 =	vpop (erf)  }
0x23b: {  	v23 =	vadd.f32 $1.000000000e+00, v23;
	_ =	sdelay $0x1  }
0x23c: {  	(erf) = vrcp.f32 v23;
	_ =	sdelay $0x2  }
0x23d: {  	v23 =	vadd.s32 s10, v15  }
0x23e: {  	v23 =	vand.u32 $0x3FF8, v23  }
0x23f: {  	v23 =	vor.u32 v16, v23;
	_ =	sdelay $0x3  }
0x240: {  	v24 =	vpop (erf)  }
0x241: {  	[tilespmem:v23+s9+$0x0] =	vst.idx.msk $0xffff, v24  }
0x242: {  	v23 =	vld.idx.msk [tilespmem:v22+s22+$0x19620 ss:$0x1], $0xffff;
	_ =	sdelay $0x5  }
0x243: {  	v23 =	vsub.f32 $0.0e+00, v23;
	_ =	sdelay $0x1  }
0x244: {  	v23 =	vmul.f32 $1.442695020e+00, v23;
	_ =	sdelay $0x1  }
0x245: {  	(erf) = vpow2.f32 v23;
	_ =	sdelay $0x8  }
0x246: {  	v23 =	vpop (erf)  }
0x247: {  	v23 =	vadd.f32 $1.000000000e+00, v23;
	_ =	sdelay $0x1  }
0x248: {  	(erf) = vrcp.f32 v23;
	_ =	sdelay $0x2  }
0x249: {  	v23 =	vadd.s32 s10, v17  }
0x24a: {  	v23 =	vand.u32 $0x3FF8, v23  }
0x24b: {  	v23 =	vor.u32 v2, v23;
	_ =	sdelay $0x3  }
0x24c: {  	v24 =	vpop (erf)  }
0x24d: {  	[tilespmem:v23+s9+$0x0] =	vst.idx.msk $0xffff, v24  }
0x24e: {  	v23 =	vld.idx.msk [tilespmem:v22+s22+$0x1ACB0 ss:$0x1], $0xffff;
	_ =	sdelay $0x5  }
0x24f: {  	v23 =	vsub.f32 $0.0e+00, v23;
	_ =	sdelay $0x1  }
0x250: {  	v23 =	vmul.f32 $1.442695020e+00, v23;
	_ =	sdelay $0x1  }
0x251: {  	(erf) = vpow2.f32 v23;
	_ =	sdelay $0x8  }
0x252: {  	v23 =	vpop (erf)  }
0x253: {  	v23 =	vadd.f32 $1.000000000e+00, v23;
	_ =	sdelay $0x1  }
0x254: {  	(erf) = vrcp.f32 v23;
	_ =	sdelay $0x2  }
0x255: {  	v23 =	vadd.s32 s10, v18  }
0x256: {  	v23 =	vand.u32 $0x3FF8, v23  }
.Ltmp2:
0x257: {  	v23 =	vor.u32 v4, v23;
	(pc) =	sbr.rel @p0 .LBB2_7-.Ltmp2, $2  }
0x258: {  	_ =	sdelay $0x2  }
0x259: {  	s13 =	sadd.s32 $0x10, s13;
	s19 =	smov.u32 s24;
	v24 =	vpop (erf)  }
0x25a: {  	_ =	sdelay $0x3  }
0x25b: {  	s17 =	sshra.s32 s17, $0x2;
	[tilespmem:v23+s9+$0x0] =	vst.idx.msk $0xffff, v24  }
0x25c: {  	v23 =	vld.idx.msk [tilespmem:v22+s17+$0xE1A0 ss:$0x1], $0xffff;
	_ =	sdelay $0x4  }
0x25d: {  	v23 =	vsub.f32 $0.0e+00, v23;
	_ =	sdelay $0x1  }
0x25e: {  	v23 =	vmul.f32 $1.442695020e+00, v23;
	_ =	sdelay $0x1  }
0x25f: {  	(erf) = vpow2.f32 v23;
	_ =	sdelay $0x8  }
0x260: {  	v23 =	vpop (erf)  }
0x261: {  	v23 =	vadd.f32 $1.000000000e+00, v23;
	_ =	sdelay $0x1  }
0x262: {  	v53 =	vor.u32 s13, v0;
	(erf) = vrcp.f32 v23  }
0x263: {  	v23 =	vshrl.u32 v53, $0x2  }
0x264: {  	v23 =	vmulhi.u32 $0x1AF286BD, v23;
	_ =	sdelay $0x1  }
0x265: {  	v23 =	vshrl.u32 v23, $0x1  }
0x266: {  	v25 =	vmul.u32 $0xFFFFFFB4, v23  }
0x267: {  	s10 =	sadd.s32 $0xA0, s10  }
0x268: {  	v54 =	vadd.s32 s10, v1;
	v24 =	vadd.s32 v53, v25  }
0x269: {  	v25 =	vand.u32 $0x3FF8, v54;
	v24 =	vcvt.s32.f32 v24  }
0x26a: {  	v25 =	vor.u32 v2, v25;
	v26 =	vpop (erf)  }
0x26b: {  	v24 =	vadd.f32 v24, v26;
	_ =	sdelay $0x1  }
0x26c: {  	v24 =	vmul.f32 v24, v19;
	_ =	sdelay $0x1  }
0x26d: {  	[tilespmem:v25+s9+$0x0] =	vst.idx.msk $0xffff, v24  }
0x26e: {  	v24 =	vld.idx.msk [tilespmem:v22+s17+$0xF830 ss:$0x1], $0xffff;
	_ =	sdelay $0x4  }
0x26f: {  	v24 =	vsub.f32 $0.0e+00, v24;
	_ =	sdelay $0x1  }
0x270: {  	v24 =	vmul.f32 $1.442695020e+00, v24;
	_ =	sdelay $0x1  }
0x271: {  	(erf) = vpow2.f32 v24;
	_ =	sdelay $0x8  }
0x272: {  	v24 =	vpop (erf)  }
0x273: {  	v24 =	vadd.f32 $1.000000000e+00, v24;
	_ =	sdelay $0x1  }
0x274: {  	(erf) = vrcp.f32 v24;
	_ =	sdelay $0x6  }
0x275: {  	v55 =	vadd.s32 s10, v3  }
0x276: {  	v23 =	vcvt.s32.f32 v23;
	v24 =	vand.u32 $0x3FF8, v55  }
0x277: {  	v24 =	vor.u32 v4, v24;
	v56 =	vpop (erf)  }
0x278: {  	v23 =	vadd.f32 v23, v56;
	_ =	sdelay $0x1  }
0x279: {  	v23 =	vmul.f32 v23, v19;
	_ =	sdelay $0x1  }
0x27a: {  	[tilespmem:v24+s9+$0x0] =	vst.idx.msk $0xffff, v23  }
0x27b: {  	v23 =	vld.idx.msk [tilespmem:v22+s17+$0x10EC0 ss:$0x1], $0xffff;
	_ =	sdelay $0x4  }
0x27c: {  	v23 =	vmul.f32 $1.442695020e+00, v23;
	_ =	sdelay $0x1  }
0x27d: {  	(erf) = vpow2.f32 v23;
	_ =	sdelay $0x5  }
0x27e: {  	v23 =	vadd.s32 s10, v5  }
0x27f: {  	v23 =	vand.u32 $0x3FF8, v23  }
0x280: {  	v23 =	vor.u32 v6, v23  }
0x281: {  	v57 =	vpop (erf)  }
0x282: {  	v24 =	vmin.f32 v57, $1.000000000e+03  }
0x283: {  	v24 =	vmul.f32 v24, v20;
	_ =	sdelay $0x1  }
0x284: {  	[tilespmem:v23+s9+$0x0] =	vst.idx.msk $0xffff, v24  }
0x285: {  	v23 =	vld.idx.msk [tilespmem:v22+s17+$0x12550 ss:$0x1], $0xffff;
	_ =	sdelay $0x4  }
0x286: {  	v23 =	vmul.f32 $1.442695020e+00, v23;
	_ =	sdelay $0x1  }
0x287: {  	(erf) = vpow2.f32 v23;
	_ =	sdelay $0x5  }
0x288: {  	v23 =	vadd.s32 s10, v7  }
0x289: {  	v23 =	vand.u32 $0x3FF8, v23  }
0x28a: {  	v23 =	vor.u32 v8, v23  }
0x28b: {  	v58 =	vpop (erf)  }
0x28c: {  	v24 =	vmin.f32 v58, $1.000000000e+03  }
0x28d: {  	v24 =	vmul.f32 v24, v21  }
0x28e: {  	v59 =	vadd.s32 s10, v9  }
0x28f: {  	[tilespmem:v23+s9+$0x0] =	vst.idx.msk $0xffff, v24;
	v23 =	vand.u32 $0x3FF8, v59  }
0x290: {  	v24 =	vld.idx.msk [tilespmem:v22+s17+$0x13BE0 ss:$0x1], $0xffff;
	v23 =	vor.u32 v10, v23;
	_ =	sdelay $0x3  }
0x291: {  	v60 =	vadd.s32 s10, v11  }
0x292: {  	[tilespmem:v23+s9+$0x0] =	vst.idx.msk $0xffff, v24;
	v23 =	vand.u32 $0x3FF8, v60  }
0x293: {  	v24 =	vld.idx.msk [tilespmem:v22+s17+$0x15270 ss:$0x1], $0xffff;
	v23 =	vor.u32 v12, v23;
	_ =	sdelay $0x4  }
0x294: {  	[tilespmem:v23+s9+$0x0] =	vst.idx.msk $0xffff, v24  }
0x295: {  	v23 =	vld.idx.msk [tilespmem:v22+s17+$0x16900 ss:$0x1], $0xffff;
	_ =	sdelay $0x4  }
0x296: {  	v23 =	vsub.f32 $0.0e+00, v23;
	_ =	sdelay $0x1  }
0x297: {  	v23 =	vmul.f32 $1.442695020e+00, v23;
	_ =	sdelay $0x1  }
0x298: {  	(erf) = vpow2.f32 v23;
	_ =	sdelay $0x8  }
0x299: {  	v23 =	vpop (erf)  }
0x29a: {  	v23 =	vadd.f32 $1.000000000e+00, v23;
	_ =	sdelay $0x1  }
0x29b: {  	(erf) = vrcp.f32 v23;
	_ =	sdelay $0x2  }
0x29c: {  	v23 =	vadd.s32 s10, v13  }
0x29d: {  	v23 =	vand.u32 $0x3FF8, v23  }
0x29e: {  	v23 =	vor.u32 v14, v23;
	_ =	sdelay $0x3  }
0x29f: {  	v61 =	vpop (erf)  }
0x2a0: {  	[tilespmem:v23+s9+$0x0] =	vst.idx.msk $0xffff, v61  }
0x2a1: {  	v23 =	vld.idx.msk [tilespmem:v22+s17+$0x17F90 ss:$0x1], $0xffff;
	_ =	sdelay $0x4  }
0x2a2: {  	v23 =	vsub.f32 $0.0e+00, v23;
	_ =	sdelay $0x1  }
0x2a3: {  	v23 =	vmul.f32 $1.442695020e+00, v23;
	_ =	sdelay $0x1  }
0x2a4: {  	(erf) = vpow2.f32 v23;
	_ =	sdelay $0x8  }
0x2a5: {  	v23 =	vpop (erf)  }
0x2a6: {  	v23 =	vadd.f32 $1.000000000e+00, v23;
	_ =	sdelay $0x1  }
0x2a7: {  	(erf) = vrcp.f32 v23;
	_ =	sdelay $0x2  }
0x2a8: {  	v23 =	vadd.s32 s10, v15  }
0x2a9: {  	v23 =	vand.u32 $0x3FF8, v23  }
0x2aa: {  	v23 =	vor.u32 v16, v23;
	_ =	sdelay $0x3  }
0x2ab: {  	v62 =	vpop (erf)  }
0x2ac: {  	[tilespmem:v23+s9+$0x0] =	vst.idx.msk $0xffff, v62  }
0x2ad: {  	v23 =	vld.idx.msk [tilespmem:v22+s17+$0x19620 ss:$0x1], $0xffff;
	_ =	sdelay $0x4  }
0x2ae: {  	v23 =	vsub.f32 $0.0e+00, v23;
	_ =	sdelay $0x1  }
0x2af: {  	v23 =	vmul.f32 $1.442695020e+00, v23;
	_ =	sdelay $0x1  }
0x2b0: {  	(erf) = vpow2.f32 v23;
	_ =	sdelay $0x8  }
0x2b1: {  	v23 =	vpop (erf)  }
0x2b2: {  	v23 =	vadd.f32 $1.000000000e+00, v23;
	_ =	sdelay $0x1  }
0x2b3: {  	(erf) = vrcp.f32 v23;
	_ =	sdelay $0x2  }
0x2b4: {  	v23 =	vadd.s32 s10, v17  }
0x2b5: {  	v23 =	vand.u32 $0x3FF8, v23  }
0x2b6: {  	v23 =	vor.u32 v2, v23;
	_ =	sdelay $0x3  }
0x2b7: {  	v63 =	vpop (erf)  }
0x2b8: {  	[tilespmem:v23+s9+$0x0] =	vst.idx.msk $0xffff, v63  }
0x2b9: {  	v22 =	vld.idx.msk [tilespmem:v22+s17+$0x1ACB0 ss:$0x1], $0xffff;
	_ =	sdelay $0x4  }
0x2ba: {  	v22 =	vsub.f32 $0.0e+00, v22;
	_ =	sdelay $0x1  }
0x2bb: {  	v22 =	vmul.f32 $1.442695020e+00, v22;
	_ =	sdelay $0x1  }
0x2bc: {  	(erf) = vpow2.f32 v22;
	_ =	sdelay $0x8  }
0x2bd: {  	v22 =	vpop (erf)  }
0x2be: {  	v22 =	vadd.f32 $1.000000000e+00, v22;
	_ =	sdelay $0x1  }
0x2bf: {  	(erf) = vrcp.f32 v22;
	_ =	sdelay $0x2  }
0x2c0: {  	v22 =	vadd.s32 s10, v18  }
0x2c1: {  	v22 =	vand.u32 $0x3FF8, v22  }
0x2c2: {  	s24 =	smul.u32 $0xBE0, s4;
	s4 =	sadd.s32 $0x1, s4;
	v22 =	vor.u32 v4, v22  }
0x2c3: {  	p0 =	sne.s32 s4, $0x13  }
.Ltmp3:
0x2c4: {  	_ = 	snop;
	(pc) =	sbr.rel @p0 .LBB2_6-.Ltmp3, $4  }
0x2c5: {  	s10 =	sadd.s32 s6, s24  }
0x2c6: {  	s8 =	sadd.s32 $0x3, s8;
	s10 =	sshrl.u32 s10, $0x3;
	v23 =	vpop (erf)  }
0x2c7: {  	s23 =	sadd.s32 $0x130, s23;
	s0 =	sadd.s32 $0x130, s0;
	s10 =	sadd.s32 s5, s10;
	[tilespmem:v22+s9+$0x0] =	vst.idx.msk $0xffff, v23  }
0x2c8: {  	[hbm4b:s10+s2] =	stream.linear.scatter [tilespmem:s9], [sflag:s8], $0xBE0, $0x38;
	[tilespmem:$0x1DB90] =	vst v63  }
0x2c9: {  	_ =	swait.ge [sflag:s28], $0xBE0  }
0x2ca: {  	[sflag:s28] =	ssyncset.done $0x0  }
0x2cb: {  	[sflag:s28] =	ssyncadd.s32 $0xFFFFF420  }
0x2cc: {  	_ =	swait.ge [sflag:s29], $0xBE0  }
0x2cd: {  	[sflag:s29] =	ssyncset.done $0x0  }
0x2ce: {  	[sflag:s29] =	ssyncadd.s32 $0xFFFFF420  }
0x2cf: {  	_ =	swait.ge [sflag:s25], $0xE1A0  }
0x2d0: {  	[sflag:s25] =	ssyncset.done $0x0  }
0x2d1: {  	s1 =	simm.s32 $0x0;
	s0 =	rddreg [dreg:$0x7];
	[sflag:s25] =	ssyncadd.s32 $0xFFFF1E60  }
0x2d2: {  	[tilespmem:s26], [sflag:$0x2] =	stream.linear.gather [hbm4b:s0+s1], $0xE1A0, $0x38;
	[tilespmem:$0x1DB90] =	vst v63  }
0x2d3: {  	v19 =	vld [tilespmem:s14+$0x1DB00]  }
0x2d4: {  	v20 =	vld [tilespmem:s14+$0x1DB10]  }
0x2d5: {  	s23 =	simm.s32 $0x0;
	s4 =	simm.s32 $0x0;
	s0 =	simm.s32 $0x0;
	v21 =	vld [tilespmem:s14+$0x1DB20]  }
.LBB2_10:
0x2d6: {  	s8 =	sand.u32 $0x1, s4;
	p0 =	slt.u32 s4, $0x2;
	v22 =	vmov s23  }
0x2d7: {  	s9 =	sadd.s32 @!p0 $0x3, s8  }
0x2d8: {  	_ =	swait.ge @!p0 [sflag:s9], $0xBE0  }
0x2d9: {  	[sflag:s9] =	ssyncset.done @!p0 $0x0  }
0x2da: {  	s10 =	simm.s32 $0x0;
	[sflag:s9] =	ssyncadd.s32 @!p0 $0xFFFFF420  }
0x2db: {  	v23 =	vld.idx.msk [tilespmem:v22+s10+$0x0 ss:$0x1], $0xffff;
	_ =	sdelay $0x4  }
0x2dc: {  	v23 =	vsub.f32 $0.0e+00, v23;
	_ =	sdelay $0x1  }
0x2dd: {  	v23 =	vmul.f32 $1.442695020e+00, v23;
	_ =	sdelay $0x1  }
0x2de: {  	(erf) = vpow2.f32 v23;
	_ =	sdelay $0x8  }
0x2df: {  	v23 =	vpop (erf)  }
0x2e0: {  	v23 =	vadd.f32 $1.000000000e+00, v23;
	_ =	sdelay $0x1  }
0x2e1: {  	v24 =	vor.u32 s0, v0;
	(erf) = vrcp.f32 v23  }
0x2e2: {  	v23 =	vshrl.u32 v24, $0x2  }
0x2e3: {  	v23 =	vmulhi.u32 $0x1AF286BD, v23;
	_ =	sdelay $0x1  }
0x2e4: {  	v23 =	vshrl.u32 v23, $0x1  }
0x2e5: {  	v25 =	vmul.u32 $0xFFFFFFB4, v23;
	_ =	sdelay $0x1  }
0x2e6: {  	v24 =	vadd.s32 v24, v25;
	v25 =	vadd.s32 s1, v1  }
0x2e7: {  	v24 =	vcvt.s32.f32 v24;
	v25 =	vand.u32 $0x3FF8, v25  }
0x2e8: {  	v25 =	vor.u32 v2, v25;
	v26 =	vpop (erf)  }
0x2e9: {  	s24 =	smul.u32 $0x2F80, s8;
	v24 =	vadd.f32 v24, v26;
	_ =	sdelay $0x1  }
0x2ea: {  	s9 =	sshrl.u32 s24, $0x2;
	v24 =	vmul.f32 v24, v19  }
0x2eb: {  	s9 =	sadd.s32 $0x1C340, s9  }
0x2ec: {  	[tilespmem:v25+s9+$0x0] =	vst.idx.msk $0xffff, v24  }
0x2ed: {  	v24 =	vld.idx.msk [tilespmem:v22+s10+$0x1690 ss:$0x1], $0xffff;
	_ =	sdelay $0x4  }
0x2ee: {  	v24 =	vsub.f32 $0.0e+00, v24;
	_ =	sdelay $0x1  }
0x2ef: {  	v24 =	vmul.f32 $1.442695020e+00, v24;
	_ =	sdelay $0x1  }
0x2f0: {  	(erf) = vpow2.f32 v24;
	_ =	sdelay $0x8  }
0x2f1: {  	v24 =	vpop (erf)  }
0x2f2: {  	v24 =	vadd.f32 $1.000000000e+00, v24;
	_ =	sdelay $0x1  }
0x2f3: {  	(erf) = vrcp.f32 v24;
	_ =	sdelay $0x6  }
0x2f4: {  	v24 =	vadd.s32 s1, v3  }
0x2f5: {  	v23 =	vcvt.s32.f32 v23;
	v24 =	vand.u32 $0x3FF8, v24  }
0x2f6: {  	v24 =	vor.u32 v4, v24;
	v25 =	vpop (erf)  }
0x2f7: {  	v23 =	vadd.f32 v23, v25;
	_ =	sdelay $0x1  }
0x2f8: {  	v23 =	vmul.f32 v23, v19;
	_ =	sdelay $0x1  }
0x2f9: {  	[tilespmem:v24+s9+$0x0] =	vst.idx.msk $0xffff, v23  }
0x2fa: {  	v23 =	vld.idx.msk [tilespmem:v22+s10+$0x2D20 ss:$0x1], $0xffff;
	_ =	sdelay $0x4  }
0x2fb: {  	v23 =	vmul.f32 $1.442695020e+00, v23;
	_ =	sdelay $0x1  }
0x2fc: {  	(erf) = vpow2.f32 v23;
	_ =	sdelay $0x5  }
0x2fd: {  	v23 =	vadd.s32 s1, v5  }
0x2fe: {  	v23 =	vand.u32 $0x3FF8, v23  }
0x2ff: {  	v23 =	vor.u32 v6, v23  }
0x300: {  	v24 =	vpop (erf)  }
0x301: {  	v24 =	vmin.f32 v24, $1.000000000e+03  }
0x302: {  	v24 =	vmul.f32 v24, v20;
	_ =	sdelay $0x1  }
0x303: {  	[tilespmem:v23+s9+$0x0] =	vst.idx.msk $0xffff, v24  }
0x304: {  	v23 =	vld.idx.msk [tilespmem:v22+s10+$0x43B0 ss:$0x1], $0xffff;
	_ =	sdelay $0x4  }
0x305: {  	v23 =	vmul.f32 $1.442695020e+00, v23;
	_ =	sdelay $0x1  }
0x306: {  	(erf) = vpow2.f32 v23;
	_ =	sdelay $0x5  }
0x307: {  	v23 =	vadd.s32 s1, v7  }
0x308: {  	v23 =	vand.u32 $0x3FF8, v23  }
0x309: {  	v23 =	vor.u32 v8, v23  }
0x30a: {  	v24 =	vpop (erf)  }
0x30b: {  	v24 =	vmin.f32 v24, $1.000000000e+03  }
0x30c: {  	v24 =	vmul.f32 v24, v21  }
0x30d: {  	v25 =	vadd.s32 s1, v9  }
0x30e: {  	[tilespmem:v23+s9+$0x0] =	vst.idx.msk $0xffff, v24;
	v23 =	vand.u32 $0x3FF8, v25  }
0x30f: {  	v24 =	vld.idx.msk [tilespmem:v22+s10+$0x5A40 ss:$0x1], $0xffff;
	v23 =	vor.u32 v10, v23;
	_ =	sdelay $0x3  }
0x310: {  	v25 =	vadd.s32 s1, v11  }
0x311: {  	[tilespmem:v23+s9+$0x0] =	vst.idx.msk $0xffff, v24;
	v23 =	vand.u32 $0x3FF8, v25  }
0x312: {  	v24 =	vld.idx.msk [tilespmem:v22+s10+$0x70D0 ss:$0x1], $0xffff;
	v23 =	vor.u32 v12, v23;
	_ =	sdelay $0x4  }
0x313: {  	[tilespmem:v23+s9+$0x0] =	vst.idx.msk $0xffff, v24  }
0x314: {  	v23 =	vld.idx.msk [tilespmem:v22+s10+$0x8760 ss:$0x1], $0xffff;
	_ =	sdelay $0x4  }
0x315: {  	v23 =	vsub.f32 $0.0e+00, v23;
	_ =	sdelay $0x1  }
0x316: {  	v23 =	vmul.f32 $1.442695020e+00, v23;
	_ =	sdelay $0x1  }
0x317: {  	(erf) = vpow2.f32 v23;
	_ =	sdelay $0x8  }
0x318: {  	v23 =	vpop (erf)  }
0x319: {  	v23 =	vadd.f32 $1.000000000e+00, v23;
	_ =	sdelay $0x1  }
0x31a: {  	(erf) = vrcp.f32 v23;
	_ =	sdelay $0x2  }
0x31b: {  	v23 =	vadd.s32 s1, v13  }
0x31c: {  	v23 =	vand.u32 $0x3FF8, v23  }
0x31d: {  	v23 =	vor.u32 v14, v23;
	_ =	sdelay $0x3  }
0x31e: {  	v24 =	vpop (erf)  }
0x31f: {  	[tilespmem:v23+s9+$0x0] =	vst.idx.msk $0xffff, v24  }
0x320: {  	v23 =	vld.idx.msk [tilespmem:v22+s10+$0x9DF0 ss:$0x1], $0xffff;
	_ =	sdelay $0x4  }
0x321: {  	v23 =	vsub.f32 $0.0e+00, v23;
	_ =	sdelay $0x1  }
0x322: {  	v23 =	vmul.f32 $1.442695020e+00, v23;
	_ =	sdelay $0x1  }
0x323: {  	(erf) = vpow2.f32 v23;
	_ =	sdelay $0x8  }
0x324: {  	v23 =	vpop (erf)  }
0x325: {  	v23 =	vadd.f32 $1.000000000e+00, v23;
	_ =	sdelay $0x1  }
0x326: {  	(erf) = vrcp.f32 v23;
	_ =	sdelay $0x2  }
0x327: {  	v23 =	vadd.s32 s1, v15  }
0x328: {  	v23 =	vand.u32 $0x3FF8, v23  }
0x329: {  	v23 =	vor.u32 v16, v23;
	_ =	sdelay $0x3  }
0x32a: {  	v24 =	vpop (erf)  }
0x32b: {  	[tilespmem:v23+s9+$0x0] =	vst.idx.msk $0xffff, v24  }
0x32c: {  	v23 =	vld.idx.msk [tilespmem:v22+s10+$0xB480 ss:$0x1], $0xffff;
	_ =	sdelay $0x4  }
0x32d: {  	v23 =	vsub.f32 $0.0e+00, v23;
	_ =	sdelay $0x1  }
0x32e: {  	v23 =	vmul.f32 $1.442695020e+00, v23;
	_ =	sdelay $0x1  }
0x32f: {  	(erf) = vpow2.f32 v23;
	_ =	sdelay $0x8  }
0x330: {  	v23 =	vpop (erf)  }
0x331: {  	v23 =	vadd.f32 $1.000000000e+00, v23;
	_ =	sdelay $0x1  }
0x332: {  	(erf) = vrcp.f32 v23;
	_ =	sdelay $0x2  }
0x333: {  	v23 =	vadd.s32 s1, v17  }
0x334: {  	v23 =	vand.u32 $0x3FF8, v23  }
0x335: {  	v23 =	vor.u32 v2, v23;
	_ =	sdelay $0x3  }
0x336: {  	v24 =	vpop (erf)  }
0x337: {  	[tilespmem:v23+s9+$0x0] =	vst.idx.msk $0xffff, v24  }
0x338: {  	v23 =	vld.idx.msk [tilespmem:v22+s10+$0xCB10 ss:$0x1], $0xffff;
	_ =	sdelay $0x4  }
0x339: {  	v23 =	vsub.f32 $0.0e+00, v23;
	_ =	sdelay $0x1  }
0x33a: {  	v23 =	vmul.f32 $1.442695020e+00, v23;
	_ =	sdelay $0x1  }
0x33b: {  	(erf) = vpow2.f32 v23;
	_ =	sdelay $0x8  }
0x33c: {  	v23 =	vpop (erf)  }
0x33d: {  	v23 =	vadd.f32 $1.000000000e+00, v23;
	_ =	sdelay $0x1  }
0x33e: {  	(erf) = vrcp.f32 v23;
	_ =	sdelay $0x3  }
0x33f: {  	v23 =	vadd.s32 s1, v18  }
0x340: {  	v23 =	vand.u32 $0x3FF8, v23  }
0x341: {  	v23 =	vor.u32 v4, v23;
	_ =	sdelay $0x1  }
0x342: {  	s17 =	simm.s32 $0x40  }
0x343: {  	s13 =	sadd.s32 $0x10, s0;
	s24 =	simm.s32 $0x80;
	s10 =	simm.s32 $0x0;
	v24 =	vpop (erf)  }
.LBB2_11:
0x344: {  	s22 =	sshra.s32 s17, $0x2  }
0x345: {  	[tilespmem:v23+s9+$0x0] =	vst.idx.msk $0xffff, v24;
	s10 =	sadd.s32 $0xA0, s10;
	s17 =	smov.u32 s24;
	s19 =	sadd.s32 $0x40, s24  }
0x346: {  	p0 =	sne.s32 s24, $0x480;
	v23 =	vld.idx.msk [tilespmem:v22+s22+$0x0 ss:$0x1], $0xffff;
	_ =	sdelay $0x5  }
0x347: {  	v23 =	vsub.f32 $0.0e+00, v23;
	_ =	sdelay $0x1  }
0x348: {  	v23 =	vmul.f32 $1.442695020e+00, v23;
	_ =	sdelay $0x1  }
0x349: {  	(erf) = vpow2.f32 v23;
	_ =	sdelay $0x8  }
0x34a: {  	v23 =	vpop (erf)  }
0x34b: {  	v23 =	vadd.f32 $1.000000000e+00, v23;
	_ =	sdelay $0x1  }
0x34c: {  	v24 =	vor.u32 s13, v0;
	(erf) = vrcp.f32 v23  }
0x34d: {  	v23 =	vshrl.u32 v24, $0x2  }
0x34e: {  	v23 =	vmulhi.u32 $0x1AF286BD, v23;
	_ =	sdelay $0x1  }
0x34f: {  	v23 =	vshrl.u32 v23, $0x1  }
0x350: {  	v25 =	vmul.u32 $0xFFFFFFB4, v23;
	_ =	sdelay $0x1  }
0x351: {  	v24 =	vadd.s32 v24, v25;
	v25 =	vadd.s32 s10, v1  }
0x352: {  	v24 =	vcvt.s32.f32 v24;
	v25 =	vand.u32 $0x3FF8, v25  }
0x353: {  	v25 =	vor.u32 v2, v25;
	v26 =	vpop (erf)  }
0x354: {  	v24 =	vadd.f32 v24, v26;
	_ =	sdelay $0x1  }
0x355: {  	v24 =	vmul.f32 v24, v19;
	_ =	sdelay $0x1  }
0x356: {  	[tilespmem:v25+s9+$0x0] =	vst.idx.msk $0xffff, v24  }
0x357: {  	v24 =	vld.idx.msk [tilespmem:v22+s22+$0x1690 ss:$0x1], $0xffff;
	_ =	sdelay $0x5  }
0x358: {  	v24 =	vsub.f32 $0.0e+00, v24;
	_ =	sdelay $0x1  }
0x359: {  	v24 =	vmul.f32 $1.442695020e+00, v24;
	_ =	sdelay $0x1  }
0x35a: {  	(erf) = vpow2.f32 v24;
	_ =	sdelay $0x8  }
0x35b: {  	v24 =	vpop (erf)  }
0x35c: {  	v24 =	vadd.f32 $1.000000000e+00, v24;
	_ =	sdelay $0x1  }
0x35d: {  	(erf) = vrcp.f32 v24;
	_ =	sdelay $0x6  }
0x35e: {  	v24 =	vadd.s32 s10, v3  }
0x35f: {  	v23 =	vcvt.s32.f32 v23;
	v24 =	vand.u32 $0x3FF8, v24  }
0x360: {  	v24 =	vor.u32 v4, v24;
	v25 =	vpop (erf)  }
0x361: {  	v23 =	vadd.f32 v23, v25;
	_ =	sdelay $0x1  }
0x362: {  	v23 =	vmul.f32 v23, v19;
	_ =	sdelay $0x1  }
0x363: {  	[tilespmem:v24+s9+$0x0] =	vst.idx.msk $0xffff, v23  }
0x364: {  	v23 =	vld.idx.msk [tilespmem:v22+s22+$0x2D20 ss:$0x1], $0xffff;
	_ =	sdelay $0x5  }
0x365: {  	v23 =	vmul.f32 $1.442695020e+00, v23;
	_ =	sdelay $0x1  }
0x366: {  	(erf) = vpow2.f32 v23;
	_ =	sdelay $0x5  }
0x367: {  	v23 =	vadd.s32 s10, v5  }
0x368: {  	v23 =	vand.u32 $0x3FF8, v23  }
0x369: {  	v23 =	vor.u32 v6, v23  }
0x36a: {  	v24 =	vpop (erf)  }
0x36b: {  	v24 =	vmin.f32 v24, $1.000000000e+03  }
0x36c: {  	v24 =	vmul.f32 v24, v20;
	_ =	sdelay $0x1  }
0x36d: {  	[tilespmem:v23+s9+$0x0] =	vst.idx.msk $0xffff, v24  }
0x36e: {  	v23 =	vld.idx.msk [tilespmem:v22+s22+$0x43B0 ss:$0x1], $0xffff;
	_ =	sdelay $0x5  }
0x36f: {  	v23 =	vmul.f32 $1.442695020e+00, v23;
	_ =	sdelay $0x1  }
0x370: {  	(erf) = vpow2.f32 v23;
	_ =	sdelay $0x5  }
0x371: {  	v23 =	vadd.s32 s10, v7  }
0x372: {  	v23 =	vand.u32 $0x3FF8, v23  }
0x373: {  	v23 =	vor.u32 v8, v23  }
0x374: {  	v24 =	vpop (erf)  }
0x375: {  	v24 =	vmin.f32 v24, $1.000000000e+03  }
0x376: {  	v24 =	vmul.f32 v24, v21;
	_ =	sdelay $0x1  }
0x377: {  	[tilespmem:v23+s9+$0x0] =	vst.idx.msk $0xffff, v24;
	v23 =	vadd.s32 s10, v9  }
0x378: {  	v24 =	vld.idx.msk [tilespmem:v22+s22+$0x5A40 ss:$0x1], $0xffff;
	v23 =	vand.u32 $0x3FF8, v23  }
0x379: {  	v23 =	vor.u32 v10, v23;
	_ =	sdelay $0x4  }
0x37a: {  	[tilespmem:v23+s9+$0x0] =	vst.idx.msk $0xffff, v24;
	v23 =	vadd.s32 s10, v11  }
0x37b: {  	v24 =	vld.idx.msk [tilespmem:v22+s22+$0x70D0 ss:$0x1], $0xffff;
	v23 =	vand.u32 $0x3FF8, v23  }
0x37c: {  	v23 =	vor.u32 v12, v23;
	_ =	sdelay $0x4  }
0x37d: {  	[tilespmem:v23+s9+$0x0] =	vst.idx.msk $0xffff, v24  }
0x37e: {  	v23 =	vld.idx.msk [tilespmem:v22+s22+$0x8760 ss:$0x1], $0xffff;
	_ =	sdelay $0x5  }
0x37f: {  	v23 =	vsub.f32 $0.0e+00, v23;
	_ =	sdelay $0x1  }
0x380: {  	v23 =	vmul.f32 $1.442695020e+00, v23;
	_ =	sdelay $0x1  }
0x381: {  	(erf) = vpow2.f32 v23;
	_ =	sdelay $0x8  }
0x382: {  	v23 =	vpop (erf)  }
0x383: {  	v23 =	vadd.f32 $1.000000000e+00, v23;
	_ =	sdelay $0x1  }
0x384: {  	(erf) = vrcp.f32 v23;
	_ =	sdelay $0x2  }
0x385: {  	v23 =	vadd.s32 s10, v13  }
0x386: {  	v23 =	vand.u32 $0x3FF8, v23  }
0x387: {  	v23 =	vor.u32 v14, v23;
	_ =	sdelay $0x3  }
0x388: {  	v24 =	vpop (erf)  }
0x389: {  	[tilespmem:v23+s9+$0x0] =	vst.idx.msk $0xffff, v24  }
0x38a: {  	v23 =	vld.idx.msk [tilespmem:v22+s22+$0x9DF0 ss:$0x1], $0xffff;
	_ =	sdelay $0x5  }
0x38b: {  	v23 =	vsub.f32 $0.0e+00, v23;
	_ =	sdelay $0x1  }
0x38c: {  	v23 =	vmul.f32 $1.442695020e+00, v23;
	_ =	sdelay $0x1  }
0x38d: {  	(erf) = vpow2.f32 v23;
	_ =	sdelay $0x8  }
0x38e: {  	v23 =	vpop (erf)  }
0x38f: {  	v23 =	vadd.f32 $1.000000000e+00, v23;
	_ =	sdelay $0x1  }
0x390: {  	(erf) = vrcp.f32 v23;
	_ =	sdelay $0x2  }
0x391: {  	v23 =	vadd.s32 s10, v15  }
0x392: {  	v23 =	vand.u32 $0x3FF8, v23  }
0x393: {  	v23 =	vor.u32 v16, v23;
	_ =	sdelay $0x3  }
0x394: {  	v24 =	vpop (erf)  }
0x395: {  	[tilespmem:v23+s9+$0x0] =	vst.idx.msk $0xffff, v24  }
0x396: {  	v23 =	vld.idx.msk [tilespmem:v22+s22+$0xB480 ss:$0x1], $0xffff;
	_ =	sdelay $0x5  }
0x397: {  	v23 =	vsub.f32 $0.0e+00, v23;
	_ =	sdelay $0x1  }
0x398: {  	v23 =	vmul.f32 $1.442695020e+00, v23;
	_ =	sdelay $0x1  }
0x399: {  	(erf) = vpow2.f32 v23;
	_ =	sdelay $0x8  }
0x39a: {  	v23 =	vpop (erf)  }
0x39b: {  	v23 =	vadd.f32 $1.000000000e+00, v23;
	_ =	sdelay $0x1  }
0x39c: {  	(erf) = vrcp.f32 v23;
	_ =	sdelay $0x2  }
0x39d: {  	v23 =	vadd.s32 s10, v17  }
0x39e: {  	v23 =	vand.u32 $0x3FF8, v23  }
0x39f: {  	v23 =	vor.u32 v2, v23;
	_ =	sdelay $0x3  }
0x3a0: {  	v24 =	vpop (erf)  }
0x3a1: {  	[tilespmem:v23+s9+$0x0] =	vst.idx.msk $0xffff, v24  }
0x3a2: {  	v23 =	vld.idx.msk [tilespmem:v22+s22+$0xCB10 ss:$0x1], $0xffff;
	_ =	sdelay $0x5  }
0x3a3: {  	v23 =	vsub.f32 $0.0e+00, v23;
	_ =	sdelay $0x1  }
0x3a4: {  	v23 =	vmul.f32 $1.442695020e+00, v23;
	_ =	sdelay $0x1  }
0x3a5: {  	(erf) = vpow2.f32 v23;
	_ =	sdelay $0x8  }
0x3a6: {  	v23 =	vpop (erf)  }
0x3a7: {  	v23 =	vadd.f32 $1.000000000e+00, v23;
	_ =	sdelay $0x1  }
0x3a8: {  	(erf) = vrcp.f32 v23;
	_ =	sdelay $0x2  }
0x3a9: {  	v23 =	vadd.s32 s10, v18  }
0x3aa: {  	v23 =	vand.u32 $0x3FF8, v23  }
.Ltmp4:
0x3ab: {  	v23 =	vor.u32 v4, v23;
	(pc) =	sbr.rel @p0 .LBB2_11-.Ltmp4, $2  }
0x3ac: {  	_ =	sdelay $0x2  }
0x3ad: {  	s13 =	sadd.s32 $0x10, s13;
	s24 =	smov.u32 s19;
	v24 =	vpop (erf)  }
0x3ae: {  	_ =	sdelay $0x3  }
0x3af: {  	s17 =	sshra.s32 s17, $0x2;
	[tilespmem:v23+s9+$0x0] =	vst.idx.msk $0xffff, v24  }
0x3b0: {  	v23 =	vld.idx.msk [tilespmem:v22+s17+$0x0 ss:$0x1], $0xffff;
	_ =	sdelay $0x4  }
0x3b1: {  	v23 =	vsub.f32 $0.0e+00, v23;
	_ =	sdelay $0x1  }
0x3b2: {  	v23 =	vmul.f32 $1.442695020e+00, v23;
	_ =	sdelay $0x1  }
0x3b3: {  	(erf) = vpow2.f32 v23;
	_ =	sdelay $0x8  }
0x3b4: {  	v23 =	vpop (erf)  }
0x3b5: {  	v23 =	vadd.f32 $1.000000000e+00, v23;
	_ =	sdelay $0x1  }
0x3b6: {  	v53 =	vor.u32 s13, v0;
	(erf) = vrcp.f32 v23  }
0x3b7: {  	v23 =	vshrl.u32 v53, $0x2  }
0x3b8: {  	v23 =	vmulhi.u32 $0x1AF286BD, v23;
	_ =	sdelay $0x1  }
0x3b9: {  	v23 =	vshrl.u32 v23, $0x1  }
0x3ba: {  	v25 =	vmul.u32 $0xFFFFFFB4, v23  }
0x3bb: {  	s10 =	sadd.s32 $0xA0, s10  }
0x3bc: {  	v54 =	vadd.s32 s10, v1;
	v24 =	vadd.s32 v53, v25  }
0x3bd: {  	v25 =	vand.u32 $0x3FF8, v54;
	v24 =	vcvt.s32.f32 v24  }
0x3be: {  	v25 =	vor.u32 v2, v25;
	v26 =	vpop (erf)  }
0x3bf: {  	v24 =	vadd.f32 v24, v26;
	_ =	sdelay $0x1  }
0x3c0: {  	v24 =	vmul.f32 v24, v19;
	_ =	sdelay $0x1  }
0x3c1: {  	[tilespmem:v25+s9+$0x0] =	vst.idx.msk $0xffff, v24  }
0x3c2: {  	v24 =	vld.idx.msk [tilespmem:v22+s17+$0x1690 ss:$0x1], $0xffff;
	_ =	sdelay $0x4  }
0x3c3: {  	v24 =	vsub.f32 $0.0e+00, v24;
	_ =	sdelay $0x1  }
0x3c4: {  	v24 =	vmul.f32 $1.442695020e+00, v24;
	_ =	sdelay $0x1  }
0x3c5: {  	(erf) = vpow2.f32 v24;
	_ =	sdelay $0x8  }
0x3c6: {  	v24 =	vpop (erf)  }
0x3c7: {  	v24 =	vadd.f32 $1.000000000e+00, v24;
	_ =	sdelay $0x1  }
0x3c8: {  	(erf) = vrcp.f32 v24;
	_ =	sdelay $0x6  }
0x3c9: {  	v55 =	vadd.s32 s10, v3  }
0x3ca: {  	v23 =	vcvt.s32.f32 v23;
	v24 =	vand.u32 $0x3FF8, v55  }
0x3cb: {  	v24 =	vor.u32 v4, v24;
	v56 =	vpop (erf)  }
0x3cc: {  	v23 =	vadd.f32 v23, v56;
	_ =	sdelay $0x1  }
0x3cd: {  	v23 =	vmul.f32 v23, v19;
	_ =	sdelay $0x1  }
0x3ce: {  	[tilespmem:v24+s9+$0x0] =	vst.idx.msk $0xffff, v23  }
0x3cf: {  	v23 =	vld.idx.msk [tilespmem:v22+s17+$0x2D20 ss:$0x1], $0xffff;
	_ =	sdelay $0x4  }
0x3d0: {  	v23 =	vmul.f32 $1.442695020e+00, v23;
	_ =	sdelay $0x1  }
0x3d1: {  	(erf) = vpow2.f32 v23;
	_ =	sdelay $0x5  }
0x3d2: {  	v23 =	vadd.s32 s10, v5  }
0x3d3: {  	v23 =	vand.u32 $0x3FF8, v23  }
0x3d4: {  	v23 =	vor.u32 v6, v23  }
0x3d5: {  	v57 =	vpop (erf)  }
0x3d6: {  	v24 =	vmin.f32 v57, $1.000000000e+03  }
0x3d7: {  	v24 =	vmul.f32 v24, v20;
	_ =	sdelay $0x1  }
0x3d8: {  	[tilespmem:v23+s9+$0x0] =	vst.idx.msk $0xffff, v24  }
0x3d9: {  	v23 =	vld.idx.msk [tilespmem:v22+s17+$0x43B0 ss:$0x1], $0xffff;
	_ =	sdelay $0x4  }
0x3da: {  	v23 =	vmul.f32 $1.442695020e+00, v23;
	_ =	sdelay $0x1  }
0x3db: {  	(erf) = vpow2.f32 v23;
	_ =	sdelay $0x5  }
0x3dc: {  	v23 =	vadd.s32 s10, v7  }
0x3dd: {  	v23 =	vand.u32 $0x3FF8, v23  }
0x3de: {  	v23 =	vor.u32 v8, v23  }
0x3df: {  	v58 =	vpop (erf)  }
0x3e0: {  	v24 =	vmin.f32 v58, $1.000000000e+03  }
0x3e1: {  	v24 =	vmul.f32 v24, v21  }
0x3e2: {  	v59 =	vadd.s32 s10, v9  }
0x3e3: {  	[tilespmem:v23+s9+$0x0] =	vst.idx.msk $0xffff, v24;
	v23 =	vand.u32 $0x3FF8, v59  }
0x3e4: {  	v24 =	vld.idx.msk [tilespmem:v22+s17+$0x5A40 ss:$0x1], $0xffff;
	v23 =	vor.u32 v10, v23;
	_ =	sdelay $0x3  }
0x3e5: {  	v60 =	vadd.s32 s10, v11  }
0x3e6: {  	[tilespmem:v23+s9+$0x0] =	vst.idx.msk $0xffff, v24;
	v23 =	vand.u32 $0x3FF8, v60  }
0x3e7: {  	v24 =	vld.idx.msk [tilespmem:v22+s17+$0x70D0 ss:$0x1], $0xffff;
	v23 =	vor.u32 v12, v23;
	_ =	sdelay $0x4  }
0x3e8: {  	[tilespmem:v23+s9+$0x0] =	vst.idx.msk $0xffff, v24  }
0x3e9: {  	v23 =	vld.idx.msk [tilespmem:v22+s17+$0x8760 ss:$0x1], $0xffff;
	_ =	sdelay $0x4  }
0x3ea: {  	v23 =	vsub.f32 $0.0e+00, v23;
	_ =	sdelay $0x1  }
0x3eb: {  	v23 =	vmul.f32 $1.442695020e+00, v23;
	_ =	sdelay $0x1  }
0x3ec: {  	(erf) = vpow2.f32 v23;
	_ =	sdelay $0x8  }
0x3ed: {  	v23 =	vpop (erf)  }
0x3ee: {  	v23 =	vadd.f32 $1.000000000e+00, v23;
	_ =	sdelay $0x1  }
0x3ef: {  	(erf) = vrcp.f32 v23;
	_ =	sdelay $0x2  }
0x3f0: {  	v23 =	vadd.s32 s10, v13  }
0x3f1: {  	v23 =	vand.u32 $0x3FF8, v23  }
0x3f2: {  	v23 =	vor.u32 v14, v23;
	_ =	sdelay $0x3  }
0x3f3: {  	v61 =	vpop (erf)  }
0x3f4: {  	[tilespmem:v23+s9+$0x0] =	vst.idx.msk $0xffff, v61  }
0x3f5: {  	v23 =	vld.idx.msk [tilespmem:v22+s17+$0x9DF0 ss:$0x1], $0xffff;
	_ =	sdelay $0x4  }
0x3f6: {  	v23 =	vsub.f32 $0.0e+00, v23;
	_ =	sdelay $0x1  }
0x3f7: {  	v23 =	vmul.f32 $1.442695020e+00, v23;
	_ =	sdelay $0x1  }
0x3f8: {  	(erf) = vpow2.f32 v23;
	_ =	sdelay $0x8  }
0x3f9: {  	v23 =	vpop (erf)  }
0x3fa: {  	v23 =	vadd.f32 $1.000000000e+00, v23;
	_ =	sdelay $0x1  }
0x3fb: {  	(erf) = vrcp.f32 v23;
	_ =	sdelay $0x2  }
0x3fc: {  	v23 =	vadd.s32 s10, v15  }
0x3fd: {  	v23 =	vand.u32 $0x3FF8, v23  }
0x3fe: {  	v23 =	vor.u32 v16, v23;
	_ =	sdelay $0x3  }
0x3ff: {  	v62 =	vpop (erf)  }
0x400: {  	[tilespmem:v23+s9+$0x0] =	vst.idx.msk $0xffff, v62  }
0x401: {  	v23 =	vld.idx.msk [tilespmem:v22+s17+$0xB480 ss:$0x1], $0xffff;
	_ =	sdelay $0x4  }
0x402: {  	v23 =	vsub.f32 $0.0e+00, v23;
	_ =	sdelay $0x1  }
0x403: {  	v23 =	vmul.f32 $1.442695020e+00, v23;
	_ =	sdelay $0x1  }
0x404: {  	(erf) = vpow2.f32 v23;
	_ =	sdelay $0x8  }
0x405: {  	v23 =	vpop (erf)  }
0x406: {  	v23 =	vadd.f32 $1.000000000e+00, v23;
	_ =	sdelay $0x1  }
0x407: {  	(erf) = vrcp.f32 v23;
	_ =	sdelay $0x2  }
0x408: {  	v23 =	vadd.s32 s10, v17  }
0x409: {  	v23 =	vand.u32 $0x3FF8, v23  }
0x40a: {  	v23 =	vor.u32 v2, v23;
	_ =	sdelay $0x3  }
0x40b: {  	v63 =	vpop (erf)  }
0x40c: {  	[tilespmem:v23+s9+$0x0] =	vst.idx.msk $0xffff, v63  }
0x40d: {  	v22 =	vld.idx.msk [tilespmem:v22+s17+$0xCB10 ss:$0x1], $0xffff;
	_ =	sdelay $0x4  }
0x40e: {  	v22 =	vsub.f32 $0.0e+00, v22;
	_ =	sdelay $0x1  }
0x40f: {  	v22 =	vmul.f32 $1.442695020e+00, v22;
	_ =	sdelay $0x1  }
0x410: {  	(erf) = vpow2.f32 v22;
	_ =	sdelay $0x8  }
0x411: {  	v22 =	vpop (erf)  }
0x412: {  	v22 =	vadd.f32 $1.000000000e+00, v22;
	_ =	sdelay $0x1  }
0x413: {  	(erf) = vrcp.f32 v22;
	_ =	sdelay $0x2  }
0x414: {  	v22 =	vadd.s32 s10, v18  }
0x415: {  	v22 =	vand.u32 $0x3FF8, v22  }
0x416: {  	s24 =	smul.u32 $0xBE0, s4;
	s4 =	sadd.s32 $0x1, s4;
	v22 =	vor.u32 v4, v22  }
0x417: {  	p0 =	sne.s32 s4, $0x13  }
.Ltmp5:
0x418: {  	_ = 	snop;
	(pc) =	sbr.rel @p0 .LBB2_10-.Ltmp5, $4  }
0x419: {  	s10 =	sadd.s32 s7, s24  }
0x41a: {  	s8 =	sadd.s32 $0x3, s8;
	s10 =	sshrl.u32 s10, $0x3;
	v23 =	vpop (erf)  }
0x41b: {  	s23 =	sadd.s32 $0x130, s23;
	s0 =	sadd.s32 $0x130, s0;
	s10 =	sadd.s32 s5, s10;
	[tilespmem:v22+s9+$0x0] =	vst.idx.msk $0xffff, v23  }
0x41c: {  	[hbm4b:s10+s2] =	stream.linear.scatter [tilespmem:s9], [sflag:s8], $0xBE0, $0x38;
	[tilespmem:$0x1DB90] =	vst v63  }
0x41d: {  	_ =	swait.ge [sflag:s28], $0xBE0  }
0x41e: {  	[sflag:s28] =	ssyncset.done $0x0  }
0x41f: {  	[sflag:s28] =	ssyncadd.s32 $0xFFFFF420  }
0x420: {  	_ =	swait.ge [sflag:s29], $0xBE0  }
0x421: {  	[sflag:s29] =	ssyncset.done $0x0  }
0x422: {  	[sflag:s29] =	ssyncadd.s32 $0xFFFFF420  }
0x423: {  	_ =	swait.ge [sflag:s30], $0xE1A0  }
0x424: {  	[sflag:s30] =	ssyncset.done $0x0  }
0x425: {  	s1 =	simm.s32 $0x0;
	s0 =	rddreg [dreg:$0x8];
	[sflag:s30] =	ssyncadd.s32 $0xFFFF1E60  }
0x426: {  	[tilespmem:s1], [sflag:$0x1] =	stream.linear.gather [hbm4b:s0+s1], $0xE1A0, $0x38;
	[tilespmem:$0x1DB90] =	vst v63  }
0x427: {  	v19 =	vld [tilespmem:s18+$0x1DB00]  }
0x428: {  	v20 =	vld [tilespmem:s18+$0x1DB10]  }
0x429: {  	s23 =	simm.s32 $0x0;
	s4 =	simm.s32 $0x0;
	s0 =	simm.s32 $0x0;
	v21 =	vld [tilespmem:s18+$0x1DB20]  }
.LBB2_14:
0x42a: {  	s8 =	sand.u32 $0x1, s4;
	p0 =	slt.u32 s4, $0x2;
	v22 =	vmov s23  }
0x42b: {  	s9 =	sadd.s32 @!p0 $0x3, s8  }
0x42c: {  	_ =	swait.ge @!p0 [sflag:s9], $0xBE0  }
0x42d: {  	[sflag:s9] =	ssyncset.done @!p0 $0x0  }
0x42e: {  	s10 =	simm.s32 $0x0;
	[sflag:s9] =	ssyncadd.s32 @!p0 $0xFFFFF420  }
0x42f: {  	v23 =	vld.idx.msk [tilespmem:v22+s10+$0xE1A0 ss:$0x1], $0xffff;
	_ =	sdelay $0x4  }
0x430: {  	v23 =	vsub.f32 $0.0e+00, v23;
	_ =	sdelay $0x1  }
0x431: {  	v23 =	vmul.f32 $1.442695020e+00, v23;
	_ =	sdelay $0x1  }
0x432: {  	(erf) = vpow2.f32 v23;
	_ =	sdelay $0x8  }
0x433: {  	v23 =	vpop (erf)  }
0x434: {  	v23 =	vadd.f32 $1.000000000e+00, v23;
	_ =	sdelay $0x1  }
0x435: {  	v24 =	vor.u32 s0, v0;
	(erf) = vrcp.f32 v23  }
0x436: {  	v23 =	vshrl.u32 v24, $0x2  }
0x437: {  	v23 =	vmulhi.u32 $0x1AF286BD, v23;
	_ =	sdelay $0x1  }
0x438: {  	v23 =	vshrl.u32 v23, $0x1  }
0x439: {  	v25 =	vmul.u32 $0xFFFFFFB4, v23;
	_ =	sdelay $0x1  }
0x43a: {  	v24 =	vadd.s32 v24, v25;
	v25 =	vadd.s32 s1, v1  }
0x43b: {  	v24 =	vcvt.s32.f32 v24;
	v25 =	vand.u32 $0x3FF8, v25  }
0x43c: {  	v25 =	vor.u32 v2, v25;
	v26 =	vpop (erf)  }
0x43d: {  	s24 =	smul.u32 $0x2F80, s8;
	v24 =	vadd.f32 v24, v26;
	_ =	sdelay $0x1  }
0x43e: {  	s9 =	sshrl.u32 s24, $0x2;
	v24 =	vmul.f32 v24, v19  }
0x43f: {  	s9 =	sadd.s32 $0x1C340, s9  }
0x440: {  	[tilespmem:v25+s9+$0x0] =	vst.idx.msk $0xffff, v24  }
0x441: {  	v24 =	vld.idx.msk [tilespmem:v22+s10+$0xF830 ss:$0x1], $0xffff;
	_ =	sdelay $0x4  }
0x442: {  	v24 =	vsub.f32 $0.0e+00, v24;
	_ =	sdelay $0x1  }
0x443: {  	v24 =	vmul.f32 $1.442695020e+00, v24;
	_ =	sdelay $0x1  }
0x444: {  	(erf) = vpow2.f32 v24;
	_ =	sdelay $0x8  }
0x445: {  	v24 =	vpop (erf)  }
0x446: {  	v24 =	vadd.f32 $1.000000000e+00, v24;
	_ =	sdelay $0x1  }
0x447: {  	(erf) = vrcp.f32 v24;
	_ =	sdelay $0x6  }
0x448: {  	v24 =	vadd.s32 s1, v3  }
0x449: {  	v23 =	vcvt.s32.f32 v23;
	v24 =	vand.u32 $0x3FF8, v24  }
0x44a: {  	v24 =	vor.u32 v4, v24;
	v25 =	vpop (erf)  }
0x44b: {  	v23 =	vadd.f32 v23, v25;
	_ =	sdelay $0x1  }
0x44c: {  	v23 =	vmul.f32 v23, v19;
	_ =	sdelay $0x1  }
0x44d: {  	[tilespmem:v24+s9+$0x0] =	vst.idx.msk $0xffff, v23  }
0x44e: {  	v23 =	vld.idx.msk [tilespmem:v22+s10+$0x10EC0 ss:$0x1], $0xffff;
	_ =	sdelay $0x4  }
0x44f: {  	v23 =	vmul.f32 $1.442695020e+00, v23;
	_ =	sdelay $0x1  }
0x450: {  	(erf) = vpow2.f32 v23;
	_ =	sdelay $0x5  }
0x451: {  	v23 =	vadd.s32 s1, v5  }
0x452: {  	v23 =	vand.u32 $0x3FF8, v23  }
0x453: {  	v23 =	vor.u32 v6, v23  }
0x454: {  	v24 =	vpop (erf)  }
0x455: {  	v24 =	vmin.f32 v24, $1.000000000e+03  }
0x456: {  	v24 =	vmul.f32 v24, v20;
	_ =	sdelay $0x1  }
0x457: {  	[tilespmem:v23+s9+$0x0] =	vst.idx.msk $0xffff, v24  }
0x458: {  	v23 =	vld.idx.msk [tilespmem:v22+s10+$0x12550 ss:$0x1], $0xffff;
	_ =	sdelay $0x4  }
0x459: {  	v23 =	vmul.f32 $1.442695020e+00, v23;
	_ =	sdelay $0x1  }
0x45a: {  	(erf) = vpow2.f32 v23;
	_ =	sdelay $0x5  }
0x45b: {  	v23 =	vadd.s32 s1, v7  }
0x45c: {  	v23 =	vand.u32 $0x3FF8, v23  }
0x45d: {  	v23 =	vor.u32 v8, v23  }
0x45e: {  	v24 =	vpop (erf)  }
0x45f: {  	v24 =	vmin.f32 v24, $1.000000000e+03  }
0x460: {  	v24 =	vmul.f32 v24, v21  }
0x461: {  	v25 =	vadd.s32 s1, v9  }
0x462: {  	[tilespmem:v23+s9+$0x0] =	vst.idx.msk $0xffff, v24;
	v23 =	vand.u32 $0x3FF8, v25  }
0x463: {  	v24 =	vld.idx.msk [tilespmem:v22+s10+$0x13BE0 ss:$0x1], $0xffff;
	v23 =	vor.u32 v10, v23;
	_ =	sdelay $0x3  }
0x464: {  	v25 =	vadd.s32 s1, v11  }
0x465: {  	[tilespmem:v23+s9+$0x0] =	vst.idx.msk $0xffff, v24;
	v23 =	vand.u32 $0x3FF8, v25  }
0x466: {  	v24 =	vld.idx.msk [tilespmem:v22+s10+$0x15270 ss:$0x1], $0xffff;
	v23 =	vor.u32 v12, v23;
	_ =	sdelay $0x4  }
0x467: {  	[tilespmem:v23+s9+$0x0] =	vst.idx.msk $0xffff, v24  }
0x468: {  	v23 =	vld.idx.msk [tilespmem:v22+s10+$0x16900 ss:$0x1], $0xffff;
	_ =	sdelay $0x4  }
0x469: {  	v23 =	vsub.f32 $0.0e+00, v23;
	_ =	sdelay $0x1  }
0x46a: {  	v23 =	vmul.f32 $1.442695020e+00, v23;
	_ =	sdelay $0x1  }
0x46b: {  	(erf) = vpow2.f32 v23;
	_ =	sdelay $0x8  }
0x46c: {  	v23 =	vpop (erf)  }
0x46d: {  	v23 =	vadd.f32 $1.000000000e+00, v23;
	_ =	sdelay $0x1  }
0x46e: {  	(erf) = vrcp.f32 v23;
	_ =	sdelay $0x2  }
0x46f: {  	v23 =	vadd.s32 s1, v13  }
0x470: {  	v23 =	vand.u32 $0x3FF8, v23  }
0x471: {  	v23 =	vor.u32 v14, v23;
	_ =	sdelay $0x3  }
0x472: {  	v24 =	vpop (erf)  }
0x473: {  	[tilespmem:v23+s9+$0x0] =	vst.idx.msk $0xffff, v24  }
0x474: {  	v23 =	vld.idx.msk [tilespmem:v22+s10+$0x17F90 ss:$0x1], $0xffff;
	_ =	sdelay $0x4  }
0x475: {  	v23 =	vsub.f32 $0.0e+00, v23;
	_ =	sdelay $0x1  }
0x476: {  	v23 =	vmul.f32 $1.442695020e+00, v23;
	_ =	sdelay $0x1  }
0x477: {  	(erf) = vpow2.f32 v23;
	_ =	sdelay $0x8  }
0x478: {  	v23 =	vpop (erf)  }
0x479: {  	v23 =	vadd.f32 $1.000000000e+00, v23;
	_ =	sdelay $0x1  }
0x47a: {  	(erf) = vrcp.f32 v23;
	_ =	sdelay $0x2  }
0x47b: {  	v23 =	vadd.s32 s1, v15  }
0x47c: {  	v23 =	vand.u32 $0x3FF8, v23  }
0x47d: {  	v23 =	vor.u32 v16, v23;
	_ =	sdelay $0x3  }
0x47e: {  	v24 =	vpop (erf)  }
0x47f: {  	[tilespmem:v23+s9+$0x0] =	vst.idx.msk $0xffff, v24  }
0x480: {  	v23 =	vld.idx.msk [tilespmem:v22+s10+$0x19620 ss:$0x1], $0xffff;
	_ =	sdelay $0x4  }
0x481: {  	v23 =	vsub.f32 $0.0e+00, v23;
	_ =	sdelay $0x1  }
0x482: {  	v23 =	vmul.f32 $1.442695020e+00, v23;
	_ =	sdelay $0x1  }
0x483: {  	(erf) = vpow2.f32 v23;
	_ =	sdelay $0x8  }
0x484: {  	v23 =	vpop (erf)  }
0x485: {  	v23 =	vadd.f32 $1.000000000e+00, v23;
	_ =	sdelay $0x1  }
0x486: {  	(erf) = vrcp.f32 v23;
	_ =	sdelay $0x2  }
0x487: {  	v23 =	vadd.s32 s1, v17  }
0x488: {  	v23 =	vand.u32 $0x3FF8, v23  }
0x489: {  	v23 =	vor.u32 v2, v23;
	_ =	sdelay $0x3  }
0x48a: {  	v24 =	vpop (erf)  }
0x48b: {  	[tilespmem:v23+s9+$0x0] =	vst.idx.msk $0xffff, v24  }
0x48c: {  	v23 =	vld.idx.msk [tilespmem:v22+s10+$0x1ACB0 ss:$0x1], $0xffff;
	_ =	sdelay $0x4  }
0x48d: {  	v23 =	vsub.f32 $0.0e+00, v23;
	_ =	sdelay $0x1  }
0x48e: {  	v23 =	vmul.f32 $1.442695020e+00, v23;
	_ =	sdelay $0x1  }
0x48f: {  	(erf) = vpow2.f32 v23;
	_ =	sdelay $0x8  }
0x490: {  	v23 =	vpop (erf)  }
0x491: {  	v23 =	vadd.f32 $1.000000000e+00, v23;
	_ =	sdelay $0x1  }
0x492: {  	(erf) = vrcp.f32 v23;
	_ =	sdelay $0x3  }
0x493: {  	v23 =	vadd.s32 s1, v18  }
0x494: {  	v23 =	vand.u32 $0x3FF8, v23  }
0x495: {  	v23 =	vor.u32 v4, v23;
	_ =	sdelay $0x1  }
0x496: {  	s17 =	simm.s32 $0x40  }
0x497: {  	s13 =	sadd.s32 $0x10, s0;
	s24 =	simm.s32 $0x80;
	s10 =	simm.s32 $0x0;
	v24 =	vpop (erf)  }
.LBB2_15:
0x498: {  	s22 =	sshra.s32 s17, $0x2  }
0x499: {  	[tilespmem:v23+s9+$0x0] =	vst.idx.msk $0xffff, v24;
	s10 =	sadd.s32 $0xA0, s10;
	s17 =	smov.u32 s24;
	s19 =	sadd.s32 $0x40, s24  }
0x49a: {  	p0 =	sne.s32 s24, $0x480;
	v23 =	vld.idx.msk [tilespmem:v22+s22+$0xE1A0 ss:$0x1], $0xffff;
	_ =	sdelay $0x5  }
0x49b: {  	v23 =	vsub.f32 $0.0e+00, v23;
	_ =	sdelay $0x1  }
0x49c: {  	v23 =	vmul.f32 $1.442695020e+00, v23;
	_ =	sdelay $0x1  }
0x49d: {  	(erf) = vpow2.f32 v23;
	_ =	sdelay $0x8  }
0x49e: {  	v23 =	vpop (erf)  }
0x49f: {  	v23 =	vadd.f32 $1.000000000e+00, v23;
	_ =	sdelay $0x1  }
0x4a0: {  	v24 =	vor.u32 s13, v0;
	(erf) = vrcp.f32 v23  }
0x4a1: {  	v23 =	vshrl.u32 v24, $0x2  }
0x4a2: {  	v23 =	vmulhi.u32 $0x1AF286BD, v23;
	_ =	sdelay $0x1  }
0x4a3: {  	v23 =	vshrl.u32 v23, $0x1  }
0x4a4: {  	v25 =	vmul.u32 $0xFFFFFFB4, v23;
	_ =	sdelay $0x1  }
0x4a5: {  	v24 =	vadd.s32 v24, v25;
	v25 =	vadd.s32 s10, v1  }
0x4a6: {  	v24 =	vcvt.s32.f32 v24;
	v25 =	vand.u32 $0x3FF8, v25  }
0x4a7: {  	v25 =	vor.u32 v2, v25;
	v26 =	vpop (erf)  }
0x4a8: {  	v24 =	vadd.f32 v24, v26;
	_ =	sdelay $0x1  }
0x4a9: {  	v24 =	vmul.f32 v24, v19;
	_ =	sdelay $0x1  }
0x4aa: {  	[tilespmem:v25+s9+$0x0] =	vst.idx.msk $0xffff, v24  }
0x4ab: {  	v24 =	vld.idx.msk [tilespmem:v22+s22+$0xF830 ss:$0x1], $0xffff;
	_ =	sdelay $0x5  }
0x4ac: {  	v24 =	vsub.f32 $0.0e+00, v24;
	_ =	sdelay $0x1  }
0x4ad: {  	v24 =	vmul.f32 $1.442695020e+00, v24;
	_ =	sdelay $0x1  }
0x4ae: {  	(erf) = vpow2.f32 v24;
	_ =	sdelay $0x8  }
0x4af: {  	v24 =	vpop (erf)  }
0x4b0: {  	v24 =	vadd.f32 $1.000000000e+00, v24;
	_ =	sdelay $0x1  }
0x4b1: {  	(erf) = vrcp.f32 v24;
	_ =	sdelay $0x6  }
0x4b2: {  	v24 =	vadd.s32 s10, v3  }
0x4b3: {  	v23 =	vcvt.s32.f32 v23;
	v24 =	vand.u32 $0x3FF8, v24  }
0x4b4: {  	v24 =	vor.u32 v4, v24;
	v25 =	vpop (erf)  }
0x4b5: {  	v23 =	vadd.f32 v23, v25;
	_ =	sdelay $0x1  }
0x4b6: {  	v23 =	vmul.f32 v23, v19;
	_ =	sdelay $0x1  }
0x4b7: {  	[tilespmem:v24+s9+$0x0] =	vst.idx.msk $0xffff, v23  }
0x4b8: {  	v23 =	vld.idx.msk [tilespmem:v22+s22+$0x10EC0 ss:$0x1], $0xffff;
	_ =	sdelay $0x5  }
0x4b9: {  	v23 =	vmul.f32 $1.442695020e+00, v23;
	_ =	sdelay $0x1  }
0x4ba: {  	(erf) = vpow2.f32 v23;
	_ =	sdelay $0x5  }
0x4bb: {  	v23 =	vadd.s32 s10, v5  }
0x4bc: {  	v23 =	vand.u32 $0x3FF8, v23  }
0x4bd: {  	v23 =	vor.u32 v6, v23  }
0x4be: {  	v24 =	vpop (erf)  }
0x4bf: {  	v24 =	vmin.f32 v24, $1.000000000e+03  }
0x4c0: {  	v24 =	vmul.f32 v24, v20;
	_ =	sdelay $0x1  }
0x4c1: {  	[tilespmem:v23+s9+$0x0] =	vst.idx.msk $0xffff, v24  }
0x4c2: {  	v23 =	vld.idx.msk [tilespmem:v22+s22+$0x12550 ss:$0x1], $0xffff;
	_ =	sdelay $0x5  }
0x4c3: {  	v23 =	vmul.f32 $1.442695020e+00, v23;
	_ =	sdelay $0x1  }
0x4c4: {  	(erf) = vpow2.f32 v23;
	_ =	sdelay $0x5  }
0x4c5: {  	v23 =	vadd.s32 s10, v7  }
0x4c6: {  	v23 =	vand.u32 $0x3FF8, v23  }
0x4c7: {  	v23 =	vor.u32 v8, v23  }
0x4c8: {  	v24 =	vpop (erf)  }
0x4c9: {  	v24 =	vmin.f32 v24, $1.000000000e+03  }
0x4ca: {  	v24 =	vmul.f32 v24, v21;
	_ =	sdelay $0x1  }
0x4cb: {  	[tilespmem:v23+s9+$0x0] =	vst.idx.msk $0xffff, v24;
	v23 =	vadd.s32 s10, v9  }
0x4cc: {  	v24 =	vld.idx.msk [tilespmem:v22+s22+$0x13BE0 ss:$0x1], $0xffff;
	v23 =	vand.u32 $0x3FF8, v23  }
0x4cd: {  	v23 =	vor.u32 v10, v23;
	_ =	sdelay $0x4  }
0x4ce: {  	[tilespmem:v23+s9+$0x0] =	vst.idx.msk $0xffff, v24;
	v23 =	vadd.s32 s10, v11  }
0x4cf: {  	v24 =	vld.idx.msk [tilespmem:v22+s22+$0x15270 ss:$0x1], $0xffff;
	v23 =	vand.u32 $0x3FF8, v23  }
0x4d0: {  	v23 =	vor.u32 v12, v23;
	_ =	sdelay $0x4  }
0x4d1: {  	[tilespmem:v23+s9+$0x0] =	vst.idx.msk $0xffff, v24  }
0x4d2: {  	v23 =	vld.idx.msk [tilespmem:v22+s22+$0x16900 ss:$0x1], $0xffff;
	_ =	sdelay $0x5  }
0x4d3: {  	v23 =	vsub.f32 $0.0e+00, v23;
	_ =	sdelay $0x1  }
0x4d4: {  	v23 =	vmul.f32 $1.442695020e+00, v23;
	_ =	sdelay $0x1  }
0x4d5: {  	(erf) = vpow2.f32 v23;
	_ =	sdelay $0x8  }
0x4d6: {  	v23 =	vpop (erf)  }
0x4d7: {  	v23 =	vadd.f32 $1.000000000e+00, v23;
	_ =	sdelay $0x1  }
0x4d8: {  	(erf) = vrcp.f32 v23;
	_ =	sdelay $0x2  }
0x4d9: {  	v23 =	vadd.s32 s10, v13  }
0x4da: {  	v23 =	vand.u32 $0x3FF8, v23  }
0x4db: {  	v23 =	vor.u32 v14, v23;
	_ =	sdelay $0x3  }
0x4dc: {  	v24 =	vpop (erf)  }
0x4dd: {  	[tilespmem:v23+s9+$0x0] =	vst.idx.msk $0xffff, v24  }
0x4de: {  	v23 =	vld.idx.msk [tilespmem:v22+s22+$0x17F90 ss:$0x1], $0xffff;
	_ =	sdelay $0x5  }
0x4df: {  	v23 =	vsub.f32 $0.0e+00, v23;
	_ =	sdelay $0x1  }
0x4e0: {  	v23 =	vmul.f32 $1.442695020e+00, v23;
	_ =	sdelay $0x1  }
0x4e1: {  	(erf) = vpow2.f32 v23;
	_ =	sdelay $0x8  }
0x4e2: {  	v23 =	vpop (erf)  }
0x4e3: {  	v23 =	vadd.f32 $1.000000000e+00, v23;
	_ =	sdelay $0x1  }
0x4e4: {  	(erf) = vrcp.f32 v23;
	_ =	sdelay $0x2  }
0x4e5: {  	v23 =	vadd.s32 s10, v15  }
0x4e6: {  	v23 =	vand.u32 $0x3FF8, v23  }
0x4e7: {  	v23 =	vor.u32 v16, v23;
	_ =	sdelay $0x3  }
0x4e8: {  	v24 =	vpop (erf)  }
0x4e9: {  	[tilespmem:v23+s9+$0x0] =	vst.idx.msk $0xffff, v24  }
0x4ea: {  	v23 =	vld.idx.msk [tilespmem:v22+s22+$0x19620 ss:$0x1], $0xffff;
	_ =	sdelay $0x5  }
0x4eb: {  	v23 =	vsub.f32 $0.0e+00, v23;
	_ =	sdelay $0x1  }
0x4ec: {  	v23 =	vmul.f32 $1.442695020e+00, v23;
	_ =	sdelay $0x1  }
0x4ed: {  	(erf) = vpow2.f32 v23;
	_ =	sdelay $0x8  }
0x4ee: {  	v23 =	vpop (erf)  }
0x4ef: {  	v23 =	vadd.f32 $1.000000000e+00, v23;
	_ =	sdelay $0x1  }
0x4f0: {  	(erf) = vrcp.f32 v23;
	_ =	sdelay $0x2  }
0x4f1: {  	v23 =	vadd.s32 s10, v17  }
0x4f2: {  	v23 =	vand.u32 $0x3FF8, v23  }
0x4f3: {  	v23 =	vor.u32 v2, v23;
	_ =	sdelay $0x3  }
0x4f4: {  	v24 =	vpop (erf)  }
0x4f5: {  	[tilespmem:v23+s9+$0x0] =	vst.idx.msk $0xffff, v24  }
0x4f6: {  	v23 =	vld.idx.msk [tilespmem:v22+s22+$0x1ACB0 ss:$0x1], $0xffff;
	_ =	sdelay $0x5  }
0x4f7: {  	v23 =	vsub.f32 $0.0e+00, v23;
	_ =	sdelay $0x1  }
0x4f8: {  	v23 =	vmul.f32 $1.442695020e+00, v23;
	_ =	sdelay $0x1  }
0x4f9: {  	(erf) = vpow2.f32 v23;
	_ =	sdelay $0x8  }
0x4fa: {  	v23 =	vpop (erf)  }
0x4fb: {  	v23 =	vadd.f32 $1.000000000e+00, v23;
	_ =	sdelay $0x1  }
0x4fc: {  	(erf) = vrcp.f32 v23;
	_ =	sdelay $0x2  }
0x4fd: {  	v23 =	vadd.s32 s10, v18  }
0x4fe: {  	v23 =	vand.u32 $0x3FF8, v23  }
.Ltmp6:
0x4ff: {  	v23 =	vor.u32 v4, v23;
	(pc) =	sbr.rel @p0 .LBB2_15-.Ltmp6, $2  }
0x500: {  	_ =	sdelay $0x2  }
0x501: {  	s13 =	sadd.s32 $0x10, s13;
	s24 =	smov.u32 s19;
	v24 =	vpop (erf)  }
0x502: {  	_ =	sdelay $0x3  }
0x503: {  	s17 =	sshra.s32 s17, $0x2;
	[tilespmem:v23+s9+$0x0] =	vst.idx.msk $0xffff, v24  }
0x504: {  	v23 =	vld.idx.msk [tilespmem:v22+s17+$0xE1A0 ss:$0x1], $0xffff;
	_ =	sdelay $0x4  }
0x505: {  	v23 =	vsub.f32 $0.0e+00, v23;
	_ =	sdelay $0x1  }
0x506: {  	v23 =	vmul.f32 $1.442695020e+00, v23;
	_ =	sdelay $0x1  }
0x507: {  	(erf) = vpow2.f32 v23;
	_ =	sdelay $0x8  }
0x508: {  	v23 =	vpop (erf)  }
0x509: {  	v23 =	vadd.f32 $1.000000000e+00, v23;
	_ =	sdelay $0x1  }
0x50a: {  	v53 =	vor.u32 s13, v0;
	(erf) = vrcp.f32 v23  }
0x50b: {  	v23 =	vshrl.u32 v53, $0x2  }
0x50c: {  	v23 =	vmulhi.u32 $0x1AF286BD, v23;
	_ =	sdelay $0x1  }
0x50d: {  	v23 =	vshrl.u32 v23, $0x1  }
0x50e: {  	v25 =	vmul.u32 $0xFFFFFFB4, v23  }
0x50f: {  	s10 =	sadd.s32 $0xA0, s10  }
0x510: {  	v54 =	vadd.s32 s10, v1;
	v24 =	vadd.s32 v53, v25  }
0x511: {  	v25 =	vand.u32 $0x3FF8, v54;
	v24 =	vcvt.s32.f32 v24  }
0x512: {  	v25 =	vor.u32 v2, v25;
	v26 =	vpop (erf)  }
0x513: {  	v24 =	vadd.f32 v24, v26;
	_ =	sdelay $0x1  }
0x514: {  	v24 =	vmul.f32 v24, v19;
	_ =	sdelay $0x1  }
0x515: {  	[tilespmem:v25+s9+$0x0] =	vst.idx.msk $0xffff, v24  }
0x516: {  	v24 =	vld.idx.msk [tilespmem:v22+s17+$0xF830 ss:$0x1], $0xffff;
	_ =	sdelay $0x4  }
0x517: {  	v24 =	vsub.f32 $0.0e+00, v24;
	_ =	sdelay $0x1  }
0x518: {  	v24 =	vmul.f32 $1.442695020e+00, v24;
	_ =	sdelay $0x1  }
0x519: {  	(erf) = vpow2.f32 v24;
	_ =	sdelay $0x8  }
0x51a: {  	v24 =	vpop (erf)  }
0x51b: {  	v24 =	vadd.f32 $1.000000000e+00, v24;
	_ =	sdelay $0x1  }
0x51c: {  	(erf) = vrcp.f32 v24;
	_ =	sdelay $0x6  }
0x51d: {  	v55 =	vadd.s32 s10, v3  }
0x51e: {  	v23 =	vcvt.s32.f32 v23;
	v24 =	vand.u32 $0x3FF8, v55  }
0x51f: {  	v24 =	vor.u32 v4, v24;
	v56 =	vpop (erf)  }
0x520: {  	v23 =	vadd.f32 v23, v56;
	_ =	sdelay $0x1  }
0x521: {  	v23 =	vmul.f32 v23, v19;
	_ =	sdelay $0x1  }
0x522: {  	[tilespmem:v24+s9+$0x0] =	vst.idx.msk $0xffff, v23  }
0x523: {  	v23 =	vld.idx.msk [tilespmem:v22+s17+$0x10EC0 ss:$0x1], $0xffff;
	_ =	sdelay $0x4  }
0x524: {  	v23 =	vmul.f32 $1.442695020e+00, v23;
	_ =	sdelay $0x1  }
0x525: {  	(erf) = vpow2.f32 v23;
	_ =	sdelay $0x5  }
0x526: {  	v23 =	vadd.s32 s10, v5  }
0x527: {  	v23 =	vand.u32 $0x3FF8, v23  }
0x528: {  	v23 =	vor.u32 v6, v23  }
0x529: {  	v57 =	vpop (erf)  }
0x52a: {  	v24 =	vmin.f32 v57, $1.000000000e+03  }
0x52b: {  	v24 =	vmul.f32 v24, v20;
	_ =	sdelay $0x1  }
0x52c: {  	[tilespmem:v23+s9+$0x0] =	vst.idx.msk $0xffff, v24  }
0x52d: {  	v23 =	vld.idx.msk [tilespmem:v22+s17+$0x12550 ss:$0x1], $0xffff;
	_ =	sdelay $0x4  }
0x52e: {  	v23 =	vmul.f32 $1.442695020e+00, v23;
	_ =	sdelay $0x1  }
0x52f: {  	(erf) = vpow2.f32 v23;
	_ =	sdelay $0x5  }
0x530: {  	v23 =	vadd.s32 s10, v7  }
0x531: {  	v23 =	vand.u32 $0x3FF8, v23  }
0x532: {  	v23 =	vor.u32 v8, v23  }
0x533: {  	v58 =	vpop (erf)  }
0x534: {  	v24 =	vmin.f32 v58, $1.000000000e+03  }
0x535: {  	v24 =	vmul.f32 v24, v21  }
0x536: {  	v59 =	vadd.s32 s10, v9  }
0x537: {  	[tilespmem:v23+s9+$0x0] =	vst.idx.msk $0xffff, v24;
	v23 =	vand.u32 $0x3FF8, v59  }
0x538: {  	v24 =	vld.idx.msk [tilespmem:v22+s17+$0x13BE0 ss:$0x1], $0xffff;
	v23 =	vor.u32 v10, v23;
	_ =	sdelay $0x3  }
0x539: {  	v60 =	vadd.s32 s10, v11  }
0x53a: {  	[tilespmem:v23+s9+$0x0] =	vst.idx.msk $0xffff, v24;
	v23 =	vand.u32 $0x3FF8, v60  }
0x53b: {  	v24 =	vld.idx.msk [tilespmem:v22+s17+$0x15270 ss:$0x1], $0xffff;
	v23 =	vor.u32 v12, v23;
	_ =	sdelay $0x4  }
0x53c: {  	[tilespmem:v23+s9+$0x0] =	vst.idx.msk $0xffff, v24  }
0x53d: {  	v23 =	vld.idx.msk [tilespmem:v22+s17+$0x16900 ss:$0x1], $0xffff;
	_ =	sdelay $0x4  }
0x53e: {  	v23 =	vsub.f32 $0.0e+00, v23;
	_ =	sdelay $0x1  }
0x53f: {  	v23 =	vmul.f32 $1.442695020e+00, v23;
	_ =	sdelay $0x1  }
0x540: {  	(erf) = vpow2.f32 v23;
	_ =	sdelay $0x8  }
0x541: {  	v23 =	vpop (erf)  }
0x542: {  	v23 =	vadd.f32 $1.000000000e+00, v23;
	_ =	sdelay $0x1  }
0x543: {  	(erf) = vrcp.f32 v23;
	_ =	sdelay $0x2  }
0x544: {  	v23 =	vadd.s32 s10, v13  }
0x545: {  	v23 =	vand.u32 $0x3FF8, v23  }
0x546: {  	v23 =	vor.u32 v14, v23;
	_ =	sdelay $0x3  }
0x547: {  	v61 =	vpop (erf)  }
0x548: {  	[tilespmem:v23+s9+$0x0] =	vst.idx.msk $0xffff, v61  }
0x549: {  	v23 =	vld.idx.msk [tilespmem:v22+s17+$0x17F90 ss:$0x1], $0xffff;
	_ =	sdelay $0x4  }
0x54a: {  	v23 =	vsub.f32 $0.0e+00, v23;
	_ =	sdelay $0x1  }
0x54b: {  	v23 =	vmul.f32 $1.442695020e+00, v23;
	_ =	sdelay $0x1  }
0x54c: {  	(erf) = vpow2.f32 v23;
	_ =	sdelay $0x8  }
0x54d: {  	v23 =	vpop (erf)  }
0x54e: {  	v23 =	vadd.f32 $1.000000000e+00, v23;
	_ =	sdelay $0x1  }
0x54f: {  	(erf) = vrcp.f32 v23;
	_ =	sdelay $0x2  }
0x550: {  	v23 =	vadd.s32 s10, v15  }
0x551: {  	v23 =	vand.u32 $0x3FF8, v23  }
0x552: {  	v23 =	vor.u32 v16, v23;
	_ =	sdelay $0x3  }
0x553: {  	v62 =	vpop (erf)  }
0x554: {  	[tilespmem:v23+s9+$0x0] =	vst.idx.msk $0xffff, v62  }
0x555: {  	v23 =	vld.idx.msk [tilespmem:v22+s17+$0x19620 ss:$0x1], $0xffff;
	_ =	sdelay $0x4  }
0x556: {  	v23 =	vsub.f32 $0.0e+00, v23;
	_ =	sdelay $0x1  }
0x557: {  	v23 =	vmul.f32 $1.442695020e+00, v23;
	_ =	sdelay $0x1  }
0x558: {  	(erf) = vpow2.f32 v23;
	_ =	sdelay $0x8  }
0x559: {  	v23 =	vpop (erf)  }
0x55a: {  	v23 =	vadd.f32 $1.000000000e+00, v23;
	_ =	sdelay $0x1  }
0x55b: {  	(erf) = vrcp.f32 v23;
	_ =	sdelay $0x2  }
0x55c: {  	v23 =	vadd.s32 s10, v17  }
0x55d: {  	v23 =	vand.u32 $0x3FF8, v23  }
0x55e: {  	v23 =	vor.u32 v2, v23;
	_ =	sdelay $0x3  }
0x55f: {  	v63 =	vpop (erf)  }
0x560: {  	[tilespmem:v23+s9+$0x0] =	vst.idx.msk $0xffff, v63  }
0x561: {  	v22 =	vld.idx.msk [tilespmem:v22+s17+$0x1ACB0 ss:$0x1], $0xffff;
	_ =	sdelay $0x4  }
0x562: {  	v22 =	vsub.f32 $0.0e+00, v22;
	_ =	sdelay $0x1  }
0x563: {  	v22 =	vmul.f32 $1.442695020e+00, v22;
	_ =	sdelay $0x1  }
0x564: {  	(erf) = vpow2.f32 v22;
	_ =	sdelay $0x8  }
0x565: {  	v22 =	vpop (erf)  }
0x566: {  	v22 =	vadd.f32 $1.000000000e+00, v22;
	_ =	sdelay $0x1  }
0x567: {  	(erf) = vrcp.f32 v22;
	_ =	sdelay $0x2  }
0x568: {  	v22 =	vadd.s32 s10, v18  }
0x569: {  	v22 =	vand.u32 $0x3FF8, v22  }
0x56a: {  	s24 =	smul.u32 $0xBE0, s4;
	s4 =	sadd.s32 $0x1, s4;
	v22 =	vor.u32 v4, v22  }
0x56b: {  	p0 =	sne.s32 s4, $0x13  }
.Ltmp7:
0x56c: {  	_ = 	snop;
	(pc) =	sbr.rel @p0 .LBB2_14-.Ltmp7, $4  }
0x56d: {  	s10 =	sadd.s32 s12, s24  }
0x56e: {  	s8 =	sadd.s32 $0x3, s8;
	s10 =	sshrl.u32 s10, $0x3;
	v23 =	vpop (erf)  }
0x56f: {  	s23 =	sadd.s32 $0x130, s23;
	s0 =	sadd.s32 $0x130, s0;
	s10 =	sadd.s32 s5, s10;
	[tilespmem:v22+s9+$0x0] =	vst.idx.msk $0xffff, v23  }
0x570: {  	[hbm4b:s10+s2] =	stream.linear.scatter [tilespmem:s9], [sflag:s8], $0xBE0, $0x38;
	[tilespmem:$0x1DB90] =	vst v63  }
0x571: {  	_ =	swait.ge [sflag:s28], $0xBE0  }
0x572: {  	[sflag:s28] =	ssyncset.done $0x0  }
0x573: {  	[sflag:s28] =	ssyncadd.s32 $0xFFFFF420  }
0x574: {  	_ =	swait.ge [sflag:s29], $0xBE0  }
0x575: {  	[sflag:s29] =	ssyncset.done $0x0  }
0x576: {  	[sflag:s29] =	ssyncadd.s32 $0xFFFFF420  }
0x577: {  	_ =	swait.ge [sflag:s25], $0xE1A0  }
0x578: {  	[sflag:s25] =	ssyncset.done $0x0  }
0x579: {  	s1 =	simm.s32 $0x0;
	s0 =	rddreg [dreg:$0x9];
	[sflag:s25] =	ssyncadd.s32 $0xFFFF1E60  }
0x57a: {  	[tilespmem:s26], [sflag:$0x2] =	stream.linear.gather [hbm4b:s0+s1], $0xE1A0, $0x38;
	[tilespmem:$0x1DB90] =	vst v63  }
0x57b: {  	v19 =	vld [tilespmem:s20+$0x1DB00]  }
0x57c: {  	v20 =	vld [tilespmem:s20+$0x1DB10]  }
0x57d: {  	s23 =	simm.s32 $0x0;
	s4 =	simm.s32 $0x0;
	s0 =	simm.s32 $0x0;
	v21 =	vld [tilespmem:s20+$0x1DB20]  }
.LBB2_18:
0x57e: {  	s8 =	sand.u32 $0x1, s4;
	p0 =	slt.u32 s4, $0x2;
	v22 =	vmov s23  }
0x57f: {  	s9 =	sadd.s32 @!p0 $0x3, s8  }
0x580: {  	_ =	swait.ge @!p0 [sflag:s9], $0xBE0  }
0x581: {  	[sflag:s9] =	ssyncset.done @!p0 $0x0  }
0x582: {  	s10 =	simm.s32 $0x0;
	[sflag:s9] =	ssyncadd.s32 @!p0 $0xFFFFF420  }
0x583: {  	v23 =	vld.idx.msk [tilespmem:v22+s10+$0x0 ss:$0x1], $0xffff;
	_ =	sdelay $0x4  }
0x584: {  	v23 =	vsub.f32 $0.0e+00, v23;
	_ =	sdelay $0x1  }
0x585: {  	v23 =	vmul.f32 $1.442695020e+00, v23;
	_ =	sdelay $0x1  }
0x586: {  	(erf) = vpow2.f32 v23;
	_ =	sdelay $0x8  }
0x587: {  	v23 =	vpop (erf)  }
0x588: {  	v23 =	vadd.f32 $1.000000000e+00, v23;
	_ =	sdelay $0x1  }
0x589: {  	v24 =	vor.u32 s0, v0;
	(erf) = vrcp.f32 v23  }
0x58a: {  	v23 =	vshrl.u32 v24, $0x2  }
0x58b: {  	v23 =	vmulhi.u32 $0x1AF286BD, v23;
	_ =	sdelay $0x1  }
0x58c: {  	v23 =	vshrl.u32 v23, $0x1  }
0x58d: {  	v25 =	vmul.u32 $0xFFFFFFB4, v23;
	_ =	sdelay $0x1  }
0x58e: {  	v24 =	vadd.s32 v24, v25;
	v25 =	vadd.s32 s1, v1  }
0x58f: {  	v24 =	vcvt.s32.f32 v24;
	v25 =	vand.u32 $0x3FF8, v25  }
0x590: {  	v25 =	vor.u32 v2, v25;
	v26 =	vpop (erf)  }
0x591: {  	s24 =	smul.u32 $0x2F80, s8;
	v24 =	vadd.f32 v24, v26;
	_ =	sdelay $0x1  }
0x592: {  	s9 =	sshrl.u32 s24, $0x2;
	v24 =	vmul.f32 v24, v19  }
0x593: {  	s9 =	sadd.s32 $0x1C340, s9  }
0x594: {  	[tilespmem:v25+s9+$0x0] =	vst.idx.msk $0xffff, v24  }
0x595: {  	v24 =	vld.idx.msk [tilespmem:v22+s10+$0x1690 ss:$0x1], $0xffff;
	_ =	sdelay $0x4  }
0x596: {  	v24 =	vsub.f32 $0.0e+00, v24;
	_ =	sdelay $0x1  }
0x597: {  	v24 =	vmul.f32 $1.442695020e+00, v24;
	_ =	sdelay $0x1  }
0x598: {  	(erf) = vpow2.f32 v24;
	_ =	sdelay $0x8  }
0x599: {  	v24 =	vpop (erf)  }
0x59a: {  	v24 =	vadd.f32 $1.000000000e+00, v24;
	_ =	sdelay $0x1  }
0x59b: {  	(erf) = vrcp.f32 v24;
	_ =	sdelay $0x6  }
0x59c: {  	v24 =	vadd.s32 s1, v3  }
0x59d: {  	v23 =	vcvt.s32.f32 v23;
	v24 =	vand.u32 $0x3FF8, v24  }
0x59e: {  	v24 =	vor.u32 v4, v24;
	v25 =	vpop (erf)  }
0x59f: {  	v23 =	vadd.f32 v23, v25;
	_ =	sdelay $0x1  }
0x5a0: {  	v23 =	vmul.f32 v23, v19;
	_ =	sdelay $0x1  }
0x5a1: {  	[tilespmem:v24+s9+$0x0] =	vst.idx.msk $0xffff, v23  }
0x5a2: {  	v23 =	vld.idx.msk [tilespmem:v22+s10+$0x2D20 ss:$0x1], $0xffff;
	_ =	sdelay $0x4  }
0x5a3: {  	v23 =	vmul.f32 $1.442695020e+00, v23;
	_ =	sdelay $0x1  }
0x5a4: {  	(erf) = vpow2.f32 v23;
	_ =	sdelay $0x5  }
0x5a5: {  	v23 =	vadd.s32 s1, v5  }
0x5a6: {  	v23 =	vand.u32 $0x3FF8, v23  }
0x5a7: {  	v23 =	vor.u32 v6, v23  }
0x5a8: {  	v24 =	vpop (erf)  }
0x5a9: {  	v24 =	vmin.f32 v24, $1.000000000e+03  }
0x5aa: {  	v24 =	vmul.f32 v24, v20;
	_ =	sdelay $0x1  }
0x5ab: {  	[tilespmem:v23+s9+$0x0] =	vst.idx.msk $0xffff, v24  }
0x5ac: {  	v23 =	vld.idx.msk [tilespmem:v22+s10+$0x43B0 ss:$0x1], $0xffff;
	_ =	sdelay $0x4  }
0x5ad: {  	v23 =	vmul.f32 $1.442695020e+00, v23;
	_ =	sdelay $0x1  }
0x5ae: {  	(erf) = vpow2.f32 v23;
	_ =	sdelay $0x5  }
0x5af: {  	v23 =	vadd.s32 s1, v7  }
0x5b0: {  	v23 =	vand.u32 $0x3FF8, v23  }
0x5b1: {  	v23 =	vor.u32 v8, v23  }
0x5b2: {  	v24 =	vpop (erf)  }
0x5b3: {  	v24 =	vmin.f32 v24, $1.000000000e+03  }
0x5b4: {  	v24 =	vmul.f32 v24, v21  }
0x5b5: {  	v25 =	vadd.s32 s1, v9  }
0x5b6: {  	[tilespmem:v23+s9+$0x0] =	vst.idx.msk $0xffff, v24;
	v23 =	vand.u32 $0x3FF8, v25  }
0x5b7: {  	v24 =	vld.idx.msk [tilespmem:v22+s10+$0x5A40 ss:$0x1], $0xffff;
	v23 =	vor.u32 v10, v23;
	_ =	sdelay $0x3  }
0x5b8: {  	v25 =	vadd.s32 s1, v11  }
0x5b9: {  	[tilespmem:v23+s9+$0x0] =	vst.idx.msk $0xffff, v24;
	v23 =	vand.u32 $0x3FF8, v25  }
0x5ba: {  	v24 =	vld.idx.msk [tilespmem:v22+s10+$0x70D0 ss:$0x1], $0xffff;
	v23 =	vor.u32 v12, v23;
	_ =	sdelay $0x4  }
0x5bb: {  	[tilespmem:v23+s9+$0x0] =	vst.idx.msk $0xffff, v24  }
0x5bc: {  	v23 =	vld.idx.msk [tilespmem:v22+s10+$0x8760 ss:$0x1], $0xffff;
	_ =	sdelay $0x4  }
0x5bd: {  	v23 =	vsub.f32 $0.0e+00, v23;
	_ =	sdelay $0x1  }
0x5be: {  	v23 =	vmul.f32 $1.442695020e+00, v23;
	_ =	sdelay $0x1  }
0x5bf: {  	(erf) = vpow2.f32 v23;
	_ =	sdelay $0x8  }
0x5c0: {  	v23 =	vpop (erf)  }
0x5c1: {  	v23 =	vadd.f32 $1.000000000e+00, v23;
	_ =	sdelay $0x1  }
0x5c2: {  	(erf) = vrcp.f32 v23;
	_ =	sdelay $0x2  }
0x5c3: {  	v23 =	vadd.s32 s1, v13  }
0x5c4: {  	v23 =	vand.u32 $0x3FF8, v23  }
0x5c5: {  	v23 =	vor.u32 v14, v23;
	_ =	sdelay $0x3  }
0x5c6: {  	v24 =	vpop (erf)  }
0x5c7: {  	[tilespmem:v23+s9+$0x0] =	vst.idx.msk $0xffff, v24  }
0x5c8: {  	v23 =	vld.idx.msk [tilespmem:v22+s10+$0x9DF0 ss:$0x1], $0xffff;
	_ =	sdelay $0x4  }
0x5c9: {  	v23 =	vsub.f32 $0.0e+00, v23;
	_ =	sdelay $0x1  }
0x5ca: {  	v23 =	vmul.f32 $1.442695020e+00, v23;
	_ =	sdelay $0x1  }
0x5cb: {  	(erf) = vpow2.f32 v23;
	_ =	sdelay $0x8  }
0x5cc: {  	v23 =	vpop (erf)  }
0x5cd: {  	v23 =	vadd.f32 $1.000000000e+00, v23;
	_ =	sdelay $0x1  }
0x5ce: {  	(erf) = vrcp.f32 v23;
	_ =	sdelay $0x2  }
0x5cf: {  	v23 =	vadd.s32 s1, v15  }
0x5d0: {  	v23 =	vand.u32 $0x3FF8, v23  }
0x5d1: {  	v23 =	vor.u32 v16, v23;
	_ =	sdelay $0x3  }
0x5d2: {  	v24 =	vpop (erf)  }
0x5d3: {  	[tilespmem:v23+s9+$0x0] =	vst.idx.msk $0xffff, v24  }
0x5d4: {  	v23 =	vld.idx.msk [tilespmem:v22+s10+$0xB480 ss:$0x1], $0xffff;
	_ =	sdelay $0x4  }
0x5d5: {  	v23 =	vsub.f32 $0.0e+00, v23;
	_ =	sdelay $0x1  }
0x5d6: {  	v23 =	vmul.f32 $1.442695020e+00, v23;
	_ =	sdelay $0x1  }
0x5d7: {  	(erf) = vpow2.f32 v23;
	_ =	sdelay $0x8  }
0x5d8: {  	v23 =	vpop (erf)  }
0x5d9: {  	v23 =	vadd.f32 $1.000000000e+00, v23;
	_ =	sdelay $0x1  }
0x5da: {  	(erf) = vrcp.f32 v23;
	_ =	sdelay $0x2  }
0x5db: {  	v23 =	vadd.s32 s1, v17  }
0x5dc: {  	v23 =	vand.u32 $0x3FF8, v23  }
0x5dd: {  	v23 =	vor.u32 v2, v23;
	_ =	sdelay $0x3  }
0x5de: {  	v24 =	vpop (erf)  }
0x5df: {  	[tilespmem:v23+s9+$0x0] =	vst.idx.msk $0xffff, v24  }
0x5e0: {  	v23 =	vld.idx.msk [tilespmem:v22+s10+$0xCB10 ss:$0x1], $0xffff;
	_ =	sdelay $0x4  }
0x5e1: {  	v23 =	vsub.f32 $0.0e+00, v23;
	_ =	sdelay $0x1  }
0x5e2: {  	v23 =	vmul.f32 $1.442695020e+00, v23;
	_ =	sdelay $0x1  }
0x5e3: {  	(erf) = vpow2.f32 v23;
	_ =	sdelay $0x8  }
0x5e4: {  	v23 =	vpop (erf)  }
0x5e5: {  	v23 =	vadd.f32 $1.000000000e+00, v23;
	_ =	sdelay $0x1  }
0x5e6: {  	(erf) = vrcp.f32 v23;
	_ =	sdelay $0x3  }
0x5e7: {  	v23 =	vadd.s32 s1, v18  }
0x5e8: {  	v23 =	vand.u32 $0x3FF8, v23  }
0x5e9: {  	v23 =	vor.u32 v4, v23;
	_ =	sdelay $0x1  }
0x5ea: {  	s17 =	simm.s32 $0x40  }
0x5eb: {  	s13 =	sadd.s32 $0x10, s0;
	s24 =	simm.s32 $0x80;
	s10 =	simm.s32 $0x0;
	v24 =	vpop (erf)  }
.LBB2_19:
0x5ec: {  	s22 =	sshra.s32 s17, $0x2  }
0x5ed: {  	[tilespmem:v23+s9+$0x0] =	vst.idx.msk $0xffff, v24;
	s10 =	sadd.s32 $0xA0, s10;
	s17 =	smov.u32 s24;
	s19 =	sadd.s32 $0x40, s24  }
0x5ee: {  	p0 =	sne.s32 s24, $0x480;
	v23 =	vld.idx.msk [tilespmem:v22+s22+$0x0 ss:$0x1], $0xffff;
	_ =	sdelay $0x5  }
0x5ef: {  	v23 =	vsub.f32 $0.0e+00, v23;
	_ =	sdelay $0x1  }
0x5f0: {  	v23 =	vmul.f32 $1.442695020e+00, v23;
	_ =	sdelay $0x1  }
0x5f1: {  	(erf) = vpow2.f32 v23;
	_ =	sdelay $0x8  }
0x5f2: {  	v23 =	vpop (erf)  }
0x5f3: {  	v23 =	vadd.f32 $1.000000000e+00, v23;
	_ =	sdelay $0x1  }
0x5f4: {  	v24 =	vor.u32 s13, v0;
	(erf) = vrcp.f32 v23  }
0x5f5: {  	v23 =	vshrl.u32 v24, $0x2  }
0x5f6: {  	v23 =	vmulhi.u32 $0x1AF286BD, v23;
	_ =	sdelay $0x1  }
0x5f7: {  	v23 =	vshrl.u32 v23, $0x1  }
0x5f8: {  	v25 =	vmul.u32 $0xFFFFFFB4, v23;
	_ =	sdelay $0x1  }
0x5f9: {  	v24 =	vadd.s32 v24, v25;
	v25 =	vadd.s32 s10, v1  }
0x5fa: {  	v24 =	vcvt.s32.f32 v24;
	v25 =	vand.u32 $0x3FF8, v25  }
0x5fb: {  	v25 =	vor.u32 v2, v25;
	v26 =	vpop (erf)  }
0x5fc: {  	v24 =	vadd.f32 v24, v26;
	_ =	sdelay $0x1  }
0x5fd: {  	v24 =	vmul.f32 v24, v19;
	_ =	sdelay $0x1  }
0x5fe: {  	[tilespmem:v25+s9+$0x0] =	vst.idx.msk $0xffff, v24  }
0x5ff: {  	v24 =	vld.idx.msk [tilespmem:v22+s22+$0x1690 ss:$0x1], $0xffff;
	_ =	sdelay $0x5  }
0x600: {  	v24 =	vsub.f32 $0.0e+00, v24;
	_ =	sdelay $0x1  }
0x601: {  	v24 =	vmul.f32 $1.442695020e+00, v24;
	_ =	sdelay $0x1  }
0x602: {  	(erf) = vpow2.f32 v24;
	_ =	sdelay $0x8  }
0x603: {  	v24 =	vpop (erf)  }
0x604: {  	v24 =	vadd.f32 $1.000000000e+00, v24;
	_ =	sdelay $0x1  }
0x605: {  	(erf) = vrcp.f32 v24;
	_ =	sdelay $0x6  }
0x606: {  	v24 =	vadd.s32 s10, v3  }
0x607: {  	v23 =	vcvt.s32.f32 v23;
	v24 =	vand.u32 $0x3FF8, v24  }
0x608: {  	v24 =	vor.u32 v4, v24;
	v25 =	vpop (erf)  }
0x609: {  	v23 =	vadd.f32 v23, v25;
	_ =	sdelay $0x1  }
0x60a: {  	v23 =	vmul.f32 v23, v19;
	_ =	sdelay $0x1  }
0x60b: {  	[tilespmem:v24+s9+$0x0] =	vst.idx.msk $0xffff, v23  }
0x60c: {  	v23 =	vld.idx.msk [tilespmem:v22+s22+$0x2D20 ss:$0x1], $0xffff;
	_ =	sdelay $0x5  }
0x60d: {  	v23 =	vmul.f32 $1.442695020e+00, v23;
	_ =	sdelay $0x1  }
0x60e: {  	(erf) = vpow2.f32 v23;
	_ =	sdelay $0x5  }
0x60f: {  	v23 =	vadd.s32 s10, v5  }
0x610: {  	v23 =	vand.u32 $0x3FF8, v23  }
0x611: {  	v23 =	vor.u32 v6, v23  }
0x612: {  	v24 =	vpop (erf)  }
0x613: {  	v24 =	vmin.f32 v24, $1.000000000e+03  }
0x614: {  	v24 =	vmul.f32 v24, v20;
	_ =	sdelay $0x1  }
0x615: {  	[tilespmem:v23+s9+$0x0] =	vst.idx.msk $0xffff, v24  }
0x616: {  	v23 =	vld.idx.msk [tilespmem:v22+s22+$0x43B0 ss:$0x1], $0xffff;
	_ =	sdelay $0x5  }
0x617: {  	v23 =	vmul.f32 $1.442695020e+00, v23;
	_ =	sdelay $0x1  }
0x618: {  	(erf) = vpow2.f32 v23;
	_ =	sdelay $0x5  }
0x619: {  	v23 =	vadd.s32 s10, v7  }
0x61a: {  	v23 =	vand.u32 $0x3FF8, v23  }
0x61b: {  	v23 =	vor.u32 v8, v23  }
0x61c: {  	v24 =	vpop (erf)  }
0x61d: {  	v24 =	vmin.f32 v24, $1.000000000e+03  }
0x61e: {  	v24 =	vmul.f32 v24, v21;
	_ =	sdelay $0x1  }
0x61f: {  	[tilespmem:v23+s9+$0x0] =	vst.idx.msk $0xffff, v24;
	v23 =	vadd.s32 s10, v9  }
0x620: {  	v24 =	vld.idx.msk [tilespmem:v22+s22+$0x5A40 ss:$0x1], $0xffff;
	v23 =	vand.u32 $0x3FF8, v23  }
0x621: {  	v23 =	vor.u32 v10, v23;
	_ =	sdelay $0x4  }
0x622: {  	[tilespmem:v23+s9+$0x0] =	vst.idx.msk $0xffff, v24;
	v23 =	vadd.s32 s10, v11  }
0x623: {  	v24 =	vld.idx.msk [tilespmem:v22+s22+$0x70D0 ss:$0x1], $0xffff;
	v23 =	vand.u32 $0x3FF8, v23  }
0x624: {  	v23 =	vor.u32 v12, v23;
	_ =	sdelay $0x4  }
0x625: {  	[tilespmem:v23+s9+$0x0] =	vst.idx.msk $0xffff, v24  }
0x626: {  	v23 =	vld.idx.msk [tilespmem:v22+s22+$0x8760 ss:$0x1], $0xffff;
	_ =	sdelay $0x5  }
0x627: {  	v23 =	vsub.f32 $0.0e+00, v23;
	_ =	sdelay $0x1  }
0x628: {  	v23 =	vmul.f32 $1.442695020e+00, v23;
	_ =	sdelay $0x1  }
0x629: {  	(erf) = vpow2.f32 v23;
	_ =	sdelay $0x8  }
0x62a: {  	v23 =	vpop (erf)  }
0x62b: {  	v23 =	vadd.f32 $1.000000000e+00, v23;
	_ =	sdelay $0x1  }
0x62c: {  	(erf) = vrcp.f32 v23;
	_ =	sdelay $0x2  }
0x62d: {  	v23 =	vadd.s32 s10, v13  }
0x62e: {  	v23 =	vand.u32 $0x3FF8, v23  }
0x62f: {  	v23 =	vor.u32 v14, v23;
	_ =	sdelay $0x3  }
0x630: {  	v24 =	vpop (erf)  }
0x631: {  	[tilespmem:v23+s9+$0x0] =	vst.idx.msk $0xffff, v24  }
0x632: {  	v23 =	vld.idx.msk [tilespmem:v22+s22+$0x9DF0 ss:$0x1], $0xffff;
	_ =	sdelay $0x5  }
0x633: {  	v23 =	vsub.f32 $0.0e+00, v23;
	_ =	sdelay $0x1  }
0x634: {  	v23 =	vmul.f32 $1.442695020e+00, v23;
	_ =	sdelay $0x1  }
0x635: {  	(erf) = vpow2.f32 v23;
	_ =	sdelay $0x8  }
0x636: {  	v23 =	vpop (erf)  }
0x637: {  	v23 =	vadd.f32 $1.000000000e+00, v23;
	_ =	sdelay $0x1  }
0x638: {  	(erf) = vrcp.f32 v23;
	_ =	sdelay $0x2  }
0x639: {  	v23 =	vadd.s32 s10, v15  }
0x63a: {  	v23 =	vand.u32 $0x3FF8, v23  }
0x63b: {  	v23 =	vor.u32 v16, v23;
	_ =	sdelay $0x3  }
0x63c: {  	v24 =	vpop (erf)  }
0x63d: {  	[tilespmem:v23+s9+$0x0] =	vst.idx.msk $0xffff, v24  }
0x63e: {  	v23 =	vld.idx.msk [tilespmem:v22+s22+$0xB480 ss:$0x1], $0xffff;
	_ =	sdelay $0x5  }
0x63f: {  	v23 =	vsub.f32 $0.0e+00, v23;
	_ =	sdelay $0x1  }
0x640: {  	v23 =	vmul.f32 $1.442695020e+00, v23;
	_ =	sdelay $0x1  }
0x641: {  	(erf) = vpow2.f32 v23;
	_ =	sdelay $0x8  }
0x642: {  	v23 =	vpop (erf)  }
0x643: {  	v23 =	vadd.f32 $1.000000000e+00, v23;
	_ =	sdelay $0x1  }
0x644: {  	(erf) = vrcp.f32 v23;
	_ =	sdelay $0x2  }
0x645: {  	v23 =	vadd.s32 s10, v17  }
0x646: {  	v23 =	vand.u32 $0x3FF8, v23  }
0x647: {  	v23 =	vor.u32 v2, v23;
	_ =	sdelay $0x3  }
0x648: {  	v24 =	vpop (erf)  }
0x649: {  	[tilespmem:v23+s9+$0x0] =	vst.idx.msk $0xffff, v24  }
0x64a: {  	v23 =	vld.idx.msk [tilespmem:v22+s22+$0xCB10 ss:$0x1], $0xffff;
	_ =	sdelay $0x5  }
0x64b: {  	v23 =	vsub.f32 $0.0e+00, v23;
	_ =	sdelay $0x1  }
0x64c: {  	v23 =	vmul.f32 $1.442695020e+00, v23;
	_ =	sdelay $0x1  }
0x64d: {  	(erf) = vpow2.f32 v23;
	_ =	sdelay $0x8  }
0x64e: {  	v23 =	vpop (erf)  }
0x64f: {  	v23 =	vadd.f32 $1.000000000e+00, v23;
	_ =	sdelay $0x1  }
0x650: {  	(erf) = vrcp.f32 v23;
	_ =	sdelay $0x2  }
0x651: {  	v23 =	vadd.s32 s10, v18  }
0x652: {  	v23 =	vand.u32 $0x3FF8, v23  }
.Ltmp8:
0x653: {  	v23 =	vor.u32 v4, v23;
	(pc) =	sbr.rel @p0 .LBB2_19-.Ltmp8, $2  }
0x654: {  	_ =	sdelay $0x2  }
0x655: {  	s13 =	sadd.s32 $0x10, s13;
	s24 =	smov.u32 s19;
	v24 =	vpop (erf)  }
0x656: {  	_ =	sdelay $0x3  }
0x657: {  	s17 =	sshra.s32 s17, $0x2;
	[tilespmem:v23+s9+$0x0] =	vst.idx.msk $0xffff, v24  }
0x658: {  	v23 =	vld.idx.msk [tilespmem:v22+s17+$0x0 ss:$0x1], $0xffff;
	_ =	sdelay $0x4  }
0x659: {  	v23 =	vsub.f32 $0.0e+00, v23;
	_ =	sdelay $0x1  }
0x65a: {  	v23 =	vmul.f32 $1.442695020e+00, v23;
	_ =	sdelay $0x1  }
0x65b: {  	(erf) = vpow2.f32 v23;
	_ =	sdelay $0x8  }
0x65c: {  	v23 =	vpop (erf)  }
0x65d: {  	v23 =	vadd.f32 $1.000000000e+00, v23;
	_ =	sdelay $0x1  }
0x65e: {  	v53 =	vor.u32 s13, v0;
	(erf) = vrcp.f32 v23  }
0x65f: {  	v23 =	vshrl.u32 v53, $0x2  }
0x660: {  	v23 =	vmulhi.u32 $0x1AF286BD, v23;
	_ =	sdelay $0x1  }
0x661: {  	v23 =	vshrl.u32 v23, $0x1  }
0x662: {  	v25 =	vmul.u32 $0xFFFFFFB4, v23  }
0x663: {  	s10 =	sadd.s32 $0xA0, s10  }
0x664: {  	v54 =	vadd.s32 s10, v1;
	v24 =	vadd.s32 v53, v25  }
0x665: {  	v25 =	vand.u32 $0x3FF8, v54;
	v24 =	vcvt.s32.f32 v24  }
0x666: {  	v25 =	vor.u32 v2, v25;
	v26 =	vpop (erf)  }
0x667: {  	v24 =	vadd.f32 v24, v26;
	_ =	sdelay $0x1  }
0x668: {  	v24 =	vmul.f32 v24, v19;
	_ =	sdelay $0x1  }
0x669: {  	[tilespmem:v25+s9+$0x0] =	vst.idx.msk $0xffff, v24  }
0x66a: {  	v24 =	vld.idx.msk [tilespmem:v22+s17+$0x1690 ss:$0x1], $0xffff;
	_ =	sdelay $0x4  }
0x66b: {  	v24 =	vsub.f32 $0.0e+00, v24;
	_ =	sdelay $0x1  }
0x66c: {  	v24 =	vmul.f32 $1.442695020e+00, v24;
	_ =	sdelay $0x1  }
0x66d: {  	(erf) = vpow2.f32 v24;
	_ =	sdelay $0x8  }
0x66e: {  	v24 =	vpop (erf)  }
0x66f: {  	v24 =	vadd.f32 $1.000000000e+00, v24;
	_ =	sdelay $0x1  }
0x670: {  	(erf) = vrcp.f32 v24;
	_ =	sdelay $0x6  }
0x671: {  	v55 =	vadd.s32 s10, v3  }
0x672: {  	v23 =	vcvt.s32.f32 v23;
	v24 =	vand.u32 $0x3FF8, v55  }
0x673: {  	v24 =	vor.u32 v4, v24;
	v56 =	vpop (erf)  }
0x674: {  	v23 =	vadd.f32 v23, v56;
	_ =	sdelay $0x1  }
0x675: {  	v23 =	vmul.f32 v23, v19;
	_ =	sdelay $0x1  }
0x676: {  	[tilespmem:v24+s9+$0x0] =	vst.idx.msk $0xffff, v23  }
0x677: {  	v23 =	vld.idx.msk [tilespmem:v22+s17+$0x2D20 ss:$0x1], $0xffff;
	_ =	sdelay $0x4  }
0x678: {  	v23 =	vmul.f32 $1.442695020e+00, v23;
	_ =	sdelay $0x1  }
0x679: {  	(erf) = vpow2.f32 v23;
	_ =	sdelay $0x5  }
0x67a: {  	v23 =	vadd.s32 s10, v5  }
0x67b: {  	v23 =	vand.u32 $0x3FF8, v23  }
0x67c: {  	v23 =	vor.u32 v6, v23  }
0x67d: {  	v57 =	vpop (erf)  }
0x67e: {  	v24 =	vmin.f32 v57, $1.000000000e+03  }
0x67f: {  	v24 =	vmul.f32 v24, v20;
	_ =	sdelay $0x1  }
0x680: {  	[tilespmem:v23+s9+$0x0] =	vst.idx.msk $0xffff, v24  }
0x681: {  	v23 =	vld.idx.msk [tilespmem:v22+s17+$0x43B0 ss:$0x1], $0xffff;
	_ =	sdelay $0x4  }
0x682: {  	v23 =	vmul.f32 $1.442695020e+00, v23;
	_ =	sdelay $0x1  }
0x683: {  	(erf) = vpow2.f32 v23;
	_ =	sdelay $0x5  }
0x684: {  	v23 =	vadd.s32 s10, v7  }
0x685: {  	v23 =	vand.u32 $0x3FF8, v23  }
0x686: {  	v23 =	vor.u32 v8, v23  }
0x687: {  	v58 =	vpop (erf)  }
0x688: {  	v24 =	vmin.f32 v58, $1.000000000e+03  }
0x689: {  	v24 =	vmul.f32 v24, v21  }
0x68a: {  	v59 =	vadd.s32 s10, v9  }
0x68b: {  	[tilespmem:v23+s9+$0x0] =	vst.idx.msk $0xffff, v24;
	v23 =	vand.u32 $0x3FF8, v59  }
0x68c: {  	v24 =	vld.idx.msk [tilespmem:v22+s17+$0x5A40 ss:$0x1], $0xffff;
	v23 =	vor.u32 v10, v23;
	_ =	sdelay $0x3  }
0x68d: {  	v60 =	vadd.s32 s10, v11  }
0x68e: {  	[tilespmem:v23+s9+$0x0] =	vst.idx.msk $0xffff, v24;
	v23 =	vand.u32 $0x3FF8, v60  }
0x68f: {  	v24 =	vld.idx.msk [tilespmem:v22+s17+$0x70D0 ss:$0x1], $0xffff;
	v23 =	vor.u32 v12, v23;
	_ =	sdelay $0x4  }
0x690: {  	[tilespmem:v23+s9+$0x0] =	vst.idx.msk $0xffff, v24  }
0x691: {  	v23 =	vld.idx.msk [tilespmem:v22+s17+$0x8760 ss:$0x1], $0xffff;
	_ =	sdelay $0x4  }
0x692: {  	v23 =	vsub.f32 $0.0e+00, v23;
	_ =	sdelay $0x1  }
0x693: {  	v23 =	vmul.f32 $1.442695020e+00, v23;
	_ =	sdelay $0x1  }
0x694: {  	(erf) = vpow2.f32 v23;
	_ =	sdelay $0x8  }
0x695: {  	v23 =	vpop (erf)  }
0x696: {  	v23 =	vadd.f32 $1.000000000e+00, v23;
	_ =	sdelay $0x1  }
0x697: {  	(erf) = vrcp.f32 v23;
	_ =	sdelay $0x2  }
0x698: {  	v23 =	vadd.s32 s10, v13  }
0x699: {  	v23 =	vand.u32 $0x3FF8, v23  }
0x69a: {  	v23 =	vor.u32 v14, v23;
	_ =	sdelay $0x3  }
0x69b: {  	v61 =	vpop (erf)  }
0x69c: {  	[tilespmem:v23+s9+$0x0] =	vst.idx.msk $0xffff, v61  }
0x69d: {  	v23 =	vld.idx.msk [tilespmem:v22+s17+$0x9DF0 ss:$0x1], $0xffff;
	_ =	sdelay $0x4  }
0x69e: {  	v23 =	vsub.f32 $0.0e+00, v23;
	_ =	sdelay $0x1  }
0x69f: {  	v23 =	vmul.f32 $1.442695020e+00, v23;
	_ =	sdelay $0x1  }
0x6a0: {  	(erf) = vpow2.f32 v23;
	_ =	sdelay $0x8  }
0x6a1: {  	v23 =	vpop (erf)  }
0x6a2: {  	v23 =	vadd.f32 $1.000000000e+00, v23;
	_ =	sdelay $0x1  }
0x6a3: {  	(erf) = vrcp.f32 v23;
	_ =	sdelay $0x2  }
0x6a4: {  	v23 =	vadd.s32 s10, v15  }
0x6a5: {  	v23 =	vand.u32 $0x3FF8, v23  }
0x6a6: {  	v23 =	vor.u32 v16, v23;
	_ =	sdelay $0x3  }
0x6a7: {  	v62 =	vpop (erf)  }
0x6a8: {  	[tilespmem:v23+s9+$0x0] =	vst.idx.msk $0xffff, v62  }
0x6a9: {  	v23 =	vld.idx.msk [tilespmem:v22+s17+$0xB480 ss:$0x1], $0xffff;
	_ =	sdelay $0x4  }
0x6aa: {  	v23 =	vsub.f32 $0.0e+00, v23;
	_ =	sdelay $0x1  }
0x6ab: {  	v23 =	vmul.f32 $1.442695020e+00, v23;
	_ =	sdelay $0x1  }
0x6ac: {  	(erf) = vpow2.f32 v23;
	_ =	sdelay $0x8  }
0x6ad: {  	v23 =	vpop (erf)  }
0x6ae: {  	v23 =	vadd.f32 $1.000000000e+00, v23;
	_ =	sdelay $0x1  }
0x6af: {  	(erf) = vrcp.f32 v23;
	_ =	sdelay $0x2  }
0x6b0: {  	v23 =	vadd.s32 s10, v17  }
0x6b1: {  	v23 =	vand.u32 $0x3FF8, v23  }
0x6b2: {  	v23 =	vor.u32 v2, v23;
	_ =	sdelay $0x3  }
0x6b3: {  	v63 =	vpop (erf)  }
0x6b4: {  	[tilespmem:v23+s9+$0x0] =	vst.idx.msk $0xffff, v63  }
0x6b5: {  	v22 =	vld.idx.msk [tilespmem:v22+s17+$0xCB10 ss:$0x1], $0xffff;
	_ =	sdelay $0x4  }
0x6b6: {  	v22 =	vsub.f32 $0.0e+00, v22;
	_ =	sdelay $0x1  }
0x6b7: {  	v22 =	vmul.f32 $1.442695020e+00, v22;
	_ =	sdelay $0x1  }
0x6b8: {  	(erf) = vpow2.f32 v22;
	_ =	sdelay $0x8  }
0x6b9: {  	v22 =	vpop (erf)  }
0x6ba: {  	v22 =	vadd.f32 $1.000000000e+00, v22;
	_ =	sdelay $0x1  }
0x6bb: {  	(erf) = vrcp.f32 v22;
	_ =	sdelay $0x2  }
0x6bc: {  	v22 =	vadd.s32 s10, v18  }
0x6bd: {  	v22 =	vand.u32 $0x3FF8, v22  }
0x6be: {  	s24 =	smul.u32 $0xBE0, s4;
	s4 =	sadd.s32 $0x1, s4;
	v22 =	vor.u32 v4, v22  }
0x6bf: {  	p0 =	sne.s32 s4, $0x13  }
.Ltmp9:
0x6c0: {  	_ = 	snop;
	(pc) =	sbr.rel @p0 .LBB2_18-.Ltmp9, $4  }
0x6c1: {  	s10 =	sadd.s32 s15, s24  }
0x6c2: {  	s8 =	sadd.s32 $0x3, s8;
	s10 =	sshrl.u32 s10, $0x3;
	v23 =	vpop (erf)  }
0x6c3: {  	s23 =	sadd.s32 $0x130, s23;
	s0 =	sadd.s32 $0x130, s0;
	s10 =	sadd.s32 s5, s10;
	[tilespmem:v22+s9+$0x0] =	vst.idx.msk $0xffff, v23  }
0x6c4: {  	[hbm4b:s10+s2] =	stream.linear.scatter [tilespmem:s9], [sflag:s8], $0xBE0, $0x38;
	[tilespmem:$0x1DB90] =	vst v63  }
0x6c5: {  	_ =	swait.ge [sflag:s28], $0xBE0  }
0x6c6: {  	[sflag:s28] =	ssyncset.done $0x0  }
0x6c7: {  	[sflag:s28] =	ssyncadd.s32 $0xFFFFF420  }
0x6c8: {  	_ =	swait.ge [sflag:s29], $0xBE0  }
0x6c9: {  	[sflag:s29] =	ssyncset.done $0x0  }
0x6ca: {  	[sflag:s29] =	ssyncadd.s32 $0xFFFFF420  }
0x6cb: {  	_ =	swait.ge [sflag:s30], $0xE1A0  }
0x6cc: {  	[sflag:s30] =	ssyncset.done $0x0  }
0x6cd: {  	[sflag:s30] =	ssyncadd.s32 $0xFFFF1E60  }
0x6ce: {  	v19 =	vld [tilespmem:s21+$0x1DB00]  }
0x6cf: {  	s1 =	simm.s32 $0x0;
	v20 =	vld [tilespmem:s21+$0x1DB10]  }
0x6d0: {  	s0 =	simm.s32 $0x0;
	s23 =	simm.s32 $0x0;
	s4 =	simm.s32 $0x0;
	v21 =	vld [tilespmem:s21+$0x1DB20]  }
.LBB2_22:
0x6d1: {  	s8 =	sand.u32 $0x1, s4;
	p0 =	slt.u32 s4, $0x2;
	v22 =	vmov s23  }
0x6d2: {  	s9 =	sadd.s32 @!p0 $0x3, s8  }
0x6d3: {  	_ =	swait.ge @!p0 [sflag:s9], $0xBE0  }
0x6d4: {  	[sflag:s9] =	ssyncset.done @!p0 $0x0  }
0x6d5: {  	s10 =	simm.s32 $0x0;
	[sflag:s9] =	ssyncadd.s32 @!p0 $0xFFFFF420  }
0x6d6: {  	v23 =	vld.idx.msk [tilespmem:v22+s10+$0xE1A0 ss:$0x1], $0xffff;
	_ =	sdelay $0x4  }
0x6d7: {  	v23 =	vsub.f32 $0.0e+00, v23;
	_ =	sdelay $0x1  }
0x6d8: {  	v23 =	vmul.f32 $1.442695020e+00, v23;
	_ =	sdelay $0x1  }
0x6d9: {  	(erf) = vpow2.f32 v23;
	_ =	sdelay $0x8  }
0x6da: {  	v23 =	vpop (erf)  }
0x6db: {  	v23 =	vadd.f32 $1.000000000e+00, v23;
	_ =	sdelay $0x1  }
0x6dc: {  	v24 =	vor.u32 s0, v0;
	(erf) = vrcp.f32 v23  }
0x6dd: {  	v23 =	vshrl.u32 v24, $0x2  }
0x6de: {  	v23 =	vmulhi.u32 $0x1AF286BD, v23;
	_ =	sdelay $0x1  }
0x6df: {  	v23 =	vshrl.u32 v23, $0x1  }
0x6e0: {  	v25 =	vmul.u32 $0xFFFFFFB4, v23;
	_ =	sdelay $0x1  }
0x6e1: {  	v24 =	vadd.s32 v24, v25;
	v25 =	vadd.s32 s1, v1  }
0x6e2: {  	v24 =	vcvt.s32.f32 v24;
	v25 =	vand.u32 $0x3FF8, v25  }
0x6e3: {  	v25 =	vor.u32 v2, v25;
	v26 =	vpop (erf)  }
0x6e4: {  	s24 =	smul.u32 $0x2F80, s8;
	v24 =	vadd.f32 v24, v26;
	_ =	sdelay $0x1  }
0x6e5: {  	s9 =	sshrl.u32 s24, $0x2;
	v24 =	vmul.f32 v24, v19  }
0x6e6: {  	s9 =	sadd.s32 $0x1C340, s9  }
0x6e7: {  	[tilespmem:v25+s9+$0x0] =	vst.idx.msk $0xffff, v24  }
0x6e8: {  	v24 =	vld.idx.msk [tilespmem:v22+s10+$0xF830 ss:$0x1], $0xffff;
	_ =	sdelay $0x4  }
0x6e9: {  	v24 =	vsub.f32 $0.0e+00, v24;
	_ =	sdelay $0x1  }
0x6ea: {  	v24 =	vmul.f32 $1.442695020e+00, v24;
	_ =	sdelay $0x1  }
0x6eb: {  	(erf) = vpow2.f32 v24;
	_ =	sdelay $0x8  }
0x6ec: {  	v24 =	vpop (erf)  }
0x6ed: {  	v24 =	vadd.f32 $1.000000000e+00, v24;
	_ =	sdelay $0x1  }
0x6ee: {  	(erf) = vrcp.f32 v24;
	_ =	sdelay $0x6  }
0x6ef: {  	v24 =	vadd.s32 s1, v3  }
0x6f0: {  	v23 =	vcvt.s32.f32 v23;
	v24 =	vand.u32 $0x3FF8, v24  }
0x6f1: {  	v24 =	vor.u32 v4, v24;
	v25 =	vpop (erf)  }
0x6f2: {  	v23 =	vadd.f32 v23, v25;
	_ =	sdelay $0x1  }
0x6f3: {  	v23 =	vmul.f32 v23, v19;
	_ =	sdelay $0x1  }
0x6f4: {  	[tilespmem:v24+s9+$0x0] =	vst.idx.msk $0xffff, v23  }
0x6f5: {  	v23 =	vld.idx.msk [tilespmem:v22+s10+$0x10EC0 ss:$0x1], $0xffff;
	_ =	sdelay $0x4  }
0x6f6: {  	v23 =	vmul.f32 $1.442695020e+00, v23;
	_ =	sdelay $0x1  }
0x6f7: {  	(erf) = vpow2.f32 v23;
	_ =	sdelay $0x5  }
0x6f8: {  	v23 =	vadd.s32 s1, v5  }
0x6f9: {  	v23 =	vand.u32 $0x3FF8, v23  }
0x6fa: {  	v23 =	vor.u32 v6, v23  }
0x6fb: {  	v24 =	vpop (erf)  }
0x6fc: {  	v24 =	vmin.f32 v24, $1.000000000e+03  }
0x6fd: {  	v24 =	vmul.f32 v24, v20;
	_ =	sdelay $0x1  }
0x6fe: {  	[tilespmem:v23+s9+$0x0] =	vst.idx.msk $0xffff, v24  }
0x6ff: {  	v23 =	vld.idx.msk [tilespmem:v22+s10+$0x12550 ss:$0x1], $0xffff;
	_ =	sdelay $0x4  }
0x700: {  	v23 =	vmul.f32 $1.442695020e+00, v23;
	_ =	sdelay $0x1  }
0x701: {  	(erf) = vpow2.f32 v23;
	_ =	sdelay $0x5  }
0x702: {  	v23 =	vadd.s32 s1, v7  }
0x703: {  	v23 =	vand.u32 $0x3FF8, v23  }
0x704: {  	v23 =	vor.u32 v8, v23  }
0x705: {  	v24 =	vpop (erf)  }
0x706: {  	v24 =	vmin.f32 v24, $1.000000000e+03  }
0x707: {  	v24 =	vmul.f32 v24, v21  }
0x708: {  	v25 =	vadd.s32 s1, v9  }
0x709: {  	[tilespmem:v23+s9+$0x0] =	vst.idx.msk $0xffff, v24;
	v23 =	vand.u32 $0x3FF8, v25  }
0x70a: {  	v24 =	vld.idx.msk [tilespmem:v22+s10+$0x13BE0 ss:$0x1], $0xffff;
	v23 =	vor.u32 v10, v23;
	_ =	sdelay $0x3  }
0x70b: {  	v25 =	vadd.s32 s1, v11  }
0x70c: {  	[tilespmem:v23+s9+$0x0] =	vst.idx.msk $0xffff, v24;
	v23 =	vand.u32 $0x3FF8, v25  }
0x70d: {  	v24 =	vld.idx.msk [tilespmem:v22+s10+$0x15270 ss:$0x1], $0xffff;
	v23 =	vor.u32 v12, v23;
	_ =	sdelay $0x4  }
0x70e: {  	[tilespmem:v23+s9+$0x0] =	vst.idx.msk $0xffff, v24  }
0x70f: {  	v23 =	vld.idx.msk [tilespmem:v22+s10+$0x16900 ss:$0x1], $0xffff;
	_ =	sdelay $0x4  }
0x710: {  	v23 =	vsub.f32 $0.0e+00, v23;
	_ =	sdelay $0x1  }
0x711: {  	v23 =	vmul.f32 $1.442695020e+00, v23;
	_ =	sdelay $0x1  }
0x712: {  	(erf) = vpow2.f32 v23;
	_ =	sdelay $0x8  }
0x713: {  	v23 =	vpop (erf)  }
0x714: {  	v23 =	vadd.f32 $1.000000000e+00, v23;
	_ =	sdelay $0x1  }
0x715: {  	(erf) = vrcp.f32 v23;
	_ =	sdelay $0x2  }
0x716: {  	v23 =	vadd.s32 s1, v13  }
0x717: {  	v23 =	vand.u32 $0x3FF8, v23  }
0x718: {  	v23 =	vor.u32 v14, v23;
	_ =	sdelay $0x3  }
0x719: {  	v24 =	vpop (erf)  }
0x71a: {  	[tilespmem:v23+s9+$0x0] =	vst.idx.msk $0xffff, v24  }
0x71b: {  	v23 =	vld.idx.msk [tilespmem:v22+s10+$0x17F90 ss:$0x1], $0xffff;
	_ =	sdelay $0x4  }
0x71c: {  	v23 =	vsub.f32 $0.0e+00, v23;
	_ =	sdelay $0x1  }
0x71d: {  	v23 =	vmul.f32 $1.442695020e+00, v23;
	_ =	sdelay $0x1  }
0x71e: {  	(erf) = vpow2.f32 v23;
	_ =	sdelay $0x8  }
0x71f: {  	v23 =	vpop (erf)  }
0x720: {  	v23 =	vadd.f32 $1.000000000e+00, v23;
	_ =	sdelay $0x1  }
0x721: {  	(erf) = vrcp.f32 v23;
	_ =	sdelay $0x2  }
0x722: {  	v23 =	vadd.s32 s1, v15  }
0x723: {  	v23 =	vand.u32 $0x3FF8, v23  }
0x724: {  	v23 =	vor.u32 v16, v23;
	_ =	sdelay $0x3  }
0x725: {  	v24 =	vpop (erf)  }
0x726: {  	[tilespmem:v23+s9+$0x0] =	vst.idx.msk $0xffff, v24  }
0x727: {  	v23 =	vld.idx.msk [tilespmem:v22+s10+$0x19620 ss:$0x1], $0xffff;
	_ =	sdelay $0x4  }
0x728: {  	v23 =	vsub.f32 $0.0e+00, v23;
	_ =	sdelay $0x1  }
0x729: {  	v23 =	vmul.f32 $1.442695020e+00, v23;
	_ =	sdelay $0x1  }
0x72a: {  	(erf) = vpow2.f32 v23;
	_ =	sdelay $0x8  }
0x72b: {  	v23 =	vpop (erf)  }
0x72c: {  	v23 =	vadd.f32 $1.000000000e+00, v23;
	_ =	sdelay $0x1  }
0x72d: {  	(erf) = vrcp.f32 v23;
	_ =	sdelay $0x2  }
0x72e: {  	v23 =	vadd.s32 s1, v17  }
0x72f: {  	v23 =	vand.u32 $0x3FF8, v23  }
0x730: {  	v23 =	vor.u32 v2, v23;
	_ =	sdelay $0x3  }
0x731: {  	v24 =	vpop (erf)  }
0x732: {  	[tilespmem:v23+s9+$0x0] =	vst.idx.msk $0xffff, v24  }
0x733: {  	v23 =	vld.idx.msk [tilespmem:v22+s10+$0x1ACB0 ss:$0x1], $0xffff;
	_ =	sdelay $0x4  }
0x734: {  	v23 =	vsub.f32 $0.0e+00, v23;
	_ =	sdelay $0x1  }
0x735: {  	v23 =	vmul.f32 $1.442695020e+00, v23;
	_ =	sdelay $0x1  }
0x736: {  	(erf) = vpow2.f32 v23;
	_ =	sdelay $0x8  }
0x737: {  	v23 =	vpop (erf)  }
0x738: {  	v23 =	vadd.f32 $1.000000000e+00, v23;
	_ =	sdelay $0x1  }
0x739: {  	(erf) = vrcp.f32 v23;
	_ =	sdelay $0x3  }
0x73a: {  	v23 =	vadd.s32 s1, v18  }
0x73b: {  	v23 =	vand.u32 $0x3FF8, v23  }
0x73c: {  	v23 =	vor.u32 v4, v23;
	_ =	sdelay $0x1  }
0x73d: {  	s17 =	simm.s32 $0x40  }
0x73e: {  	s13 =	sadd.s32 $0x10, s0;
	s24 =	simm.s32 $0x80;
	s10 =	simm.s32 $0x0;
	v24 =	vpop (erf)  }
.LBB2_23:
0x73f: {  	s22 =	sshra.s32 s17, $0x2  }
0x740: {  	[tilespmem:v23+s9+$0x0] =	vst.idx.msk $0xffff, v24;
	s10 =	sadd.s32 $0xA0, s10;
	s17 =	smov.u32 s24;
	s19 =	sadd.s32 $0x40, s24  }
0x741: {  	p0 =	sne.s32 s24, $0x480;
	v23 =	vld.idx.msk [tilespmem:v22+s22+$0xE1A0 ss:$0x1], $0xffff;
	_ =	sdelay $0x5  }
0x742: {  	v23 =	vsub.f32 $0.0e+00, v23;
	_ =	sdelay $0x1  }
0x743: {  	v23 =	vmul.f32 $1.442695020e+00, v23;
	_ =	sdelay $0x1  }
0x744: {  	(erf) = vpow2.f32 v23;
	_ =	sdelay $0x8  }
0x745: {  	v23 =	vpop (erf)  }
0x746: {  	v23 =	vadd.f32 $1.000000000e+00, v23;
	_ =	sdelay $0x1  }
0x747: {  	v24 =	vor.u32 s13, v0;
	(erf) = vrcp.f32 v23  }
0x748: {  	v23 =	vshrl.u32 v24, $0x2  }
0x749: {  	v23 =	vmulhi.u32 $0x1AF286BD, v23;
	_ =	sdelay $0x1  }
0x74a: {  	v23 =	vshrl.u32 v23, $0x1  }
0x74b: {  	v25 =	vmul.u32 $0xFFFFFFB4, v23;
	_ =	sdelay $0x1  }
0x74c: {  	v24 =	vadd.s32 v24, v25;
	v25 =	vadd.s32 s10, v1  }
0x74d: {  	v24 =	vcvt.s32.f32 v24;
	v25 =	vand.u32 $0x3FF8, v25  }
0x74e: {  	v25 =	vor.u32 v2, v25;
	v26 =	vpop (erf)  }
0x74f: {  	v24 =	vadd.f32 v24, v26;
	_ =	sdelay $0x1  }
0x750: {  	v24 =	vmul.f32 v24, v19;
	_ =	sdelay $0x1  }
0x751: {  	[tilespmem:v25+s9+$0x0] =	vst.idx.msk $0xffff, v24  }
0x752: {  	v24 =	vld.idx.msk [tilespmem:v22+s22+$0xF830 ss:$0x1], $0xffff;
	_ =	sdelay $0x5  }
0x753: {  	v24 =	vsub.f32 $0.0e+00, v24;
	_ =	sdelay $0x1  }
0x754: {  	v24 =	vmul.f32 $1.442695020e+00, v24;
	_ =	sdelay $0x1  }
0x755: {  	(erf) = vpow2.f32 v24;
	_ =	sdelay $0x8  }
0x756: {  	v24 =	vpop (erf)  }
0x757: {  	v24 =	vadd.f32 $1.000000000e+00, v24;
	_ =	sdelay $0x1  }
0x758: {  	(erf) = vrcp.f32 v24;
	_ =	sdelay $0x6  }
0x759: {  	v24 =	vadd.s32 s10, v3  }
0x75a: {  	v23 =	vcvt.s32.f32 v23;
	v24 =	vand.u32 $0x3FF8, v24  }
0x75b: {  	v24 =	vor.u32 v4, v24;
	v25 =	vpop (erf)  }
0x75c: {  	v23 =	vadd.f32 v23, v25;
	_ =	sdelay $0x1  }
0x75d: {  	v23 =	vmul.f32 v23, v19;
	_ =	sdelay $0x1  }
0x75e: {  	[tilespmem:v24+s9+$0x0] =	vst.idx.msk $0xffff, v23  }
0x75f: {  	v23 =	vld.idx.msk [tilespmem:v22+s22+$0x10EC0 ss:$0x1], $0xffff;
	_ =	sdelay $0x5  }
0x760: {  	v23 =	vmul.f32 $1.442695020e+00, v23;
	_ =	sdelay $0x1  }
0x761: {  	(erf) = vpow2.f32 v23;
	_ =	sdelay $0x5  }
0x762: {  	v23 =	vadd.s32 s10, v5  }
0x763: {  	v23 =	vand.u32 $0x3FF8, v23  }
0x764: {  	v23 =	vor.u32 v6, v23  }
0x765: {  	v24 =	vpop (erf)  }
0x766: {  	v24 =	vmin.f32 v24, $1.000000000e+03  }
0x767: {  	v24 =	vmul.f32 v24, v20;
	_ =	sdelay $0x1  }
0x768: {  	[tilespmem:v23+s9+$0x0] =	vst.idx.msk $0xffff, v24  }
0x769: {  	v23 =	vld.idx.msk [tilespmem:v22+s22+$0x12550 ss:$0x1], $0xffff;
	_ =	sdelay $0x5  }
0x76a: {  	v23 =	vmul.f32 $1.442695020e+00, v23;
	_ =	sdelay $0x1  }
0x76b: {  	(erf) = vpow2.f32 v23;
	_ =	sdelay $0x5  }
0x76c: {  	v23 =	vadd.s32 s10, v7  }
0x76d: {  	v23 =	vand.u32 $0x3FF8, v23  }
0x76e: {  	v23 =	vor.u32 v8, v23  }
0x76f: {  	v24 =	vpop (erf)  }
0x770: {  	v24 =	vmin.f32 v24, $1.000000000e+03  }
0x771: {  	v24 =	vmul.f32 v24, v21;
	_ =	sdelay $0x1  }
0x772: {  	[tilespmem:v23+s9+$0x0] =	vst.idx.msk $0xffff, v24;
	v23 =	vadd.s32 s10, v9  }
0x773: {  	v24 =	vld.idx.msk [tilespmem:v22+s22+$0x13BE0 ss:$0x1], $0xffff;
	v23 =	vand.u32 $0x3FF8, v23  }
0x774: {  	v23 =	vor.u32 v10, v23;
	_ =	sdelay $0x4  }
0x775: {  	[tilespmem:v23+s9+$0x0] =	vst.idx.msk $0xffff, v24;
	v23 =	vadd.s32 s10, v11  }
0x776: {  	v24 =	vld.idx.msk [tilespmem:v22+s22+$0x15270 ss:$0x1], $0xffff;
	v23 =	vand.u32 $0x3FF8, v23  }
0x777: {  	v23 =	vor.u32 v12, v23;
	_ =	sdelay $0x4  }
0x778: {  	[tilespmem:v23+s9+$0x0] =	vst.idx.msk $0xffff, v24  }
0x779: {  	v23 =	vld.idx.msk [tilespmem:v22+s22+$0x16900 ss:$0x1], $0xffff;
	_ =	sdelay $0x5  }
0x77a: {  	v23 =	vsub.f32 $0.0e+00, v23;
	_ =	sdelay $0x1  }
0x77b: {  	v23 =	vmul.f32 $1.442695020e+00, v23;
	_ =	sdelay $0x1  }
0x77c: {  	(erf) = vpow2.f32 v23;
	_ =	sdelay $0x8  }
0x77d: {  	v23 =	vpop (erf)  }
0x77e: {  	v23 =	vadd.f32 $1.000000000e+00, v23;
	_ =	sdelay $0x1  }
0x77f: {  	(erf) = vrcp.f32 v23;
	_ =	sdelay $0x2  }
0x780: {  	v23 =	vadd.s32 s10, v13  }
0x781: {  	v23 =	vand.u32 $0x3FF8, v23  }
0x782: {  	v23 =	vor.u32 v14, v23;
	_ =	sdelay $0x3  }
0x783: {  	v24 =	vpop (erf)  }
0x784: {  	[tilespmem:v23+s9+$0x0] =	vst.idx.msk $0xffff, v24  }
0x785: {  	v23 =	vld.idx.msk [tilespmem:v22+s22+$0x17F90 ss:$0x1], $0xffff;
	_ =	sdelay $0x5  }
0x786: {  	v23 =	vsub.f32 $0.0e+00, v23;
	_ =	sdelay $0x1  }
0x787: {  	v23 =	vmul.f32 $1.442695020e+00, v23;
	_ =	sdelay $0x1  }
0x788: {  	(erf) = vpow2.f32 v23;
	_ =	sdelay $0x8  }
0x789: {  	v23 =	vpop (erf)  }
0x78a: {  	v23 =	vadd.f32 $1.000000000e+00, v23;
	_ =	sdelay $0x1  }
0x78b: {  	(erf) = vrcp.f32 v23;
	_ =	sdelay $0x2  }
0x78c: {  	v23 =	vadd.s32 s10, v15  }
0x78d: {  	v23 =	vand.u32 $0x3FF8, v23  }
0x78e: {  	v23 =	vor.u32 v16, v23;
	_ =	sdelay $0x3  }
0x78f: {  	v24 =	vpop (erf)  }
0x790: {  	[tilespmem:v23+s9+$0x0] =	vst.idx.msk $0xffff, v24  }
0x791: {  	v23 =	vld.idx.msk [tilespmem:v22+s22+$0x19620 ss:$0x1], $0xffff;
	_ =	sdelay $0x5  }
0x792: {  	v23 =	vsub.f32 $0.0e+00, v23;
	_ =	sdelay $0x1  }
0x793: {  	v23 =	vmul.f32 $1.442695020e+00, v23;
	_ =	sdelay $0x1  }
0x794: {  	(erf) = vpow2.f32 v23;
	_ =	sdelay $0x8  }
0x795: {  	v23 =	vpop (erf)  }
0x796: {  	v23 =	vadd.f32 $1.000000000e+00, v23;
	_ =	sdelay $0x1  }
0x797: {  	(erf) = vrcp.f32 v23;
	_ =	sdelay $0x2  }
0x798: {  	v23 =	vadd.s32 s10, v17  }
0x799: {  	v23 =	vand.u32 $0x3FF8, v23  }
0x79a: {  	v23 =	vor.u32 v2, v23;
	_ =	sdelay $0x3  }
0x79b: {  	v24 =	vpop (erf)  }
0x79c: {  	[tilespmem:v23+s9+$0x0] =	vst.idx.msk $0xffff, v24  }
0x79d: {  	v23 =	vld.idx.msk [tilespmem:v22+s22+$0x1ACB0 ss:$0x1], $0xffff;
	_ =	sdelay $0x5  }
0x79e: {  	v23 =	vsub.f32 $0.0e+00, v23;
	_ =	sdelay $0x1  }
0x79f: {  	v23 =	vmul.f32 $1.442695020e+00, v23;
	_ =	sdelay $0x1  }
0x7a0: {  	(erf) = vpow2.f32 v23;
	_ =	sdelay $0x8  }
0x7a1: {  	v23 =	vpop (erf)  }
0x7a2: {  	v23 =	vadd.f32 $1.000000000e+00, v23;
	_ =	sdelay $0x1  }
0x7a3: {  	(erf) = vrcp.f32 v23;
	_ =	sdelay $0x2  }
0x7a4: {  	v23 =	vadd.s32 s10, v18  }
0x7a5: {  	v23 =	vand.u32 $0x3FF8, v23  }
.Ltmp10:
0x7a6: {  	v23 =	vor.u32 v4, v23;
	(pc) =	sbr.rel @p0 .LBB2_23-.Ltmp10, $2  }
0x7a7: {  	_ =	sdelay $0x2  }
0x7a8: {  	s13 =	sadd.s32 $0x10, s13;
	s24 =	smov.u32 s19;
	v24 =	vpop (erf)  }
0x7a9: {  	_ =	sdelay $0x3  }
0x7aa: {  	s17 =	sshra.s32 s17, $0x2;
	[tilespmem:v23+s9+$0x0] =	vst.idx.msk $0xffff, v24  }
0x7ab: {  	v23 =	vld.idx.msk [tilespmem:v22+s17+$0xE1A0 ss:$0x1], $0xffff;
	_ =	sdelay $0x4  }
0x7ac: {  	v23 =	vsub.f32 $0.0e+00, v23;
	_ =	sdelay $0x1  }
0x7ad: {  	v23 =	vmul.f32 $1.442695020e+00, v23;
	_ =	sdelay $0x1  }
0x7ae: {  	(erf) = vpow2.f32 v23;
	_ =	sdelay $0x8  }
0x7af: {  	v23 =	vpop (erf)  }
0x7b0: {  	v23 =	vadd.f32 $1.000000000e+00, v23;
	_ =	sdelay $0x1  }
0x7b1: {  	v53 =	vor.u32 s13, v0;
	(erf) = vrcp.f32 v23  }
0x7b2: {  	v23 =	vshrl.u32 v53, $0x2  }
0x7b3: {  	v23 =	vmulhi.u32 $0x1AF286BD, v23;
	_ =	sdelay $0x1  }
0x7b4: {  	v23 =	vshrl.u32 v23, $0x1  }
0x7b5: {  	v25 =	vmul.u32 $0xFFFFFFB4, v23  }
0x7b6: {  	s10 =	sadd.s32 $0xA0, s10  }
0x7b7: {  	v54 =	vadd.s32 s10, v1;
	v24 =	vadd.s32 v53, v25  }
0x7b8: {  	v25 =	vand.u32 $0x3FF8, v54;
	v24 =	vcvt.s32.f32 v24  }
0x7b9: {  	v25 =	vor.u32 v2, v25;
	v26 =	vpop (erf)  }
0x7ba: {  	v24 =	vadd.f32 v24, v26;
	_ =	sdelay $0x1  }
0x7bb: {  	v24 =	vmul.f32 v24, v19;
	_ =	sdelay $0x1  }
0x7bc: {  	[tilespmem:v25+s9+$0x0] =	vst.idx.msk $0xffff, v24  }
0x7bd: {  	v24 =	vld.idx.msk [tilespmem:v22+s17+$0xF830 ss:$0x1], $0xffff;
	_ =	sdelay $0x4  }
0x7be: {  	v24 =	vsub.f32 $0.0e+00, v24;
	_ =	sdelay $0x1  }
0x7bf: {  	v24 =	vmul.f32 $1.442695020e+00, v24;
	_ =	sdelay $0x1  }
0x7c0: {  	(erf) = vpow2.f32 v24;
	_ =	sdelay $0x8  }
0x7c1: {  	v24 =	vpop (erf)  }
0x7c2: {  	v24 =	vadd.f32 $1.000000000e+00, v24;
	_ =	sdelay $0x1  }
0x7c3: {  	(erf) = vrcp.f32 v24;
	_ =	sdelay $0x6  }
0x7c4: {  	v55 =	vadd.s32 s10, v3  }
0x7c5: {  	v23 =	vcvt.s32.f32 v23;
	v24 =	vand.u32 $0x3FF8, v55  }
0x7c6: {  	v24 =	vor.u32 v4, v24;
	v56 =	vpop (erf)  }
0x7c7: {  	v23 =	vadd.f32 v23, v56;
	_ =	sdelay $0x1  }
0x7c8: {  	v23 =	vmul.f32 v23, v19;
	_ =	sdelay $0x1  }
0x7c9: {  	[tilespmem:v24+s9+$0x0] =	vst.idx.msk $0xffff, v23  }
0x7ca: {  	v23 =	vld.idx.msk [tilespmem:v22+s17+$0x10EC0 ss:$0x1], $0xffff;
	_ =	sdelay $0x4  }
0x7cb: {  	v23 =	vmul.f32 $1.442695020e+00, v23;
	_ =	sdelay $0x1  }
0x7cc: {  	(erf) = vpow2.f32 v23;
	_ =	sdelay $0x5  }
0x7cd: {  	v23 =	vadd.s32 s10, v5  }
0x7ce: {  	v23 =	vand.u32 $0x3FF8, v23  }
0x7cf: {  	v23 =	vor.u32 v6, v23  }
0x7d0: {  	v57 =	vpop (erf)  }
0x7d1: {  	v24 =	vmin.f32 v57, $1.000000000e+03  }
0x7d2: {  	v24 =	vmul.f32 v24, v20;
	_ =	sdelay $0x1  }
0x7d3: {  	[tilespmem:v23+s9+$0x0] =	vst.idx.msk $0xffff, v24  }
0x7d4: {  	v23 =	vld.idx.msk [tilespmem:v22+s17+$0x12550 ss:$0x1], $0xffff;
	_ =	sdelay $0x4  }
0x7d5: {  	v23 =	vmul.f32 $1.442695020e+00, v23;
	_ =	sdelay $0x1  }
0x7d6: {  	(erf) = vpow2.f32 v23;
	_ =	sdelay $0x5  }
0x7d7: {  	v23 =	vadd.s32 s10, v7  }
0x7d8: {  	v23 =	vand.u32 $0x3FF8, v23  }
0x7d9: {  	v23 =	vor.u32 v8, v23  }
0x7da: {  	v58 =	vpop (erf)  }
0x7db: {  	v24 =	vmin.f32 v58, $1.000000000e+03  }
0x7dc: {  	v24 =	vmul.f32 v24, v21  }
0x7dd: {  	v59 =	vadd.s32 s10, v9  }
0x7de: {  	[tilespmem:v23+s9+$0x0] =	vst.idx.msk $0xffff, v24;
	v23 =	vand.u32 $0x3FF8, v59  }
0x7df: {  	v24 =	vld.idx.msk [tilespmem:v22+s17+$0x13BE0 ss:$0x1], $0xffff;
	v23 =	vor.u32 v10, v23;
	_ =	sdelay $0x3  }
0x7e0: {  	v60 =	vadd.s32 s10, v11  }
0x7e1: {  	[tilespmem:v23+s9+$0x0] =	vst.idx.msk $0xffff, v24;
	v23 =	vand.u32 $0x3FF8, v60  }
0x7e2: {  	v24 =	vld.idx.msk [tilespmem:v22+s17+$0x15270 ss:$0x1], $0xffff;
	v23 =	vor.u32 v12, v23;
	_ =	sdelay $0x4  }
0x7e3: {  	[tilespmem:v23+s9+$0x0] =	vst.idx.msk $0xffff, v24  }
0x7e4: {  	v23 =	vld.idx.msk [tilespmem:v22+s17+$0x16900 ss:$0x1], $0xffff;
	_ =	sdelay $0x4  }
0x7e5: {  	v23 =	vsub.f32 $0.0e+00, v23;
	_ =	sdelay $0x1  }
0x7e6: {  	v23 =	vmul.f32 $1.442695020e+00, v23;
	_ =	sdelay $0x1  }
0x7e7: {  	(erf) = vpow2.f32 v23;
	_ =	sdelay $0x8  }
0x7e8: {  	v23 =	vpop (erf)  }
0x7e9: {  	v23 =	vadd.f32 $1.000000000e+00, v23;
	_ =	sdelay $0x1  }
0x7ea: {  	(erf) = vrcp.f32 v23;
	_ =	sdelay $0x2  }
0x7eb: {  	v23 =	vadd.s32 s10, v13  }
0x7ec: {  	v23 =	vand.u32 $0x3FF8, v23  }
0x7ed: {  	v23 =	vor.u32 v14, v23;
	_ =	sdelay $0x3  }
0x7ee: {  	v61 =	vpop (erf)  }
0x7ef: {  	[tilespmem:v23+s9+$0x0] =	vst.idx.msk $0xffff, v61  }
0x7f0: {  	v23 =	vld.idx.msk [tilespmem:v22+s17+$0x17F90 ss:$0x1], $0xffff;
	_ =	sdelay $0x4  }
0x7f1: {  	v23 =	vsub.f32 $0.0e+00, v23;
	_ =	sdelay $0x1  }
0x7f2: {  	v23 =	vmul.f32 $1.442695020e+00, v23;
	_ =	sdelay $0x1  }
0x7f3: {  	(erf) = vpow2.f32 v23;
	_ =	sdelay $0x8  }
0x7f4: {  	v23 =	vpop (erf)  }
0x7f5: {  	v23 =	vadd.f32 $1.000000000e+00, v23;
	_ =	sdelay $0x1  }
0x7f6: {  	(erf) = vrcp.f32 v23;
	_ =	sdelay $0x2  }
0x7f7: {  	v23 =	vadd.s32 s10, v15  }
0x7f8: {  	v23 =	vand.u32 $0x3FF8, v23  }
0x7f9: {  	v23 =	vor.u32 v16, v23;
	_ =	sdelay $0x3  }
0x7fa: {  	v62 =	vpop (erf)  }
0x7fb: {  	[tilespmem:v23+s9+$0x0] =	vst.idx.msk $0xffff, v62  }
0x7fc: {  	v23 =	vld.idx.msk [tilespmem:v22+s17+$0x19620 ss:$0x1], $0xffff;
	_ =	sdelay $0x4  }
0x7fd: {  	v23 =	vsub.f32 $0.0e+00, v23;
	_ =	sdelay $0x1  }
0x7fe: {  	v23 =	vmul.f32 $1.442695020e+00, v23;
	_ =	sdelay $0x1  }
0x7ff: {  	(erf) = vpow2.f32 v23;
	_ =	sdelay $0x8  }
0x800: {  	v23 =	vpop (erf)  }
0x801: {  	v23 =	vadd.f32 $1.000000000e+00, v23;
	_ =	sdelay $0x1  }
0x802: {  	(erf) = vrcp.f32 v23;
	_ =	sdelay $0x2  }
0x803: {  	v23 =	vadd.s32 s10, v17  }
0x804: {  	v23 =	vand.u32 $0x3FF8, v23  }
0x805: {  	v23 =	vor.u32 v2, v23;
	_ =	sdelay $0x3  }
0x806: {  	v63 =	vpop (erf)  }
0x807: {  	[tilespmem:v23+s9+$0x0] =	vst.idx.msk $0xffff, v63  }
0x808: {  	v22 =	vld.idx.msk [tilespmem:v22+s17+$0x1ACB0 ss:$0x1], $0xffff;
	_ =	sdelay $0x4  }
0x809: {  	v22 =	vsub.f32 $0.0e+00, v22;
	_ =	sdelay $0x1  }
0x80a: {  	v22 =	vmul.f32 $1.442695020e+00, v22;
	_ =	sdelay $0x1  }
0x80b: {  	(erf) = vpow2.f32 v22;
	_ =	sdelay $0x8  }
0x80c: {  	v22 =	vpop (erf)  }
0x80d: {  	v22 =	vadd.f32 $1.000000000e+00, v22;
	_ =	sdelay $0x1  }
0x80e: {  	(erf) = vrcp.f32 v22;
	_ =	sdelay $0x2  }
0x80f: {  	v22 =	vadd.s32 s10, v18  }
0x810: {  	v22 =	vand.u32 $0x3FF8, v22  }
0x811: {  	s24 =	smul.u32 $0xBE0, s4;
	s4 =	sadd.s32 $0x1, s4;
	v22 =	vor.u32 v4, v22  }
0x812: {  	p0 =	sne.s32 s4, $0x13  }
.Ltmp11:
0x813: {  	_ = 	snop;
	(pc) =	sbr.rel @p0 .LBB2_22-.Ltmp11, $4  }
0x814: {  	s10 =	sadd.s32 s16, s24  }
0x815: {  	s8 =	sadd.s32 $0x3, s8;
	s10 =	sshrl.u32 s10, $0x3;
	v23 =	vpop (erf)  }
0x816: {  	s23 =	sadd.s32 $0x130, s23;
	s0 =	sadd.s32 $0x130, s0;
	s10 =	sadd.s32 s5, s10;
	[tilespmem:v22+s9+$0x0] =	vst.idx.msk $0xffff, v23  }
0x817: {  	[hbm4b:s10+s2] =	stream.linear.scatter [tilespmem:s9], [sflag:s8], $0xBE0, $0x38;
	[tilespmem:$0x1DB90] =	vst v63  }
0x818: {  	_ =	swait.ge [sflag:s28], $0xBE0  }
0x819: {  	[sflag:s28] =	ssyncset.done $0x0  }
0x81a: {  	[sflag:s28] =	ssyncadd.s32 $0xFFFFF420  }
0x81b: {  	_ =	swait.ge [sflag:s29], $0xBE0  }
0x81c: {  	s31 =	sadd.s32 $0x1, s31;
	s0 =	rddreg [dreg:$0xa]  }
0x81d: {  	p0 =	sne.s32 s31, s0  }
.Ltmp12:
0x81e: {  	_ = 	snop;
	(pc) =	sbr.rel @p0 .LBB2_1-.Ltmp12, $3  }
0x81f: {  	_ =	sdelay $0x1  }
0x820: {  	[sflag:s29] =	ssyncset.done $0x0  }
0x821: {  	[sflag:s29] =	ssyncadd.s32 $0xFFFFF420  }
0x822: {  	_ =	sfence.sel $0x180000  }
0x823: {  	[bflag:$0x0] =	sbarrier.arrive $0xFFFF  }
0x824: {  	_ =	strace $0x90000047  }
0x825: {  	s0 =	stileid.u32;
	[bflag:$0x2] =	sbarrier.arrive $0xFFFF  }
0x826: {  	p0 =	sne.s32 s0, $0x0;
	s0 =	rddreg [dreg:$0x2]  }
0x827: {  	s0 =	sadd.s32 @!p0 $0x100000, s0  }
0x828: {  	[sflag:s0] =	ssyncadd.tile.s32 @!p0 $0x1;
	_ =	shalt  }
.Lfunc_end2:
_tile_overlayer_lowered:
.L_overlay_start_2:
0x829: {  	(tag) =	ssettag $0x2  }
0x82a: {  	s0 =	rddreg [dreg:$0x0];
	s2 =	stileid.u32  }
0x82b: {  	s1 =	rddreg [dreg:$0x1];
	p0 =	sne.s32 s2, $0x0  }
0x82c: {  	s3 =	rddreg [dreg:$0x2];
	[bflag:$0x3] =	sbarrier.arrive $0xFFFF;
	s2 =	simm.s32 @!p0 $0x1C05  }
0x82d: {  	[timem:s3], [sflag:s2] =	dma.local @!p0 [hbm:s0], s1  }
0x82e: {  	s0 =	simm.s32 @!p0 $0x5  }
0x82f: {  	_ =	swait.ge @!p0 [sflag:s0], s1  }
0x830: {  	s1 =	ssub.s32 @!p0 $0x0, s1;
	[sflag:s0] =	ssyncset.done @!p0 $0x0  }
0x831: {  	[sflag:s0] =	ssyncadd.s32 @!p0 s1  }
0x832: {  	[bflag:$0x3] =	sbarrier.arrive $0xFFFF  }
0x833: {  	_ =	shalt  }

// kernel: sparse-core-data-format-call.cloned.1.call-start
scs
called_computation_lowered:
.L_overlay_start_0:
0x0: {  	s2 =	sld [smem:$0x3FD9]  }
0x1: {  	s3 =	sld [smem:$0x3FFE];
	_ =	sdelay $0x1  }
0x2: {  	s1 =	srdreg.scid  }
0x3: {  	s0 =	sand.u32 $0x1, s1  }
0x4: {  	s18 =	sshll.u32 s0, $0xA;
	s2 =	sadd.s32 s3, s2  }
0x5: {  	s2 =	sadd.s32 s2, s18  }
0x6: {  	[smem:$0x3FC6] =	sst s2  }
0x7: {  	_ = 	snop  }
0x8: {  	s2 =	sld [smem:$0x3FD0];
	(tm) =	ssettm $0x1  }
0x9: {  	s19 =	sld [smem:$0x3FFB];
	_ =	sdelay $0x3  }
0xa: {  	_ =	strace s19  }
0xb: {  	s3 =	sld [smem:$0x3FFC];
	_ =	sdelay $0x3  }
0xc: {  	_ =	strace s3  }
0xd: {  	s3 =	sld [smem:$0x3FFD];
	_ =	sdelay $0x3  }
0xe: {  	_ =	strace s3  }
0xf: {  	_ =	strace $0x8FFFFFFF  }
0x10: {  	s20 =	sld [smem:$0x3FDB];
	_ =	sdelay $0x1  }
0x11: {  	s4 =	simm.s32 $_scs_section_size  }
0x12: {  	s5 =	simm.s32 $_size__tile_overlayer_lowered;
	s6 =	simm.s32 $_tile_overlayer_lowered  }
0x13: {  	s23 =	simm.s32 $0x1BFF;
	s22 =	sshll.u32 s6, $0x1;
	s3 =	sadd.s32 s4, s20  }
0x14: {  	s7 =	simm.s32 $0x0;
	s21 =	sshll.u32 s5, $0x1;
	s5 =	sadd.s32 s22, s3  }
0x15: {  	[timem:s7], [sflag:s23] =	dma.local [hbm:s5], s21  }
0x16: {  	_ =	swait.ge [sflag:s23], s21  }
0x17: {  	s4 =	ssub.s32 $0x0, s21;
	[sflag:s23] =	ssyncset.done $0x0  }
0x18: {  	[sflag:s23] =	ssyncadd.s32 s4;
	_ =	sdelay $0x1  }
0x19: {  	s24 =	simm.s32 $0x1B8B  }
0x1a: {  	_ =	swait.ge [sflag:s24], $0x1  }
0x1b: {  	[sflag:s24] =	ssyncset.done $0x0  }
0x1c: {  	s26 =	simm.s32 $0x1B8E;
	s25 =	sld [smem:$0x3FFE];
	[sflag:s24] =	ssyncadd.s32 $0xFFFFFFFF  }
0x1d: {  	s27 =	simm.s32 $execute0_lowered;
	[smem:$0x3FD2] =	sst s26  }
0x1e: {  	s5 =	sshll.u32 s27, $0x1;
	_ =	strace $0x80000049;
	[dreg:$0x1] =	wrdreg $0xFFFFFFFF  }
0x1f: {  	s28 =	simm.s32 $_size_execute0_lowered;
	s3 =	sadd.s32 s3, s5;
	[dreg:$0x0] =	wrdreg $0x0  }
0x20: {  	s5 =	sshll.u32 s28, $0x1;
	[dreg:$0x2] =	wrdreg s3  }
0x21: {  	[dreg:$0x3] =	wrdreg s5  }
0x22: {  	[dreg:$0x4] =	wrdreg $0xC0  }
0x23: {  	_ =	task [dreg:s7], $0x5FFFF  }
0x24: {  	[dreg:$0x1] =	wrdreg $0xFFFFFFFF  }
0x25: {  	[dreg:$0x0] =	wrdreg $0x60  }
0x26: {  	[dreg:$0x2] =	wrdreg s25  }
0x27: {  	[dreg:$0x3] =	wrdreg s2  }
0x28: {  	[dreg:$0x4] =	wrdreg $0x9  }
0x29: {  	_ =	task.clear_ibuf [dreg:s7], $0x5FFFF;
	_ =	strace $0x90000049  }
0x2a: {  	s29 =	simm.s32 $0x9;
	_ =	strace $0x8000004B  }
0x2b: {  	_ =	swait.ge [sflag:s29], $0x1  }
0x2c: {  	[sflag:s29] =	ssyncadd.s32 $0xFFFFFFFF  }
0x2d: {  	_ =	strace $0x9000004B  }
0x2e: {  	_ =	sfence  }
0x2f: {  	s30 =	sld [smem:$0x0];
	_ =	sdelay $0x2  }
0x30: {  	s31 =	sshll.u32 s1, $0xD;
	s1 =	sshrl.u32 s1, $0x2  }
0x31: {  	s3 =	sand.u32 $0x4000, s31;
	s1 =	sadd.s32 s1, s30  }
0x32: {  	s0 =	sor.u32 s3, s0;
	s1 =	sshll.u32 s1, $0x11  }
0x33: {  	s0 =	sor.u32 s1, s0  }
0x34: {  	s0 =	sadd.s32 $0x8F2B, s0  }
0x35: {  	[sflag:s0] =	ssyncadd.remote.s32 $0x1  }
0x36: {  	_ =	sfence.sel $0xFFFF  }
0x37: {  	[dreg:$0x0] =	wrdreg $0xFFFFFFFF;
	(pc) =	sbr.abs _section_cstart, $3  }
0x38: {  	[dreg:$0x1] =	wrdreg $0xFFFFFFFF  }
0x39: {  	_ =	task.clear_ibuf [dreg:s7], $0x2FFFF;
	_ =	strace $0x9FFFFFFF  }
0x3a: {  	(tm) =	ssettm $0x7FFFFFFF  }
0x3b: {  	_ =	shalt  }
tec
execute0_lowered:
.L_overlay_start_1:
0x0: {  	(tag) =	ssettag $0x1  }
0x1: {  	s1 =	rddreg [dreg:$0x0]  }
0x2: {  	s2 =	rddreg [dreg:$0x1];
	_ =	strace $0x8000004A;
	s4 =	srdreg.scid  }
0x3: {  	s6 =	simm.s32 $0x2;
	s12 =	simm.s32 $0x0;
	s13 =	simm.s32 $0x0  }
.Ltmp0:
0x4: {  	s8 =	simm.s32 $0x0;
	s10 =	simm.s32 $0x0;
	(pc) =	sbr.rel .LBB1_1-.Ltmp0, $4  }
0x5: {  	s9 =	simm.s32 $0x0;
	s3 =	sadd.s32 $0x153200, s1;
	s5 =	sshll.u32 s4, $0x4  }
0x6: {  	s1 =	stileid.u32;
	s4 =	simm.s32 $0x1;
	s5 =	sand.u32 $0x10, s5  }
0x7: {  	s7 =	simm.s32 $0x0;
	[sflag:s4] =	ssyncpa.u1 $0x0;
	s5 =	sor.u32 s1, s5  }
0x8: {  	[sflag:s6] =	ssyncpa.u1 $0x0;
	s6 =	simm.s32 $0x110000;
	s11 =	smov.u32 s5  }
.LBB1_12:
0x9: {  	s0 =	sshrl.u32 s10, $0x3;
	s17 =	sshll.u32 s8, $0x3  }
0xa: {  	s18 =	sshll.u32 s10, $0x7;
	s19 =	sand.u32 $0x7F, s8;
	s0 =	smul.u32 $0x22000, s0  }
0xb: {  	p0 =	sgt.s32 s8, $0x4380;
	s17 =	sand.u32 $0xFFFFFC00, s17;
	s18 =	sand.u32 $0x380, s18  }
0xc: {  	s27 =	sor.u32 s19, s18;
	s18 =	smov.u32 s8;
	s0 =	sadd.s32 s0, s17  }
0xd: {  	s18 =	simm.s32 @!p0 $0x4380;
	s17 =	sor.u32 s0, s27  }
0xe: {  	s15 =	sadd.s32 s15, s18;
	s28 =	smulhi.u32 $0xF0F0F0F1, s17  }
0xf: {  	s0 =	smulhi.u32 $0xF0F0F0F1, s0;
	s30 =	sadd.s32 $0xFFFFBC80, s15  }
0x10: {  	s15 =	ssub.s32 $0x4400, s15;
	p0 =	sgt.s32 s30, $0x7F;
	s29 =	sshrl.u32 s28, $0xE  }
0x11: {  	s0 =	sshrl.u32 s0, $0xE;
	s15 =	simm.s32 @p0 $0x0;
	s18 =	smul.u32 $0x4400, s29  }
0x12: {  	s0 =	sand.u32 $0x3F, s0;
	s14 =	smul.u32 s15, s14  }
0x13: {  	s0 =	smul.u32 $0x880, s0;
	s31 =	ssub.s32 s17, s18  }
0x14: {  	s14 =	smul.u32 $0xA, s14;
	s17 =	sshrl.u32 s31, $0x3;
	s15 =	sand.u32 $0x7, s31  }
0x15: {  	s16 =	sor.u32 $0x1000, s16;
	s17 =	sadd.s32 s2, s17;
	s15 =	sshll.u32 s15, $0x12  }
0x16: {  	s14 =	sand.u32 $0x3FFFFFFE, s14;
	s0 =	sadd.s32 s0, s17;
	s15 =	sor.u32 $0x80, s15  }
0x17: {  	[hbm4b:s0+s15] =	stream.strided.scatter [tilespmem:s16], [sflag:$0x2], s14, s6, s15, $0x20;
	[tilespmem:$0x2020] =	vst v63  }
.LBB1_13:
0x18: {  	p0 =	slt.u32 s7, $0x2  }
0x19: {  	s14 =	smov.u32 s13;
	p1 =	sgt.s32 @!p0 s13, $0x3F;
	s0 =	sshra.s32 @!p0 s13, $0x1F  }
0x1a: {  	p2 =	sgt.s32 @!p0 s12, $0x4380;
	s15 =	sshra.s32 @!p0 s12, $0x1F;
	p1 =	por !p1, p0  }
0x1b: {  	s0 =	sand.u32 @!p0 s0, s13;
	p2 =	por !p2, p0;
	s13 =	smov.u32 s12  }
0x1c: {  	s12 =	sand.u32 @!p0 s15, s12;
	s14 =	simm.s32 @p1 $0x3F;
	s13 =	simm.s32 @p2 $0x4380  }
0x1d: {  	s16 =	smov.u32 s11;
	s0 =	ssub.s32 @!p0 s14, s0;
	s12 =	ssub.s32 @!p0 s13, s12  }
0x1e: {  	s13 =	sadd.s32 @!p0 $0xFFFFFFC1, s0;
	s0 =	ssub.s32 @!p0 $0x40, s0;
	s14 =	sadd.s32 @!p0 $0xFFFFBC80, s12  }
0x1f: {  	p1 =	sgt.s32 @!p0 s13, $0x0;
	s0 =	smul.u32 @!p0 $0xA, s0;
	p2 =	sgt.s32 @!p0 s14, $0x7F  }
0x20: {  	s12 =	ssub.s32 @!p0 $0x4400, s12;
	p1 =	por !p1, p0;
	p2 =	por !p2, p0  }
0x21: {  	s14 =	sadd.s32 $0x80, s9;
	s0 =	simm.s32 @!p1 $0x0;
	s12 =	simm.s32 @!p2 $0x0  }
0x22: {  	p1 =	sgt.s32 s14, $0x43AF;
	s0 =	smul.u32 @!p0 s12, s0;
	s12 =	sadd.s32 $0x20, s11  }
0x23: {  	s16 =	smov.u32 @p1 s12  }
0x24: {  	s7 =	sadd.s32 $0x1, s7;
	s14 =	simm.s32 @p1 $0x0;
	p1 =	sgt.s32 s16, $0x3F  }
0x25: {  	s16 =	smov.u32 @p1 s5;
	p1 =	sne.s32 s7, $0x112  }
.Ltmp1:
0x26: {  	_ = 	snop;
	(pc) =	sbr.rel @!p1 .LBB1_14-.Ltmp1, $4  }
0x27: {  	s15 =	simm.s32 @!p0 $0x2;
	s13 =	smov.u32 s10;
	s0 =	sand.u32 @!p0 $0x3FFFFFFE, s0  }
0x28: {  	s10 =	smov.u32 s11;
	s12 =	smov.u32 s8;
	_ =	swait.ge @!p0 [sflag:s15], s0  }
0x29: {  	s8 =	smov.u32 s9;
	s0 =	ssub.s32 @!p0 $0x0, s0;
	[sflag:s15] =	ssyncset.done @!p0 $0x0  }
0x2a: {  	s9 =	smov.u32 s14;
	s11 =	smov.u32 s16;
	[sflag:s15] =	ssyncadd.s32 @!p0 s0  }
.LBB1_1:
0x2b: {  	p0 =	sgt.u32 s7, $0x10F  }
0x2c: {  	s16 =	smov.u32 s11;
	s18 =	smov.u32 s9;
	p1 =	sgt.s32 @!p0 s11, $0x3F  }
0x2d: {  	s14 =	sand.u32 @!p0 $0x1FFFFFF, s9;
	s17 =	sshra.s32 @!p0 s11, $0x1F;
	p1 =	por !p1, p0  }
0x2e: {  	s19 =	sshra.s32 @!p0 s9, $0x1F;
	s16 =	simm.s32 @p1 $0x3F;
	p1 =	sgt.s32 @!p0 s9, $0x4330  }
0x2f: {  	s15 =	smulhi.u32 @!p0 $0x7906DB, s14;
	s17 =	sand.u32 @!p0 s17, s11;
	p1 =	por !p1, p0  }
0x30: {  	s16 =	ssub.s32 @!p0 s16, s17;
	s17 =	sand.u32 @!p0 s19, s9;
	s18 =	simm.s32 @p1 $0x4330  }
0x31: {  	s16 =	sadd.s32 @!p0 $0xFFFFFFC1, s16;
	s17 =	ssub.s32 @!p0 s18, s17  }
0x32: {  	s15 =	sshrl.u32 @!p0 s15, $0x5;
	p1 =	sgt.s32 @!p0 s16, $0x0;
	s18 =	sadd.s32 @!p0 $0xFFFFBCD0, s17  }
0x33: {  	s16 =	sshll.u32 @!p0 s16, $0x4;
	s17 =	ssub.s32 @!p0 $0x43B0, s17;
	p2 =	sgt.s32 @!p0 s18, $0x7F  }
0x34: {  	s16 =	ssub.s32 @!p0 $0x10, s16;
	p1 =	por !p1, p0;
	p2 =	por !p2, p0  }
0x35: {  	s15 =	smul.u32 @!p0 $0x43B0, s15;
	s16 =	simm.s32 @!p1 $0x0;
	s17 =	simm.s32 @!p2 $0x0  }
0x36: {  	s18 =	sxor.u32 @!p0 $0xFFFFFFFF, s7;
	s16 =	smul.u32 @!p0 s17, s16  }
0x37: {  	s14 =	ssub.s32 @!p0 s14, s15;
	s17 =	sshll.u32 @!p0 s18, $0xB;
	s18 =	smul.u32 @!p0 $0x43B00, s11  }
0x38: {  	s14 =	sshll.u32 @!p0 s14, $0x4  }
0x39: {  	s17 =	sand.u32 @!p0 $0x800, s17;
	s15 =	sand.u32 @!p0 $0x3FFFFFF0, s16;
	s16 =	sadd.s32 @!p0 s3, s18  }
0x3a: {  	s18 =	simm.s32 @!p0 $0x80;
	s14 =	sadd.s32 @!p0 s14, s16;
	s16 =	simm.s32 @!p0 $0x10  }
0x3b: {  	[tilespmem:s17], [sflag:$0x1] =	stream.strided.gather @!p0 [hbm4b:s14+s16], s15, s18, s16, $0x38;
	[tilespmem:$0x2020] =	vst v63  }
0x3c: {  	p0 =	seq.s32 s7, $0x0  }
0x3d: {  	p1 =	seq.s32 @!p0 s7, $0x111  }
0x3e: {  	p0 =	por p0, p1  }
.Ltmp2:
0x3f: {  	_ = 	snop;
	(pc) =	sbr.rel @p0 .LBB1_13-.Ltmp2, $1  }
0x40: {  	_ =	sdelay $0x3  }
0x41: {  	p0 =	sgt.s32 s10, $0x3F  }
0x42: {  	s14 =	smov.u32 s10;
	s15 =	sshra.s32 s10, $0x1F;
	s16 =	ssub.s32 $0x0, s8  }
0x43: {  	s17 =	sshra.s32 s8, $0x1F;
	s14 =	simm.s32 @!p0 $0x3F;
	s15 =	sand.u32 s15, s10  }
0x44: {  	s18 =	smov.u32 s8;
	p0 =	sgt.s32 s8, $0x4330;
	s14 =	ssub.s32 s14, s15  }
0x45: {  	s15 =	sand.u32 s16, s17;
	s18 =	simm.s32 @!p0 $0x4330;
	s30 =	sadd.s32 $0xFFFFFFC1, s14  }
0x46: {  	s17 =	sadd.s32 s15, s18;
	s14 =	ssub.s32 $0x40, s14;
	p0 =	sgt.s32 s30, $0x0  }
0x47: {  	s31 =	sadd.s32 $0xFFFFBCD0, s17;
	s16 =	ssub.s32 $0x43B0, s17;
	s17 =	sadd.s32 $0x1, s10  }
0x48: {  	p1 =	sgt.s32 s31, $0x7F;
	s14 =	simm.s32 @p0 $0x0;
	p0 =	slt.s32 s17, $0x40  }
0x49: {  	s16 =	simm.s32 @p1 $0x0;
	s17 =	simm.s32 @!p0 $0x40  }
0x4a: {  	s16 =	smul.u32 s16, s14;
	s17 =	ssub.s32 s17, s10  }
0x4b: {  	p0 =	slt.s32 s17, $0x1  }
.Ltmp3:
0x4c: {  	s16 =	sshll.u32 s16, $0x4;
	(pc) =	sbr.rel @p0 .LBB1_12-.Ltmp3, $4  }
0x4d: {  	s16 =	sand.u32 $0x3FFFFFF0, s16  }
0x4e: {  	_ =	swait.ge [sflag:s4], s16  }
0x4f: {  	s20 =	sand.u32 $0x1, s7;
	s16 =	ssub.s32 $0x0, s16;
	[sflag:s4] =	ssyncset.done $0x0  }
0x50: {  	[sflag:s4] =	ssyncadd.s32 s16;
	s16 =	smul.u32 $0x810, s20  }
0x51: {  	s18 =	sadd.s32 $0x80, s8  }
0x52: {  	p0 =	slt.s32 s18, $0x43B0  }
0x53: {  	s18 =	simm.s32 @!p0 $0x43B0  }
0x54: {  	s18 =	ssub.s32 s18, s8  }
0x55: {  	s19 =	sshra.s32 s18, $0x1F  }
.Ltmp4:
0x56: {  	s19 =	sshrl.u32 s19, $0x1D;
	(pc) =	sbr.rel .LBB1_4-.Ltmp4, $4  }
0x57: {  	s19 =	sadd.s32 s19, s18  }
0x58: {  	s20 =	sshll.u32 s20, $0xB;
	s19 =	sand.u32 $0xFFFFFFF8, s19  }
0x59: {  	s24 =	simm.s32 $0x0;
	s21 =	sor.u32 $0x1000, s16;
	s22 =	ssub.s32 s19, s18  }
0x5a: {  	s23 =	sshll.u32 s19, $0x4;
	p0 =	slt.s32 s19, $0x1;
	p1 =	sge.s32 s19, s18  }
.LBB1_11:
0x5b: {  	s24 =	sadd.s32 $0x1, s24  }
0x5c: {  	p2 =	sne.s32 s24, s17  }
.Ltmp5:
0x5d: {  	_ = 	snop;
	(pc) =	sbr.rel @!p2 .LBB1_12-.Ltmp5, $1  }
0x5e: {  	_ =	sdelay $0x3  }
.LBB1_4:
.Ltmp6:
0x5f: {  	(pc) =	sbr.rel @p0 .LBB1_8-.Ltmp6, $3  }
0x60: {  	_ =	sdelay $0x1  }
0x61: {  	s25 =	sshll.u32 s24, $0xD;
	s26 =	sand.u32 $0x7, s24  }
0x62: {  	s25 =	sshra.s32 s25, $0x2;
	s26 =	smul.u32 $0x204, s26  }
0x63: {  	s28 =	sadd.s32 s25, s20  }
0x64: {  	v0 =	vmov s28;
	_ =	sdelay $0x2  }
0x65: {  	s29 =	simm.s32 $0x0  }
0x66: {  	s28 =	sand.u32 $0x780, s29  }
0x67: {  	v7 =	vld.idx.msk [tilespmem:v0+s28+$0x70 ss:$0x1], $0xffff  }
0x68: {  	p2 =	sgt.s32 s19, $0x8;
	v6 =	vld.idx.msk [tilespmem:v0+s28+$0x0 ss:$0x1], $0xffff  }
.Ltmp7:
0x69: {  	v1 =	vld.idx.msk [tilespmem:v0+s28+$0x10 ss:$0x1], $0xffff;
	(pc) =	sbr.rel @!p2 .LBB1_7-.Ltmp7, $4  }
0x6a: {  	s27 =	sshrl.u32 s26, $0x2;
	v2 =	vld.idx.msk [tilespmem:v0+s28+$0x20 ss:$0x1], $0xffff  }
0x6b: {  	s29 =	sand.u32 $0x78, s29;
	s27 =	sadd.s32 s27, s21;
	v3 =	vld.idx.msk [tilespmem:v0+s28+$0x30 ss:$0x1], $0xffff  }
0x6c: {  	s29 =	sadd.s32 s29, s27;
	v4 =	vld.idx.msk [tilespmem:v0+s28+$0x40 ss:$0x1], $0xffff  }
0x6d: {  	s30 =	simm.s32 $0x8;
	s31 =	simm.s32 $0x80;
	v5 =	vld.idx.msk [tilespmem:v0+s28+$0x50 ss:$0x1], $0xffff;
	[tilespmem:s29+$0x7 ss:$0x81] =	vst.msk $0xffff, v7  }
.LBB1_6:
0x6e: {  	[tilespmem:s29+$0x0 ss:$0x81] =	vst.msk $0xffff, v6;
	v7 =	vld.idx.msk [tilespmem:v0+s28+$0x60 ss:$0x1], $0xffff;
	s28 =	sand.u32 $0x780, s31;
	s0 =	smov.u32 s30;
	s30 =	sadd.s32 $0x8, s30  }
0x6f: {  	v8 =	vld.idx.msk [tilespmem:v0+s28+$0x70 ss:$0x1], $0xffff;
	p2 =	slt.s32 s30, s19;
	[tilespmem:s29+$0x1 ss:$0x81] =	vst.msk $0xffff, v1  }
0x70: {  	v6 =	vld.idx.msk [tilespmem:v0+s28+$0x0 ss:$0x1], $0xffff;
	[tilespmem:s29+$0x2 ss:$0x81] =	vst.msk $0xffff, v2  }
.Ltmp8:
0x71: {  	v1 =	vld.idx.msk [tilespmem:v0+s28+$0x10 ss:$0x1], $0xffff;
	[tilespmem:s29+$0x3 ss:$0x81] =	vst.msk $0xffff, v3;
	(pc) =	sbr.rel @p2 .LBB1_6-.Ltmp8, $4  }
0x72: {  	v2 =	vld.idx.msk [tilespmem:v0+s28+$0x20 ss:$0x1], $0xffff;
	[tilespmem:s29+$0x4 ss:$0x81] =	vst.msk $0xffff, v4  }
0x73: {  	s0 =	sand.u32 $0x78, s0;
	v3 =	vld.idx.msk [tilespmem:v0+s28+$0x30 ss:$0x1], $0xffff;
	[tilespmem:s29+$0x5 ss:$0x81] =	vst.msk $0xffff, v5  }
0x74: {  	v4 =	vld.idx.msk [tilespmem:v0+s28+$0x40 ss:$0x1], $0xffff;
	[tilespmem:s29+$0x6 ss:$0x81] =	vst.msk $0xffff, v7;
	s29 =	sadd.s32 s0, s27  }
0x75: {  	s31 =	sadd.s32 $0x80, s31;
	v5 =	vld.idx.msk [tilespmem:v0+s28+$0x50 ss:$0x1], $0xffff;
	[tilespmem:s29+$0x7 ss:$0x81] =	vst.msk $0xffff, v8  }
.LBB1_7:
0x76: {  	_ =	sdelay $0x2  }
0x77: {  	[tilespmem:s29+$0x0 ss:$0x81] =	vst.msk $0xffff, v6  }
0x78: {  	v0 =	vld.idx.msk [tilespmem:v0+s28+$0x60 ss:$0x1], $0xffff;
	[tilespmem:s29+$0x1 ss:$0x81] =	vst.msk $0xffff, v1  }
0x79: {  	[tilespmem:s29+$0x2 ss:$0x81] =	vst.msk $0xffff, v2  }
0x7a: {  	[tilespmem:s29+$0x3 ss:$0x81] =	vst.msk $0xffff, v3  }
0x7b: {  	[tilespmem:s29+$0x4 ss:$0x81] =	vst.msk $0xffff, v4  }
0x7c: {  	[tilespmem:s29+$0x5 ss:$0x81] =	vst.msk $0xffff, v5  }
0x7d: {  	[tilespmem:s29+$0x6 ss:$0x81] =	vst.msk $0xffff, v0  }
.LBB1_8:
.Ltmp9:
0x7e: {  	(pc) =	sbr.rel @p1 .LBB1_11-.Ltmp9, $1  }
0x7f: {  	_ =	sdelay $0x3  }
0x80: {  	s27 =	sadd.s32 s25, s20  }
0x81: {  	v0 =	vmov s27;
	_ =	sdelay $0x1  }
0x82: {  	s31 =	sshrl.u32 s26, $0x2  }
0x83: {  	s26 =	smov.u32 s23;
	s25 =	sadd.s32 s31, s21;
	s27 =	smov.u32 s22  }
.LBB1_10:
0x84: {  	s0 =	sand.u32 $0x7F0, s26;
	s31 =	sadd.s32 s27, s18;
	s27 =	sadd.s32 $0x1, s27  }
0x85: {  	v1 =	vld.idx.msk [tilespmem:v0+s0+$0x0 ss:$0x1], $0xffff;
	p2 =	seq.s32 s27, $0x0  }
.Ltmp10:
0x86: {  	_ = 	snop;
	(pc) =	sbr.rel @!p2 .LBB1_10-.Ltmp10, $4  }
0x87: {  	_ = 	snop  }
0x88: {  	s0 =	sand.u32 $0x7F, s31  }
0x89: {  	s0 =	sadd.s32 s0, s25  }
0x8a: {  	s26 =	sadd.s32 $0x10, s26;
	[tilespmem:s0+$0x0 ss:$0x81] =	vst.msk $0xffff, v1  }
.Ltmp11:
0x8b: {  	_ = 	snop;
	(pc) =	sbr.rel .LBB1_11-.Ltmp11, $1  }
0x8c: {  	_ =	sdelay $0x3  }
.LBB1_14:
0x8d: {  	_ =	sfence.sel $0x180000  }
0x8e: {  	s0 =	simm.s32 $0x1;
	[bflag:$0x0] =	sbarrier.arrive $0xFFFF  }
0x8f: {  	s31 =	simm.s32 $0x2;
	[sflag:s0] =	ssyncpa.u1 $0x1  }
0x90: {  	[sflag:s31] =	ssyncpa.u1 $0x1  }
0x91: {  	_ =	strace $0x9000004A  }
0x92: {  	[bflag:$0x2] =	sbarrier.arrive $0xFFFF  }
0x93: {  	p0 =	sne.s32 s1, $0x0;
	s0 =	rddreg [dreg:$0x2]  }
0x94: {  	s0 =	sadd.s32 @!p0 $0x100000, s0  }
0x95: {  	[sflag:s0] =	ssyncadd.tile.s32 @!p0 $0x1;
	_ =	shalt  }
.Lfunc_end1:
_tile_overlayer_lowered:
.L_overlay_start_2:
0x96: {  	(tag) =	ssettag $0x2  }
0x97: {  	s0 =	rddreg [dreg:$0x0];
	s2 =	stileid.u32  }
0x98: {  	s1 =	rddreg [dreg:$0x1];
	p0 =	sne.s32 s2, $0x0  }
0x99: {  	s3 =	rddreg [dreg:$0x2];
	[bflag:$0x3] =	sbarrier.arrive $0xFFFF;
	s2 =	simm.s32 @!p0 $0x1C01  }
0x9a: {  	[timem:s3], [sflag:s2] =	dma.local @!p0 [hbm:s0], s1  }
0x9b: {  	s0 =	simm.s32 @!p0 $0x1  }
0x9c: {  	_ =	swait.ge @!p0 [sflag:s0], s1  }
0x9d: {  	s1 =	ssub.s32 @!p0 $0x0, s1;
	[sflag:s0] =	ssyncset.done @!p0 $0x0  }
0x9e: {  	[sflag:s0] =	ssyncadd.s32 @!p0 s1  }
0x9f: {  	[bflag:$0x3] =	sbarrier.arrive $0xFFFF  }
0xa0: {  	_ =	shalt  }

</sc_bundles>
